<compile_context>
chip_gen: v7x
topology: tpu7x:2x2x1
jax: 0.10.2.dev20260603
libtpu: 0.0.44.dev20260713+nightly
codegen_flags: <defaults>
</compile_context>

<pallas_src>
import functools

import jax
import jax.numpy as jnp
from jax import lax
from jax.experimental import pallas as pl
from jax.experimental.pallas import tpu as pltpu
from jax.experimental.pallas import tpu_sc as plsc

N = 10000
E = 320000
G = 64
W = 128

EROW = 128
NROWS = E // EROW
NROWS_P = 2504
NSUB = 16
SLAB = 48
ZCH = 632
ZCH_LAST = N - 15 * ZCH

_sc_cache = {}


def _sc_agg():
    if "k" in _sc_cache:
        return _sc_cache["k"]

    mesh = plsc.VectorSubcoreMesh(core_axis_name="c", subcore_axis_name="s")

    @functools.partial(
        pl.kernel,
        out_type=jax.ShapeDtypeStruct((2, N, W), jnp.float32),
        mesh=mesh,
        scratch_types=(
            pltpu.VMEM((SLAB, EROW), jnp.int32),
            pltpu.VMEM((SLAB, EROW), jnp.int32),
            (pltpu.VMEM((EROW, W), jnp.float32),
             pltpu.VMEM((EROW, W), jnp.float32)),
            pltpu.VMEM_SHARED((N, W), jnp.float32),
            (pltpu.SemaphoreType.DMA, pltpu.SemaphoreType.DMA),
        ),
    )
    def k(h, src2, dst2, zz, out, src_v, dst_v, bufs, shared, sems):
        cid = lax.axis_index("c")
        sid = lax.axis_index("s")
        w = cid * NSUB + sid
        rows_w = jnp.where(w < 2, 80, 78)
        r0 = jnp.where(w < 2, 80 * w, 160 + 78 * (w - 2))
        z0 = sid * ZCH

        @pl.when(sid < 15)
        def _():
            pltpu.sync_copy(zz.at[pl.ds(z0, ZCH)], shared.at[pl.ds(z0, ZCH)])

        @pl.when(sid == 15)
        def _():
            pltpu.sync_copy(zz.at[pl.ds(15 * ZCH, ZCH_LAST)],
                            shared.at[pl.ds(15 * ZCH, ZCH_LAST)])

        plsc.subcore_barrier()

        rows0, rows1 = bufs
        sem0, sem1 = sems
        for win in range(2):
            start = r0 + win * 40
            size = jnp.where(win == 0, 40, rows_w - 40)
            clamped = jnp.minimum(start, NROWS_P - SLAB)
            base = pl.multiple_of(clamped - clamped % 8, 8)
            off = start - base
            last = size - 1
            pltpu.sync_copy(src2.at[pl.ds(base, SLAB)], src_v)
            pltpu.sync_copy(dst2.at[pl.ds(base, SLAB)], dst_v)
            pltpu.async_copy(h.at[src_v.at[off]], rows0, sem0)

            def body(jj, carry):
                j = jj * 2
                pltpu.make_async_copy(h.at[src_v.at[0]], rows0, sem0).wait()
                pltpu.async_copy(h.at[src_v.at[off + j + 1]], rows1, sem1)
                pltpu.sync_copy(rows0, shared.at[dst_v.at[off + j]], add=True)
                pltpu.make_async_copy(h.at[src_v.at[0]], rows1, sem1).wait()
                pltpu.async_copy(
                    h.at[src_v.at[off + jnp.minimum(j + 2, last)]],
                    rows0, sem0)
                pltpu.sync_copy(rows1, shared.at[dst_v.at[off + j + 1]],
                                add=True)
                return carry

            lax.fori_loop(0, size // 2, body, 0)
            pltpu.make_async_copy(h.at[src_v.at[0]], rows0, sem0).wait()
        plsc.subcore_barrier()

        @pl.when(sid < 15)
        def _():
            pltpu.sync_copy(shared.at[pl.ds(z0, ZCH)],
                            out.at[cid, pl.ds(z0, ZCH)])

        @pl.when(sid == 15)
        def _():
            pltpu.sync_copy(shared.at[pl.ds(15 * ZCH, ZCH_LAST)],
                            out.at[cid, pl.ds(15 * ZCH, ZCH_LAST)])

    _sc_cache["k"] = k
    return k


BLK = 1000


def _ln_relu(m, gg, bee):
    mu = jnp.mean(m, axis=-1, keepdims=True)
    var = jnp.mean((m - mu) ** 2, axis=-1, keepdims=True)
    return jnp.maximum((m - mu) * lax.rsqrt(var + 1e-5) * gg + bee, 0.0)


def _dot(a, b):
    return jnp.dot(a, b, preferred_element_type=jnp.float32)


def _full(shape):
    return pl.BlockSpec(shape, lambda i: tuple(0 for _ in shape))


def _rowblk(w):
    return pl.BlockSpec((BLK, w), lambda i: (i, 0))


def _pblk():
    return pl.BlockSpec((2, BLK, 128), lambda i: (0, i, 0))


def _tc_layer1(p, x, w1rel, w1root, b1, g1, be1):
    def body(pr, xr, wrel, wro, b_r, g_r, be_r, oa, ob):
        m = (_dot(pr[0] + pr[1], wrel[...]) + _dot(xr[...], wro[...])
             + b_r[...])
        h = _ln_relu(m, g_r[...], be_r[...])
        oa[...] = h[:, :128]
        ob[...] = h[:, 128:]

    return pl.pallas_call(
        body,
        grid=(N // BLK,),
        in_specs=[_pblk(), _rowblk(128),
                  _full((128, 256)), _full((128, 256)),
                  _full((1, 256)), _full((1, 256)), _full((1, 256))],
        out_specs=[_rowblk(128), _rowblk(128)],
        out_shape=[jax.ShapeDtypeStruct((N, 128), jnp.float32)] * 2,
    )(p, x, w1rel, w1root, b1.reshape(1, -1), g1.reshape(1, -1),
      be1.reshape(1, -1))


def _tc_layer2(pa, pb, h1a, h1b, w2ra, w2rb, w2roa, w2rob,
               b2, g2, be2, w3rel, w3root, b3):
    def body(par, pbr, xa, xb, w2ra_r, w2rb_r, w2roa_r, w2rob_r,
             b2_r, g2_r, be2_r, w3rel_r, w3root_r, b3_r, yo, r3o):
        m = (_dot(par[0] + par[1], w2ra_r[...])
             + _dot(pbr[0] + pbr[1], w2rb_r[...])
             + _dot(xa[...], w2roa_r[...]) + _dot(xb[...], w2rob_r[...])
             + b2_r[...])
        h2 = _ln_relu(m, g2_r[...], be2_r[...])
        yo[...] = _dot(h2, w3rel_r[...])
        r3o[...] = _dot(h2, w3root_r[...]) + b3_r[...]

    return pl.pallas_call(
        body,
        grid=(N // BLK,),
        in_specs=[_pblk(), _pblk(), _rowblk(128), _rowblk(128)] + [
            _full((128, 256)), _full((128, 256)), _full((128, 256)),
            _full((128, 256)), _full((1, 256)), _full((1, 256)),
            _full((1, 256)), _full((256, 128)), _full((256, 128)),
            _full((1, 128))],
        out_specs=[_rowblk(128), _rowblk(128)],
        out_shape=[jax.ShapeDtypeStruct((N, 128), jnp.float32)] * 2,
    )(pa, pb, h1a, h1b, w2ra, w2rb, w2roa, w2rob,
      b2.reshape(1, -1), g2.reshape(1, -1), be2.reshape(1, -1),
      w3rel, w3root, b3.reshape(1, -1))


def _tc_layer3(q, r3, batch2d, g3, be3):
    def body(qr, r3_r, bt_r, g3_r, be3_r, out, sums, counts):
        i = pl.program_id(0)

        @pl.when(i == 0)
        def _():
            sums[...] = jnp.zeros_like(sums)
            counts[...] = jnp.zeros_like(counts)

        m = qr[0] + qr[1] + r3_r[...]
        t = _ln_relu(m, g3_r[...], be3_r[...])
        oh = (bt_r[...] == lax.broadcasted_iota(jnp.int32, (BLK, G), 1))
        oh = oh.astype(jnp.float32)
        sums[...] += lax.dot_general(oh, t, (((0,), (0,)), ((), ())),
                                     preferred_element_type=jnp.float32)
        counts[...] += lax.dot_general(
            oh, jnp.ones((BLK, 128), jnp.float32), (((0,), (0,)), ((), ())),
            preferred_element_type=jnp.float32)

        @pl.when(i == pl.num_programs(0) - 1)
        def _():
            out[...] = sums[...] / jnp.maximum(counts[...], 1.0)

    return pl.pallas_call(
        body,
        grid=(N // BLK,),
        in_specs=[_pblk(), _rowblk(128),
                  pl.BlockSpec((BLK, 1), lambda i: (i, 0)),
                  _full((1, 128)), _full((1, 128))],
        out_specs=pl.BlockSpec((G, 128), lambda i: (0, 0)),
        out_shape=jax.ShapeDtypeStruct((G, 128), jnp.float32),
        scratch_shapes=[pltpu.VMEM((G, 128), jnp.float32),
                        pltpu.VMEM((G, 128), jnp.float32)],
    )(q, r3, batch2d, g3.reshape(1, -1), be3.reshape(1, -1))


def kernel(x, edge_index, batch,
           W1_rel, W1_root, b1, g1, be1,
           W2_rel, W2_root, b2, g2, be2,
           W3_rel, W3_root, b3, g3, be3):
    padz = jnp.zeros(((NROWS_P - NROWS) * EROW,), jnp.int32)
    src2 = jnp.concatenate([edge_index[0], padz]).reshape(NROWS_P, EROW)
    dst2 = jnp.concatenate([edge_index[1], padz]).reshape(NROWS_P, EROW)
    z128 = jnp.zeros((N, 128), jnp.float32)

    p = _sc_agg()(x, src2, dst2, z128)
    h1a, h1b = _tc_layer1(p, x, W1_rel, W1_root, b1, g1, be1)
    pa = _sc_agg()(h1a, src2, dst2, z128)
    pb = _sc_agg()(h1b, src2, dst2, z128)
    y3, r3 = _tc_layer2(pa, pb, h1a, h1b,
                        W2_rel[:128], W2_rel[128:],
                        W2_root[:128], W2_root[128:],
                        b2, g2, be2, W3_rel, W3_root, b3)
    q = _sc_agg()(y3, src2, dst2, z128)
    return _tc_layer3(q, r3, batch.reshape(N, 1), g3, be3)

# --- scband reference (transcript-rebuilt; emitter-appended) ---
"""Pipeline reference for scband-graph-encoder-31636729102477 (READ-ONLY COPY).

The authoritative reference and input builder live on the scoring server;
editing this copy changes nothing except your own understanding.
"""

import jax, jax.numpy as jnp
import numpy as np

N = 10000
E = 320000
D_IN = 128
HID = 256
OUT = 256
OUT2 = 128
G = 64


def setup_inputs(seed: int = 0) -> dict:
    key = jax.random.key(seed)
    ks = jax.random.split(key, 16)
    x = jax.random.normal(ks[0], (N, D_IN), dtype=jnp.float32)
    edge_index = jax.random.randint(ks[1], (2, E), 0, N, dtype=jnp.int32)
    batch = jnp.sort(jax.random.randint(ks[2], (N,), 0, G, dtype=jnp.int32))
    s = 0.02
    W1_rel = jax.random.normal(ks[3], (D_IN, HID), dtype=jnp.float32) * s
    W1_root = jax.random.normal(ks[4], (D_IN, HID), dtype=jnp.float32) * s
    b1 = jnp.zeros((HID,), jnp.float32)
    g1 = jnp.ones((HID,), jnp.float32)
    be1 = jnp.zeros((HID,), jnp.float32)
    W2_rel = jax.random.normal(ks[5], (HID, OUT), dtype=jnp.float32) * s
    W2_root = jax.random.normal(ks[6], (HID, OUT), dtype=jnp.float32) * s
    b2 = jnp.zeros((OUT,), jnp.float32)
    g2 = jnp.ones((OUT,), jnp.float32)
    be2 = jnp.zeros((OUT,), jnp.float32)
    W3_rel = jax.random.normal(ks[7], (OUT, OUT2), dtype=jnp.float32) * s
    W3_root = jax.random.normal(ks[8], (OUT, OUT2), dtype=jnp.float32) * s
    b3 = jnp.zeros((OUT2,), jnp.float32)
    g3 = jnp.ones((OUT2,), jnp.float32)
    be3 = jnp.zeros((OUT2,), jnp.float32)
    return {"x": x, "edge_index": edge_index, "batch": batch,
            "W1_rel": W1_rel, "W1_root": W1_root, "b1": b1, "g1": g1, "be1": be1,
            "W2_rel": W2_rel, "W2_root": W2_root, "b2": b2, "g2": g2, "be2": be2,
            "W3_rel": W3_rel, "W3_root": W3_root, "b3": b3, "g3": g3, "be3": be3}


def _layer_norm(x, g, b, eps=1e-5):
    mu = jnp.mean(x, axis=-1, keepdims=True)
    var = jnp.mean((x - mu) ** 2, axis=-1, keepdims=True)
    return (x - mu) / jnp.sqrt(var + eps) * g + b


def _graph_conv(x, src, dst, W_rel, W_root, b):
    # PyG GraphConv (aggr='add'): out_i = W_root x_i + W_rel sum_{j in N(i)} x_j + b
    agg = jnp.zeros_like(x).at[dst].add(x[src])
    return agg @ W_rel + x @ W_root + b


def reference(x, edge_index, batch,
              W1_rel, W1_root, b1, g1, be1,
              W2_rel, W2_root, b2, g2, be2,
              W3_rel, W3_root, b3, g3, be3):
    src = edge_index[0]
    dst = edge_index[1]
    h = jax.nn.relu(_layer_norm(_graph_conv(x, src, dst, W1_rel, W1_root, b1), g1, be1))
    h = jax.nn.relu(_layer_norm(_graph_conv(h, src, dst, W2_rel, W2_root, b2), g2, be2))
    h = jax.nn.relu(_layer_norm(_graph_conv(h, src, dst, W3_rel, W3_root, b3), g3, be3))
    # dropout is identity in eval mode
    sums = jax.ops.segment_sum(h, batch, num_segments=G)
    counts = jax.ops.segment_sum(jnp.ones((h.shape[0], 1), h.dtype), batch, num_segments=G)
    return sums / jnp.maximum(counts, 1.0)

if __name__ == "__main__":
    import jax
    _d = setup_inputs()
    print(jax.jit(kernel)(*tuple(_d.values())))

</pallas_src>

<mosaic_0001>
#map = affine_map<(d0, d1) -> (0, 0)>
#map1 = affine_map<(d0, d1) -> (0, 0, 0)>
module attributes {stable_mosaic.version = 14 : i64} {
  func.func @k(%arg0: i32, %arg1: i32, %arg2: memref<10000x128xf32, #tpu.memory_space<hbm>>, %arg3: memref<2504x128xi32, #tpu.memory_space<hbm>>, %arg4: memref<2504x128xi32, #tpu.memory_space<hbm>>, %arg5: memref<10000x128xf32, #tpu.memory_space<hbm>>, %arg6: memref<2x10000x128xf32, #tpu.memory_space<hbm>>, %arg7: memref<48x128xi32, #tpu.memory_space<vmem>>, %arg8: memref<48x128xi32, #tpu.memory_space<vmem>>, %arg9: memref<128x128xf32, #tpu.memory_space<vmem>>, %arg10: memref<128x128xf32, #tpu.memory_space<vmem>>, %arg11: memref<10000x128xf32, #tpu.memory_space<vmem_shared>>, %arg12: memref<!tpu.dma_semaphore, #tpu.memory_space<semaphore_mem>>, %arg13: memref<!tpu.dma_semaphore, #tpu.memory_space<semaphore_mem>>) attributes {dimension_semantics = [#tpu.dimension_semantics<core_parallel>, #tpu.dimension_semantics<subcore_parallel>], iteration_bounds = array<i64: 2, 16>, scalar_prefetch = 0 : i64, scratch_operands = 7 : i64, tpu.core_type = #tpu.core_type<sc_vector_subcore>, window_params = [{transform_indices = #map}, {transform_indices = #map}, {transform_indices = #map}, {transform_indices = #map}, {transform_indices = #map1}]} {
    %mul3A = arith.constant 16 : i32
    %mul3A_0 = arith.muli %arg0, %mul3A : i32
    %add3A = arith.addi %mul3A_0, %arg1 : i32
    %lt3A = arith.constant 2 : i32
    %lt3A_1 = arith.cmpi slt, %add3A, %lt3A : i32
    %jit3A = arith.constant 80 : i32
    %jit3A_2 = arith.constant 78 : i32
    %select_n3A = arith.select %lt3A_1, %jit3A, %jit3A_2 : i32
    %lt3A_3 = arith.constant 2 : i32
    %lt3A_4 = arith.cmpi slt, %add3A, %lt3A_3 : i32
    %mul3A_5 = arith.constant 80 : i32
    %mul3A_6 = arith.muli %mul3A_5, %add3A : i32
    %sub3A = arith.constant 2 : i32
    %sub3A_7 = arith.subi %add3A, %sub3A : i32
    %mul3A_8 = arith.constant 78 : i32
    %mul3A_9 = arith.muli %mul3A_8, %sub3A_7 : i32
    %add3A_10 = arith.constant 160 : i32
    %add3A_11 = arith.addi %add3A_10, %mul3A_9 : i32
    %select_n3A_12 = arith.select %lt3A_4, %mul3A_6, %add3A_11 : i32
    %mul3A_13 = arith.constant 632 : i32
    %mul3A_14 = arith.muli %arg1, %mul3A_13 : i32
    %lt3A_15 = arith.constant 15 : i32
    %lt3A_16 = arith.cmpi slt, %arg1, %lt3A_15 : i32
    %convert_element_type3A = arith.extui %lt3A_16 : i1 to i32
    %cond3A = arith.constant 0 : i32
    %cond3A_17 = arith.cmpi ne, %convert_element_type3A, %cond3A : i32
    scf.if %cond3A_17 {
      "tpu.region"() ({
        %run_scoped3A = tpu.sem_alloc : memref<!tpu.dma_semaphore, #tpu.memory_space<semaphore_mem>>
        %dma_start3A_177 = arith.constant 0 : i32
        %dma_start3A_178 = tpu.memref_slice %arg11[%mul3A_14, %dma_start3A_177] : memref<10000x128xf32, #tpu.memory_space<vmem_shared>> -> memref<632x128xf32, #tpu.memory_space<vmem_shared>>
        %dma_start3A_179 = arith.constant 0 : i32
        %dma_start3A_180 = tpu.memref_slice %arg5[%mul3A_14, %dma_start3A_179] : memref<10000x128xf32, #tpu.memory_space<hbm>> -> memref<632x128xf32, #tpu.memory_space<hbm>>
        tpu.enqueue_dma source(%dma_start3A_180 : memref<632x128xf32, #tpu.memory_space<hbm>>) target(%dma_start3A_178 : memref<632x128xf32, #tpu.memory_space<vmem_shared>>) target_semaphore(%run_scoped3A : memref<!tpu.dma_semaphore, #tpu.memory_space<semaphore_mem>>)
        %dma_wait3A_181 = arith.constant 0 : i32
        %dma_wait3A_182 = tpu.memref_slice %arg11[%mul3A_14, %dma_wait3A_181] : memref<10000x128xf32, #tpu.memory_space<vmem_shared>> -> memref<632x128xf32, #tpu.memory_space<vmem_shared>>
        %dma_wait3A_183 = arith.constant 0 : i32
        %dma_wait3A_184 = tpu.memref_slice %arg5[%mul3A_14, %dma_wait3A_183] : memref<10000x128xf32, #tpu.memory_space<hbm>> -> memref<632x128xf32, #tpu.memory_space<hbm>>
        tpu.wait_dma2 semaphore(%run_scoped3A : memref<!tpu.dma_semaphore, #tpu.memory_space<semaphore_mem>>) src(%dma_wait3A_184 : memref<632x128xf32, #tpu.memory_space<hbm>>) dst(%dma_wait3A_182 : memref<632x128xf32, #tpu.memory_space<vmem_shared>>)
        tpu.yield
      }) : () -> ()
    } else {
    }
    %eq3A = arith.constant 15 : i32
    %eq3A_18 = arith.cmpi eq, %arg1, %eq3A : i32
    %convert_element_type3A_19 = arith.extui %eq3A_18 : i1 to i32
    %cond3A_20 = arith.constant 0 : i32
    %cond3A_21 = arith.cmpi ne, %convert_element_type3A_19, %cond3A_20 : i32
    scf.if %cond3A_21 {
      "tpu.region"() ({
        %run_scoped3A = tpu.sem_alloc : memref<!tpu.dma_semaphore, #tpu.memory_space<semaphore_mem>>
        %dma_start3A_177 = arith.constant 9480 : i32
        %dma_start3A_178 = arith.constant 0 : i32
        %dma_start3A_179 = tpu.memref_slice %arg11[%dma_start3A_177, %dma_start3A_178] : memref<10000x128xf32, #tpu.memory_space<vmem_shared>> -> memref<520x128xf32, #tpu.memory_space<vmem_shared>>
        %dma_start3A_180 = arith.constant 9480 : i32
        %dma_start3A_181 = arith.constant 0 : i32
        %dma_start3A_182 = tpu.memref_slice %arg5[%dma_start3A_180, %dma_start3A_181] : memref<10000x128xf32, #tpu.memory_space<hbm>> -> memref<520x128xf32, #tpu.memory_space<hbm>>
        tpu.enqueue_dma source(%dma_start3A_182 : memref<520x128xf32, #tpu.memory_space<hbm>>) target(%dma_start3A_179 : memref<520x128xf32, #tpu.memory_space<vmem_shared>>) target_semaphore(%run_scoped3A : memref<!tpu.dma_semaphore, #tpu.memory_space<semaphore_mem>>)
        %dma_wait3A_183 = arith.constant 9480 : i32
        %dma_wait3A_184 = arith.constant 0 : i32
        %dma_wait3A_185 = tpu.memref_slice %arg11[%dma_wait3A_183, %dma_wait3A_184] : memref<10000x128xf32, #tpu.memory_space<vmem_shared>> -> memref<520x128xf32, #tpu.memory_space<vmem_shared>>
        %dma_wait3A_186 = arith.constant 9480 : i32
        %dma_wait3A_187 = arith.constant 0 : i32
        %dma_wait3A_188 = tpu.memref_slice %arg5[%dma_wait3A_186, %dma_wait3A_187] : memref<10000x128xf32, #tpu.memory_space<hbm>> -> memref<520x128xf32, #tpu.memory_space<hbm>>
        tpu.wait_dma2 semaphore(%run_scoped3A : memref<!tpu.dma_semaphore, #tpu.memory_space<semaphore_mem>>) src(%dma_wait3A_188 : memref<520x128xf32, #tpu.memory_space<hbm>>) dst(%dma_wait3A_185 : memref<520x128xf32, #tpu.memory_space<vmem_shared>>)
        tpu.yield
      }) : () -> ()
    } else {
    }
    %barrier3A = arith.constant 0 : index
    tpu.barrier barrier_id(%barrier3A)
    %add3A_22 = arith.constant 0 : i32
    %add3A_23 = arith.addi %select_n3A_12, %add3A_22 : i32
    %sub3A_24 = arith.constant 40 : i32
    %sub3A_25 = arith.subi %select_n3A, %sub3A_24 : i32
    %jit3A_26 = arith.constant true
    %jit3A_27 = arith.constant 40 : i32
    %select_n3A_28 = arith.select %jit3A_26, %jit3A_27, %sub3A_25 : i32
    %min3A = arith.constant 2456 : i32
    %min3A_29 = arith.minsi %add3A_23, %min3A : i32
    %jit3A_30 = arith.constant 8 : i32
    %eq3A_31 = arith.constant 0 : i32
    %eq3A_32 = arith.cmpi eq, %jit3A_30, %eq3A_31 : i32
    %jit3A_33 = arith.constant 1 : i32
    %select_n3A_34 = arith.select %eq3A_32, %jit3A_33, %jit3A_30 : i32
    %rem3A = arith.remsi %min3A_29, %select_n3A_34 : i32
    %ne3A = arith.constant 0 : i32
    %ne3A_35 = arith.cmpi ne, %rem3A, %ne3A : i32
    %lt3A_36 = arith.constant 0 : i32
    %lt3A_37 = arith.cmpi slt, %rem3A, %lt3A_36 : i32
    %lt3A_38 = arith.constant 0 : i32
    %lt3A_39 = arith.cmpi slt, %select_n3A_34, %lt3A_38 : i32
    %ne3A_40 = arith.xori %lt3A_37, %lt3A_39 : i1
    %and3A = arith.andi %ne3A_40, %ne3A_35 : i1
    %add3A_41 = arith.addi %rem3A, %select_n3A_34 : i32
    %select_n3A_42 = arith.select %and3A, %add3A_41, %rem3A : i32
    %sub3A_43 = arith.subi %min3A_29, %select_n3A_42 : i32
    %multiple_of3A = tpu.assume_multiple %sub3A_43, 8 : i32
    %sub3A_44 = arith.subi %add3A_23, %multiple_of3A : i32
    %sub3A_45 = arith.constant 1 : i32
    %sub3A_46 = arith.subi %select_n3A_28, %sub3A_45 : i32
    "tpu.region"() ({
      %run_scoped3A = tpu.sem_alloc : memref<!tpu.dma_semaphore, #tpu.memory_space<semaphore_mem>>
      %dma_start3A_177 = arith.constant 0 : i32
      %dma_start3A_178 = tpu.memref_slice %arg3[%multiple_of3A, %dma_start3A_177] : memref<2504x128xi32, #tpu.memory_space<hbm>> -> memref<48x128xi32, #tpu.memory_space<hbm>>
      %dma_start3A_179 = arith.constant 0 : i32
      %dma_start3A_180 = tpu.memref_slice %arg3[%multiple_of3A, %dma_start3A_179] : memref<2504x128xi32, #tpu.memory_space<hbm>> -> memref<48x128xi32, #tpu.memory_space<hbm>>
      tpu.enqueue_dma source(%dma_start3A_180 : memref<48x128xi32, #tpu.memory_space<hbm>>) target(%arg7 : memref<48x128xi32, #tpu.memory_space<vmem>>) target_semaphore(%run_scoped3A : memref<!tpu.dma_semaphore, #tpu.memory_space<semaphore_mem>>)
      %dma_wait3A_181 = arith.constant 0 : i32
      %dma_wait3A_182 = tpu.memref_slice %arg3[%multiple_of3A, %dma_wait3A_181] : memref<2504x128xi32, #tpu.memory_space<hbm>> -> memref<48x128xi32, #tpu.memory_space<hbm>>
      %dma_wait3A_183 = arith.constant 0 : i32
      %dma_wait3A_184 = tpu.memref_slice %arg3[%multiple_of3A, %dma_wait3A_183] : memref<2504x128xi32, #tpu.memory_space<hbm>> -> memref<48x128xi32, #tpu.memory_space<hbm>>
      tpu.wait_dma2 semaphore(%run_scoped3A : memref<!tpu.dma_semaphore, #tpu.memory_space<semaphore_mem>>) src(%dma_wait3A_184 : memref<48x128xi32, #tpu.memory_space<hbm>>) dst(%arg7 : memref<48x128xi32, #tpu.memory_space<vmem>>)
      tpu.yield
    }) : () -> ()
    "tpu.region"() ({
      %run_scoped3A = tpu.sem_alloc : memref<!tpu.dma_semaphore, #tpu.memory_space<semaphore_mem>>
      %dma_start3A_177 = arith.constant 0 : i32
      %dma_start3A_178 = tpu.memref_slice %arg4[%multiple_of3A, %dma_start3A_177] : memref<2504x128xi32, #tpu.memory_space<hbm>> -> memref<48x128xi32, #tpu.memory_space<hbm>>
      %dma_start3A_179 = arith.constant 0 : i32
      %dma_start3A_180 = tpu.memref_slice %arg4[%multiple_of3A, %dma_start3A_179] : memref<2504x128xi32, #tpu.memory_space<hbm>> -> memref<48x128xi32, #tpu.memory_space<hbm>>
      tpu.enqueue_dma source(%dma_start3A_180 : memref<48x128xi32, #tpu.memory_space<hbm>>) target(%arg8 : memref<48x128xi32, #tpu.memory_space<vmem>>) target_semaphore(%run_scoped3A : memref<!tpu.dma_semaphore, #tpu.memory_space<semaphore_mem>>)
      %dma_wait3A_181 = arith.constant 0 : i32
      %dma_wait3A_182 = tpu.memref_slice %arg4[%multiple_of3A, %dma_wait3A_181] : memref<2504x128xi32, #tpu.memory_space<hbm>> -> memref<48x128xi32, #tpu.memory_space<hbm>>
      %dma_wait3A_183 = arith.constant 0 : i32
      %dma_wait3A_184 = tpu.memref_slice %arg4[%multiple_of3A, %dma_wait3A_183] : memref<2504x128xi32, #tpu.memory_space<hbm>> -> memref<48x128xi32, #tpu.memory_space<hbm>>
      tpu.wait_dma2 semaphore(%run_scoped3A : memref<!tpu.dma_semaphore, #tpu.memory_space<semaphore_mem>>) src(%dma_wait3A_184 : memref<48x128xi32, #tpu.memory_space<hbm>>) dst(%arg8 : memref<48x128xi32, #tpu.memory_space<vmem>>)
      tpu.yield
    }) : () -> ()
    %dma_start3A = arith.constant 0 : i32
    %dma_start3A_47 = tpu.memref_slice %arg7[%sub3A_44, %dma_start3A] : memref<48x128xi32, #tpu.memory_space<vmem>> -> memref<1x128xi32, #tpu.memory_space<vmem>>
    %dma_start3A_48 = tpu.memref_squeeze %dma_start3A_47 : memref<1x128xi32, #tpu.memory_space<vmem>> -> memref<128xi32, #tpu.memory_space<vmem>>
    %dma_start3A_49 = arith.constant 0 : i32
    %dma_start3A_50 = arith.constant 0 : i32
    %dma_start3A_51 = tpu.memref_slice %arg2[%dma_start3A_49, %dma_start3A_50] : memref<10000x128xf32, #tpu.memory_space<hbm>> -> memref<10000x128xf32, #tpu.memory_space<hbm>>
    tpu.enqueue_indirect_dma source(%dma_start3A_51 : memref<10000x128xf32, #tpu.memory_space<hbm>>) target(%arg9 : memref<128x128xf32, #tpu.memory_space<vmem>>) offsets(%dma_start3A_48 : memref<128xi32, #tpu.memory_space<vmem>>) semaphore(%arg12 : memref<!tpu.dma_semaphore, #tpu.memory_space<semaphore_mem>>)
    %jit3A_52 = arith.constant 2 : i32
    %div3A = arith.divsi %select_n3A_28, %jit3A_52 : i32
    %sign3A = arith.constant 0 : i32
    %sign3A_53 = arith.cmpi sgt, %select_n3A_28, %sign3A : i32
    %sign3A_54 = arith.extui %sign3A_53 : i1 to i32
    %sign3A_55 = arith.constant 0 : i32
    %sign3A_56 = arith.cmpi slt, %select_n3A_28, %sign3A_55 : i32
    %sign3A_57 = arith.extui %sign3A_56 : i1 to i32
    %sign3A_58 = arith.subi %sign3A_54, %sign3A_57 : i32
    %sign3A_59 = arith.constant 0 : i32
    %sign3A_60 = arith.cmpi sgt, %jit3A_52, %sign3A_59 : i32
    %sign3A_61 = arith.extui %sign3A_60 : i1 to i32
    %sign3A_62 = arith.constant 0 : i32
    %sign3A_63 = arith.cmpi slt, %jit3A_52, %sign3A_62 : i32
    %sign3A_64 = arith.extui %sign3A_63 : i1 to i32
    %sign3A_65 = arith.subi %sign3A_61, %sign3A_64 : i32
    %ne3A_66 = arith.cmpi ne, %sign3A_58, %sign3A_65 : i32
    %rem3A_67 = arith.remsi %select_n3A_28, %jit3A_52 : i32
    %ne3A_68 = arith.constant 0 : i32
    %ne3A_69 = arith.cmpi ne, %rem3A_67, %ne3A_68 : i32
    %and3A_70 = arith.andi %ne3A_66, %ne3A_69 : i1
    %sub3A_71 = arith.constant 1 : i32
    %sub3A_72 = arith.subi %div3A, %sub3A_71 : i32
    %select_n3A_73 = arith.select %and3A_70, %sub3A_72, %div3A : i32
    %while3A = arith.constant 0 : i32
    %while3A_74 = arith.constant 0 : i32
    %while3A_75 = arith.subi %select_n3A_73, %while3A_74 : i32
    %while3A_76 = arith.addi %while3A_74, %while3A_75 : i32
    %while3A_77 = arith.constant 1 : i32
    %while3A_78 = arith.divsi %while3A_75, %while3A_77 : i32
    %while3A_79 = arith.muli %while3A_78, %while3A_77 : i32
    %while3A_80 = arith.addi %while3A_74, %while3A_79 : i32
    %while3A_81 = arith.constant 1 : i32
    scf.for %while3A_177 = %while3A_74 to %while3A_80 step %while3A_81  : i32 {
      %mul3A_178 = arith.constant 2 : i32
      %mul3A_179 = arith.muli %while3A_177, %mul3A_178 : i32
      %dma_wait3A_180 = arith.constant 0 : i32
      %dma_wait3A_181 = arith.constant 0 : i32
      %dma_wait3A_182 = tpu.memref_slice %arg7[%dma_wait3A_180, %dma_wait3A_181] : memref<48x128xi32, #tpu.memory_space<vmem>> -> memref<1x128xi32, #tpu.memory_space<vmem>>
      %dma_wait3A_183 = tpu.memref_squeeze %dma_wait3A_182 : memref<1x128xi32, #tpu.memory_space<vmem>> -> memref<128xi32, #tpu.memory_space<vmem>>
      %dma_wait3A_184 = arith.constant 0 : i32
      %dma_wait3A_185 = arith.constant 0 : i32
      %dma_wait3A_186 = tpu.memref_slice %arg2[%dma_wait3A_184, %dma_wait3A_185] : memref<10000x128xf32, #tpu.memory_space<hbm>> -> memref<10000x128xf32, #tpu.memory_space<hbm>>
      tpu.wait_indirect_dma semaphore(%arg12 : memref<!tpu.dma_semaphore, #tpu.memory_space<semaphore_mem>>) src(%dma_wait3A_186 : memref<10000x128xf32, #tpu.memory_space<hbm>>) dst(%arg9 : memref<128x128xf32, #tpu.memory_space<vmem>>)
      %add3A_187 = arith.addi %sub3A_44, %mul3A_179 : i32
      %add3A_188 = arith.constant 1 : i32
      %add3A_189 = arith.addi %add3A_187, %add3A_188 : i32
      %dma_start3A_190 = arith.constant 0 : i32
      %dma_start3A_191 = tpu.memref_slice %arg7[%add3A_189, %dma_start3A_190] : memref<48x128xi32, #tpu.memory_space<vmem>> -> memref<1x128xi32, #tpu.memory_space<vmem>>
      %dma_start3A_192 = tpu.memref_squeeze %dma_start3A_191 : memref<1x128xi32, #tpu.memory_space<vmem>> -> memref<128xi32, #tpu.memory_space<vmem>>
      %dma_start3A_193 = arith.constant 0 : i32
      %dma_start3A_194 = arith.constant 0 : i32
      %dma_start3A_195 = tpu.memref_slice %arg2[%dma_start3A_193, %dma_start3A_194] : memref<10000x128xf32, #tpu.memory_space<hbm>> -> memref<10000x128xf32, #tpu.memory_space<hbm>>
      tpu.enqueue_indirect_dma source(%dma_start3A_195 : memref<10000x128xf32, #tpu.memory_space<hbm>>) target(%arg10 : memref<128x128xf32, #tpu.memory_space<vmem>>) offsets(%dma_start3A_192 : memref<128xi32, #tpu.memory_space<vmem>>) semaphore(%arg13 : memref<!tpu.dma_semaphore, #tpu.memory_space<semaphore_mem>>)
      %add3A_196 = arith.addi %sub3A_44, %mul3A_179 : i32
      "tpu.region"() ({
        %run_scoped3A = tpu.sem_alloc : memref<!tpu.dma_semaphore, #tpu.memory_space<semaphore_mem>>
        %dma_start3A_217 = arith.constant 0 : i32
        %dma_start3A_218 = tpu.memref_slice %arg8[%add3A_196, %dma_start3A_217] : memref<48x128xi32, #tpu.memory_space<vmem>> -> memref<1x128xi32, #tpu.memory_space<vmem>>
        %dma_start3A_219 = tpu.memref_squeeze %dma_start3A_218 : memref<1x128xi32, #tpu.memory_space<vmem>> -> memref<128xi32, #tpu.memory_space<vmem>>
        %dma_start3A_220 = arith.constant 0 : i32
        %dma_start3A_221 = arith.constant 0 : i32
        %dma_start3A_222 = tpu.memref_slice %arg11[%dma_start3A_220, %dma_start3A_221] : memref<10000x128xf32, #tpu.memory_space<vmem_shared>> -> memref<10000x128xf32, #tpu.memory_space<vmem_shared>>
        tpu.enqueue_indirect_dma source(%arg9 : memref<128x128xf32, #tpu.memory_space<vmem>>) target(%dma_start3A_222 : memref<10000x128xf32, #tpu.memory_space<vmem_shared>>) offsets(%dma_start3A_219 : memref<128xi32, #tpu.memory_space<vmem>>) semaphore(%run_scoped3A : memref<!tpu.dma_semaphore, #tpu.memory_space<semaphore_mem>>) {add = true}
        %dma_wait3A_223 = arith.constant 0 : i32
        %dma_wait3A_224 = tpu.memref_slice %arg8[%add3A_196, %dma_wait3A_223] : memref<48x128xi32, #tpu.memory_space<vmem>> -> memref<1x128xi32, #tpu.memory_space<vmem>>
        %dma_wait3A_225 = tpu.memref_squeeze %dma_wait3A_224 : memref<1x128xi32, #tpu.memory_space<vmem>> -> memref<128xi32, #tpu.memory_space<vmem>>
        %dma_wait3A_226 = arith.constant 0 : i32
        %dma_wait3A_227 = arith.constant 0 : i32
        %dma_wait3A_228 = tpu.memref_slice %arg11[%dma_wait3A_226, %dma_wait3A_227] : memref<10000x128xf32, #tpu.memory_space<vmem_shared>> -> memref<10000x128xf32, #tpu.memory_space<vmem_shared>>
        tpu.wait_indirect_dma semaphore(%run_scoped3A : memref<!tpu.dma_semaphore, #tpu.memory_space<semaphore_mem>>) src(%arg9 : memref<128x128xf32, #tpu.memory_space<vmem>>) dst(%dma_wait3A_228 : memref<10000x128xf32, #tpu.memory_space<vmem_shared>>)
        tpu.yield
      }) : () -> ()
      %dma_wait3A_197 = arith.constant 0 : i32
      %dma_wait3A_198 = arith.constant 0 : i32
      %dma_wait3A_199 = tpu.memref_slice %arg7[%dma_wait3A_197, %dma_wait3A_198] : memref<48x128xi32, #tpu.memory_space<vmem>> -> memref<1x128xi32, #tpu.memory_space<vmem>>
      %dma_wait3A_200 = tpu.memref_squeeze %dma_wait3A_199 : memref<1x128xi32, #tpu.memory_space<vmem>> -> memref<128xi32, #tpu.memory_space<vmem>>
      %dma_wait3A_201 = arith.constant 0 : i32
      %dma_wait3A_202 = arith.constant 0 : i32
      %dma_wait3A_203 = tpu.memref_slice %arg2[%dma_wait3A_201, %dma_wait3A_202] : memref<10000x128xf32, #tpu.memory_space<hbm>> -> memref<10000x128xf32, #tpu.memory_space<hbm>>
      tpu.wait_indirect_dma semaphore(%arg13 : memref<!tpu.dma_semaphore, #tpu.memory_space<semaphore_mem>>) src(%dma_wait3A_203 : memref<10000x128xf32, #tpu.memory_space<hbm>>) dst(%arg10 : memref<128x128xf32, #tpu.memory_space<vmem>>)
      %add3A_204 = arith.constant 2 : i32
      %add3A_205 = arith.addi %mul3A_179, %add3A_204 : i32
      %min3A_206 = arith.minsi %add3A_205, %sub3A_46 : i32
      %add3A_207 = arith.addi %sub3A_44, %min3A_206 : i32
      %dma_start3A_208 = arith.constant 0 : i32
      %dma_start3A_209 = tpu.memref_slice %arg7[%add3A_207, %dma_start3A_208] : memref<48x128xi32, #tpu.memory_space<vmem>> -> memref<1x128xi32, #tpu.memory_space<vmem>>
      %dma_start3A_210 = tpu.memref_squeeze %dma_start3A_209 : memref<1x128xi32, #tpu.memory_space<vmem>> -> memref<128xi32, #tpu.memory_space<vmem>>
      %dma_start3A_211 = arith.constant 0 : i32
      %dma_start3A_212 = arith.constant 0 : i32
      %dma_start3A_213 = tpu.memref_slice %arg2[%dma_start3A_211, %dma_start3A_212] : memref<10000x128xf32, #tpu.memory_space<hbm>> -> memref<10000x128xf32, #tpu.memory_space<hbm>>
      tpu.enqueue_indirect_dma source(%dma_start3A_213 : memref<10000x128xf32, #tpu.memory_space<hbm>>) target(%arg9 : memref<128x128xf32, #tpu.memory_space<vmem>>) offsets(%dma_start3A_210 : memref<128xi32, #tpu.memory_space<vmem>>) semaphore(%arg12 : memref<!tpu.dma_semaphore, #tpu.memory_space<semaphore_mem>>)
      %add3A_214 = arith.addi %sub3A_44, %mul3A_179 : i32
      %add3A_215 = arith.constant 1 : i32
      %add3A_216 = arith.addi %add3A_214, %add3A_215 : i32
      "tpu.region"() ({
        %run_scoped3A = tpu.sem_alloc : memref<!tpu.dma_semaphore, #tpu.memory_space<semaphore_mem>>
        %dma_start3A_217 = arith.constant 0 : i32
        %dma_start3A_218 = tpu.memref_slice %arg8[%add3A_216, %dma_start3A_217] : memref<48x128xi32, #tpu.memory_space<vmem>> -> memref<1x128xi32, #tpu.memory_space<vmem>>
        %dma_start3A_219 = tpu.memref_squeeze %dma_start3A_218 : memref<1x128xi32, #tpu.memory_space<vmem>> -> memref<128xi32, #tpu.memory_space<vmem>>
        %dma_start3A_220 = arith.constant 0 : i32
        %dma_start3A_221 = arith.constant 0 : i32
        %dma_start3A_222 = tpu.memref_slice %arg11[%dma_start3A_220, %dma_start3A_221] : memref<10000x128xf32, #tpu.memory_space<vmem_shared>> -> memref<10000x128xf32, #tpu.memory_space<vmem_shared>>
        tpu.enqueue_indirect_dma source(%arg10 : memref<128x128xf32, #tpu.memory_space<vmem>>) target(%dma_start3A_222 : memref<10000x128xf32, #tpu.memory_space<vmem_shared>>) offsets(%dma_start3A_219 : memref<128xi32, #tpu.memory_space<vmem>>) semaphore(%run_scoped3A : memref<!tpu.dma_semaphore, #tpu.memory_space<semaphore_mem>>) {add = true}
        %dma_wait3A_223 = arith.constant 0 : i32
        %dma_wait3A_224 = tpu.memref_slice %arg8[%add3A_216, %dma_wait3A_223] : memref<48x128xi32, #tpu.memory_space<vmem>> -> memref<1x128xi32, #tpu.memory_space<vmem>>
        %dma_wait3A_225 = tpu.memref_squeeze %dma_wait3A_224 : memref<1x128xi32, #tpu.memory_space<vmem>> -> memref<128xi32, #tpu.memory_space<vmem>>
        %dma_wait3A_226 = arith.constant 0 : i32
        %dma_wait3A_227 = arith.constant 0 : i32
        %dma_wait3A_228 = tpu.memref_slice %arg11[%dma_wait3A_226, %dma_wait3A_227] : memref<10000x128xf32, #tpu.memory_space<vmem_shared>> -> memref<10000x128xf32, #tpu.memory_space<vmem_shared>>
        tpu.wait_indirect_dma semaphore(%run_scoped3A : memref<!tpu.dma_semaphore, #tpu.memory_space<semaphore_mem>>) src(%arg10 : memref<128x128xf32, #tpu.memory_space<vmem>>) dst(%dma_wait3A_228 : memref<10000x128xf32, #tpu.memory_space<vmem_shared>>)
        tpu.yield
      }) : () -> ()
    }
    %while3A_82 = arith.constant 1 : i32
    scf.for %while3A_177 = %while3A_80 to %while3A_76 step %while3A_82  : i32 {
      %mul3A_178 = arith.constant 2 : i32
      %mul3A_179 = arith.muli %while3A_177, %mul3A_178 : i32
      %dma_wait3A_180 = arith.constant 0 : i32
      %dma_wait3A_181 = arith.constant 0 : i32
      %dma_wait3A_182 = tpu.memref_slice %arg7[%dma_wait3A_180, %dma_wait3A_181] : memref<48x128xi32, #tpu.memory_space<vmem>> -> memref<1x128xi32, #tpu.memory_space<vmem>>
      %dma_wait3A_183 = tpu.memref_squeeze %dma_wait3A_182 : memref<1x128xi32, #tpu.memory_space<vmem>> -> memref<128xi32, #tpu.memory_space<vmem>>
      %dma_wait3A_184 = arith.constant 0 : i32
      %dma_wait3A_185 = arith.constant 0 : i32
      %dma_wait3A_186 = tpu.memref_slice %arg2[%dma_wait3A_184, %dma_wait3A_185] : memref<10000x128xf32, #tpu.memory_space<hbm>> -> memref<10000x128xf32, #tpu.memory_space<hbm>>
      tpu.wait_indirect_dma semaphore(%arg12 : memref<!tpu.dma_semaphore, #tpu.memory_space<semaphore_mem>>) src(%dma_wait3A_186 : memref<10000x128xf32, #tpu.memory_space<hbm>>) dst(%arg9 : memref<128x128xf32, #tpu.memory_space<vmem>>)
      %add3A_187 = arith.addi %sub3A_44, %mul3A_179 : i32
      %add3A_188 = arith.constant 1 : i32
      %add3A_189 = arith.addi %add3A_187, %add3A_188 : i32
      %dma_start3A_190 = arith.constant 0 : i32
      %dma_start3A_191 = tpu.memref_slice %arg7[%add3A_189, %dma_start3A_190] : memref<48x128xi32, #tpu.memory_space<vmem>> -> memref<1x128xi32, #tpu.memory_space<vmem>>
      %dma_start3A_192 = tpu.memref_squeeze %dma_start3A_191 : memref<1x128xi32, #tpu.memory_space<vmem>> -> memref<128xi32, #tpu.memory_space<vmem>>
      %dma_start3A_193 = arith.constant 0 : i32
      %dma_start3A_194 = arith.constant 0 : i32
      %dma_start3A_195 = tpu.memref_slice %arg2[%dma_start3A_193, %dma_start3A_194] : memref<10000x128xf32, #tpu.memory_space<hbm>> -> memref<10000x128xf32, #tpu.memory_space<hbm>>
      tpu.enqueue_indirect_dma source(%dma_start3A_195 : memref<10000x128xf32, #tpu.memory_space<hbm>>) target(%arg10 : memref<128x128xf32, #tpu.memory_space<vmem>>) offsets(%dma_start3A_192 : memref<128xi32, #tpu.memory_space<vmem>>) semaphore(%arg13 : memref<!tpu.dma_semaphore, #tpu.memory_space<semaphore_mem>>)
      %add3A_196 = arith.addi %sub3A_44, %mul3A_179 : i32
      "tpu.region"() ({
        %run_scoped3A = tpu.sem_alloc : memref<!tpu.dma_semaphore, #tpu.memory_space<semaphore_mem>>
        %dma_start3A_217 = arith.constant 0 : i32
        %dma_start3A_218 = tpu.memref_slice %arg8[%add3A_196, %dma_start3A_217] : memref<48x128xi32, #tpu.memory_space<vmem>> -> memref<1x128xi32, #tpu.memory_space<vmem>>
        %dma_start3A_219 = tpu.memref_squeeze %dma_start3A_218 : memref<1x128xi32, #tpu.memory_space<vmem>> -> memref<128xi32, #tpu.memory_space<vmem>>
        %dma_start3A_220 = arith.constant 0 : i32
        %dma_start3A_221 = arith.constant 0 : i32
        %dma_start3A_222 = tpu.memref_slice %arg11[%dma_start3A_220, %dma_start3A_221] : memref<10000x128xf32, #tpu.memory_space<vmem_shared>> -> memref<10000x128xf32, #tpu.memory_space<vmem_shared>>
        tpu.enqueue_indirect_dma source(%arg9 : memref<128x128xf32, #tpu.memory_space<vmem>>) target(%dma_start3A_222 : memref<10000x128xf32, #tpu.memory_space<vmem_shared>>) offsets(%dma_start3A_219 : memref<128xi32, #tpu.memory_space<vmem>>) semaphore(%run_scoped3A : memref<!tpu.dma_semaphore, #tpu.memory_space<semaphore_mem>>) {add = true}
        %dma_wait3A_223 = arith.constant 0 : i32
        %dma_wait3A_224 = tpu.memref_slice %arg8[%add3A_196, %dma_wait3A_223] : memref<48x128xi32, #tpu.memory_space<vmem>> -> memref<1x128xi32, #tpu.memory_space<vmem>>
        %dma_wait3A_225 = tpu.memref_squeeze %dma_wait3A_224 : memref<1x128xi32, #tpu.memory_space<vmem>> -> memref<128xi32, #tpu.memory_space<vmem>>
        %dma_wait3A_226 = arith.constant 0 : i32
        %dma_wait3A_227 = arith.constant 0 : i32
        %dma_wait3A_228 = tpu.memref_slice %arg11[%dma_wait3A_226, %dma_wait3A_227] : memref<10000x128xf32, #tpu.memory_space<vmem_shared>> -> memref<10000x128xf32, #tpu.memory_space<vmem_shared>>
        tpu.wait_indirect_dma semaphore(%run_scoped3A : memref<!tpu.dma_semaphore, #tpu.memory_space<semaphore_mem>>) src(%arg9 : memref<128x128xf32, #tpu.memory_space<vmem>>) dst(%dma_wait3A_228 : memref<10000x128xf32, #tpu.memory_space<vmem_shared>>)
        tpu.yield
      }) : () -> ()
      %dma_wait3A_197 = arith.constant 0 : i32
      %dma_wait3A_198 = arith.constant 0 : i32
      %dma_wait3A_199 = tpu.memref_slice %arg7[%dma_wait3A_197, %dma_wait3A_198] : memref<48x128xi32, #tpu.memory_space<vmem>> -> memref<1x128xi32, #tpu.memory_space<vmem>>
      %dma_wait3A_200 = tpu.memref_squeeze %dma_wait3A_199 : memref<1x128xi32, #tpu.memory_space<vmem>> -> memref<128xi32, #tpu.memory_space<vmem>>
      %dma_wait3A_201 = arith.constant 0 : i32
      %dma_wait3A_202 = arith.constant 0 : i32
      %dma_wait3A_203 = tpu.memref_slice %arg2[%dma_wait3A_201, %dma_wait3A_202] : memref<10000x128xf32, #tpu.memory_space<hbm>> -> memref<10000x128xf32, #tpu.memory_space<hbm>>
      tpu.wait_indirect_dma semaphore(%arg13 : memref<!tpu.dma_semaphore, #tpu.memory_space<semaphore_mem>>) src(%dma_wait3A_203 : memref<10000x128xf32, #tpu.memory_space<hbm>>) dst(%arg10 : memref<128x128xf32, #tpu.memory_space<vmem>>)
      %add3A_204 = arith.constant 2 : i32
      %add3A_205 = arith.addi %mul3A_179, %add3A_204 : i32
      %min3A_206 = arith.minsi %add3A_205, %sub3A_46 : i32
      %add3A_207 = arith.addi %sub3A_44, %min3A_206 : i32
      %dma_start3A_208 = arith.constant 0 : i32
      %dma_start3A_209 = tpu.memref_slice %arg7[%add3A_207, %dma_start3A_208] : memref<48x128xi32, #tpu.memory_space<vmem>> -> memref<1x128xi32, #tpu.memory_space<vmem>>
      %dma_start3A_210 = tpu.memref_squeeze %dma_start3A_209 : memref<1x128xi32, #tpu.memory_space<vmem>> -> memref<128xi32, #tpu.memory_space<vmem>>
      %dma_start3A_211 = arith.constant 0 : i32
      %dma_start3A_212 = arith.constant 0 : i32
      %dma_start3A_213 = tpu.memref_slice %arg2[%dma_start3A_211, %dma_start3A_212] : memref<10000x128xf32, #tpu.memory_space<hbm>> -> memref<10000x128xf32, #tpu.memory_space<hbm>>
      tpu.enqueue_indirect_dma source(%dma_start3A_213 : memref<10000x128xf32, #tpu.memory_space<hbm>>) target(%arg9 : memref<128x128xf32, #tpu.memory_space<vmem>>) offsets(%dma_start3A_210 : memref<128xi32, #tpu.memory_space<vmem>>) semaphore(%arg12 : memref<!tpu.dma_semaphore, #tpu.memory_space<semaphore_mem>>)
      %add3A_214 = arith.addi %sub3A_44, %mul3A_179 : i32
      %add3A_215 = arith.constant 1 : i32
      %add3A_216 = arith.addi %add3A_214, %add3A_215 : i32
      "tpu.region"() ({
        %run_scoped3A = tpu.sem_alloc : memref<!tpu.dma_semaphore, #tpu.memory_space<semaphore_mem>>
        %dma_start3A_217 = arith.constant 0 : i32
        %dma_start3A_218 = tpu.memref_slice %arg8[%add3A_216, %dma_start3A_217] : memref<48x128xi32, #tpu.memory_space<vmem>> -> memref<1x128xi32, #tpu.memory_space<vmem>>
        %dma_start3A_219 = tpu.memref_squeeze %dma_start3A_218 : memref<1x128xi32, #tpu.memory_space<vmem>> -> memref<128xi32, #tpu.memory_space<vmem>>
        %dma_start3A_220 = arith.constant 0 : i32
        %dma_start3A_221 = arith.constant 0 : i32
        %dma_start3A_222 = tpu.memref_slice %arg11[%dma_start3A_220, %dma_start3A_221] : memref<10000x128xf32, #tpu.memory_space<vmem_shared>> -> memref<10000x128xf32, #tpu.memory_space<vmem_shared>>
        tpu.enqueue_indirect_dma source(%arg10 : memref<128x128xf32, #tpu.memory_space<vmem>>) target(%dma_start3A_222 : memref<10000x128xf32, #tpu.memory_space<vmem_shared>>) offsets(%dma_start3A_219 : memref<128xi32, #tpu.memory_space<vmem>>) semaphore(%run_scoped3A : memref<!tpu.dma_semaphore, #tpu.memory_space<semaphore_mem>>) {add = true}
        %dma_wait3A_223 = arith.constant 0 : i32
        %dma_wait3A_224 = tpu.memref_slice %arg8[%add3A_216, %dma_wait3A_223] : memref<48x128xi32, #tpu.memory_space<vmem>> -> memref<1x128xi32, #tpu.memory_space<vmem>>
        %dma_wait3A_225 = tpu.memref_squeeze %dma_wait3A_224 : memref<1x128xi32, #tpu.memory_space<vmem>> -> memref<128xi32, #tpu.memory_space<vmem>>
        %dma_wait3A_226 = arith.constant 0 : i32
        %dma_wait3A_227 = arith.constant 0 : i32
        %dma_wait3A_228 = tpu.memref_slice %arg11[%dma_wait3A_226, %dma_wait3A_227] : memref<10000x128xf32, #tpu.memory_space<vmem_shared>> -> memref<10000x128xf32, #tpu.memory_space<vmem_shared>>
        tpu.wait_indirect_dma semaphore(%run_scoped3A : memref<!tpu.dma_semaphore, #tpu.memory_space<semaphore_mem>>) src(%arg10 : memref<128x128xf32, #tpu.memory_space<vmem>>) dst(%dma_wait3A_228 : memref<10000x128xf32, #tpu.memory_space<vmem_shared>>)
        tpu.yield
      }) : () -> ()
    }
    %dma_wait3A = arith.constant 0 : i32
    %dma_wait3A_83 = arith.constant 0 : i32
    %dma_wait3A_84 = tpu.memref_slice %arg7[%dma_wait3A, %dma_wait3A_83] : memref<48x128xi32, #tpu.memory_space<vmem>> -> memref<1x128xi32, #tpu.memory_space<vmem>>
    %dma_wait3A_85 = tpu.memref_squeeze %dma_wait3A_84 : memref<1x128xi32, #tpu.memory_space<vmem>> -> memref<128xi32, #tpu.memory_space<vmem>>
    %dma_wait3A_86 = arith.constant 0 : i32
    %dma_wait3A_87 = arith.constant 0 : i32
    %dma_wait3A_88 = tpu.memref_slice %arg2[%dma_wait3A_86, %dma_wait3A_87] : memref<10000x128xf32, #tpu.memory_space<hbm>> -> memref<10000x128xf32, #tpu.memory_space<hbm>>
    tpu.wait_indirect_dma semaphore(%arg12 : memref<!tpu.dma_semaphore, #tpu.memory_space<semaphore_mem>>) src(%dma_wait3A_88 : memref<10000x128xf32, #tpu.memory_space<hbm>>) dst(%arg9 : memref<128x128xf32, #tpu.memory_space<vmem>>)
    %add3A_89 = arith.constant 40 : i32
    %add3A_90 = arith.addi %select_n3A_12, %add3A_89 : i32
    %sub3A_91 = arith.constant 40 : i32
    %sub3A_92 = arith.subi %select_n3A, %sub3A_91 : i32
    %jit3A_93 = arith.constant false
    %jit3A_94 = arith.constant 40 : i32
    %select_n3A_95 = arith.select %jit3A_93, %jit3A_94, %sub3A_92 : i32
    %min3A_96 = arith.constant 2456 : i32
    %min3A_97 = arith.minsi %add3A_90, %min3A_96 : i32
    %jit3A_98 = arith.constant 8 : i32
    %eq3A_99 = arith.constant 0 : i32
    %eq3A_100 = arith.cmpi eq, %jit3A_98, %eq3A_99 : i32
    %jit3A_101 = arith.constant 1 : i32
    %select_n3A_102 = arith.select %eq3A_100, %jit3A_101, %jit3A_98 : i32
    %rem3A_103 = arith.remsi %min3A_97, %select_n3A_102 : i32
    %ne3A_104 = arith.constant 0 : i32
    %ne3A_105 = arith.cmpi ne, %rem3A_103, %ne3A_104 : i32
    %lt3A_106 = arith.constant 0 : i32
    %lt3A_107 = arith.cmpi slt, %rem3A_103, %lt3A_106 : i32
    %lt3A_108 = arith.constant 0 : i32
    %lt3A_109 = arith.cmpi slt, %select_n3A_102, %lt3A_108 : i32
    %ne3A_110 = arith.xori %lt3A_107, %lt3A_109 : i1
    %and3A_111 = arith.andi %ne3A_110, %ne3A_105 : i1
    %add3A_112 = arith.addi %rem3A_103, %select_n3A_102 : i32
    %select_n3A_113 = arith.select %and3A_111, %add3A_112, %rem3A_103 : i32
    %sub3A_114 = arith.subi %min3A_97, %select_n3A_113 : i32
    %multiple_of3A_115 = tpu.assume_multiple %sub3A_114, 8 : i32
    %sub3A_116 = arith.subi %add3A_90, %multiple_of3A_115 : i32
    %sub3A_117 = arith.constant 1 : i32
    %sub3A_118 = arith.subi %select_n3A_95, %sub3A_117 : i32
    "tpu.region"() ({
      %run_scoped3A = tpu.sem_alloc : memref<!tpu.dma_semaphore, #tpu.memory_space<semaphore_mem>>
      %dma_start3A_177 = arith.constant 0 : i32
      %dma_start3A_178 = tpu.memref_slice %arg3[%multiple_of3A_115, %dma_start3A_177] : memref<2504x128xi32, #tpu.memory_space<hbm>> -> memref<48x128xi32, #tpu.memory_space<hbm>>
      %dma_start3A_179 = arith.constant 0 : i32
      %dma_start3A_180 = tpu.memref_slice %arg3[%multiple_of3A_115, %dma_start3A_179] : memref<2504x128xi32, #tpu.memory_space<hbm>> -> memref<48x128xi32, #tpu.memory_space<hbm>>
      tpu.enqueue_dma source(%dma_start3A_180 : memref<48x128xi32, #tpu.memory_space<hbm>>) target(%arg7 : memref<48x128xi32, #tpu.memory_space<vmem>>) target_semaphore(%run_scoped3A : memref<!tpu.dma_semaphore, #tpu.memory_space<semaphore_mem>>)
      %dma_wait3A_181 = arith.constant 0 : i32
      %dma_wait3A_182 = tpu.memref_slice %arg3[%multiple_of3A_115, %dma_wait3A_181] : memref<2504x128xi32, #tpu.memory_space<hbm>> -> memref<48x128xi32, #tpu.memory_space<hbm>>
      %dma_wait3A_183 = arith.constant 0 : i32
      %dma_wait3A_184 = tpu.memref_slice %arg3[%multiple_of3A_115, %dma_wait3A_183] : memref<2504x128xi32, #tpu.memory_space<hbm>> -> memref<48x128xi32, #tpu.memory_space<hbm>>
      tpu.wait_dma2 semaphore(%run_scoped3A : memref<!tpu.dma_semaphore, #tpu.memory_space<semaphore_mem>>) src(%dma_wait3A_184 : memref<48x128xi32, #tpu.memory_space<hbm>>) dst(%arg7 : memref<48x128xi32, #tpu.memory_space<vmem>>)
      tpu.yield
    }) : () -> ()
    "tpu.region"() ({
      %run_scoped3A = tpu.sem_alloc : memref<!tpu.dma_semaphore, #tpu.memory_space<semaphore_mem>>
      %dma_start3A_177 = arith.constant 0 : i32
      %dma_start3A_178 = tpu.memref_slice %arg4[%multiple_of3A_115, %dma_start3A_177] : memref<2504x128xi32, #tpu.memory_space<hbm>> -> memref<48x128xi32, #tpu.memory_space<hbm>>
      %dma_start3A_179 = arith.constant 0 : i32
      %dma_start3A_180 = tpu.memref_slice %arg4[%multiple_of3A_115, %dma_start3A_179] : memref<2504x128xi32, #tpu.memory_space<hbm>> -> memref<48x128xi32, #tpu.memory_space<hbm>>
      tpu.enqueue_dma source(%dma_start3A_180 : memref<48x128xi32, #tpu.memory_space<hbm>>) target(%arg8 : memref<48x128xi32, #tpu.memory_space<vmem>>) target_semaphore(%run_scoped3A : memref<!tpu.dma_semaphore, #tpu.memory_space<semaphore_mem>>)
      %dma_wait3A_181 = arith.constant 0 : i32
      %dma_wait3A_182 = tpu.memref_slice %arg4[%multiple_of3A_115, %dma_wait3A_181] : memref<2504x128xi32, #tpu.memory_space<hbm>> -> memref<48x128xi32, #tpu.memory_space<hbm>>
      %dma_wait3A_183 = arith.constant 0 : i32
      %dma_wait3A_184 = tpu.memref_slice %arg4[%multiple_of3A_115, %dma_wait3A_183] : memref<2504x128xi32, #tpu.memory_space<hbm>> -> memref<48x128xi32, #tpu.memory_space<hbm>>
      tpu.wait_dma2 semaphore(%run_scoped3A : memref<!tpu.dma_semaphore, #tpu.memory_space<semaphore_mem>>) src(%dma_wait3A_184 : memref<48x128xi32, #tpu.memory_space<hbm>>) dst(%arg8 : memref<48x128xi32, #tpu.memory_space<vmem>>)
      tpu.yield
    }) : () -> ()
    %dma_start3A_119 = arith.constant 0 : i32
    %dma_start3A_120 = tpu.memref_slice %arg7[%sub3A_116, %dma_start3A_119] : memref<48x128xi32, #tpu.memory_space<vmem>> -> memref<1x128xi32, #tpu.memory_space<vmem>>
    %dma_start3A_121 = tpu.memref_squeeze %dma_start3A_120 : memref<1x128xi32, #tpu.memory_space<vmem>> -> memref<128xi32, #tpu.memory_space<vmem>>
    %dma_start3A_122 = arith.constant 0 : i32
    %dma_start3A_123 = arith.constant 0 : i32
    %dma_start3A_124 = tpu.memref_slice %arg2[%dma_start3A_122, %dma_start3A_123] : memref<10000x128xf32, #tpu.memory_space<hbm>> -> memref<10000x128xf32, #tpu.memory_space<hbm>>
    tpu.enqueue_indirect_dma source(%dma_start3A_124 : memref<10000x128xf32, #tpu.memory_space<hbm>>) target(%arg9 : memref<128x128xf32, #tpu.memory_space<vmem>>) offsets(%dma_start3A_121 : memref<128xi32, #tpu.memory_space<vmem>>) semaphore(%arg12 : memref<!tpu.dma_semaphore, #tpu.memory_space<semaphore_mem>>)
    %jit3A_125 = arith.constant 2 : i32
    %div3A_126 = arith.divsi %select_n3A_95, %jit3A_125 : i32
    %sign3A_127 = arith.constant 0 : i32
    %sign3A_128 = arith.cmpi sgt, %select_n3A_95, %sign3A_127 : i32
    %sign3A_129 = arith.extui %sign3A_128 : i1 to i32
    %sign3A_130 = arith.constant 0 : i32
    %sign3A_131 = arith.cmpi slt, %select_n3A_95, %sign3A_130 : i32
    %sign3A_132 = arith.extui %sign3A_131 : i1 to i32
    %sign3A_133 = arith.subi %sign3A_129, %sign3A_132 : i32
    %sign3A_134 = arith.constant 0 : i32
    %sign3A_135 = arith.cmpi sgt, %jit3A_125, %sign3A_134 : i32
    %sign3A_136 = arith.extui %sign3A_135 : i1 to i32
    %sign3A_137 = arith.constant 0 : i32
    %sign3A_138 = arith.cmpi slt, %jit3A_125, %sign3A_137 : i32
    %sign3A_139 = arith.extui %sign3A_138 : i1 to i32
    %sign3A_140 = arith.subi %sign3A_136, %sign3A_139 : i32
    %ne3A_141 = arith.cmpi ne, %sign3A_133, %sign3A_140 : i32
    %rem3A_142 = arith.remsi %select_n3A_95, %jit3A_125 : i32
    %ne3A_143 = arith.constant 0 : i32
    %ne3A_144 = arith.cmpi ne, %rem3A_142, %ne3A_143 : i32
    %and3A_145 = arith.andi %ne3A_141, %ne3A_144 : i1
    %sub3A_146 = arith.constant 1 : i32
    %sub3A_147 = arith.subi %div3A_126, %sub3A_146 : i32
    %select_n3A_148 = arith.select %and3A_145, %sub3A_147, %div3A_126 : i32
    %while3A_149 = arith.constant 0 : i32
    %while3A_150 = arith.constant 0 : i32
    %while3A_151 = arith.subi %select_n3A_148, %while3A_150 : i32
    %while3A_152 = arith.addi %while3A_150, %while3A_151 : i32
    %while3A_153 = arith.constant 1 : i32
    %while3A_154 = arith.divsi %while3A_151, %while3A_153 : i32
    %while3A_155 = arith.muli %while3A_154, %while3A_153 : i32
    %while3A_156 = arith.addi %while3A_150, %while3A_155 : i32
    %while3A_157 = arith.constant 1 : i32
    scf.for %while3A_177 = %while3A_150 to %while3A_156 step %while3A_157  : i32 {
      %mul3A_178 = arith.constant 2 : i32
      %mul3A_179 = arith.muli %while3A_177, %mul3A_178 : i32
      %dma_wait3A_180 = arith.constant 0 : i32
      %dma_wait3A_181 = arith.constant 0 : i32
      %dma_wait3A_182 = tpu.memref_slice %arg7[%dma_wait3A_180, %dma_wait3A_181] : memref<48x128xi32, #tpu.memory_space<vmem>> -> memref<1x128xi32, #tpu.memory_space<vmem>>
      %dma_wait3A_183 = tpu.memref_squeeze %dma_wait3A_182 : memref<1x128xi32, #tpu.memory_space<vmem>> -> memref<128xi32, #tpu.memory_space<vmem>>
      %dma_wait3A_184 = arith.constant 0 : i32
      %dma_wait3A_185 = arith.constant 0 : i32
      %dma_wait3A_186 = tpu.memref_slice %arg2[%dma_wait3A_184, %dma_wait3A_185] : memref<10000x128xf32, #tpu.memory_space<hbm>> -> memref<10000x128xf32, #tpu.memory_space<hbm>>
      tpu.wait_indirect_dma semaphore(%arg12 : memref<!tpu.dma_semaphore, #tpu.memory_space<semaphore_mem>>) src(%dma_wait3A_186 : memref<10000x128xf32, #tpu.memory_space<hbm>>) dst(%arg9 : memref<128x128xf32, #tpu.memory_space<vmem>>)
      %add3A_187 = arith.addi %sub3A_116, %mul3A_179 : i32
      %add3A_188 = arith.constant 1 : i32
      %add3A_189 = arith.addi %add3A_187, %add3A_188 : i32
      %dma_start3A_190 = arith.constant 0 : i32
      %dma_start3A_191 = tpu.memref_slice %arg7[%add3A_189, %dma_start3A_190] : memref<48x128xi32, #tpu.memory_space<vmem>> -> memref<1x128xi32, #tpu.memory_space<vmem>>
      %dma_start3A_192 = tpu.memref_squeeze %dma_start3A_191 : memref<1x128xi32, #tpu.memory_space<vmem>> -> memref<128xi32, #tpu.memory_space<vmem>>
      %dma_start3A_193 = arith.constant 0 : i32
      %dma_start3A_194 = arith.constant 0 : i32
      %dma_start3A_195 = tpu.memref_slice %arg2[%dma_start3A_193, %dma_start3A_194] : memref<10000x128xf32, #tpu.memory_space<hbm>> -> memref<10000x128xf32, #tpu.memory_space<hbm>>
      tpu.enqueue_indirect_dma source(%dma_start3A_195 : memref<10000x128xf32, #tpu.memory_space<hbm>>) target(%arg10 : memref<128x128xf32, #tpu.memory_space<vmem>>) offsets(%dma_start3A_192 : memref<128xi32, #tpu.memory_space<vmem>>) semaphore(%arg13 : memref<!tpu.dma_semaphore, #tpu.memory_space<semaphore_mem>>)
      %add3A_196 = arith.addi %sub3A_116, %mul3A_179 : i32
      "tpu.region"() ({
        %run_scoped3A = tpu.sem_alloc : memref<!tpu.dma_semaphore, #tpu.memory_space<semaphore_mem>>
        %dma_start3A_217 = arith.constant 0 : i32
        %dma_start3A_218 = tpu.memref_slice %arg8[%add3A_196, %dma_start3A_217] : memref<48x128xi32, #tpu.memory_space<vmem>> -> memref<1x128xi32, #tpu.memory_space<vmem>>
        %dma_start3A_219 = tpu.memref_squeeze %dma_start3A_218 : memref<1x128xi32, #tpu.memory_space<vmem>> -> memref<128xi32, #tpu.memory_space<vmem>>
        %dma_start3A_220 = arith.constant 0 : i32
        %dma_start3A_221 = arith.constant 0 : i32
        %dma_start3A_222 = tpu.memref_slice %arg11[%dma_start3A_220, %dma_start3A_221] : memref<10000x128xf32, #tpu.memory_space<vmem_shared>> -> memref<10000x128xf32, #tpu.memory_space<vmem_shared>>
        tpu.enqueue_indirect_dma source(%arg9 : memref<128x128xf32, #tpu.memory_space<vmem>>) target(%dma_start3A_222 : memref<10000x128xf32, #tpu.memory_space<vmem_shared>>) offsets(%dma_start3A_219 : memref<128xi32, #tpu.memory_space<vmem>>) semaphore(%run_scoped3A : memref<!tpu.dma_semaphore, #tpu.memory_space<semaphore_mem>>) {add = true}
        %dma_wait3A_223 = arith.constant 0 : i32
        %dma_wait3A_224 = tpu.memref_slice %arg8[%add3A_196, %dma_wait3A_223] : memref<48x128xi32, #tpu.memory_space<vmem>> -> memref<1x128xi32, #tpu.memory_space<vmem>>
        %dma_wait3A_225 = tpu.memref_squeeze %dma_wait3A_224 : memref<1x128xi32, #tpu.memory_space<vmem>> -> memref<128xi32, #tpu.memory_space<vmem>>
        %dma_wait3A_226 = arith.constant 0 : i32
        %dma_wait3A_227 = arith.constant 0 : i32
        %dma_wait3A_228 = tpu.memref_slice %arg11[%dma_wait3A_226, %dma_wait3A_227] : memref<10000x128xf32, #tpu.memory_space<vmem_shared>> -> memref<10000x128xf32, #tpu.memory_space<vmem_shared>>
        tpu.wait_indirect_dma semaphore(%run_scoped3A : memref<!tpu.dma_semaphore, #tpu.memory_space<semaphore_mem>>) src(%arg9 : memref<128x128xf32, #tpu.memory_space<vmem>>) dst(%dma_wait3A_228 : memref<10000x128xf32, #tpu.memory_space<vmem_shared>>)
        tpu.yield
      }) : () -> ()
      %dma_wait3A_197 = arith.constant 0 : i32
      %dma_wait3A_198 = arith.constant 0 : i32
      %dma_wait3A_199 = tpu.memref_slice %arg7[%dma_wait3A_197, %dma_wait3A_198] : memref<48x128xi32, #tpu.memory_space<vmem>> -> memref<1x128xi32, #tpu.memory_space<vmem>>
      %dma_wait3A_200 = tpu.memref_squeeze %dma_wait3A_199 : memref<1x128xi32, #tpu.memory_space<vmem>> -> memref<128xi32, #tpu.memory_space<vmem>>
      %dma_wait3A_201 = arith.constant 0 : i32
      %dma_wait3A_202 = arith.constant 0 : i32
      %dma_wait3A_203 = tpu.memref_slice %arg2[%dma_wait3A_201, %dma_wait3A_202] : memref<10000x128xf32, #tpu.memory_space<hbm>> -> memref<10000x128xf32, #tpu.memory_space<hbm>>
      tpu.wait_indirect_dma semaphore(%arg13 : memref<!tpu.dma_semaphore, #tpu.memory_space<semaphore_mem>>) src(%dma_wait3A_203 : memref<10000x128xf32, #tpu.memory_space<hbm>>) dst(%arg10 : memref<128x128xf32, #tpu.memory_space<vmem>>)
      %add3A_204 = arith.constant 2 : i32
      %add3A_205 = arith.addi %mul3A_179, %add3A_204 : i32
      %min3A_206 = arith.minsi %add3A_205, %sub3A_118 : i32
      %add3A_207 = arith.addi %sub3A_116, %min3A_206 : i32
      %dma_start3A_208 = arith.constant 0 : i32
      %dma_start3A_209 = tpu.memref_slice %arg7[%add3A_207, %dma_start3A_208] : memref<48x128xi32, #tpu.memory_space<vmem>> -> memref<1x128xi32, #tpu.memory_space<vmem>>
      %dma_start3A_210 = tpu.memref_squeeze %dma_start3A_209 : memref<1x128xi32, #tpu.memory_space<vmem>> -> memref<128xi32, #tpu.memory_space<vmem>>
      %dma_start3A_211 = arith.constant 0 : i32
      %dma_start3A_212 = arith.constant 0 : i32
      %dma_start3A_213 = tpu.memref_slice %arg2[%dma_start3A_211, %dma_start3A_212] : memref<10000x128xf32, #tpu.memory_space<hbm>> -> memref<10000x128xf32, #tpu.memory_space<hbm>>
      tpu.enqueue_indirect_dma source(%dma_start3A_213 : memref<10000x128xf32, #tpu.memory_space<hbm>>) target(%arg9 : memref<128x128xf32, #tpu.memory_space<vmem>>) offsets(%dma_start3A_210 : memref<128xi32, #tpu.memory_space<vmem>>) semaphore(%arg12 : memref<!tpu.dma_semaphore, #tpu.memory_space<semaphore_mem>>)
      %add3A_214 = arith.addi %sub3A_116, %mul3A_179 : i32
      %add3A_215 = arith.constant 1 : i32
      %add3A_216 = arith.addi %add3A_214, %add3A_215 : i32
      "tpu.region"() ({
        %run_scoped3A = tpu.sem_alloc : memref<!tpu.dma_semaphore, #tpu.memory_space<semaphore_mem>>
        %dma_start3A_217 = arith.constant 0 : i32
        %dma_start3A_218 = tpu.memref_slice %arg8[%add3A_216, %dma_start3A_217] : memref<48x128xi32, #tpu.memory_space<vmem>> -> memref<1x128xi32, #tpu.memory_space<vmem>>
        %dma_start3A_219 = tpu.memref_squeeze %dma_start3A_218 : memref<1x128xi32, #tpu.memory_space<vmem>> -> memref<128xi32, #tpu.memory_space<vmem>>
        %dma_start3A_220 = arith.constant 0 : i32
        %dma_start3A_221 = arith.constant 0 : i32
        %dma_start3A_222 = tpu.memref_slice %arg11[%dma_start3A_220, %dma_start3A_221] : memref<10000x128xf32, #tpu.memory_space<vmem_shared>> -> memref<10000x128xf32, #tpu.memory_space<vmem_shared>>
        tpu.enqueue_indirect_dma source(%arg10 : memref<128x128xf32, #tpu.memory_space<vmem>>) target(%dma_start3A_222 : memref<10000x128xf32, #tpu.memory_space<vmem_shared>>) offsets(%dma_start3A_219 : memref<128xi32, #tpu.memory_space<vmem>>) semaphore(%run_scoped3A : memref<!tpu.dma_semaphore, #tpu.memory_space<semaphore_mem>>) {add = true}
        %dma_wait3A_223 = arith.constant 0 : i32
        %dma_wait3A_224 = tpu.memref_slice %arg8[%add3A_216, %dma_wait3A_223] : memref<48x128xi32, #tpu.memory_space<vmem>> -> memref<1x128xi32, #tpu.memory_space<vmem>>
        %dma_wait3A_225 = tpu.memref_squeeze %dma_wait3A_224 : memref<1x128xi32, #tpu.memory_space<vmem>> -> memref<128xi32, #tpu.memory_space<vmem>>
        %dma_wait3A_226 = arith.constant 0 : i32
        %dma_wait3A_227 = arith.constant 0 : i32
        %dma_wait3A_228 = tpu.memref_slice %arg11[%dma_wait3A_226, %dma_wait3A_227] : memref<10000x128xf32, #tpu.memory_space<vmem_shared>> -> memref<10000x128xf32, #tpu.memory_space<vmem_shared>>
        tpu.wait_indirect_dma semaphore(%run_scoped3A : memref<!tpu.dma_semaphore, #tpu.memory_space<semaphore_mem>>) src(%arg10 : memref<128x128xf32, #tpu.memory_space<vmem>>) dst(%dma_wait3A_228 : memref<10000x128xf32, #tpu.memory_space<vmem_shared>>)
        tpu.yield
      }) : () -> ()
    }
    %while3A_158 = arith.constant 1 : i32
    scf.for %while3A_177 = %while3A_156 to %while3A_152 step %while3A_158  : i32 {
      %mul3A_178 = arith.constant 2 : i32
      %mul3A_179 = arith.muli %while3A_177, %mul3A_178 : i32
      %dma_wait3A_180 = arith.constant 0 : i32
      %dma_wait3A_181 = arith.constant 0 : i32
      %dma_wait3A_182 = tpu.memref_slice %arg7[%dma_wait3A_180, %dma_wait3A_181] : memref<48x128xi32, #tpu.memory_space<vmem>> -> memref<1x128xi32, #tpu.memory_space<vmem>>
      %dma_wait3A_183 = tpu.memref_squeeze %dma_wait3A_182 : memref<1x128xi32, #tpu.memory_space<vmem>> -> memref<128xi32, #tpu.memory_space<vmem>>
      %dma_wait3A_184 = arith.constant 0 : i32
      %dma_wait3A_185 = arith.constant 0 : i32
      %dma_wait3A_186 = tpu.memref_slice %arg2[%dma_wait3A_184, %dma_wait3A_185] : memref<10000x128xf32, #tpu.memory_space<hbm>> -> memref<10000x128xf32, #tpu.memory_space<hbm>>
      tpu.wait_indirect_dma semaphore(%arg12 : memref<!tpu.dma_semaphore, #tpu.memory_space<semaphore_mem>>) src(%dma_wait3A_186 : memref<10000x128xf32, #tpu.memory_space<hbm>>) dst(%arg9 : memref<128x128xf32, #tpu.memory_space<vmem>>)
      %add3A_187 = arith.addi %sub3A_116, %mul3A_179 : i32
      %add3A_188 = arith.constant 1 : i32
      %add3A_189 = arith.addi %add3A_187, %add3A_188 : i32
      %dma_start3A_190 = arith.constant 0 : i32
      %dma_start3A_191 = tpu.memref_slice %arg7[%add3A_189, %dma_start3A_190] : memref<48x128xi32, #tpu.memory_space<vmem>> -> memref<1x128xi32, #tpu.memory_space<vmem>>
      %dma_start3A_192 = tpu.memref_squeeze %dma_start3A_191 : memref<1x128xi32, #tpu.memory_space<vmem>> -> memref<128xi32, #tpu.memory_space<vmem>>
      %dma_start3A_193 = arith.constant 0 : i32
      %dma_start3A_194 = arith.constant 0 : i32
      %dma_start3A_195 = tpu.memref_slice %arg2[%dma_start3A_193, %dma_start3A_194] : memref<10000x128xf32, #tpu.memory_space<hbm>> -> memref<10000x128xf32, #tpu.memory_space<hbm>>
      tpu.enqueue_indirect_dma source(%dma_start3A_195 : memref<10000x128xf32, #tpu.memory_space<hbm>>) target(%arg10 : memref<128x128xf32, #tpu.memory_space<vmem>>) offsets(%dma_start3A_192 : memref<128xi32, #tpu.memory_space<vmem>>) semaphore(%arg13 : memref<!tpu.dma_semaphore, #tpu.memory_space<semaphore_mem>>)
      %add3A_196 = arith.addi %sub3A_116, %mul3A_179 : i32
      "tpu.region"() ({
        %run_scoped3A = tpu.sem_alloc : memref<!tpu.dma_semaphore, #tpu.memory_space<semaphore_mem>>
        %dma_start3A_217 = arith.constant 0 : i32
        %dma_start3A_218 = tpu.memref_slice %arg8[%add3A_196, %dma_start3A_217] : memref<48x128xi32, #tpu.memory_space<vmem>> -> memref<1x128xi32, #tpu.memory_space<vmem>>
        %dma_start3A_219 = tpu.memref_squeeze %dma_start3A_218 : memref<1x128xi32, #tpu.memory_space<vmem>> -> memref<128xi32, #tpu.memory_space<vmem>>
        %dma_start3A_220 = arith.constant 0 : i32
        %dma_start3A_221 = arith.constant 0 : i32
        %dma_start3A_222 = tpu.memref_slice %arg11[%dma_start3A_220, %dma_start3A_221] : memref<10000x128xf32, #tpu.memory_space<vmem_shared>> -> memref<10000x128xf32, #tpu.memory_space<vmem_shared>>
        tpu.enqueue_indirect_dma source(%arg9 : memref<128x128xf32, #tpu.memory_space<vmem>>) target(%dma_start3A_222 : memref<10000x128xf32, #tpu.memory_space<vmem_shared>>) offsets(%dma_start3A_219 : memref<128xi32, #tpu.memory_space<vmem>>) semaphore(%run_scoped3A : memref<!tpu.dma_semaphore, #tpu.memory_space<semaphore_mem>>) {add = true}
        %dma_wait3A_223 = arith.constant 0 : i32
        %dma_wait3A_224 = tpu.memref_slice %arg8[%add3A_196, %dma_wait3A_223] : memref<48x128xi32, #tpu.memory_space<vmem>> -> memref<1x128xi32, #tpu.memory_space<vmem>>
        %dma_wait3A_225 = tpu.memref_squeeze %dma_wait3A_224 : memref<1x128xi32, #tpu.memory_space<vmem>> -> memref<128xi32, #tpu.memory_space<vmem>>
        %dma_wait3A_226 = arith.constant 0 : i32
        %dma_wait3A_227 = arith.constant 0 : i32
        %dma_wait3A_228 = tpu.memref_slice %arg11[%dma_wait3A_226, %dma_wait3A_227] : memref<10000x128xf32, #tpu.memory_space<vmem_shared>> -> memref<10000x128xf32, #tpu.memory_space<vmem_shared>>
        tpu.wait_indirect_dma semaphore(%run_scoped3A : memref<!tpu.dma_semaphore, #tpu.memory_space<semaphore_mem>>) src(%arg9 : memref<128x128xf32, #tpu.memory_space<vmem>>) dst(%dma_wait3A_228 : memref<10000x128xf32, #tpu.memory_space<vmem_shared>>)
        tpu.yield
      }) : () -> ()
      %dma_wait3A_197 = arith.constant 0 : i32
      %dma_wait3A_198 = arith.constant 0 : i32
      %dma_wait3A_199 = tpu.memref_slice %arg7[%dma_wait3A_197, %dma_wait3A_198] : memref<48x128xi32, #tpu.memory_space<vmem>> -> memref<1x128xi32, #tpu.memory_space<vmem>>
      %dma_wait3A_200 = tpu.memref_squeeze %dma_wait3A_199 : memref<1x128xi32, #tpu.memory_space<vmem>> -> memref<128xi32, #tpu.memory_space<vmem>>
      %dma_wait3A_201 = arith.constant 0 : i32
      %dma_wait3A_202 = arith.constant 0 : i32
      %dma_wait3A_203 = tpu.memref_slice %arg2[%dma_wait3A_201, %dma_wait3A_202] : memref<10000x128xf32, #tpu.memory_space<hbm>> -> memref<10000x128xf32, #tpu.memory_space<hbm>>
      tpu.wait_indirect_dma semaphore(%arg13 : memref<!tpu.dma_semaphore, #tpu.memory_space<semaphore_mem>>) src(%dma_wait3A_203 : memref<10000x128xf32, #tpu.memory_space<hbm>>) dst(%arg10 : memref<128x128xf32, #tpu.memory_space<vmem>>)
      %add3A_204 = arith.constant 2 : i32
      %add3A_205 = arith.addi %mul3A_179, %add3A_204 : i32
      %min3A_206 = arith.minsi %add3A_205, %sub3A_118 : i32
      %add3A_207 = arith.addi %sub3A_116, %min3A_206 : i32
      %dma_start3A_208 = arith.constant 0 : i32
      %dma_start3A_209 = tpu.memref_slice %arg7[%add3A_207, %dma_start3A_208] : memref<48x128xi32, #tpu.memory_space<vmem>> -> memref<1x128xi32, #tpu.memory_space<vmem>>
      %dma_start3A_210 = tpu.memref_squeeze %dma_start3A_209 : memref<1x128xi32, #tpu.memory_space<vmem>> -> memref<128xi32, #tpu.memory_space<vmem>>
      %dma_start3A_211 = arith.constant 0 : i32
      %dma_start3A_212 = arith.constant 0 : i32
      %dma_start3A_213 = tpu.memref_slice %arg2[%dma_start3A_211, %dma_start3A_212] : memref<10000x128xf32, #tpu.memory_space<hbm>> -> memref<10000x128xf32, #tpu.memory_space<hbm>>
      tpu.enqueue_indirect_dma source(%dma_start3A_213 : memref<10000x128xf32, #tpu.memory_space<hbm>>) target(%arg9 : memref<128x128xf32, #tpu.memory_space<vmem>>) offsets(%dma_start3A_210 : memref<128xi32, #tpu.memory_space<vmem>>) semaphore(%arg12 : memref<!tpu.dma_semaphore, #tpu.memory_space<semaphore_mem>>)
      %add3A_214 = arith.addi %sub3A_116, %mul3A_179 : i32
      %add3A_215 = arith.constant 1 : i32
      %add3A_216 = arith.addi %add3A_214, %add3A_215 : i32
      "tpu.region"() ({
        %run_scoped3A = tpu.sem_alloc : memref<!tpu.dma_semaphore, #tpu.memory_space<semaphore_mem>>
        %dma_start3A_217 = arith.constant 0 : i32
        %dma_start3A_218 = tpu.memref_slice %arg8[%add3A_216, %dma_start3A_217] : memref<48x128xi32, #tpu.memory_space<vmem>> -> memref<1x128xi32, #tpu.memory_space<vmem>>
        %dma_start3A_219 = tpu.memref_squeeze %dma_start3A_218 : memref<1x128xi32, #tpu.memory_space<vmem>> -> memref<128xi32, #tpu.memory_space<vmem>>
        %dma_start3A_220 = arith.constant 0 : i32
        %dma_start3A_221 = arith.constant 0 : i32
        %dma_start3A_222 = tpu.memref_slice %arg11[%dma_start3A_220, %dma_start3A_221] : memref<10000x128xf32, #tpu.memory_space<vmem_shared>> -> memref<10000x128xf32, #tpu.memory_space<vmem_shared>>
        tpu.enqueue_indirect_dma source(%arg10 : memref<128x128xf32, #tpu.memory_space<vmem>>) target(%dma_start3A_222 : memref<10000x128xf32, #tpu.memory_space<vmem_shared>>) offsets(%dma_start3A_219 : memref<128xi32, #tpu.memory_space<vmem>>) semaphore(%run_scoped3A : memref<!tpu.dma_semaphore, #tpu.memory_space<semaphore_mem>>) {add = true}
        %dma_wait3A_223 = arith.constant 0 : i32
        %dma_wait3A_224 = tpu.memref_slice %arg8[%add3A_216, %dma_wait3A_223] : memref<48x128xi32, #tpu.memory_space<vmem>> -> memref<1x128xi32, #tpu.memory_space<vmem>>
        %dma_wait3A_225 = tpu.memref_squeeze %dma_wait3A_224 : memref<1x128xi32, #tpu.memory_space<vmem>> -> memref<128xi32, #tpu.memory_space<vmem>>
        %dma_wait3A_226 = arith.constant 0 : i32
        %dma_wait3A_227 = arith.constant 0 : i32
        %dma_wait3A_228 = tpu.memref_slice %arg11[%dma_wait3A_226, %dma_wait3A_227] : memref<10000x128xf32, #tpu.memory_space<vmem_shared>> -> memref<10000x128xf32, #tpu.memory_space<vmem_shared>>
        tpu.wait_indirect_dma semaphore(%run_scoped3A : memref<!tpu.dma_semaphore, #tpu.memory_space<semaphore_mem>>) src(%arg10 : memref<128x128xf32, #tpu.memory_space<vmem>>) dst(%dma_wait3A_228 : memref<10000x128xf32, #tpu.memory_space<vmem_shared>>)
        tpu.yield
      }) : () -> ()
    }
    %dma_wait3A_159 = arith.constant 0 : i32
    %dma_wait3A_160 = arith.constant 0 : i32
    %dma_wait3A_161 = tpu.memref_slice %arg7[%dma_wait3A_159, %dma_wait3A_160] : memref<48x128xi32, #tpu.memory_space<vmem>> -> memref<1x128xi32, #tpu.memory_space<vmem>>
    %dma_wait3A_162 = tpu.memref_squeeze %dma_wait3A_161 : memref<1x128xi32, #tpu.memory_space<vmem>> -> memref<128xi32, #tpu.memory_space<vmem>>
    %dma_wait3A_163 = arith.constant 0 : i32
    %dma_wait3A_164 = arith.constant 0 : i32
    %dma_wait3A_165 = tpu.memref_slice %arg2[%dma_wait3A_163, %dma_wait3A_164] : memref<10000x128xf32, #tpu.memory_space<hbm>> -> memref<10000x128xf32, #tpu.memory_space<hbm>>
    tpu.wait_indirect_dma semaphore(%arg12 : memref<!tpu.dma_semaphore, #tpu.memory_space<semaphore_mem>>) src(%dma_wait3A_165 : memref<10000x128xf32, #tpu.memory_space<hbm>>) dst(%arg9 : memref<128x128xf32, #tpu.memory_space<vmem>>)
    %barrier3A_166 = arith.constant 0 : index
    tpu.barrier barrier_id(%barrier3A_166)
    %lt3A_167 = arith.constant 15 : i32
    %lt3A_168 = arith.cmpi slt, %arg1, %lt3A_167 : i32
    %convert_element_type3A_169 = arith.extui %lt3A_168 : i1 to i32
    %cond3A_170 = arith.constant 0 : i32
    %cond3A_171 = arith.cmpi ne, %convert_element_type3A_169, %cond3A_170 : i32
    scf.if %cond3A_171 {
      "tpu.region"() ({
        %run_scoped3A = tpu.sem_alloc : memref<!tpu.dma_semaphore, #tpu.memory_space<semaphore_mem>>
        %dma_start3A_177 = arith.constant 0 : i32
        %dma_start3A_178 = tpu.memref_slice %arg6[%arg0, %mul3A_14, %dma_start3A_177] : memref<2x10000x128xf32, #tpu.memory_space<hbm>> -> memref<1x632x128xf32, #tpu.memory_space<hbm>>
        %dma_start3A_179 = tpu.memref_squeeze %dma_start3A_178 : memref<1x632x128xf32, #tpu.memory_space<hbm>> -> memref<632x128xf32, #tpu.memory_space<hbm>>
        %dma_start3A_180 = arith.constant 0 : i32
        %dma_start3A_181 = tpu.memref_slice %arg11[%mul3A_14, %dma_start3A_180] : memref<10000x128xf32, #tpu.memory_space<vmem_shared>> -> memref<632x128xf32, #tpu.memory_space<vmem_shared>>
        tpu.enqueue_dma source(%dma_start3A_181 : memref<632x128xf32, #tpu.memory_space<vmem_shared>>) target(%dma_start3A_179 : memref<632x128xf32, #tpu.memory_space<hbm>>) target_semaphore(%run_scoped3A : memref<!tpu.dma_semaphore, #tpu.memory_space<semaphore_mem>>)
        %dma_wait3A_182 = arith.constant 0 : i32
        %dma_wait3A_183 = tpu.memref_slice %arg6[%arg0, %mul3A_14, %dma_wait3A_182] : memref<2x10000x128xf32, #tpu.memory_space<hbm>> -> memref<1x632x128xf32, #tpu.memory_space<hbm>>
        %dma_wait3A_184 = tpu.memref_squeeze %dma_wait3A_183 : memref<1x632x128xf32, #tpu.memory_space<hbm>> -> memref<632x128xf32, #tpu.memory_space<hbm>>
        %dma_wait3A_185 = arith.constant 0 : i32
        %dma_wait3A_186 = tpu.memref_slice %arg11[%mul3A_14, %dma_wait3A_185] : memref<10000x128xf32, #tpu.memory_space<vmem_shared>> -> memref<632x128xf32, #tpu.memory_space<vmem_shared>>
        tpu.wait_dma2 semaphore(%run_scoped3A : memref<!tpu.dma_semaphore, #tpu.memory_space<semaphore_mem>>) src(%dma_wait3A_186 : memref<632x128xf32, #tpu.memory_space<vmem_shared>>) dst(%dma_wait3A_184 : memref<632x128xf32, #tpu.memory_space<hbm>>)
        tpu.yield
      }) : () -> ()
    } else {
    }
    %eq3A_172 = arith.constant 15 : i32
    %eq3A_173 = arith.cmpi eq, %arg1, %eq3A_172 : i32
    %convert_element_type3A_174 = arith.extui %eq3A_173 : i1 to i32
    %cond3A_175 = arith.constant 0 : i32
    %cond3A_176 = arith.cmpi ne, %convert_element_type3A_174, %cond3A_175 : i32
    scf.if %cond3A_176 {
      "tpu.region"() ({
        %run_scoped3A = tpu.sem_alloc : memref<!tpu.dma_semaphore, #tpu.memory_space<semaphore_mem>>
        %dma_start3A_177 = arith.constant 9480 : i32
        %dma_start3A_178 = arith.constant 0 : i32
        %dma_start3A_179 = tpu.memref_slice %arg6[%arg0, %dma_start3A_177, %dma_start3A_178] : memref<2x10000x128xf32, #tpu.memory_space<hbm>> -> memref<1x520x128xf32, #tpu.memory_space<hbm>>
        %dma_start3A_180 = tpu.memref_squeeze %dma_start3A_179 : memref<1x520x128xf32, #tpu.memory_space<hbm>> -> memref<520x128xf32, #tpu.memory_space<hbm>>
        %dma_start3A_181 = arith.constant 9480 : i32
        %dma_start3A_182 = arith.constant 0 : i32
        %dma_start3A_183 = tpu.memref_slice %arg11[%dma_start3A_181, %dma_start3A_182] : memref<10000x128xf32, #tpu.memory_space<vmem_shared>> -> memref<520x128xf32, #tpu.memory_space<vmem_shared>>
        tpu.enqueue_dma source(%dma_start3A_183 : memref<520x128xf32, #tpu.memory_space<vmem_shared>>) target(%dma_start3A_180 : memref<520x128xf32, #tpu.memory_space<hbm>>) target_semaphore(%run_scoped3A : memref<!tpu.dma_semaphore, #tpu.memory_space<semaphore_mem>>)
        %dma_wait3A_184 = arith.constant 9480 : i32
        %dma_wait3A_185 = arith.constant 0 : i32
        %dma_wait3A_186 = tpu.memref_slice %arg6[%arg0, %dma_wait3A_184, %dma_wait3A_185] : memref<2x10000x128xf32, #tpu.memory_space<hbm>> -> memref<1x520x128xf32, #tpu.memory_space<hbm>>
        %dma_wait3A_187 = tpu.memref_squeeze %dma_wait3A_186 : memref<1x520x128xf32, #tpu.memory_space<hbm>> -> memref<520x128xf32, #tpu.memory_space<hbm>>
        %dma_wait3A_188 = arith.constant 9480 : i32
        %dma_wait3A_189 = arith.constant 0 : i32
        %dma_wait3A_190 = tpu.memref_slice %arg11[%dma_wait3A_188, %dma_wait3A_189] : memref<10000x128xf32, #tpu.memory_space<vmem_shared>> -> memref<520x128xf32, #tpu.memory_space<vmem_shared>>
        tpu.wait_dma2 semaphore(%run_scoped3A : memref<!tpu.dma_semaphore, #tpu.memory_space<semaphore_mem>>) src(%dma_wait3A_190 : memref<520x128xf32, #tpu.memory_space<vmem_shared>>) dst(%dma_wait3A_187 : memref<520x128xf32, #tpu.memory_space<hbm>>)
        tpu.yield
      }) : () -> ()
    } else {
    }
    return
  }
}

#map = affine_map<(d0, d1) -> (0, 0)>
#map1 = affine_map<(d0, d1) -> (0, 0, 0)>
module attributes {stable_mosaic.version = 14 : i64} {
  func.func @k(%arg0: i32, %arg1: i32, %arg2: memref<10000x128xf32, #tpu.memory_space<hbm>>, %arg3: memref<2504x128xi32, #tpu.memory_space<hbm>>, %arg4: memref<2504x128xi32, #tpu.memory_space<hbm>>, %arg5: memref<10000x128xf32, #tpu.memory_space<hbm>>, %arg6: memref<2x10000x128xf32, #tpu.memory_space<hbm>>, %arg7: memref<48x128xi32, #tpu.memory_space<vmem>>, %arg8: memref<48x128xi32, #tpu.memory_space<vmem>>, %arg9: memref<128x128xf32, #tpu.memory_space<vmem>>, %arg10: memref<128x128xf32, #tpu.memory_space<vmem>>, %arg11: memref<10000x128xf32, #tpu.memory_space<vmem_shared>>, %arg12: memref<!tpu.dma_semaphore, #tpu.memory_space<semaphore_mem>>, %arg13: memref<!tpu.dma_semaphore, #tpu.memory_space<semaphore_mem>>) attributes {dimension_semantics = [#tpu.dimension_semantics<core_parallel>, #tpu.dimension_semantics<subcore_parallel>], iteration_bounds = array<i64: 2, 16>, scalar_prefetch = 0 : i64, scratch_operands = 7 : i64, tpu.core_type = #tpu.core_type<sc_vector_subcore>, window_params = [{transform_indices = #map}, {transform_indices = #map}, {transform_indices = #map}, {transform_indices = #map}, {transform_indices = #map1}]} {
    %mul3A = arith.constant 16 : i32
    %mul3A_0 = arith.muli %arg0, %mul3A : i32
    %add3A = arith.addi %mul3A_0, %arg1 : i32
    %lt3A = arith.constant 2 : i32
    %lt3A_1 = arith.cmpi slt, %add3A, %lt3A : i32
    %jit3A = arith.constant 80 : i32
    %jit3A_2 = arith.constant 78 : i32
    %select_n3A = arith.select %lt3A_1, %jit3A, %jit3A_2 : i32
    %lt3A_3 = arith.constant 2 : i32
    %lt3A_4 = arith.cmpi slt, %add3A, %lt3A_3 : i32
    %mul3A_5 = arith.constant 80 : i32
    %mul3A_6 = arith.muli %mul3A_5, %add3A : i32
    %sub3A = arith.constant 2 : i32
    %sub3A_7 = arith.subi %add3A, %sub3A : i32
    %mul3A_8 = arith.constant 78 : i32
    %mul3A_9 = arith.muli %mul3A_8, %sub3A_7 : i32
    %add3A_10 = arith.constant 160 : i32
    %add3A_11 = arith.addi %add3A_10, %mul3A_9 : i32
    %select_n3A_12 = arith.select %lt3A_4, %mul3A_6, %add3A_11 : i32
    %mul3A_13 = arith.constant 632 : i32
    %mul3A_14 = arith.muli %arg1, %mul3A_13 : i32
    %lt3A_15 = arith.constant 15 : i32
    %lt3A_16 = arith.cmpi slt, %arg1, %lt3A_15 : i32
    %convert_element_type3A = arith.extui %lt3A_16 : i1 to i32
    %cond3A = arith.constant 0 : i32
    %cond3A_17 = arith.cmpi ne, %convert_element_type3A, %cond3A : i32
    scf.if %cond3A_17 {
      "tpu.region"() ({
        %run_scoped3A = tpu.sem_alloc : memref<!tpu.dma_semaphore, #tpu.memory_space<semaphore_mem>>
        %dma_start3A_177 = arith.constant 0 : i32
        %dma_start3A_178 = tpu.memref_slice %arg11[%mul3A_14, %dma_start3A_177] : memref<10000x128xf32, #tpu.memory_space<vmem_shared>> -> memref<632x128xf32, #tpu.memory_space<vmem_shared>>
        %dma_start3A_179 = arith.constant 0 : i32
        %dma_start3A_180 = tpu.memref_slice %arg5[%mul3A_14, %dma_start3A_179] : memref<10000x128xf32, #tpu.memory_space<hbm>> -> memref<632x128xf32, #tpu.memory_space<hbm>>
        tpu.enqueue_dma source(%dma_start3A_180 : memref<632x128xf32, #tpu.memory_space<hbm>>) target(%dma_start3A_178 : memref<632x128xf32, #tpu.memory_space<vmem_shared>>) target_semaphore(%run_scoped3A : memref<!tpu.dma_semaphore, #tpu.memory_space<semaphore_mem>>)
        %dma_wait3A_181 = arith.constant 0 : i32
        %dma_wait3A_182 = tpu.memref_slice %arg11[%mul3A_14, %dma_wait3A_181] : memref<10000x128xf32, #tpu.memory_space<vmem_shared>> -> memref<632x128xf32, #tpu.memory_space<vmem_shared>>
        %dma_wait3A_183 = arith.constant 0 : i32
        %dma_wait3A_184 = tpu.memref_slice %arg5[%mul3A_14, %dma_wait3A_183] : memref<10000x128xf32, #tpu.memory_space<hbm>> -> memref<632x128xf32, #tpu.memory_space<hbm>>
        tpu.wait_dma2 semaphore(%run_scoped3A : memref<!tpu.dma_semaphore, #tpu.memory_space<semaphore_mem>>) src(%dma_wait3A_184 : memref<632x128xf32, #tpu.memory_space<hbm>>) dst(%dma_wait3A_182 : memref<632x128xf32, #tpu.memory_space<vmem_shared>>)
        tpu.yield
      }) : () -> ()
    } else {
    }
    %eq3A = arith.constant 15 : i32
    %eq3A_18 = arith.cmpi eq, %arg1, %eq3A : i32
    %convert_element_type3A_19 = arith.extui %eq3A_18 : i1 to i32
    %cond3A_20 = arith.constant 0 : i32
    %cond3A_21 = arith.cmpi ne, %convert_element_type3A_19, %cond3A_20 : i32
    scf.if %cond3A_21 {
      "tpu.region"() ({
        %run_scoped3A = tpu.sem_alloc : memref<!tpu.dma_semaphore, #tpu.memory_space<semaphore_mem>>
        %dma_start3A_177 = arith.constant 9480 : i32
        %dma_start3A_178 = arith.constant 0 : i32
        %dma_start3A_179 = tpu.memref_slice %arg11[%dma_start3A_177, %dma_start3A_178] : memref<10000x128xf32, #tpu.memory_space<vmem_shared>> -> memref<520x128xf32, #tpu.memory_space<vmem_shared>>
        %dma_start3A_180 = arith.constant 9480 : i32
        %dma_start3A_181 = arith.constant 0 : i32
        %dma_start3A_182 = tpu.memref_slice %arg5[%dma_start3A_180, %dma_start3A_181] : memref<10000x128xf32, #tpu.memory_space<hbm>> -> memref<520x128xf32, #tpu.memory_space<hbm>>
        tpu.enqueue_dma source(%dma_start3A_182 : memref<520x128xf32, #tpu.memory_space<hbm>>) target(%dma_start3A_179 : memref<520x128xf32, #tpu.memory_space<vmem_shared>>) target_semaphore(%run_scoped3A : memref<!tpu.dma_semaphore, #tpu.memory_space<semaphore_mem>>)
        %dma_wait3A_183 = arith.constant 9480 : i32
        %dma_wait3A_184 = arith.constant 0 : i32
        %dma_wait3A_185 = tpu.memref_slice %arg11[%dma_wait3A_183, %dma_wait3A_184] : memref<10000x128xf32, #tpu.memory_space<vmem_shared>> -> memref<520x128xf32, #tpu.memory_space<vmem_shared>>
        %dma_wait3A_186 = arith.constant 9480 : i32
        %dma_wait3A_187 = arith.constant 0 : i32
        %dma_wait3A_188 = tpu.memref_slice %arg5[%dma_wait3A_186, %dma_wait3A_187] : memref<10000x128xf32, #tpu.memory_space<hbm>> -> memref<520x128xf32, #tpu.memory_space<hbm>>
        tpu.wait_dma2 semaphore(%run_scoped3A : memref<!tpu.dma_semaphore, #tpu.memory_space<semaphore_mem>>) src(%dma_wait3A_188 : memref<520x128xf32, #tpu.memory_space<hbm>>) dst(%dma_wait3A_185 : memref<520x128xf32, #tpu.memory_space<vmem_shared>>)
        tpu.yield
      }) : () -> ()
    } else {
    }
    %barrier3A = arith.constant 0 : index
    tpu.barrier barrier_id(%barrier3A)
    %add3A_22 = arith.constant 0 : i32
    %add3A_23 = arith.addi %select_n3A_12, %add3A_22 : i32
    %sub3A_24 = arith.constant 40 : i32
    %sub3A_25 = arith.subi %select_n3A, %sub3A_24 : i32
    %jit3A_26 = arith.constant true
    %jit3A_27 = arith.constant 40 : i32
    %select_n3A_28 = arith.select %jit3A_26, %jit3A_27, %sub3A_25 : i32
    %min3A = arith.constant 2456 : i32
    %min3A_29 = arith.minsi %add3A_23, %min3A : i32
    %jit3A_30 = arith.constant 8 : i32
    %eq3A_31 = arith.constant 0 : i32
    %eq3A_32 = arith.cmpi eq, %jit3A_30, %eq3A_31 : i32
    %jit3A_33 = arith.constant 1 : i32
    %select_n3A_34 = arith.select %eq3A_32, %jit3A_33, %jit3A_30 : i32
    %rem3A = arith.remsi %min3A_29, %select_n3A_34 : i32
    %ne3A = arith.constant 0 : i32
    %ne3A_35 = arith.cmpi ne, %rem3A, %ne3A : i32
    %lt3A_36 = arith.constant 0 : i32
    %lt3A_37 = arith.cmpi slt, %rem3A, %lt3A_36 : i32
    %lt3A_38 = arith.constant 0 : i32
    %lt3A_39 = arith.cmpi slt, %select_n3A_34, %lt3A_38 : i32
    %ne3A_40 = arith.xori %lt3A_37, %lt3A_39 : i1
    %and3A = arith.andi %ne3A_40, %ne3A_35 : i1
    %add3A_41 = arith.addi %rem3A, %select_n3A_34 : i32
    %select_n3A_42 = arith.select %and3A, %add3A_41, %rem3A : i32
    %sub3A_43 = arith.subi %min3A_29, %select_n3A_42 : i32
    %multiple_of3A = tpu.assume_multiple %sub3A_43, 8 : i32
    %sub3A_44 = arith.subi %add3A_23, %multiple_of3A : i32
    %sub3A_45 = arith.constant 1 : i32
    %sub3A_46 = arith.subi %select_n3A_28, %sub3A_45 : i32
    "tpu.region"() ({
      %run_scoped3A = tpu.sem_alloc : memref<!tpu.dma_semaphore, #tpu.memory_space<semaphore_mem>>
      %dma_start3A_177 = arith.constant 0 : i32
      %dma_start3A_178 = tpu.memref_slice %arg3[%multiple_of3A, %dma_start3A_177] : memref<2504x128xi32, #tpu.memory_space<hbm>> -> memref<48x128xi32, #tpu.memory_space<hbm>>
      %dma_start3A_179 = arith.constant 0 : i32
      %dma_start3A_180 = tpu.memref_slice %arg3[%multiple_of3A, %dma_start3A_179] : memref<2504x128xi32, #tpu.memory_space<hbm>> -> memref<48x128xi32, #tpu.memory_space<hbm>>
      tpu.enqueue_dma source(%dma_start3A_180 : memref<48x128xi32, #tpu.memory_space<hbm>>) target(%arg7 : memref<48x128xi32, #tpu.memory_space<vmem>>) target_semaphore(%run_scoped3A : memref<!tpu.dma_semaphore, #tpu.memory_space<semaphore_mem>>)
      %dma_wait3A_181 = arith.constant 0 : i32
      %dma_wait3A_182 = tpu.memref_slice %arg3[%multiple_of3A, %dma_wait3A_181] : memref<2504x128xi32, #tpu.memory_space<hbm>> -> memref<48x128xi32, #tpu.memory_space<hbm>>
      %dma_wait3A_183 = arith.constant 0 : i32
      %dma_wait3A_184 = tpu.memref_slice %arg3[%multiple_of3A, %dma_wait3A_183] : memref<2504x128xi32, #tpu.memory_space<hbm>> -> memref<48x128xi32, #tpu.memory_space<hbm>>
      tpu.wait_dma2 semaphore(%run_scoped3A : memref<!tpu.dma_semaphore, #tpu.memory_space<semaphore_mem>>) src(%dma_wait3A_184 : memref<48x128xi32, #tpu.memory_space<hbm>>) dst(%arg7 : memref<48x128xi32, #tpu.memory_space<vmem>>)
      tpu.yield
    }) : () -> ()
    "tpu.region"() ({
      %run_scoped3A = tpu.sem_alloc : memref<!tpu.dma_semaphore, #tpu.memory_space<semaphore_mem>>
      %dma_start3A_177 = arith.constant 0 : i32
      %dma_start3A_178 = tpu.memref_slice %arg4[%multiple_of3A, %dma_start3A_177] : memref<2504x128xi32, #tpu.memory_space<hbm>> -> memref<48x128xi32, #tpu.memory_space<hbm>>
      %dma_start3A_179 = arith.constant 0 : i32
      %dma_start3A_180 = tpu.memref_slice %arg4[%multiple_of3A, %dma_start3A_179] : memref<2504x128xi32, #tpu.memory_space<hbm>> -> memref<48x128xi32, #tpu.memory_space<hbm>>
      tpu.enqueue_dma source(%dma_start3A_180 : memref<48x128xi32, #tpu.memory_space<hbm>>) target(%arg8 : memref<48x128xi32, #tpu.memory_space<vmem>>) target_semaphore(%run_scoped3A : memref<!tpu.dma_semaphore, #tpu.memory_space<semaphore_mem>>)
      %dma_wait3A_181 = arith.constant 0 : i32
      %dma_wait3A_182 = tpu.memref_slice %arg4[%multiple_of3A, %dma_wait3A_181] : memref<2504x128xi32, #tpu.memory_space<hbm>> -> memref<48x128xi32, #tpu.memory_space<hbm>>
      %dma_wait3A_183 = arith.constant 0 : i32
      %dma_wait3A_184 = tpu.memref_slice %arg4[%multiple_of3A, %dma_wait3A_183] : memref<2504x128xi32, #tpu.memory_space<hbm>> -> memref<48x128xi32, #tpu.memory_space<hbm>>
      tpu.wait_dma2 semaphore(%run_scoped3A : memref<!tpu.dma_semaphore, #tpu.memory_space<semaphore_mem>>) src(%dma_wait3A_184 : memref<48x128xi32, #tpu.memory_space<hbm>>) dst(%arg8 : memref<48x128xi32, #tpu.memory_space<vmem>>)
      tpu.yield
    }) : () -> ()
    %dma_start3A = arith.constant 0 : i32
    %dma_start3A_47 = tpu.memref_slice %arg7[%sub3A_44, %dma_start3A] : memref<48x128xi32, #tpu.memory_space<vmem>> -> memref<1x128xi32, #tpu.memory_space<vmem>>
    %dma_start3A_48 = tpu.memref_squeeze %dma_start3A_47 : memref<1x128xi32, #tpu.memory_space<vmem>> -> memref<128xi32, #tpu.memory_space<vmem>>
    %dma_start3A_49 = arith.constant 0 : i32
    %dma_start3A_50 = arith.constant 0 : i32
    %dma_start3A_51 = tpu.memref_slice %arg2[%dma_start3A_49, %dma_start3A_50] : memref<10000x128xf32, #tpu.memory_space<hbm>> -> memref<10000x128xf32, #tpu.memory_space<hbm>>
    tpu.enqueue_indirect_dma source(%dma_start3A_51 : memref<10000x128xf32, #tpu.memory_space<hbm>>) target(%arg9 : memref<128x128xf32, #tpu.memory_space<vmem>>) offsets(%dma_start3A_48 : memref<128xi32, #tpu.memory_space<vmem>>) semaphore(%arg12 : memref<!tpu.dma_semaphore, #tpu.memory_space<semaphore_mem>>)
    %jit3A_52 = arith.constant 2 : i32
    %div3A = arith.divsi %select_n3A_28, %jit3A_52 : i32
    %sign3A = arith.constant 0 : i32
    %sign3A_53 = arith.cmpi sgt, %select_n3A_28, %sign3A : i32
    %sign3A_54 = arith.extui %sign3A_53 : i1 to i32
    %sign3A_55 = arith.constant 0 : i32
    %sign3A_56 = arith.cmpi slt, %select_n3A_28, %sign3A_55 : i32
    %sign3A_57 = arith.extui %sign3A_56 : i1 to i32
    %sign3A_58 = arith.subi %sign3A_54, %sign3A_57 : i32
    %sign3A_59 = arith.constant 0 : i32
    %sign3A_60 = arith.cmpi sgt, %jit3A_52, %sign3A_59 : i32
    %sign3A_61 = arith.extui %sign3A_60 : i1 to i32
    %sign3A_62 = arith.constant 0 : i32
    %sign3A_63 = arith.cmpi slt, %jit3A_52, %sign3A_62 : i32
    %sign3A_64 = arith.extui %sign3A_63 : i1 to i32
    %sign3A_65 = arith.subi %sign3A_61, %sign3A_64 : i32
    %ne3A_66 = arith.cmpi ne, %sign3A_58, %sign3A_65 : i32
    %rem3A_67 = arith.remsi %select_n3A_28, %jit3A_52 : i32
    %ne3A_68 = arith.constant 0 : i32
    %ne3A_69 = arith.cmpi ne, %rem3A_67, %ne3A_68 : i32
    %and3A_70 = arith.andi %ne3A_66, %ne3A_69 : i1
    %sub3A_71 = arith.constant 1 : i32
    %sub3A_72 = arith.subi %div3A, %sub3A_71 : i32
    %select_n3A_73 = arith.select %and3A_70, %sub3A_72, %div3A : i32
    %while3A = arith.constant 0 : i32
    %while3A_74 = arith.constant 0 : i32
    %while3A_75 = arith.subi %select_n3A_73, %while3A_74 : i32
    %while3A_76 = arith.addi %while3A_74, %while3A_75 : i32
    %while3A_77 = arith.constant 1 : i32
    %while3A_78 = arith.divsi %while3A_75, %while3A_77 : i32
    %while3A_79 = arith.muli %while3A_78, %while3A_77 : i32
    %while3A_80 = arith.addi %while3A_74, %while3A_79 : i32
    %while3A_81 = arith.constant 1 : i32
    scf.for %while3A_177 = %while3A_74 to %while3A_80 step %while3A_81  : i32 {
      %mul3A_178 = arith.constant 2 : i32
      %mul3A_179 = arith.muli %while3A_177, %mul3A_178 : i32
      %dma_wait3A_180 = arith.constant 0 : i32
      %dma_wait3A_181 = arith.constant 0 : i32
      %dma_wait3A_182 = tpu.memref_slice %arg7[%dma_wait3A_180, %dma_wait3A_181] : memref<48x128xi32, #tpu.memory_space<vmem>> -> memref<1x128xi32, #tpu.memory_space<vmem>>
      %dma_wait3A_183 = tpu.memref_squeeze %dma_wait3A_182 : memref<1x128xi32, #tpu.memory_space<vmem>> -> memref<128xi32, #tpu.memory_space<vmem>>
      %dma_wait3A_184 = arith.constant 0 : i32
      %dma_wait3A_185 = arith.constant 0 : i32
      %dma_wait3A_186 = tpu.memref_slice %arg2[%dma_wait3A_184, %dma_wait3A_185] : memref<10000x128xf32, #tpu.memory_space<hbm>> -> memref<10000x128xf32, #tpu.memory_space<hbm>>
      tpu.wait_indirect_dma semaphore(%arg12 : memref<!tpu.dma_semaphore, #tpu.memory_space<semaphore_mem>>) src(%dma_wait3A_186 : memref<10000x128xf32, #tpu.memory_space<hbm>>) dst(%arg9 : memref<128x128xf32, #tpu.memory_space<vmem>>)
      %add3A_187 = arith.addi %sub3A_44, %mul3A_179 : i32
      %add3A_188 = arith.constant 1 : i32
      %add3A_189 = arith.addi %add3A_187, %add3A_188 : i32
      %dma_start3A_190 = arith.constant 0 : i32
      %dma_start3A_191 = tpu.memref_slice %arg7[%add3A_189, %dma_start3A_190] : memref<48x128xi32, #tpu.memory_space<vmem>> -> memref<1x128xi32, #tpu.memory_space<vmem>>
      %dma_start3A_192 = tpu.memref_squeeze %dma_start3A_191 : memref<1x128xi32, #tpu.memory_space<vmem>> -> memref<128xi32, #tpu.memory_space<vmem>>
      %dma_start3A_193 = arith.constant 0 : i32
      %dma_start3A_194 = arith.constant 0 : i32
      %dma_start3A_195 = tpu.memref_slice %arg2[%dma_start3A_193, %dma_start3A_194] : memref<10000x128xf32, #tpu.memory_space<hbm>> -> memref<10000x128xf32, #tpu.memory_space<hbm>>
      tpu.enqueue_indirect_dma source(%dma_start3A_195 : memref<10000x128xf32, #tpu.memory_space<hbm>>) target(%arg10 : memref<128x128xf32, #tpu.memory_space<vmem>>) offsets(%dma_start3A_192 : memref<128xi32, #tpu.memory_space<vmem>>) semaphore(%arg13 : memref<!tpu.dma_semaphore, #tpu.memory_space<semaphore_mem>>)
      %add3A_196 = arith.addi %sub3A_44, %mul3A_179 : i32
      "tpu.region"() ({
        %run_scoped3A = tpu.sem_alloc : memref<!tpu.dma_semaphore, #tpu.memory_space<semaphore_mem>>
        %dma_start3A_217 = arith.constant 0 : i32
        %dma_start3A_218 = tpu.memref_slice %arg8[%add3A_196, %dma_start3A_217] : memref<48x128xi32, #tpu.memory_space<vmem>> -> memref<1x128xi32, #tpu.memory_space<vmem>>
        %dma_start3A_219 = tpu.memref_squeeze %dma_start3A_218 : memref<1x128xi32, #tpu.memory_space<vmem>> -> memref<128xi32, #tpu.memory_space<vmem>>
        %dma_start3A_220 = arith.constant 0 : i32
        %dma_start3A_221 = arith.constant 0 : i32
        %dma_start3A_222 = tpu.memref_slice %arg11[%dma_start3A_220, %dma_start3A_221] : memref<10000x128xf32, #tpu.memory_space<vmem_shared>> -> memref<10000x128xf32, #tpu.memory_space<vmem_shared>>
        tpu.enqueue_indirect_dma source(%arg9 : memref<128x128xf32, #tpu.memory_space<vmem>>) target(%dma_start3A_222 : memref<10000x128xf32, #tpu.memory_space<vmem_shared>>) offsets(%dma_start3A_219 : memref<128xi32, #tpu.memory_space<vmem>>) semaphore(%run_scoped3A : memref<!tpu.dma_semaphore, #tpu.memory_space<semaphore_mem>>) {add = true}
        %dma_wait3A_223 = arith.constant 0 : i32
        %dma_wait3A_224 = tpu.memref_slice %arg8[%add3A_196, %dma_wait3A_223] : memref<48x128xi32, #tpu.memory_space<vmem>> -> memref<1x128xi32, #tpu.memory_space<vmem>>
        %dma_wait3A_225 = tpu.memref_squeeze %dma_wait3A_224 : memref<1x128xi32, #tpu.memory_space<vmem>> -> memref<128xi32, #tpu.memory_space<vmem>>
        %dma_wait3A_226 = arith.constant 0 : i32
        %dma_wait3A_227 = arith.constant 0 : i32
        %dma_wait3A_228 = tpu.memref_slice %arg11[%dma_wait3A_226, %dma_wait3A_227] : memref<10000x128xf32, #tpu.memory_space<vmem_shared>> -> memref<10000x128xf32, #tpu.memory_space<vmem_shared>>
        tpu.wait_indirect_dma semaphore(%run_scoped3A : memref<!tpu.dma_semaphore, #tpu.memory_space<semaphore_mem>>) src(%arg9 : memref<128x128xf32, #tpu.memory_space<vmem>>) dst(%dma_wait3A_228 : memref<10000x128xf32, #tpu.memory_space<vmem_shared>>)
        tpu.yield
      }) : () -> ()
      %dma_wait3A_197 = arith.constant 0 : i32
      %dma_wait3A_198 = arith.constant 0 : i32
      %dma_wait3A_199 = tpu.memref_slice %arg7[%dma_wait3A_197, %dma_wait3A_198] : memref<48x128xi32, #tpu.memory_space<vmem>> -> memref<1x128xi32, #tpu.memory_space<vmem>>
      %dma_wait3A_200 = tpu.memref_squeeze %dma_wait3A_199 : memref<1x128xi32, #tpu.memory_space<vmem>> -> memref<128xi32, #tpu.memory_space<vmem>>
      %dma_wait3A_201 = arith.constant 0 : i32
      %dma_wait3A_202 = arith.constant 0 : i32
      %dma_wait3A_203 = tpu.memref_slice %arg2[%dma_wait3A_201, %dma_wait3A_202] : memref<10000x128xf32, #tpu.memory_space<hbm>> -> memref<10000x128xf32, #tpu.memory_space<hbm>>
      tpu.wait_indirect_dma semaphore(%arg13 : memref<!tpu.dma_semaphore, #tpu.memory_space<semaphore_mem>>) src(%dma_wait3A_203 : memref<10000x128xf32, #tpu.memory_space<hbm>>) dst(%arg10 : memref<128x128xf32, #tpu.memory_space<vmem>>)
      %add3A_204 = arith.constant 2 : i32
      %add3A_205 = arith.addi %mul3A_179, %add3A_204 : i32
      %min3A_206 = arith.minsi %add3A_205, %sub3A_46 : i32
      %add3A_207 = arith.addi %sub3A_44, %min3A_206 : i32
      %dma_start3A_208 = arith.constant 0 : i32
      %dma_start3A_209 = tpu.memref_slice %arg7[%add3A_207, %dma_start3A_208] : memref<48x128xi32, #tpu.memory_space<vmem>> -> memref<1x128xi32, #tpu.memory_space<vmem>>
      %dma_start3A_210 = tpu.memref_squeeze %dma_start3A_209 : memref<1x128xi32, #tpu.memory_space<vmem>> -> memref<128xi32, #tpu.memory_space<vmem>>
      %dma_start3A_211 = arith.constant 0 : i32
      %dma_start3A_212 = arith.constant 0 : i32
      %dma_start3A_213 = tpu.memref_slice %arg2[%dma_start3A_211, %dma_start3A_212] : memref<10000x128xf32, #tpu.memory_space<hbm>> -> memref<10000x128xf32, #tpu.memory_space<hbm>>
      tpu.enqueue_indirect_dma source(%dma_start3A_213 : memref<10000x128xf32, #tpu.memory_space<hbm>>) target(%arg9 : memref<128x128xf32, #tpu.memory_space<vmem>>) offsets(%dma_start3A_210 : memref<128xi32, #tpu.memory_space<vmem>>) semaphore(%arg12 : memref<!tpu.dma_semaphore, #tpu.memory_space<semaphore_mem>>)
      %add3A_214 = arith.addi %sub3A_44, %mul3A_179 : i32
      %add3A_215 = arith.constant 1 : i32
      %add3A_216 = arith.addi %add3A_214, %add3A_215 : i32
      "tpu.region"() ({
        %run_scoped3A = tpu.sem_alloc : memref<!tpu.dma_semaphore, #tpu.memory_space<semaphore_mem>>
        %dma_start3A_217 = arith.constant 0 : i32
        %dma_start3A_218 = tpu.memref_slice %arg8[%add3A_216, %dma_start3A_217] : memref<48x128xi32, #tpu.memory_space<vmem>> -> memref<1x128xi32, #tpu.memory_space<vmem>>
        %dma_start3A_219 = tpu.memref_squeeze %dma_start3A_218 : memref<1x128xi32, #tpu.memory_space<vmem>> -> memref<128xi32, #tpu.memory_space<vmem>>
        %dma_start3A_220 = arith.constant 0 : i32
        %dma_start3A_221 = arith.constant 0 : i32
        %dma_start3A_222 = tpu.memref_slice %arg11[%dma_start3A_220, %dma_start3A_221] : memref<10000x128xf32, #tpu.memory_space<vmem_shared>> -> memref<10000x128xf32, #tpu.memory_space<vmem_shared>>
        tpu.enqueue_indirect_dma source(%arg10 : memref<128x128xf32, #tpu.memory_space<vmem>>) target(%dma_start3A_222 : memref<10000x128xf32, #tpu.memory_space<vmem_shared>>) offsets(%dma_start3A_219 : memref<128xi32, #tpu.memory_space<vmem>>) semaphore(%run_scoped3A : memref<!tpu.dma_semaphore, #tpu.memory_space<semaphore_mem>>) {add = true}
        %dma_wait3A_223 = arith.constant 0 : i32
        %dma_wait3A_224 = tpu.memref_slice %arg8[%add3A_216, %dma_wait3A_223] : memref<48x128xi32, #tpu.memory_space<vmem>> -> memref<1x128xi32, #tpu.memory_space<vmem>>
        %dma_wait3A_225 = tpu.memref_squeeze %dma_wait3A_224 : memref<1x128xi32, #tpu.memory_space<vmem>> -> memref<128xi32, #tpu.memory_space<vmem>>
        %dma_wait3A_226 = arith.constant 0 : i32
        %dma_wait3A_227 = arith.constant 0 : i32
        %dma_wait3A_228 = tpu.memref_slice %arg11[%dma_wait3A_226, %dma_wait3A_227] : memref<10000x128xf32, #tpu.memory_space<vmem_shared>> -> memref<10000x128xf32, #tpu.memory_space<vmem_shared>>
        tpu.wait_indirect_dma semaphore(%run_scoped3A : memref<!tpu.dma_semaphore, #tpu.memory_space<semaphore_mem>>) src(%arg10 : memref<128x128xf32, #tpu.memory_space<vmem>>) dst(%dma_wait3A_228 : memref<10000x128xf32, #tpu.memory_space<vmem_shared>>)
        tpu.yield
      }) : () -> ()
    }
    %while3A_82 = arith.constant 1 : i32
    scf.for %while3A_177 = %while3A_80 to %while3A_76 step %while3A_82  : i32 {
      %mul3A_178 = arith.constant 2 : i32
      %mul3A_179 = arith.muli %while3A_177, %mul3A_178 : i32
      %dma_wait3A_180 = arith.constant 0 : i32
      %dma_wait3A_181 = arith.constant 0 : i32
      %dma_wait3A_182 = tpu.memref_slice %arg7[%dma_wait3A_180, %dma_wait3A_181] : memref<48x128xi32, #tpu.memory_space<vmem>> -> memref<1x128xi32, #tpu.memory_space<vmem>>
      %dma_wait3A_183 = tpu.memref_squeeze %dma_wait3A_182 : memref<1x128xi32, #tpu.memory_space<vmem>> -> memref<128xi32, #tpu.memory_space<vmem>>
      %dma_wait3A_184 = arith.constant 0 : i32
      %dma_wait3A_185 = arith.constant 0 : i32
      %dma_wait3A_186 = tpu.memref_slice %arg2[%dma_wait3A_184, %dma_wait3A_185] : memref<10000x128xf32, #tpu.memory_space<hbm>> -> memref<10000x128xf32, #tpu.memory_space<hbm>>
      tpu.wait_indirect_dma semaphore(%arg12 : memref<!tpu.dma_semaphore, #tpu.memory_space<semaphore_mem>>) src(%dma_wait3A_186 : memref<10000x128xf32, #tpu.memory_space<hbm>>) dst(%arg9 : memref<128x128xf32, #tpu.memory_space<vmem>>)
      %add3A_187 = arith.addi %sub3A_44, %mul3A_179 : i32
      %add3A_188 = arith.constant 1 : i32
      %add3A_189 = arith.addi %add3A_187, %add3A_188 : i32
      %dma_start3A_190 = arith.constant 0 : i32
      %dma_start3A_191 = tpu.memref_slice %arg7[%add3A_189, %dma_start3A_190] : memref<48x128xi32, #tpu.memory_space<vmem>> -> memref<1x128xi32, #tpu.memory_space<vmem>>
      %dma_start3A_192 = tpu.memref_squeeze %dma_start3A_191 : memref<1x128xi32, #tpu.memory_space<vmem>> -> memref<128xi32, #tpu.memory_space<vmem>>
      %dma_start3A_193 = arith.constant 0 : i32
      %dma_start3A_194 = arith.constant 0 : i32
      %dma_start3A_195 = tpu.memref_slice %arg2[%dma_start3A_193, %dma_start3A_194] : memref<10000x128xf32, #tpu.memory_space<hbm>> -> memref<10000x128xf32, #tpu.memory_space<hbm>>
      tpu.enqueue_indirect_dma source(%dma_start3A_195 : memref<10000x128xf32, #tpu.memory_space<hbm>>) target(%arg10 : memref<128x128xf32, #tpu.memory_space<vmem>>) offsets(%dma_start3A_192 : memref<128xi32, #tpu.memory_space<vmem>>) semaphore(%arg13 : memref<!tpu.dma_semaphore, #tpu.memory_space<semaphore_mem>>)
      %add3A_196 = arith.addi %sub3A_44, %mul3A_179 : i32
      "tpu.region"() ({
        %run_scoped3A = tpu.sem_alloc : memref<!tpu.dma_semaphore, #tpu.memory_space<semaphore_mem>>
        %dma_start3A_217 = arith.constant 0 : i32
        %dma_start3A_218 = tpu.memref_slice %arg8[%add3A_196, %dma_start3A_217] : memref<48x128xi32, #tpu.memory_space<vmem>> -> memref<1x128xi32, #tpu.memory_space<vmem>>
        %dma_start3A_219 = tpu.memref_squeeze %dma_start3A_218 : memref<1x128xi32, #tpu.memory_space<vmem>> -> memref<128xi32, #tpu.memory_space<vmem>>
        %dma_start3A_220 = arith.constant 0 : i32
        %dma_start3A_221 = arith.constant 0 : i32
        %dma_start3A_222 = tpu.memref_slice %arg11[%dma_start3A_220, %dma_start3A_221] : memref<10000x128xf32, #tpu.memory_space<vmem_shared>> -> memref<10000x128xf32, #tpu.memory_space<vmem_shared>>
        tpu.enqueue_indirect_dma source(%arg9 : memref<128x128xf32, #tpu.memory_space<vmem>>) target(%dma_start3A_222 : memref<10000x128xf32, #tpu.memory_space<vmem_shared>>) offsets(%dma_start3A_219 : memref<128xi32, #tpu.memory_space<vmem>>) semaphore(%run_scoped3A : memref<!tpu.dma_semaphore, #tpu.memory_space<semaphore_mem>>) {add = true}
        %dma_wait3A_223 = arith.constant 0 : i32
        %dma_wait3A_224 = tpu.memref_slice %arg8[%add3A_196, %dma_wait3A_223] : memref<48x128xi32, #tpu.memory_space<vmem>> -> memref<1x128xi32, #tpu.memory_space<vmem>>
        %dma_wait3A_225 = tpu.memref_squeeze %dma_wait3A_224 : memref<1x128xi32, #tpu.memory_space<vmem>> -> memref<128xi32, #tpu.memory_space<vmem>>
        %dma_wait3A_226 = arith.constant 0 : i32
        %dma_wait3A_227 = arith.constant 0 : i32
        %dma_wait3A_228 = tpu.memref_slice %arg11[%dma_wait3A_226, %dma_wait3A_227] : memref<10000x128xf32, #tpu.memory_space<vmem_shared>> -> memref<10000x128xf32, #tpu.memory_space<vmem_shared>>
        tpu.wait_indirect_dma semaphore(%run_scoped3A : memref<!tpu.dma_semaphore, #tpu.memory_space<semaphore_mem>>) src(%arg9 : memref<128x128xf32, #tpu.memory_space<vmem>>) dst(%dma_wait3A_228 : memref<10000x128xf32, #tpu.memory_space<vmem_shared>>)
        tpu.yield
      }) : () -> ()
      %dma_wait3A_197 = arith.constant 0 : i32
      %dma_wait3A_198 = arith.constant 0 : i32
      %dma_wait3A_199 = tpu.memref_slice %arg7[%dma_wait3A_197, %dma_wait3A_198] : memref<48x128xi32, #tpu.memory_space<vmem>> -> memref<1x128xi32, #tpu.memory_space<vmem>>
      %dma_wait3A_200 = tpu.memref_squeeze %dma_wait3A_199 : memref<1x128xi32, #tpu.memory_space<vmem>> -> memref<128xi32, #tpu.memory_space<vmem>>
      %dma_wait3A_201 = arith.constant 0 : i32
      %dma_wait3A_202 = arith.constant 0 : i32
      %dma_wait3A_203 = tpu.memref_slice %arg2[%dma_wait3A_201, %dma_wait3A_202] : memref<10000x128xf32, #tpu.memory_space<hbm>> -> memref<10000x128xf32, #tpu.memory_space<hbm>>
      tpu.wait_indirect_dma semaphore(%arg13 : memref<!tpu.dma_semaphore, #tpu.memory_space<semaphore_mem>>) src(%dma_wait3A_203 : memref<10000x128xf32, #tpu.memory_space<hbm>>) dst(%arg10 : memref<128x128xf32, #tpu.memory_space<vmem>>)
      %add3A_204 = arith.constant 2 : i32
      %add3A_205 = arith.addi %mul3A_179, %add3A_204 : i32
      %min3A_206 = arith.minsi %add3A_205, %sub3A_46 : i32
      %add3A_207 = arith.addi %sub3A_44, %min3A_206 : i32
      %dma_start3A_208 = arith.constant 0 : i32
      %dma_start3A_209 = tpu.memref_slice %arg7[%add3A_207, %dma_start3A_208] : memref<48x128xi32, #tpu.memory_space<vmem>> -> memref<1x128xi32, #tpu.memory_space<vmem>>
      %dma_start3A_210 = tpu.memref_squeeze %dma_start3A_209 : memref<1x128xi32, #tpu.memory_space<vmem>> -> memref<128xi32, #tpu.memory_space<vmem>>
      %dma_start3A_211 = arith.constant 0 : i32
      %dma_start3A_212 = arith.constant 0 : i32
      %dma_start3A_213 = tpu.memref_slice %arg2[%dma_start3A_211, %dma_start3A_212] : memref<10000x128xf32, #tpu.memory_space<hbm>> -> memref<10000x128xf32, #tpu.memory_space<hbm>>
      tpu.enqueue_indirect_dma source(%dma_start3A_213 : memref<10000x128xf32, #tpu.memory_space<hbm>>) target(%arg9 : memref<128x128xf32, #tpu.memory_space<vmem>>) offsets(%dma_start3A_210 : memref<128xi32, #tpu.memory_space<vmem>>) semaphore(%arg12 : memref<!tpu.dma_semaphore, #tpu.memory_space<semaphore_mem>>)
      %add3A_214 = arith.addi %sub3A_44, %mul3A_179 : i32
      %add3A_215 = arith.constant 1 : i32
      %add3A_216 = arith.addi %add3A_214, %add3A_215 : i32
      "tpu.region"() ({
        %run_scoped3A = tpu.sem_alloc : memref<!tpu.dma_semaphore, #tpu.memory_space<semaphore_mem>>
        %dma_start3A_217 = arith.constant 0 : i32
        %dma_start3A_218 = tpu.memref_slice %arg8[%add3A_216, %dma_start3A_217] : memref<48x128xi32, #tpu.memory_space<vmem>> -> memref<1x128xi32, #tpu.memory_space<vmem>>
        %dma_start3A_219 = tpu.memref_squeeze %dma_start3A_218 : memref<1x128xi32, #tpu.memory_space<vmem>> -> memref<128xi32, #tpu.memory_space<vmem>>
        %dma_start3A_220 = arith.constant 0 : i32
        %dma_start3A_221 = arith.constant 0 : i32
        %dma_start3A_222 = tpu.memref_slice %arg11[%dma_start3A_220, %dma_start3A_221] : memref<10000x128xf32, #tpu.memory_space<vmem_shared>> -> memref<10000x128xf32, #tpu.memory_space<vmem_shared>>
        tpu.enqueue_indirect_dma source(%arg10 : memref<128x128xf32, #tpu.memory_space<vmem>>) target(%dma_start3A_222 : memref<10000x128xf32, #tpu.memory_space<vmem_shared>>) offsets(%dma_start3A_219 : memref<128xi32, #tpu.memory_space<vmem>>) semaphore(%run_scoped3A : memref<!tpu.dma_semaphore, #tpu.memory_space<semaphore_mem>>) {add = true}
        %dma_wait3A_223 = arith.constant 0 : i32
        %dma_wait3A_224 = tpu.memref_slice %arg8[%add3A_216, %dma_wait3A_223] : memref<48x128xi32, #tpu.memory_space<vmem>> -> memref<1x128xi32, #tpu.memory_space<vmem>>
        %dma_wait3A_225 = tpu.memref_squeeze %dma_wait3A_224 : memref<1x128xi32, #tpu.memory_space<vmem>> -> memref<128xi32, #tpu.memory_space<vmem>>
        %dma_wait3A_226 = arith.constant 0 : i32
        %dma_wait3A_227 = arith.constant 0 : i32
        %dma_wait3A_228 = tpu.memref_slice %arg11[%dma_wait3A_226, %dma_wait3A_227] : memref<10000x128xf32, #tpu.memory_space<vmem_shared>> -> memref<10000x128xf32, #tpu.memory_space<vmem_shared>>
        tpu.wait_indirect_dma semaphore(%run_scoped3A : memref<!tpu.dma_semaphore, #tpu.memory_space<semaphore_mem>>) src(%arg10 : memref<128x128xf32, #tpu.memory_space<vmem>>) dst(%dma_wait3A_228 : memref<10000x128xf32, #tpu.memory_space<vmem_shared>>)
        tpu.yield
      }) : () -> ()
    }
    %dma_wait3A = arith.constant 0 : i32
    %dma_wait3A_83 = arith.constant 0 : i32
    %dma_wait3A_84 = tpu.memref_slice %arg7[%dma_wait3A, %dma_wait3A_83] : memref<48x128xi32, #tpu.memory_space<vmem>> -> memref<1x128xi32, #tpu.memory_space<vmem>>
    %dma_wait3A_85 = tpu.memref_squeeze %dma_wait3A_84 : memref<1x128xi32, #tpu.memory_space<vmem>> -> memref<128xi32, #tpu.memory_space<vmem>>
    %dma_wait3A_86 = arith.constant 0 : i32
    %dma_wait3A_87 = arith.constant 0 : i32
    %dma_wait3A_88 = tpu.memref_slice %arg2[%dma_wait3A_86, %dma_wait3A_87] : memref<10000x128xf32, #tpu.memory_space<hbm>> -> memref<10000x128xf32, #tpu.memory_space<hbm>>
    tpu.wait_indirect_dma semaphore(%arg12 : memref<!tpu.dma_semaphore, #tpu.memory_space<semaphore_mem>>) src(%dma_wait3A_88 : memref<10000x128xf32, #tpu.memory_space<hbm>>) dst(%arg9 : memref<128x128xf32, #tpu.memory_space<vmem>>)
    %add3A_89 = arith.constant 40 : i32
    %add3A_90 = arith.addi %select_n3A_12, %add3A_89 : i32
    %sub3A_91 = arith.constant 40 : i32
    %sub3A_92 = arith.subi %select_n3A, %sub3A_91 : i32
    %jit3A_93 = arith.constant false
    %jit3A_94 = arith.constant 40 : i32
    %select_n3A_95 = arith.select %jit3A_93, %jit3A_94, %sub3A_92 : i32
    %min3A_96 = arith.constant 2456 : i32
    %min3A_97 = arith.minsi %add3A_90, %min3A_96 : i32
    %jit3A_98 = arith.constant 8 : i32
    %eq3A_99 = arith.constant 0 : i32
    %eq3A_100 = arith.cmpi eq, %jit3A_98, %eq3A_99 : i32
    %jit3A_101 = arith.constant 1 : i32
    %select_n3A_102 = arith.select %eq3A_100, %jit3A_101, %jit3A_98 : i32
    %rem3A_103 = arith.remsi %min3A_97, %select_n3A_102 : i32
    %ne3A_104 = arith.constant 0 : i32
    %ne3A_105 = arith.cmpi ne, %rem3A_103, %ne3A_104 : i32
    %lt3A_106 = arith.constant 0 : i32
    %lt3A_107 = arith.cmpi slt, %rem3A_103, %lt3A_106 : i32
    %lt3A_108 = arith.constant 0 : i32
    %lt3A_109 = arith.cmpi slt, %select_n3A_102, %lt3A_108 : i32
    %ne3A_110 = arith.xori %lt3A_107, %lt3A_109 : i1
    %and3A_111 = arith.andi %ne3A_110, %ne3A_105 : i1
    %add3A_112 = arith.addi %rem3A_103, %select_n3A_102 : i32
    %select_n3A_113 = arith.select %and3A_111, %add3A_112, %rem3A_103 : i32
    %sub3A_114 = arith.subi %min3A_97, %select_n3A_113 : i32
    %multiple_of3A_115 = tpu.assume_multiple %sub3A_114, 8 : i32
    %sub3A_116 = arith.subi %add3A_90, %multiple_of3A_115 : i32
    %sub3A_117 = arith.constant 1 : i32
    %sub3A_118 = arith.subi %select_n3A_95, %sub3A_117 : i32
    "tpu.region"() ({
      %run_scoped3A = tpu.sem_alloc : memref<!tpu.dma_semaphore, #tpu.memory_space<semaphore_mem>>
      %dma_start3A_177 = arith.constant 0 : i32
      %dma_start3A_178 = tpu.memref_slice %arg3[%multiple_of3A_115, %dma_start3A_177] : memref<2504x128xi32, #tpu.memory_space<hbm>> -> memref<48x128xi32, #tpu.memory_space<hbm>>
      %dma_start3A_179 = arith.constant 0 : i32
      %dma_start3A_180 = tpu.memref_slice %arg3[%multiple_of3A_115, %dma_start3A_179] : memref<2504x128xi32, #tpu.memory_space<hbm>> -> memref<48x128xi32, #tpu.memory_space<hbm>>
      tpu.enqueue_dma source(%dma_start3A_180 : memref<48x128xi32, #tpu.memory_space<hbm>>) target(%arg7 : memref<48x128xi32, #tpu.memory_space<vmem>>) target_semaphore(%run_scoped3A : memref<!tpu.dma_semaphore, #tpu.memory_space<semaphore_mem>>)
      %dma_wait3A_181 = arith.constant 0 : i32
      %dma_wait3A_182 = tpu.memref_slice %arg3[%multiple_of3A_115, %dma_wait3A_181] : memref<2504x128xi32, #tpu.memory_space<hbm>> -> memref<48x128xi32, #tpu.memory_space<hbm>>
      %dma_wait3A_183 = arith.constant 0 : i32
      %dma_wait3A_184 = tpu.memref_slice %arg3[%multiple_of3A_115, %dma_wait3A_183] : memref<2504x128xi32, #tpu.memory_space<hbm>> -> memref<48x128xi32, #tpu.memory_space<hbm>>
      tpu.wait_dma2 semaphore(%run_scoped3A : memref<!tpu.dma_semaphore, #tpu.memory_space<semaphore_mem>>) src(%dma_wait3A_184 : memref<48x128xi32, #tpu.memory_space<hbm>>) dst(%arg7 : memref<48x128xi32, #tpu.memory_space<vmem>>)
      tpu.yield
    }) : () -> ()
    "tpu.region"() ({
      %run_scoped3A = tpu.sem_alloc : memref<!tpu.dma_semaphore, #tpu.memory_space<semaphore_mem>>
      %dma_start3A_177 = arith.constant 0 : i32
      %dma_start3A_178 = tpu.memref_slice %arg4[%multiple_of3A_115, %dma_start3A_177] : memref<2504x128xi32, #tpu.memory_space<hbm>> -> memref<48x128xi32, #tpu.memory_space<hbm>>
      %dma_start3A_179 = arith.constant 0 : i32
      %dma_start3A_180 = tpu.memref_slice %arg4[%multiple_of3A_115, %dma_start3A_179] : memref<2504x128xi32, #tpu.memory_space<hbm>> -> memref<48x128xi32, #tpu.memory_space<hbm>>
      tpu.enqueue_dma source(%dma_start3A_180 : memref<48x128xi32, #tpu.memory_space<hbm>>) target(%arg8 : memref<48x128xi32, #tpu.memory_space<vmem>>) target_semaphore(%run_scoped3A : memref<!tpu.dma_semaphore, #tpu.memory_space<semaphore_mem>>)
      %dma_wait3A_181 = arith.constant 0 : i32
      %dma_wait3A_182 = tpu.memref_slice %arg4[%multiple_of3A_115, %dma_wait3A_181] : memref<2504x128xi32, #tpu.memory_space<hbm>> -> memref<48x128xi32, #tpu.memory_space<hbm>>
      %dma_wait3A_183 = arith.constant 0 : i32
      %dma_wait3A_184 = tpu.memref_slice %arg4[%multiple_of3A_115, %dma_wait3A_183] : memref<2504x128xi32, #tpu.memory_space<hbm>> -> memref<48x128xi32, #tpu.memory_space<hbm>>
      tpu.wait_dma2 semaphore(%run_scoped3A : memref<!tpu.dma_semaphore, #tpu.memory_space<semaphore_mem>>) src(%dma_wait3A_184 : memref<48x128xi32, #tpu.memory_space<hbm>>) dst(%arg8 : memref<48x128xi32, #tpu.memory_space<vmem>>)
      tpu.yield
    }) : () -> ()
    %dma_start3A_119 = arith.constant 0 : i32
    %dma_start3A_120 = tpu.memref_slice %arg7[%sub3A_116, %dma_start3A_119] : memref<48x128xi32, #tpu.memory_space<vmem>> -> memref<1x128xi32, #tpu.memory_space<vmem>>
    %dma_start3A_121 = tpu.memref_squeeze %dma_start3A_120 : memref<1x128xi32, #tpu.memory_space<vmem>> -> memref<128xi32, #tpu.memory_space<vmem>>
    %dma_start3A_122 = arith.constant 0 : i32
    %dma_start3A_123 = arith.constant 0 : i32
    %dma_start3A_124 = tpu.memref_slice %arg2[%dma_start3A_122, %dma_start3A_123] : memref<10000x128xf32, #tpu.memory_space<hbm>> -> memref<10000x128xf32, #tpu.memory_space<hbm>>
    tpu.enqueue_indirect_dma source(%dma_start3A_124 : memref<10000x128xf32, #tpu.memory_space<hbm>>) target(%arg9 : memref<128x128xf32, #tpu.memory_space<vmem>>) offsets(%dma_start3A_121 : memref<128xi32, #tpu.memory_space<vmem>>) semaphore(%arg12 : memref<!tpu.dma_semaphore, #tpu.memory_space<semaphore_mem>>)
    %jit3A_125 = arith.constant 2 : i32
    %div3A_126 = arith.divsi %select_n3A_95, %jit3A_125 : i32
    %sign3A_127 = arith.constant 0 : i32
    %sign3A_128 = arith.cmpi sgt, %select_n3A_95, %sign3A_127 : i32
    %sign3A_129 = arith.extui %sign3A_128 : i1 to i32
    %sign3A_130 = arith.constant 0 : i32
    %sign3A_131 = arith.cmpi slt, %select_n3A_95, %sign3A_130 : i32
    %sign3A_132 = arith.extui %sign3A_131 : i1 to i32
    %sign3A_133 = arith.subi %sign3A_129, %sign3A_132 : i32
    %sign3A_134 = arith.constant 0 : i32
    %sign3A_135 = arith.cmpi sgt, %jit3A_125, %sign3A_134 : i32
    %sign3A_136 = arith.extui %sign3A_135 : i1 to i32
    %sign3A_137 = arith.constant 0 : i32
    %sign3A_138 = arith.cmpi slt, %jit3A_125, %sign3A_137 : i32
    %sign3A_139 = arith.extui %sign3A_138 : i1 to i32
    %sign3A_140 = arith.subi %sign3A_136, %sign3A_139 : i32
    %ne3A_141 = arith.cmpi ne, %sign3A_133, %sign3A_140 : i32
    %rem3A_142 = arith.remsi %select_n3A_95, %jit3A_125 : i32
    %ne3A_143 = arith.constant 0 : i32
    %ne3A_144 = arith.cmpi ne, %rem3A_142, %ne3A_143 : i32
    %and3A_145 = arith.andi %ne3A_141, %ne3A_144 : i1
    %sub3A_146 = arith.constant 1 : i32
    %sub3A_147 = arith.subi %div3A_126, %sub3A_146 : i32
    %select_n3A_148 = arith.select %and3A_145, %sub3A_147, %div3A_126 : i32
    %while3A_149 = arith.constant 0 : i32
    %while3A_150 = arith.constant 0 : i32
    %while3A_151 = arith.subi %select_n3A_148, %while3A_150 : i32
    %while3A_152 = arith.addi %while3A_150, %while3A_151 : i32
    %while3A_153 = arith.constant 1 : i32
    %while3A_154 = arith.divsi %while3A_151, %while3A_153 : i32
    %while3A_155 = arith.muli %while3A_154, %while3A_153 : i32
    %while3A_156 = arith.addi %while3A_150, %while3A_155 : i32
    %while3A_157 = arith.constant 1 : i32
    scf.for %while3A_177 = %while3A_150 to %while3A_156 step %while3A_157  : i32 {
      %mul3A_178 = arith.constant 2 : i32
      %mul3A_179 = arith.muli %while3A_177, %mul3A_178 : i32
      %dma_wait3A_180 = arith.constant 0 : i32
      %dma_wait3A_181 = arith.constant 0 : i32
      %dma_wait3A_182 = tpu.memref_slice %arg7[%dma_wait3A_180, %dma_wait3A_181] : memref<48x128xi32, #tpu.memory_space<vmem>> -> memref<1x128xi32, #tpu.memory_space<vmem>>
      %dma_wait3A_183 = tpu.memref_squeeze %dma_wait3A_182 : memref<1x128xi32, #tpu.memory_space<vmem>> -> memref<128xi32, #tpu.memory_space<vmem>>
      %dma_wait3A_184 = arith.constant 0 : i32
      %dma_wait3A_185 = arith.constant 0 : i32
      %dma_wait3A_186 = tpu.memref_slice %arg2[%dma_wait3A_184, %dma_wait3A_185] : memref<10000x128xf32, #tpu.memory_space<hbm>> -> memref<10000x128xf32, #tpu.memory_space<hbm>>
      tpu.wait_indirect_dma semaphore(%arg12 : memref<!tpu.dma_semaphore, #tpu.memory_space<semaphore_mem>>) src(%dma_wait3A_186 : memref<10000x128xf32, #tpu.memory_space<hbm>>) dst(%arg9 : memref<128x128xf32, #tpu.memory_space<vmem>>)
      %add3A_187 = arith.addi %sub3A_116, %mul3A_179 : i32
      %add3A_188 = arith.constant 1 : i32
      %add3A_189 = arith.addi %add3A_187, %add3A_188 : i32
      %dma_start3A_190 = arith.constant 0 : i32
      %dma_start3A_191 = tpu.memref_slice %arg7[%add3A_189, %dma_start3A_190] : memref<48x128xi32, #tpu.memory_space<vmem>> -> memref<1x128xi32, #tpu.memory_space<vmem>>
      %dma_start3A_192 = tpu.memref_squeeze %dma_start3A_191 : memref<1x128xi32, #tpu.memory_space<vmem>> -> memref<128xi32, #tpu.memory_space<vmem>>
      %dma_start3A_193 = arith.constant 0 : i32
      %dma_start3A_194 = arith.constant 0 : i32
      %dma_start3A_195 = tpu.memref_slice %arg2[%dma_start3A_193, %dma_start3A_194] : memref<10000x128xf32, #tpu.memory_space<hbm>> -> memref<10000x128xf32, #tpu.memory_space<hbm>>
      tpu.enqueue_indirect_dma source(%dma_start3A_195 : memref<10000x128xf32, #tpu.memory_space<hbm>>) target(%arg10 : memref<128x128xf32, #tpu.memory_space<vmem>>) offsets(%dma_start3A_192 : memref<128xi32, #tpu.memory_space<vmem>>) semaphore(%arg13 : memref<!tpu.dma_semaphore, #tpu.memory_space<semaphore_mem>>)
      %add3A_196 = arith.addi %sub3A_116, %mul3A_179 : i32
      "tpu.region"() ({
        %run_scoped3A = tpu.sem_alloc : memref<!tpu.dma_semaphore, #tpu.memory_space<semaphore_mem>>
        %dma_start3A_217 = arith.constant 0 : i32
        %dma_start3A_218 = tpu.memref_slice %arg8[%add3A_196, %dma_start3A_217] : memref<48x128xi32, #tpu.memory_space<vmem>> -> memref<1x128xi32, #tpu.memory_space<vmem>>
        %dma_start3A_219 = tpu.memref_squeeze %dma_start3A_218 : memref<1x128xi32, #tpu.memory_space<vmem>> -> memref<128xi32, #tpu.memory_space<vmem>>
        %dma_start3A_220 = arith.constant 0 : i32
        %dma_start3A_221 = arith.constant 0 : i32
        %dma_start3A_222 = tpu.memref_slice %arg11[%dma_start3A_220, %dma_start3A_221] : memref<10000x128xf32, #tpu.memory_space<vmem_shared>> -> memref<10000x128xf32, #tpu.memory_space<vmem_shared>>
        tpu.enqueue_indirect_dma source(%arg9 : memref<128x128xf32, #tpu.memory_space<vmem>>) target(%dma_start3A_222 : memref<10000x128xf32, #tpu.memory_space<vmem_shared>>) offsets(%dma_start3A_219 : memref<128xi32, #tpu.memory_space<vmem>>) semaphore(%run_scoped3A : memref<!tpu.dma_semaphore, #tpu.memory_space<semaphore_mem>>) {add = true}
        %dma_wait3A_223 = arith.constant 0 : i32
        %dma_wait3A_224 = tpu.memref_slice %arg8[%add3A_196, %dma_wait3A_223] : memref<48x128xi32, #tpu.memory_space<vmem>> -> memref<1x128xi32, #tpu.memory_space<vmem>>
        %dma_wait3A_225 = tpu.memref_squeeze %dma_wait3A_224 : memref<1x128xi32, #tpu.memory_space<vmem>> -> memref<128xi32, #tpu.memory_space<vmem>>
        %dma_wait3A_226 = arith.constant 0 : i32
        %dma_wait3A_227 = arith.constant 0 : i32
        %dma_wait3A_228 = tpu.memref_slice %arg11[%dma_wait3A_226, %dma_wait3A_227] : memref<10000x128xf32, #tpu.memory_space<vmem_shared>> -> memref<10000x128xf32, #tpu.memory_space<vmem_shared>>
        tpu.wait_indirect_dma semaphore(%run_scoped3A : memref<!tpu.dma_semaphore, #tpu.memory_space<semaphore_mem>>) src(%arg9 : memref<128x128xf32, #tpu.memory_space<vmem>>) dst(%dma_wait3A_228 : memref<10000x128xf32, #tpu.memory_space<vmem_shared>>)
        tpu.yield
      }) : () -> ()
      %dma_wait3A_197 = arith.constant 0 : i32
      %dma_wait3A_198 = arith.constant 0 : i32
      %dma_wait3A_199 = tpu.memref_slice %arg7[%dma_wait3A_197, %dma_wait3A_198] : memref<48x128xi32, #tpu.memory_space<vmem>> -> memref<1x128xi32, #tpu.memory_space<vmem>>
      %dma_wait3A_200 = tpu.memref_squeeze %dma_wait3A_199 : memref<1x128xi32, #tpu.memory_space<vmem>> -> memref<128xi32, #tpu.memory_space<vmem>>
      %dma_wait3A_201 = arith.constant 0 : i32
      %dma_wait3A_202 = arith.constant 0 : i32
      %dma_wait3A_203 = tpu.memref_slice %arg2[%dma_wait3A_201, %dma_wait3A_202] : memref<10000x128xf32, #tpu.memory_space<hbm>> -> memref<10000x128xf32, #tpu.memory_space<hbm>>
      tpu.wait_indirect_dma semaphore(%arg13 : memref<!tpu.dma_semaphore, #tpu.memory_space<semaphore_mem>>) src(%dma_wait3A_203 : memref<10000x128xf32, #tpu.memory_space<hbm>>) dst(%arg10 : memref<128x128xf32, #tpu.memory_space<vmem>>)
      %add3A_204 = arith.constant 2 : i32
      %add3A_205 = arith.addi %mul3A_179, %add3A_204 : i32
      %min3A_206 = arith.minsi %add3A_205, %sub3A_118 : i32
      %add3A_207 = arith.addi %sub3A_116, %min3A_206 : i32
      %dma_start3A_208 = arith.constant 0 : i32
      %dma_start3A_209 = tpu.memref_slice %arg7[%add3A_207, %dma_start3A_208] : memref<48x128xi32, #tpu.memory_space<vmem>> -> memref<1x128xi32, #tpu.memory_space<vmem>>
      %dma_start3A_210 = tpu.memref_squeeze %dma_start3A_209 : memref<1x128xi32, #tpu.memory_space<vmem>> -> memref<128xi32, #tpu.memory_space<vmem>>
      %dma_start3A_211 = arith.constant 0 : i32
      %dma_start3A_212 = arith.constant 0 : i32
      %dma_start3A_213 = tpu.memref_slice %arg2[%dma_start3A_211, %dma_start3A_212] : memref<10000x128xf32, #tpu.memory_space<hbm>> -> memref<10000x128xf32, #tpu.memory_space<hbm>>
      tpu.enqueue_indirect_dma source(%dma_start3A_213 : memref<10000x128xf32, #tpu.memory_space<hbm>>) target(%arg9 : memref<128x128xf32, #tpu.memory_space<vmem>>) offsets(%dma_start3A_210 : memref<128xi32, #tpu.memory_space<vmem>>) semaphore(%arg12 : memref<!tpu.dma_semaphore, #tpu.memory_space<semaphore_mem>>)
      %add3A_214 = arith.addi %sub3A_116, %mul3A_179 : i32
      %add3A_215 = arith.constant 1 : i32
      %add3A_216 = arith.addi %add3A_214, %add3A_215 : i32
      "tpu.region"() ({
        %run_scoped3A = tpu.sem_alloc : memref<!tpu.dma_semaphore, #tpu.memory_space<semaphore_mem>>
        %dma_start3A_217 = arith.constant 0 : i32
        %dma_start3A_218 = tpu.memref_slice %arg8[%add3A_216, %dma_start3A_217] : memref<48x128xi32, #tpu.memory_space<vmem>> -> memref<1x128xi32, #tpu.memory_space<vmem>>
        %dma_start3A_219 = tpu.memref_squeeze %dma_start3A_218 : memref<1x128xi32, #tpu.memory_space<vmem>> -> memref<128xi32, #tpu.memory_space<vmem>>
        %dma_start3A_220 = arith.constant 0 : i32
        %dma_start3A_221 = arith.constant 0 : i32
        %dma_start3A_222 = tpu.memref_slice %arg11[%dma_start3A_220, %dma_start3A_221] : memref<10000x128xf32, #tpu.memory_space<vmem_shared>> -> memref<10000x128xf32, #tpu.memory_space<vmem_shared>>
        tpu.enqueue_indirect_dma source(%arg10 : memref<128x128xf32, #tpu.memory_space<vmem>>) target(%dma_start3A_222 : memref<10000x128xf32, #tpu.memory_space<vmem_shared>>) offsets(%dma_start3A_219 : memref<128xi32, #tpu.memory_space<vmem>>) semaphore(%run_scoped3A : memref<!tpu.dma_semaphore, #tpu.memory_space<semaphore_mem>>) {add = true}
        %dma_wait3A_223 = arith.constant 0 : i32
        %dma_wait3A_224 = tpu.memref_slice %arg8[%add3A_216, %dma_wait3A_223] : memref<48x128xi32, #tpu.memory_space<vmem>> -> memref<1x128xi32, #tpu.memory_space<vmem>>
        %dma_wait3A_225 = tpu.memref_squeeze %dma_wait3A_224 : memref<1x128xi32, #tpu.memory_space<vmem>> -> memref<128xi32, #tpu.memory_space<vmem>>
        %dma_wait3A_226 = arith.constant 0 : i32
        %dma_wait3A_227 = arith.constant 0 : i32
        %dma_wait3A_228 = tpu.memref_slice %arg11[%dma_wait3A_226, %dma_wait3A_227] : memref<10000x128xf32, #tpu.memory_space<vmem_shared>> -> memref<10000x128xf32, #tpu.memory_space<vmem_shared>>
        tpu.wait_indirect_dma semaphore(%run_scoped3A : memref<!tpu.dma_semaphore, #tpu.memory_space<semaphore_mem>>) src(%arg10 : memref<128x128xf32, #tpu.memory_space<vmem>>) dst(%dma_wait3A_228 : memref<10000x128xf32, #tpu.memory_space<vmem_shared>>)
        tpu.yield
      }) : () -> ()
    }
    %while3A_158 = arith.constant 1 : i32
    scf.for %while3A_177 = %while3A_156 to %while3A_152 step %while3A_158  : i32 {
      %mul3A_178 = arith.constant 2 : i32
      %mul3A_179 = arith.muli %while3A_177, %mul3A_178 : i32
      %dma_wait3A_180 = arith.constant 0 : i32
      %dma_wait3A_181 = arith.constant 0 : i32
      %dma_wait3A_182 = tpu.memref_slice %arg7[%dma_wait3A_180, %dma_wait3A_181] : memref<48x128xi32, #tpu.memory_space<vmem>> -> memref<1x128xi32, #tpu.memory_space<vmem>>
      %dma_wait3A_183 = tpu.memref_squeeze %dma_wait3A_182 : memref<1x128xi32, #tpu.memory_space<vmem>> -> memref<128xi32, #tpu.memory_space<vmem>>
      %dma_wait3A_184 = arith.constant 0 : i32
      %dma_wait3A_185 = arith.constant 0 : i32
      %dma_wait3A_186 = tpu.memref_slice %arg2[%dma_wait3A_184, %dma_wait3A_185] : memref<10000x128xf32, #tpu.memory_space<hbm>> -> memref<10000x128xf32, #tpu.memory_space<hbm>>
      tpu.wait_indirect_dma semaphore(%arg12 : memref<!tpu.dma_semaphore, #tpu.memory_space<semaphore_mem>>) src(%dma_wait3A_186 : memref<10000x128xf32, #tpu.memory_space<hbm>>) dst(%arg9 : memref<128x128xf32, #tpu.memory_space<vmem>>)
      %add3A_187 = arith.addi %sub3A_116, %mul3A_179 : i32
      %add3A_188 = arith.constant 1 : i32
      %add3A_189 = arith.addi %add3A_187, %add3A_188 : i32
      %dma_start3A_190 = arith.constant 0 : i32
      %dma_start3A_191 = tpu.memref_slice %arg7[%add3A_189, %dma_start3A_190] : memref<48x128xi32, #tpu.memory_space<vmem>> -> memref<1x128xi32, #tpu.memory_space<vmem>>
      %dma_start3A_192 = tpu.memref_squeeze %dma_start3A_191 : memref<1x128xi32, #tpu.memory_space<vmem>> -> memref<128xi32, #tpu.memory_space<vmem>>
      %dma_start3A_193 = arith.constant 0 : i32
      %dma_start3A_194 = arith.constant 0 : i32
      %dma_start3A_195 = tpu.memref_slice %arg2[%dma_start3A_193, %dma_start3A_194] : memref<10000x128xf32, #tpu.memory_space<hbm>> -> memref<10000x128xf32, #tpu.memory_space<hbm>>
      tpu.enqueue_indirect_dma source(%dma_start3A_195 : memref<10000x128xf32, #tpu.memory_space<hbm>>) target(%arg10 : memref<128x128xf32, #tpu.memory_space<vmem>>) offsets(%dma_start3A_192 : memref<128xi32, #tpu.memory_space<vmem>>) semaphore(%arg13 : memref<!tpu.dma_semaphore, #tpu.memory_space<semaphore_mem>>)
      %add3A_196 = arith.addi %sub3A_116, %mul3A_179 : i32
      "tpu.region"() ({
        %run_scoped3A = tpu.sem_alloc : memref<!tpu.dma_semaphore, #tpu.memory_space<semaphore_mem>>
        %dma_start3A_217 = arith.constant 0 : i32
        %dma_start3A_218 = tpu.memref_slice %arg8[%add3A_196, %dma_start3A_217] : memref<48x128xi32, #tpu.memory_space<vmem>> -> memref<1x128xi32, #tpu.memory_space<vmem>>
        %dma_start3A_219 = tpu.memref_squeeze %dma_start3A_218 : memref<1x128xi32, #tpu.memory_space<vmem>> -> memref<128xi32, #tpu.memory_space<vmem>>
        %dma_start3A_220 = arith.constant 0 : i32
        %dma_start3A_221 = arith.constant 0 : i32
        %dma_start3A_222 = tpu.memref_slice %arg11[%dma_start3A_220, %dma_start3A_221] : memref<10000x128xf32, #tpu.memory_space<vmem_shared>> -> memref<10000x128xf32, #tpu.memory_space<vmem_shared>>
        tpu.enqueue_indirect_dma source(%arg9 : memref<128x128xf32, #tpu.memory_space<vmem>>) target(%dma_start3A_222 : memref<10000x128xf32, #tpu.memory_space<vmem_shared>>) offsets(%dma_start3A_219 : memref<128xi32, #tpu.memory_space<vmem>>) semaphore(%run_scoped3A : memref<!tpu.dma_semaphore, #tpu.memory_space<semaphore_mem>>) {add = true}
        %dma_wait3A_223 = arith.constant 0 : i32
        %dma_wait3A_224 = tpu.memref_slice %arg8[%add3A_196, %dma_wait3A_223] : memref<48x128xi32, #tpu.memory_space<vmem>> -> memref<1x128xi32, #tpu.memory_space<vmem>>
        %dma_wait3A_225 = tpu.memref_squeeze %dma_wait3A_224 : memref<1x128xi32, #tpu.memory_space<vmem>> -> memref<128xi32, #tpu.memory_space<vmem>>
        %dma_wait3A_226 = arith.constant 0 : i32
        %dma_wait3A_227 = arith.constant 0 : i32
        %dma_wait3A_228 = tpu.memref_slice %arg11[%dma_wait3A_226, %dma_wait3A_227] : memref<10000x128xf32, #tpu.memory_space<vmem_shared>> -> memref<10000x128xf32, #tpu.memory_space<vmem_shared>>
        tpu.wait_indirect_dma semaphore(%run_scoped3A : memref<!tpu.dma_semaphore, #tpu.memory_space<semaphore_mem>>) src(%arg9 : memref<128x128xf32, #tpu.memory_space<vmem>>) dst(%dma_wait3A_228 : memref<10000x128xf32, #tpu.memory_space<vmem_shared>>)
        tpu.yield
      }) : () -> ()
      %dma_wait3A_197 = arith.constant 0 : i32
      %dma_wait3A_198 = arith.constant 0 : i32
      %dma_wait3A_199 = tpu.memref_slice %arg7[%dma_wait3A_197, %dma_wait3A_198] : memref<48x128xi32, #tpu.memory_space<vmem>> -> memref<1x128xi32, #tpu.memory_space<vmem>>
      %dma_wait3A_200 = tpu.memref_squeeze %dma_wait3A_199 : memref<1x128xi32, #tpu.memory_space<vmem>> -> memref<128xi32, #tpu.memory_space<vmem>>
      %dma_wait3A_201 = arith.constant 0 : i32
      %dma_wait3A_202 = arith.constant 0 : i32
      %dma_wait3A_203 = tpu.memref_slice %arg2[%dma_wait3A_201, %dma_wait3A_202] : memref<10000x128xf32, #tpu.memory_space<hbm>> -> memref<10000x128xf32, #tpu.memory_space<hbm>>
      tpu.wait_indirect_dma semaphore(%arg13 : memref<!tpu.dma_semaphore, #tpu.memory_space<semaphore_mem>>) src(%dma_wait3A_203 : memref<10000x128xf32, #tpu.memory_space<hbm>>) dst(%arg10 : memref<128x128xf32, #tpu.memory_space<vmem>>)
      %add3A_204 = arith.constant 2 : i32
      %add3A_205 = arith.addi %mul3A_179, %add3A_204 : i32
      %min3A_206 = arith.minsi %add3A_205, %sub3A_118 : i32
      %add3A_207 = arith.addi %sub3A_116, %min3A_206 : i32
      %dma_start3A_208 = arith.constant 0 : i32
      %dma_start3A_209 = tpu.memref_slice %arg7[%add3A_207, %dma_start3A_208] : memref<48x128xi32, #tpu.memory_space<vmem>> -> memref<1x128xi32, #tpu.memory_space<vmem>>
      %dma_start3A_210 = tpu.memref_squeeze %dma_start3A_209 : memref<1x128xi32, #tpu.memory_space<vmem>> -> memref<128xi32, #tpu.memory_space<vmem>>
      %dma_start3A_211 = arith.constant 0 : i32
      %dma_start3A_212 = arith.constant 0 : i32
      %dma_start3A_213 = tpu.memref_slice %arg2[%dma_start3A_211, %dma_start3A_212] : memref<10000x128xf32, #tpu.memory_space<hbm>> -> memref<10000x128xf32, #tpu.memory_space<hbm>>
      tpu.enqueue_indirect_dma source(%dma_start3A_213 : memref<10000x128xf32, #tpu.memory_space<hbm>>) target(%arg9 : memref<128x128xf32, #tpu.memory_space<vmem>>) offsets(%dma_start3A_210 : memref<128xi32, #tpu.memory_space<vmem>>) semaphore(%arg12 : memref<!tpu.dma_semaphore, #tpu.memory_space<semaphore_mem>>)
      %add3A_214 = arith.addi %sub3A_116, %mul3A_179 : i32
      %add3A_215 = arith.constant 1 : i32
      %add3A_216 = arith.addi %add3A_214, %add3A_215 : i32
      "tpu.region"() ({
        %run_scoped3A = tpu.sem_alloc : memref<!tpu.dma_semaphore, #tpu.memory_space<semaphore_mem>>
        %dma_start3A_217 = arith.constant 0 : i32
        %dma_start3A_218 = tpu.memref_slice %arg8[%add3A_216, %dma_start3A_217] : memref<48x128xi32, #tpu.memory_space<vmem>> -> memref<1x128xi32, #tpu.memory_space<vmem>>
        %dma_start3A_219 = tpu.memref_squeeze %dma_start3A_218 : memref<1x128xi32, #tpu.memory_space<vmem>> -> memref<128xi32, #tpu.memory_space<vmem>>
        %dma_start3A_220 = arith.constant 0 : i32
        %dma_start3A_221 = arith.constant 0 : i32
        %dma_start3A_222 = tpu.memref_slice %arg11[%dma_start3A_220, %dma_start3A_221] : memref<10000x128xf32, #tpu.memory_space<vmem_shared>> -> memref<10000x128xf32, #tpu.memory_space<vmem_shared>>
        tpu.enqueue_indirect_dma source(%arg10 : memref<128x128xf32, #tpu.memory_space<vmem>>) target(%dma_start3A_222 : memref<10000x128xf32, #tpu.memory_space<vmem_shared>>) offsets(%dma_start3A_219 : memref<128xi32, #tpu.memory_space<vmem>>) semaphore(%run_scoped3A : memref<!tpu.dma_semaphore, #tpu.memory_space<semaphore_mem>>) {add = true}
        %dma_wait3A_223 = arith.constant 0 : i32
        %dma_wait3A_224 = tpu.memref_slice %arg8[%add3A_216, %dma_wait3A_223] : memref<48x128xi32, #tpu.memory_space<vmem>> -> memref<1x128xi32, #tpu.memory_space<vmem>>
        %dma_wait3A_225 = tpu.memref_squeeze %dma_wait3A_224 : memref<1x128xi32, #tpu.memory_space<vmem>> -> memref<128xi32, #tpu.memory_space<vmem>>
        %dma_wait3A_226 = arith.constant 0 : i32
        %dma_wait3A_227 = arith.constant 0 : i32
        %dma_wait3A_228 = tpu.memref_slice %arg11[%dma_wait3A_226, %dma_wait3A_227] : memref<10000x128xf32, #tpu.memory_space<vmem_shared>> -> memref<10000x128xf32, #tpu.memory_space<vmem_shared>>
        tpu.wait_indirect_dma semaphore(%run_scoped3A : memref<!tpu.dma_semaphore, #tpu.memory_space<semaphore_mem>>) src(%arg10 : memref<128x128xf32, #tpu.memory_space<vmem>>) dst(%dma_wait3A_228 : memref<10000x128xf32, #tpu.memory_space<vmem_shared>>)
        tpu.yield
      }) : () -> ()
    }
    %dma_wait3A_159 = arith.constant 0 : i32
    %dma_wait3A_160 = arith.constant 0 : i32
    %dma_wait3A_161 = tpu.memref_slice %arg7[%dma_wait3A_159, %dma_wait3A_160] : memref<48x128xi32, #tpu.memory_space<vmem>> -> memref<1x128xi32, #tpu.memory_space<vmem>>
    %dma_wait3A_162 = tpu.memref_squeeze %dma_wait3A_161 : memref<1x128xi32, #tpu.memory_space<vmem>> -> memref<128xi32, #tpu.memory_space<vmem>>
    %dma_wait3A_163 = arith.constant 0 : i32
    %dma_wait3A_164 = arith.constant 0 : i32
    %dma_wait3A_165 = tpu.memref_slice %arg2[%dma_wait3A_163, %dma_wait3A_164] : memref<10000x128xf32, #tpu.memory_space<hbm>> -> memref<10000x128xf32, #tpu.memory_space<hbm>>
    tpu.wait_indirect_dma semaphore(%arg12 : memref<!tpu.dma_semaphore, #tpu.memory_space<semaphore_mem>>) src(%dma_wait3A_165 : memref<10000x128xf32, #tpu.memory_space<hbm>>) dst(%arg9 : memref<128x128xf32, #tpu.memory_space<vmem>>)
    %barrier3A_166 = arith.constant 0 : index
    tpu.barrier barrier_id(%barrier3A_166)
    %lt3A_167 = arith.constant 15 : i32
    %lt3A_168 = arith.cmpi slt, %arg1, %lt3A_167 : i32
    %convert_element_type3A_169 = arith.extui %lt3A_168 : i1 to i32
    %cond3A_170 = arith.constant 0 : i32
    %cond3A_171 = arith.cmpi ne, %convert_element_type3A_169, %cond3A_170 : i32
    scf.if %cond3A_171 {
      "tpu.region"() ({
        %run_scoped3A = tpu.sem_alloc : memref<!tpu.dma_semaphore, #tpu.memory_space<semaphore_mem>>
        %dma_start3A_177 = arith.constant 0 : i32
        %dma_start3A_178 = tpu.memref_slice %arg6[%arg0, %mul3A_14, %dma_start3A_177] : memref<2x10000x128xf32, #tpu.memory_space<hbm>> -> memref<1x632x128xf32, #tpu.memory_space<hbm>>
        %dma_start3A_179 = tpu.memref_squeeze %dma_start3A_178 : memref<1x632x128xf32, #tpu.memory_space<hbm>> -> memref<632x128xf32, #tpu.memory_space<hbm>>
        %dma_start3A_180 = arith.constant 0 : i32
        %dma_start3A_181 = tpu.memref_slice %arg11[%mul3A_14, %dma_start3A_180] : memref<10000x128xf32, #tpu.memory_space<vmem_shared>> -> memref<632x128xf32, #tpu.memory_space<vmem_shared>>
        tpu.enqueue_dma source(%dma_start3A_181 : memref<632x128xf32, #tpu.memory_space<vmem_shared>>) target(%dma_start3A_179 : memref<632x128xf32, #tpu.memory_space<hbm>>) target_semaphore(%run_scoped3A : memref<!tpu.dma_semaphore, #tpu.memory_space<semaphore_mem>>)
        %dma_wait3A_182 = arith.constant 0 : i32
        %dma_wait3A_183 = tpu.memref_slice %arg6[%arg0, %mul3A_14, %dma_wait3A_182] : memref<2x10000x128xf32, #tpu.memory_space<hbm>> -> memref<1x632x128xf32, #tpu.memory_space<hbm>>
        %dma_wait3A_184 = tpu.memref_squeeze %dma_wait3A_183 : memref<1x632x128xf32, #tpu.memory_space<hbm>> -> memref<632x128xf32, #tpu.memory_space<hbm>>
        %dma_wait3A_185 = arith.constant 0 : i32
        %dma_wait3A_186 = tpu.memref_slice %arg11[%mul3A_14, %dma_wait3A_185] : memref<10000x128xf32, #tpu.memory_space<vmem_shared>> -> memref<632x128xf32, #tpu.memory_space<vmem_shared>>
        tpu.wait_dma2 semaphore(%run_scoped3A : memref<!tpu.dma_semaphore, #tpu.memory_space<semaphore_mem>>) src(%dma_wait3A_186 : memref<632x128xf32, #tpu.memory_space<vmem_shared>>) dst(%dma_wait3A_184 : memref<632x128xf32, #tpu.memory_space<hbm>>)
        tpu.yield
      }) : () -> ()
    } else {
    }
    %eq3A_172 = arith.constant 15 : i32
    %eq3A_173 = arith.cmpi eq, %arg1, %eq3A_172 : i32
    %convert_element_type3A_174 = arith.extui %eq3A_173 : i1 to i32
    %cond3A_175 = arith.constant 0 : i32
    %cond3A_176 = arith.cmpi ne, %convert_element_type3A_174, %cond3A_175 : i32
    scf.if %cond3A_176 {
      "tpu.region"() ({
        %run_scoped3A = tpu.sem_alloc : memref<!tpu.dma_semaphore, #tpu.memory_space<semaphore_mem>>
        %dma_start3A_177 = arith.constant 9480 : i32
        %dma_start3A_178 = arith.constant 0 : i32
        %dma_start3A_179 = tpu.memref_slice %arg6[%arg0, %dma_start3A_177, %dma_start3A_178] : memref<2x10000x128xf32, #tpu.memory_space<hbm>> -> memref<1x520x128xf32, #tpu.memory_space<hbm>>
        %dma_start3A_180 = tpu.memref_squeeze %dma_start3A_179 : memref<1x520x128xf32, #tpu.memory_space<hbm>> -> memref<520x128xf32, #tpu.memory_space<hbm>>
        %dma_start3A_181 = arith.constant 9480 : i32
        %dma_start3A_182 = arith.constant 0 : i32
        %dma_start3A_183 = tpu.memref_slice %arg11[%dma_start3A_181, %dma_start3A_182] : memref<10000x128xf32, #tpu.memory_space<vmem_shared>> -> memref<520x128xf32, #tpu.memory_space<vmem_shared>>
        tpu.enqueue_dma source(%dma_start3A_183 : memref<520x128xf32, #tpu.memory_space<vmem_shared>>) target(%dma_start3A_180 : memref<520x128xf32, #tpu.memory_space<hbm>>) target_semaphore(%run_scoped3A : memref<!tpu.dma_semaphore, #tpu.memory_space<semaphore_mem>>)
        %dma_wait3A_184 = arith.constant 9480 : i32
        %dma_wait3A_185 = arith.constant 0 : i32
        %dma_wait3A_186 = tpu.memref_slice %arg6[%arg0, %dma_wait3A_184, %dma_wait3A_185] : memref<2x10000x128xf32, #tpu.memory_space<hbm>> -> memref<1x520x128xf32, #tpu.memory_space<hbm>>
        %dma_wait3A_187 = tpu.memref_squeeze %dma_wait3A_186 : memref<1x520x128xf32, #tpu.memory_space<hbm>> -> memref<520x128xf32, #tpu.memory_space<hbm>>
        %dma_wait3A_188 = arith.constant 9480 : i32
        %dma_wait3A_189 = arith.constant 0 : i32
        %dma_wait3A_190 = tpu.memref_slice %arg11[%dma_wait3A_188, %dma_wait3A_189] : memref<10000x128xf32, #tpu.memory_space<vmem_shared>> -> memref<520x128xf32, #tpu.memory_space<vmem_shared>>
        tpu.wait_dma2 semaphore(%run_scoped3A : memref<!tpu.dma_semaphore, #tpu.memory_space<semaphore_mem>>) src(%dma_wait3A_190 : memref<520x128xf32, #tpu.memory_space<vmem_shared>>) dst(%dma_wait3A_187 : memref<520x128xf32, #tpu.memory_space<hbm>>)
        tpu.yield
      }) : () -> ()
    } else {
    }
    return
  }
}

#map = affine_map<(d0, d1) -> (0, 0)>
#map1 = affine_map<(d0, d1) -> (0, 0, 0)>
module attributes {stable_mosaic.version = 14 : i64} {
  func.func @k(%arg0: i32, %arg1: i32, %arg2: memref<10000x128xf32, #tpu.memory_space<hbm>>, %arg3: memref<2504x128xi32, #tpu.memory_space<hbm>>, %arg4: memref<2504x128xi32, #tpu.memory_space<hbm>>, %arg5: memref<10000x128xf32, #tpu.memory_space<hbm>>, %arg6: memref<2x10000x128xf32, #tpu.memory_space<hbm>>, %arg7: memref<48x128xi32, #tpu.memory_space<vmem>>, %arg8: memref<48x128xi32, #tpu.memory_space<vmem>>, %arg9: memref<128x128xf32, #tpu.memory_space<vmem>>, %arg10: memref<128x128xf32, #tpu.memory_space<vmem>>, %arg11: memref<10000x128xf32, #tpu.memory_space<vmem_shared>>, %arg12: memref<!tpu.dma_semaphore, #tpu.memory_space<semaphore_mem>>, %arg13: memref<!tpu.dma_semaphore, #tpu.memory_space<semaphore_mem>>) attributes {dimension_semantics = [#tpu.dimension_semantics<core_parallel>, #tpu.dimension_semantics<subcore_parallel>], iteration_bounds = array<i64: 2, 16>, scalar_prefetch = 0 : i64, scratch_operands = 7 : i64, tpu.core_type = #tpu.core_type<sc_vector_subcore>, window_params = [{transform_indices = #map}, {transform_indices = #map}, {transform_indices = #map}, {transform_indices = #map}, {transform_indices = #map1}]} {
    %mul3A = arith.constant 16 : i32
    %mul3A_0 = arith.muli %arg0, %mul3A : i32
    %add3A = arith.addi %mul3A_0, %arg1 : i32
    %lt3A = arith.constant 2 : i32
    %lt3A_1 = arith.cmpi slt, %add3A, %lt3A : i32
    %jit3A = arith.constant 80 : i32
    %jit3A_2 = arith.constant 78 : i32
    %select_n3A = arith.select %lt3A_1, %jit3A, %jit3A_2 : i32
    %lt3A_3 = arith.constant 2 : i32
    %lt3A_4 = arith.cmpi slt, %add3A, %lt3A_3 : i32
    %mul3A_5 = arith.constant 80 : i32
    %mul3A_6 = arith.muli %mul3A_5, %add3A : i32
    %sub3A = arith.constant 2 : i32
    %sub3A_7 = arith.subi %add3A, %sub3A : i32
    %mul3A_8 = arith.constant 78 : i32
    %mul3A_9 = arith.muli %mul3A_8, %sub3A_7 : i32
    %add3A_10 = arith.constant 160 : i32
    %add3A_11 = arith.addi %add3A_10, %mul3A_9 : i32
    %select_n3A_12 = arith.select %lt3A_4, %mul3A_6, %add3A_11 : i32
    %mul3A_13 = arith.constant 632 : i32
    %mul3A_14 = arith.muli %arg1, %mul3A_13 : i32
    %lt3A_15 = arith.constant 15 : i32
    %lt3A_16 = arith.cmpi slt, %arg1, %lt3A_15 : i32
    %convert_element_type3A = arith.extui %lt3A_16 : i1 to i32
    %cond3A = arith.constant 0 : i32
    %cond3A_17 = arith.cmpi ne, %convert_element_type3A, %cond3A : i32
    scf.if %cond3A_17 {
      "tpu.region"() ({
        %run_scoped3A = tpu.sem_alloc : memref<!tpu.dma_semaphore, #tpu.memory_space<semaphore_mem>>
        %dma_start3A_177 = arith.constant 0 : i32
        %dma_start3A_178 = tpu.memref_slice %arg11[%mul3A_14, %dma_start3A_177] : memref<10000x128xf32, #tpu.memory_space<vmem_shared>> -> memref<632x128xf32, #tpu.memory_space<vmem_shared>>
        %dma_start3A_179 = arith.constant 0 : i32
        %dma_start3A_180 = tpu.memref_slice %arg5[%mul3A_14, %dma_start3A_179] : memref<10000x128xf32, #tpu.memory_space<hbm>> -> memref<632x128xf32, #tpu.memory_space<hbm>>
        tpu.enqueue_dma source(%dma_start3A_180 : memref<632x128xf32, #tpu.memory_space<hbm>>) target(%dma_start3A_178 : memref<632x128xf32, #tpu.memory_space<vmem_shared>>) target_semaphore(%run_scoped3A : memref<!tpu.dma_semaphore, #tpu.memory_space<semaphore_mem>>)
        %dma_wait3A_181 = arith.constant 0 : i32
        %dma_wait3A_182 = tpu.memref_slice %arg11[%mul3A_14, %dma_wait3A_181] : memref<10000x128xf32, #tpu.memory_space<vmem_shared>> -> memref<632x128xf32, #tpu.memory_space<vmem_shared>>
        %dma_wait3A_183 = arith.constant 0 : i32
        %dma_wait3A_184 = tpu.memref_slice %arg5[%mul3A_14, %dma_wait3A_183] : memref<10000x128xf32, #tpu.memory_space<hbm>> -> memref<632x128xf32, #tpu.memory_space<hbm>>
        tpu.wait_dma2 semaphore(%run_scoped3A : memref<!tpu.dma_semaphore, #tpu.memory_space<semaphore_mem>>) src(%dma_wait3A_184 : memref<632x128xf32, #tpu.memory_space<hbm>>) dst(%dma_wait3A_182 : memref<632x128xf32, #tpu.memory_space<vmem_shared>>)
        tpu.yield
      }) : () -> ()
    } else {
    }
    %eq3A = arith.constant 15 : i32
    %eq3A_18 = arith.cmpi eq, %arg1, %eq3A : i32
    %convert_element_type3A_19 = arith.extui %eq3A_18 : i1 to i32
    %cond3A_20 = arith.constant 0 : i32
    %cond3A_21 = arith.cmpi ne, %convert_element_type3A_19, %cond3A_20 : i32
    scf.if %cond3A_21 {
      "tpu.region"() ({
        %run_scoped3A = tpu.sem_alloc : memref<!tpu.dma_semaphore, #tpu.memory_space<semaphore_mem>>
        %dma_start3A_177 = arith.constant 9480 : i32
        %dma_start3A_178 = arith.constant 0 : i32
        %dma_start3A_179 = tpu.memref_slice %arg11[%dma_start3A_177, %dma_start3A_178] : memref<10000x128xf32, #tpu.memory_space<vmem_shared>> -> memref<520x128xf32, #tpu.memory_space<vmem_shared>>
        %dma_start3A_180 = arith.constant 9480 : i32
        %dma_start3A_181 = arith.constant 0 : i32
        %dma_start3A_182 = tpu.memref_slice %arg5[%dma_start3A_180, %dma_start3A_181] : memref<10000x128xf32, #tpu.memory_space<hbm>> -> memref<520x128xf32, #tpu.memory_space<hbm>>
        tpu.enqueue_dma source(%dma_start3A_182 : memref<520x128xf32, #tpu.memory_space<hbm>>) target(%dma_start3A_179 : memref<520x128xf32, #tpu.memory_space<vmem_shared>>) target_semaphore(%run_scoped3A : memref<!tpu.dma_semaphore, #tpu.memory_space<semaphore_mem>>)
        %dma_wait3A_183 = arith.constant 9480 : i32
        %dma_wait3A_184 = arith.constant 0 : i32
        %dma_wait3A_185 = tpu.memref_slice %arg11[%dma_wait3A_183, %dma_wait3A_184] : memref<10000x128xf32, #tpu.memory_space<vmem_shared>> -> memref<520x128xf32, #tpu.memory_space<vmem_shared>>
        %dma_wait3A_186 = arith.constant 9480 : i32
        %dma_wait3A_187 = arith.constant 0 : i32
        %dma_wait3A_188 = tpu.memref_slice %arg5[%dma_wait3A_186, %dma_wait3A_187] : memref<10000x128xf32, #tpu.memory_space<hbm>> -> memref<520x128xf32, #tpu.memory_space<hbm>>
        tpu.wait_dma2 semaphore(%run_scoped3A : memref<!tpu.dma_semaphore, #tpu.memory_space<semaphore_mem>>) src(%dma_wait3A_188 : memref<520x128xf32, #tpu.memory_space<hbm>>) dst(%dma_wait3A_185 : memref<520x128xf32, #tpu.memory_space<vmem_shared>>)
        tpu.yield
      }) : () -> ()
    } else {
    }
    %barrier3A = arith.constant 0 : index
    tpu.barrier barrier_id(%barrier3A)
    %add3A_22 = arith.constant 0 : i32
    %add3A_23 = arith.addi %select_n3A_12, %add3A_22 : i32
    %sub3A_24 = arith.constant 40 : i32
    %sub3A_25 = arith.subi %select_n3A, %sub3A_24 : i32
    %jit3A_26 = arith.constant true
    %jit3A_27 = arith.constant 40 : i32
    %select_n3A_28 = arith.select %jit3A_26, %jit3A_27, %sub3A_25 : i32
    %min3A = arith.constant 2456 : i32
    %min3A_29 = arith.minsi %add3A_23, %min3A : i32
    %jit3A_30 = arith.constant 8 : i32
    %eq3A_31 = arith.constant 0 : i32
    %eq3A_32 = arith.cmpi eq, %jit3A_30, %eq3A_31 : i32
    %jit3A_33 = arith.constant 1 : i32
    %select_n3A_34 = arith.select %eq3A_32, %jit3A_33, %jit3A_30 : i32
    %rem3A = arith.remsi %min3A_29, %select_n3A_34 : i32
    %ne3A = arith.constant 0 : i32
    %ne3A_35 = arith.cmpi ne, %rem3A, %ne3A : i32
    %lt3A_36 = arith.constant 0 : i32
    %lt3A_37 = arith.cmpi slt, %rem3A, %lt3A_36 : i32
    %lt3A_38 = arith.constant 0 : i32
    %lt3A_39 = arith.cmpi slt, %select_n3A_34, %lt3A_38 : i32
    %ne3A_40 = arith.xori %lt3A_37, %lt3A_39 : i1
    %and3A = arith.andi %ne3A_40, %ne3A_35 : i1
    %add3A_41 = arith.addi %rem3A, %select_n3A_34 : i32
    %select_n3A_42 = arith.select %and3A, %add3A_41, %rem3A : i32
    %sub3A_43 = arith.subi %min3A_29, %select_n3A_42 : i32
    %multiple_of3A = tpu.assume_multiple %sub3A_43, 8 : i32
    %sub3A_44 = arith.subi %add3A_23, %multiple_of3A : i32
    %sub3A_45 = arith.constant 1 : i32
    %sub3A_46 = arith.subi %select_n3A_28, %sub3A_45 : i32
    "tpu.region"() ({
      %run_scoped3A = tpu.sem_alloc : memref<!tpu.dma_semaphore, #tpu.memory_space<semaphore_mem>>
      %dma_start3A_177 = arith.constant 0 : i32
      %dma_start3A_178 = tpu.memref_slice %arg3[%multiple_of3A, %dma_start3A_177] : memref<2504x128xi32, #tpu.memory_space<hbm>> -> memref<48x128xi32, #tpu.memory_space<hbm>>
      %dma_start3A_179 = arith.constant 0 : i32
      %dma_start3A_180 = tpu.memref_slice %arg3[%multiple_of3A, %dma_start3A_179] : memref<2504x128xi32, #tpu.memory_space<hbm>> -> memref<48x128xi32, #tpu.memory_space<hbm>>
      tpu.enqueue_dma source(%dma_start3A_180 : memref<48x128xi32, #tpu.memory_space<hbm>>) target(%arg7 : memref<48x128xi32, #tpu.memory_space<vmem>>) target_semaphore(%run_scoped3A : memref<!tpu.dma_semaphore, #tpu.memory_space<semaphore_mem>>)
      %dma_wait3A_181 = arith.constant 0 : i32
      %dma_wait3A_182 = tpu.memref_slice %arg3[%multiple_of3A, %dma_wait3A_181] : memref<2504x128xi32, #tpu.memory_space<hbm>> -> memref<48x128xi32, #tpu.memory_space<hbm>>
      %dma_wait3A_183 = arith.constant 0 : i32
      %dma_wait3A_184 = tpu.memref_slice %arg3[%multiple_of3A, %dma_wait3A_183] : memref<2504x128xi32, #tpu.memory_space<hbm>> -> memref<48x128xi32, #tpu.memory_space<hbm>>
      tpu.wait_dma2 semaphore(%run_scoped3A : memref<!tpu.dma_semaphore, #tpu.memory_space<semaphore_mem>>) src(%dma_wait3A_184 : memref<48x128xi32, #tpu.memory_space<hbm>>) dst(%arg7 : memref<48x128xi32, #tpu.memory_space<vmem>>)
      tpu.yield
    }) : () -> ()
    "tpu.region"() ({
      %run_scoped3A = tpu.sem_alloc : memref<!tpu.dma_semaphore, #tpu.memory_space<semaphore_mem>>
      %dma_start3A_177 = arith.constant 0 : i32
      %dma_start3A_178 = tpu.memref_slice %arg4[%multiple_of3A, %dma_start3A_177] : memref<2504x128xi32, #tpu.memory_space<hbm>> -> memref<48x128xi32, #tpu.memory_space<hbm>>
      %dma_start3A_179 = arith.constant 0 : i32
      %dma_start3A_180 = tpu.memref_slice %arg4[%multiple_of3A, %dma_start3A_179] : memref<2504x128xi32, #tpu.memory_space<hbm>> -> memref<48x128xi32, #tpu.memory_space<hbm>>
      tpu.enqueue_dma source(%dma_start3A_180 : memref<48x128xi32, #tpu.memory_space<hbm>>) target(%arg8 : memref<48x128xi32, #tpu.memory_space<vmem>>) target_semaphore(%run_scoped3A : memref<!tpu.dma_semaphore, #tpu.memory_space<semaphore_mem>>)
      %dma_wait3A_181 = arith.constant 0 : i32
      %dma_wait3A_182 = tpu.memref_slice %arg4[%multiple_of3A, %dma_wait3A_181] : memref<2504x128xi32, #tpu.memory_space<hbm>> -> memref<48x128xi32, #tpu.memory_space<hbm>>
      %dma_wait3A_183 = arith.constant 0 : i32
      %dma_wait3A_184 = tpu.memref_slice %arg4[%multiple_of3A, %dma_wait3A_183] : memref<2504x128xi32, #tpu.memory_space<hbm>> -> memref<48x128xi32, #tpu.memory_space<hbm>>
      tpu.wait_dma2 semaphore(%run_scoped3A : memref<!tpu.dma_semaphore, #tpu.memory_space<semaphore_mem>>) src(%dma_wait3A_184 : memref<48x128xi32, #tpu.memory_space<hbm>>) dst(%arg8 : memref<48x128xi32, #tpu.memory_space<vmem>>)
      tpu.yield
    }) : () -> ()
    %dma_start3A = arith.constant 0 : i32
    %dma_start3A_47 = tpu.memref_slice %arg7[%sub3A_44, %dma_start3A] : memref<48x128xi32, #tpu.memory_space<vmem>> -> memref<1x128xi32, #tpu.memory_space<vmem>>
    %dma_start3A_48 = tpu.memref_squeeze %dma_start3A_47 : memref<1x128xi32, #tpu.memory_space<vmem>> -> memref<128xi32, #tpu.memory_space<vmem>>
    %dma_start3A_49 = arith.constant 0 : i32
    %dma_start3A_50 = arith.constant 0 : i32
    %dma_start3A_51 = tpu.memref_slice %arg2[%dma_start3A_49, %dma_start3A_50] : memref<10000x128xf32, #tpu.memory_space<hbm>> -> memref<10000x128xf32, #tpu.memory_space<hbm>>
    tpu.enqueue_indirect_dma source(%dma_start3A_51 : memref<10000x128xf32, #tpu.memory_space<hbm>>) target(%arg9 : memref<128x128xf32, #tpu.memory_space<vmem>>) offsets(%dma_start3A_48 : memref<128xi32, #tpu.memory_space<vmem>>) semaphore(%arg12 : memref<!tpu.dma_semaphore, #tpu.memory_space<semaphore_mem>>)
    %jit3A_52 = arith.constant 2 : i32
    %div3A = arith.divsi %select_n3A_28, %jit3A_52 : i32
    %sign3A = arith.constant 0 : i32
    %sign3A_53 = arith.cmpi sgt, %select_n3A_28, %sign3A : i32
    %sign3A_54 = arith.extui %sign3A_53 : i1 to i32
    %sign3A_55 = arith.constant 0 : i32
    %sign3A_56 = arith.cmpi slt, %select_n3A_28, %sign3A_55 : i32
    %sign3A_57 = arith.extui %sign3A_56 : i1 to i32
    %sign3A_58 = arith.subi %sign3A_54, %sign3A_57 : i32
    %sign3A_59 = arith.constant 0 : i32
    %sign3A_60 = arith.cmpi sgt, %jit3A_52, %sign3A_59 : i32
    %sign3A_61 = arith.extui %sign3A_60 : i1 to i32
    %sign3A_62 = arith.constant 0 : i32
    %sign3A_63 = arith.cmpi slt, %jit3A_52, %sign3A_62 : i32
    %sign3A_64 = arith.extui %sign3A_63 : i1 to i32
    %sign3A_65 = arith.subi %sign3A_61, %sign3A_64 : i32
    %ne3A_66 = arith.cmpi ne, %sign3A_58, %sign3A_65 : i32
    %rem3A_67 = arith.remsi %select_n3A_28, %jit3A_52 : i32
    %ne3A_68 = arith.constant 0 : i32
    %ne3A_69 = arith.cmpi ne, %rem3A_67, %ne3A_68 : i32
    %and3A_70 = arith.andi %ne3A_66, %ne3A_69 : i1
    %sub3A_71 = arith.constant 1 : i32
    %sub3A_72 = arith.subi %div3A, %sub3A_71 : i32
    %select_n3A_73 = arith.select %and3A_70, %sub3A_72, %div3A : i32
    %while3A = arith.constant 0 : i32
    %while3A_74 = arith.constant 0 : i32
    %while3A_75 = arith.subi %select_n3A_73, %while3A_74 : i32
    %while3A_76 = arith.addi %while3A_74, %while3A_75 : i32
    %while3A_77 = arith.constant 1 : i32
    %while3A_78 = arith.divsi %while3A_75, %while3A_77 : i32
    %while3A_79 = arith.muli %while3A_78, %while3A_77 : i32
    %while3A_80 = arith.addi %while3A_74, %while3A_79 : i32
    %while3A_81 = arith.constant 1 : i32
    scf.for %while3A_177 = %while3A_74 to %while3A_80 step %while3A_81  : i32 {
      %mul3A_178 = arith.constant 2 : i32
      %mul3A_179 = arith.muli %while3A_177, %mul3A_178 : i32
      %dma_wait3A_180 = arith.constant 0 : i32
      %dma_wait3A_181 = arith.constant 0 : i32
      %dma_wait3A_182 = tpu.memref_slice %arg7[%dma_wait3A_180, %dma_wait3A_181] : memref<48x128xi32, #tpu.memory_space<vmem>> -> memref<1x128xi32, #tpu.memory_space<vmem>>
      %dma_wait3A_183 = tpu.memref_squeeze %dma_wait3A_182 : memref<1x128xi32, #tpu.memory_space<vmem>> -> memref<128xi32, #tpu.memory_space<vmem>>
      %dma_wait3A_184 = arith.constant 0 : i32
      %dma_wait3A_185 = arith.constant 0 : i32
      %dma_wait3A_186 = tpu.memref_slice %arg2[%dma_wait3A_184, %dma_wait3A_185] : memref<10000x128xf32, #tpu.memory_space<hbm>> -> memref<10000x128xf32, #tpu.memory_space<hbm>>
      tpu.wait_indirect_dma semaphore(%arg12 : memref<!tpu.dma_semaphore, #tpu.memory_space<semaphore_mem>>) src(%dma_wait3A_186 : memref<10000x128xf32, #tpu.memory_space<hbm>>) dst(%arg9 : memref<128x128xf32, #tpu.memory_space<vmem>>)
      %add3A_187 = arith.addi %sub3A_44, %mul3A_179 : i32
      %add3A_188 = arith.constant 1 : i32
      %add3A_189 = arith.addi %add3A_187, %add3A_188 : i32
      %dma_start3A_190 = arith.constant 0 : i32
      %dma_start3A_191 = tpu.memref_slice %arg7[%add3A_189, %dma_start3A_190] : memref<48x128xi32, #tpu.memory_space<vmem>> -> memref<1x128xi32, #tpu.memory_space<vmem>>
      %dma_start3A_192 = tpu.memref_squeeze %dma_start3A_191 : memref<1x128xi32, #tpu.memory_space<vmem>> -> memref<128xi32, #tpu.memory_space<vmem>>
      %dma_start3A_193 = arith.constant 0 : i32
      %dma_start3A_194 = arith.constant 0 : i32
      %dma_start3A_195 = tpu.memref_slice %arg2[%dma_start3A_193, %dma_start3A_194] : memref<10000x128xf32, #tpu.memory_space<hbm>> -> memref<10000x128xf32, #tpu.memory_space<hbm>>
      tpu.enqueue_indirect_dma source(%dma_start3A_195 : memref<10000x128xf32, #tpu.memory_space<hbm>>) target(%arg10 : memref<128x128xf32, #tpu.memory_space<vmem>>) offsets(%dma_start3A_192 : memref<128xi32, #tpu.memory_space<vmem>>) semaphore(%arg13 : memref<!tpu.dma_semaphore, #tpu.memory_space<semaphore_mem>>)
      %add3A_196 = arith.addi %sub3A_44, %mul3A_179 : i32
      "tpu.region"() ({
        %run_scoped3A = tpu.sem_alloc : memref<!tpu.dma_semaphore, #tpu.memory_space<semaphore_mem>>
        %dma_start3A_217 = arith.constant 0 : i32
        %dma_start3A_218 = tpu.memref_slice %arg8[%add3A_196, %dma_start3A_217] : memref<48x128xi32, #tpu.memory_space<vmem>> -> memref<1x128xi32, #tpu.memory_space<vmem>>
        %dma_start3A_219 = tpu.memref_squeeze %dma_start3A_218 : memref<1x128xi32, #tpu.memory_space<vmem>> -> memref<128xi32, #tpu.memory_space<vmem>>
        %dma_start3A_220 = arith.constant 0 : i32
        %dma_start3A_221 = arith.constant 0 : i32
        %dma_start3A_222 = tpu.memref_slice %arg11[%dma_start3A_220, %dma_start3A_221] : memref<10000x128xf32, #tpu.memory_space<vmem_shared>> -> memref<10000x128xf32, #tpu.memory_space<vmem_shared>>
        tpu.enqueue_indirect_dma source(%arg9 : memref<128x128xf32, #tpu.memory_space<vmem>>) target(%dma_start3A_222 : memref<10000x128xf32, #tpu.memory_space<vmem_shared>>) offsets(%dma_start3A_219 : memref<128xi32, #tpu.memory_space<vmem>>) semaphore(%run_scoped3A : memref<!tpu.dma_semaphore, #tpu.memory_space<semaphore_mem>>) {add = true}
        %dma_wait3A_223 = arith.constant 0 : i32
        %dma_wait3A_224 = tpu.memref_slice %arg8[%add3A_196, %dma_wait3A_223] : memref<48x128xi32, #tpu.memory_space<vmem>> -> memref<1x128xi32, #tpu.memory_space<vmem>>
        %dma_wait3A_225 = tpu.memref_squeeze %dma_wait3A_224 : memref<1x128xi32, #tpu.memory_space<vmem>> -> memref<128xi32, #tpu.memory_space<vmem>>
        %dma_wait3A_226 = arith.constant 0 : i32
        %dma_wait3A_227 = arith.constant 0 : i32
        %dma_wait3A_228 = tpu.memref_slice %arg11[%dma_wait3A_226, %dma_wait3A_227] : memref<10000x128xf32, #tpu.memory_space<vmem_shared>> -> memref<10000x128xf32, #tpu.memory_space<vmem_shared>>
        tpu.wait_indirect_dma semaphore(%run_scoped3A : memref<!tpu.dma_semaphore, #tpu.memory_space<semaphore_mem>>) src(%arg9 : memref<128x128xf32, #tpu.memory_space<vmem>>) dst(%dma_wait3A_228 : memref<10000x128xf32, #tpu.memory_space<vmem_shared>>)
        tpu.yield
      }) : () -> ()
      %dma_wait3A_197 = arith.constant 0 : i32
      %dma_wait3A_198 = arith.constant 0 : i32
      %dma_wait3A_199 = tpu.memref_slice %arg7[%dma_wait3A_197, %dma_wait3A_198] : memref<48x128xi32, #tpu.memory_space<vmem>> -> memref<1x128xi32, #tpu.memory_space<vmem>>
      %dma_wait3A_200 = tpu.memref_squeeze %dma_wait3A_199 : memref<1x128xi32, #tpu.memory_space<vmem>> -> memref<128xi32, #tpu.memory_space<vmem>>
      %dma_wait3A_201 = arith.constant 0 : i32
      %dma_wait3A_202 = arith.constant 0 : i32
      %dma_wait3A_203 = tpu.memref_slice %arg2[%dma_wait3A_201, %dma_wait3A_202] : memref<10000x128xf32, #tpu.memory_space<hbm>> -> memref<10000x128xf32, #tpu.memory_space<hbm>>
      tpu.wait_indirect_dma semaphore(%arg13 : memref<!tpu.dma_semaphore, #tpu.memory_space<semaphore_mem>>) src(%dma_wait3A_203 : memref<10000x128xf32, #tpu.memory_space<hbm>>) dst(%arg10 : memref<128x128xf32, #tpu.memory_space<vmem>>)
      %add3A_204 = arith.constant 2 : i32
      %add3A_205 = arith.addi %mul3A_179, %add3A_204 : i32
      %min3A_206 = arith.minsi %add3A_205, %sub3A_46 : i32
      %add3A_207 = arith.addi %sub3A_44, %min3A_206 : i32
      %dma_start3A_208 = arith.constant 0 : i32
      %dma_start3A_209 = tpu.memref_slice %arg7[%add3A_207, %dma_start3A_208] : memref<48x128xi32, #tpu.memory_space<vmem>> -> memref<1x128xi32, #tpu.memory_space<vmem>>
      %dma_start3A_210 = tpu.memref_squeeze %dma_start3A_209 : memref<1x128xi32, #tpu.memory_space<vmem>> -> memref<128xi32, #tpu.memory_space<vmem>>
      %dma_start3A_211 = arith.constant 0 : i32
      %dma_start3A_212 = arith.constant 0 : i32
      %dma_start3A_213 = tpu.memref_slice %arg2[%dma_start3A_211, %dma_start3A_212] : memref<10000x128xf32, #tpu.memory_space<hbm>> -> memref<10000x128xf32, #tpu.memory_space<hbm>>
      tpu.enqueue_indirect_dma source(%dma_start3A_213 : memref<10000x128xf32, #tpu.memory_space<hbm>>) target(%arg9 : memref<128x128xf32, #tpu.memory_space<vmem>>) offsets(%dma_start3A_210 : memref<128xi32, #tpu.memory_space<vmem>>) semaphore(%arg12 : memref<!tpu.dma_semaphore, #tpu.memory_space<semaphore_mem>>)
      %add3A_214 = arith.addi %sub3A_44, %mul3A_179 : i32
      %add3A_215 = arith.constant 1 : i32
      %add3A_216 = arith.addi %add3A_214, %add3A_215 : i32
      "tpu.region"() ({
        %run_scoped3A = tpu.sem_alloc : memref<!tpu.dma_semaphore, #tpu.memory_space<semaphore_mem>>
        %dma_start3A_217 = arith.constant 0 : i32
        %dma_start3A_218 = tpu.memref_slice %arg8[%add3A_216, %dma_start3A_217] : memref<48x128xi32, #tpu.memory_space<vmem>> -> memref<1x128xi32, #tpu.memory_space<vmem>>
        %dma_start3A_219 = tpu.memref_squeeze %dma_start3A_218 : memref<1x128xi32, #tpu.memory_space<vmem>> -> memref<128xi32, #tpu.memory_space<vmem>>
        %dma_start3A_220 = arith.constant 0 : i32
        %dma_start3A_221 = arith.constant 0 : i32
        %dma_start3A_222 = tpu.memref_slice %arg11[%dma_start3A_220, %dma_start3A_221] : memref<10000x128xf32, #tpu.memory_space<vmem_shared>> -> memref<10000x128xf32, #tpu.memory_space<vmem_shared>>
        tpu.enqueue_indirect_dma source(%arg10 : memref<128x128xf32, #tpu.memory_space<vmem>>) target(%dma_start3A_222 : memref<10000x128xf32, #tpu.memory_space<vmem_shared>>) offsets(%dma_start3A_219 : memref<128xi32, #tpu.memory_space<vmem>>) semaphore(%run_scoped3A : memref<!tpu.dma_semaphore, #tpu.memory_space<semaphore_mem>>) {add = true}
        %dma_wait3A_223 = arith.constant 0 : i32
        %dma_wait3A_224 = tpu.memref_slice %arg8[%add3A_216, %dma_wait3A_223] : memref<48x128xi32, #tpu.memory_space<vmem>> -> memref<1x128xi32, #tpu.memory_space<vmem>>
        %dma_wait3A_225 = tpu.memref_squeeze %dma_wait3A_224 : memref<1x128xi32, #tpu.memory_space<vmem>> -> memref<128xi32, #tpu.memory_space<vmem>>
        %dma_wait3A_226 = arith.constant 0 : i32
        %dma_wait3A_227 = arith.constant 0 : i32
        %dma_wait3A_228 = tpu.memref_slice %arg11[%dma_wait3A_226, %dma_wait3A_227] : memref<10000x128xf32, #tpu.memory_space<vmem_shared>> -> memref<10000x128xf32, #tpu.memory_space<vmem_shared>>
        tpu.wait_indirect_dma semaphore(%run_scoped3A : memref<!tpu.dma_semaphore, #tpu.memory_space<semaphore_mem>>) src(%arg10 : memref<128x128xf32, #tpu.memory_space<vmem>>) dst(%dma_wait3A_228 : memref<10000x128xf32, #tpu.memory_space<vmem_shared>>)
        tpu.yield
      }) : () -> ()
    }
    %while3A_82 = arith.constant 1 : i32
    scf.for %while3A_177 = %while3A_80 to %while3A_76 step %while3A_82  : i32 {
      %mul3A_178 = arith.constant 2 : i32
      %mul3A_179 = arith.muli %while3A_177, %mul3A_178 : i32
      %dma_wait3A_180 = arith.constant 0 : i32
      %dma_wait3A_181 = arith.constant 0 : i32
      %dma_wait3A_182 = tpu.memref_slice %arg7[%dma_wait3A_180, %dma_wait3A_181] : memref<48x128xi32, #tpu.memory_space<vmem>> -> memref<1x128xi32, #tpu.memory_space<vmem>>
      %dma_wait3A_183 = tpu.memref_squeeze %dma_wait3A_182 : memref<1x128xi32, #tpu.memory_space<vmem>> -> memref<128xi32, #tpu.memory_space<vmem>>
      %dma_wait3A_184 = arith.constant 0 : i32
      %dma_wait3A_185 = arith.constant 0 : i32
      %dma_wait3A_186 = tpu.memref_slice %arg2[%dma_wait3A_184, %dma_wait3A_185] : memref<10000x128xf32, #tpu.memory_space<hbm>> -> memref<10000x128xf32, #tpu.memory_space<hbm>>
      tpu.wait_indirect_dma semaphore(%arg12 : memref<!tpu.dma_semaphore, #tpu.memory_space<semaphore_mem>>) src(%dma_wait3A_186 : memref<10000x128xf32, #tpu.memory_space<hbm>>) dst(%arg9 : memref<128x128xf32, #tpu.memory_space<vmem>>)
      %add3A_187 = arith.addi %sub3A_44, %mul3A_179 : i32
      %add3A_188 = arith.constant 1 : i32
      %add3A_189 = arith.addi %add3A_187, %add3A_188 : i32
      %dma_start3A_190 = arith.constant 0 : i32
      %dma_start3A_191 = tpu.memref_slice %arg7[%add3A_189, %dma_start3A_190] : memref<48x128xi32, #tpu.memory_space<vmem>> -> memref<1x128xi32, #tpu.memory_space<vmem>>
      %dma_start3A_192 = tpu.memref_squeeze %dma_start3A_191 : memref<1x128xi32, #tpu.memory_space<vmem>> -> memref<128xi32, #tpu.memory_space<vmem>>
      %dma_start3A_193 = arith.constant 0 : i32
      %dma_start3A_194 = arith.constant 0 : i32
      %dma_start3A_195 = tpu.memref_slice %arg2[%dma_start3A_193, %dma_start3A_194] : memref<10000x128xf32, #tpu.memory_space<hbm>> -> memref<10000x128xf32, #tpu.memory_space<hbm>>
      tpu.enqueue_indirect_dma source(%dma_start3A_195 : memref<10000x128xf32, #tpu.memory_space<hbm>>) target(%arg10 : memref<128x128xf32, #tpu.memory_space<vmem>>) offsets(%dma_start3A_192 : memref<128xi32, #tpu.memory_space<vmem>>) semaphore(%arg13 : memref<!tpu.dma_semaphore, #tpu.memory_space<semaphore_mem>>)
      %add3A_196 = arith.addi %sub3A_44, %mul3A_179 : i32
      "tpu.region"() ({
        %run_scoped3A = tpu.sem_alloc : memref<!tpu.dma_semaphore, #tpu.memory_space<semaphore_mem>>
        %dma_start3A_217 = arith.constant 0 : i32
        %dma_start3A_218 = tpu.memref_slice %arg8[%add3A_196, %dma_start3A_217] : memref<48x128xi32, #tpu.memory_space<vmem>> -> memref<1x128xi32, #tpu.memory_space<vmem>>
        %dma_start3A_219 = tpu.memref_squeeze %dma_start3A_218 : memref<1x128xi32, #tpu.memory_space<vmem>> -> memref<128xi32, #tpu.memory_space<vmem>>
        %dma_start3A_220 = arith.constant 0 : i32
        %dma_start3A_221 = arith.constant 0 : i32
        %dma_start3A_222 = tpu.memref_slice %arg11[%dma_start3A_220, %dma_start3A_221] : memref<10000x128xf32, #tpu.memory_space<vmem_shared>> -> memref<10000x128xf32, #tpu.memory_space<vmem_shared>>
        tpu.enqueue_indirect_dma source(%arg9 : memref<128x128xf32, #tpu.memory_space<vmem>>) target(%dma_start3A_222 : memref<10000x128xf32, #tpu.memory_space<vmem_shared>>) offsets(%dma_start3A_219 : memref<128xi32, #tpu.memory_space<vmem>>) semaphore(%run_scoped3A : memref<!tpu.dma_semaphore, #tpu.memory_space<semaphore_mem>>) {add = true}
        %dma_wait3A_223 = arith.constant 0 : i32
        %dma_wait3A_224 = tpu.memref_slice %arg8[%add3A_196, %dma_wait3A_223] : memref<48x128xi32, #tpu.memory_space<vmem>> -> memref<1x128xi32, #tpu.memory_space<vmem>>
        %dma_wait3A_225 = tpu.memref_squeeze %dma_wait3A_224 : memref<1x128xi32, #tpu.memory_space<vmem>> -> memref<128xi32, #tpu.memory_space<vmem>>
        %dma_wait3A_226 = arith.constant 0 : i32
        %dma_wait3A_227 = arith.constant 0 : i32
        %dma_wait3A_228 = tpu.memref_slice %arg11[%dma_wait3A_226, %dma_wait3A_227] : memref<10000x128xf32, #tpu.memory_space<vmem_shared>> -> memref<10000x128xf32, #tpu.memory_space<vmem_shared>>
        tpu.wait_indirect_dma semaphore(%run_scoped3A : memref<!tpu.dma_semaphore, #tpu.memory_space<semaphore_mem>>) src(%arg9 : memref<128x128xf32, #tpu.memory_space<vmem>>) dst(%dma_wait3A_228 : memref<10000x128xf32, #tpu.memory_space<vmem_shared>>)
        tpu.yield
      }) : () -> ()
      %dma_wait3A_197 = arith.constant 0 : i32
      %dma_wait3A_198 = arith.constant 0 : i32
      %dma_wait3A_199 = tpu.memref_slice %arg7[%dma_wait3A_197, %dma_wait3A_198] : memref<48x128xi32, #tpu.memory_space<vmem>> -> memref<1x128xi32, #tpu.memory_space<vmem>>
      %dma_wait3A_200 = tpu.memref_squeeze %dma_wait3A_199 : memref<1x128xi32, #tpu.memory_space<vmem>> -> memref<128xi32, #tpu.memory_space<vmem>>
      %dma_wait3A_201 = arith.constant 0 : i32
      %dma_wait3A_202 = arith.constant 0 : i32
      %dma_wait3A_203 = tpu.memref_slice %arg2[%dma_wait3A_201, %dma_wait3A_202] : memref<10000x128xf32, #tpu.memory_space<hbm>> -> memref<10000x128xf32, #tpu.memory_space<hbm>>
      tpu.wait_indirect_dma semaphore(%arg13 : memref<!tpu.dma_semaphore, #tpu.memory_space<semaphore_mem>>) src(%dma_wait3A_203 : memref<10000x128xf32, #tpu.memory_space<hbm>>) dst(%arg10 : memref<128x128xf32, #tpu.memory_space<vmem>>)
      %add3A_204 = arith.constant 2 : i32
      %add3A_205 = arith.addi %mul3A_179, %add3A_204 : i32
      %min3A_206 = arith.minsi %add3A_205, %sub3A_46 : i32
      %add3A_207 = arith.addi %sub3A_44, %min3A_206 : i32
      %dma_start3A_208 = arith.constant 0 : i32
      %dma_start3A_209 = tpu.memref_slice %arg7[%add3A_207, %dma_start3A_208] : memref<48x128xi32, #tpu.memory_space<vmem>> -> memref<1x128xi32, #tpu.memory_space<vmem>>
      %dma_start3A_210 = tpu.memref_squeeze %dma_start3A_209 : memref<1x128xi32, #tpu.memory_space<vmem>> -> memref<128xi32, #tpu.memory_space<vmem>>
      %dma_start3A_211 = arith.constant 0 : i32
      %dma_start3A_212 = arith.constant 0 : i32
      %dma_start3A_213 = tpu.memref_slice %arg2[%dma_start3A_211, %dma_start3A_212] : memref<10000x128xf32, #tpu.memory_space<hbm>> -> memref<10000x128xf32, #tpu.memory_space<hbm>>
      tpu.enqueue_indirect_dma source(%dma_start3A_213 : memref<10000x128xf32, #tpu.memory_space<hbm>>) target(%arg9 : memref<128x128xf32, #tpu.memory_space<vmem>>) offsets(%dma_start3A_210 : memref<128xi32, #tpu.memory_space<vmem>>) semaphore(%arg12 : memref<!tpu.dma_semaphore, #tpu.memory_space<semaphore_mem>>)
      %add3A_214 = arith.addi %sub3A_44, %mul3A_179 : i32
      %add3A_215 = arith.constant 1 : i32
      %add3A_216 = arith.addi %add3A_214, %add3A_215 : i32
      "tpu.region"() ({
        %run_scoped3A = tpu.sem_alloc : memref<!tpu.dma_semaphore, #tpu.memory_space<semaphore_mem>>
        %dma_start3A_217 = arith.constant 0 : i32
        %dma_start3A_218 = tpu.memref_slice %arg8[%add3A_216, %dma_start3A_217] : memref<48x128xi32, #tpu.memory_space<vmem>> -> memref<1x128xi32, #tpu.memory_space<vmem>>
        %dma_start3A_219 = tpu.memref_squeeze %dma_start3A_218 : memref<1x128xi32, #tpu.memory_space<vmem>> -> memref<128xi32, #tpu.memory_space<vmem>>
        %dma_start3A_220 = arith.constant 0 : i32
        %dma_start3A_221 = arith.constant 0 : i32
        %dma_start3A_222 = tpu.memref_slice %arg11[%dma_start3A_220, %dma_start3A_221] : memref<10000x128xf32, #tpu.memory_space<vmem_shared>> -> memref<10000x128xf32, #tpu.memory_space<vmem_shared>>
        tpu.enqueue_indirect_dma source(%arg10 : memref<128x128xf32, #tpu.memory_space<vmem>>) target(%dma_start3A_222 : memref<10000x128xf32, #tpu.memory_space<vmem_shared>>) offsets(%dma_start3A_219 : memref<128xi32, #tpu.memory_space<vmem>>) semaphore(%run_scoped3A : memref<!tpu.dma_semaphore, #tpu.memory_space<semaphore_mem>>) {add = true}
        %dma_wait3A_223 = arith.constant 0 : i32
        %dma_wait3A_224 = tpu.memref_slice %arg8[%add3A_216, %dma_wait3A_223] : memref<48x128xi32, #tpu.memory_space<vmem>> -> memref<1x128xi32, #tpu.memory_space<vmem>>
        %dma_wait3A_225 = tpu.memref_squeeze %dma_wait3A_224 : memref<1x128xi32, #tpu.memory_space<vmem>> -> memref<128xi32, #tpu.memory_space<vmem>>
        %dma_wait3A_226 = arith.constant 0 : i32
        %dma_wait3A_227 = arith.constant 0 : i32
        %dma_wait3A_228 = tpu.memref_slice %arg11[%dma_wait3A_226, %dma_wait3A_227] : memref<10000x128xf32, #tpu.memory_space<vmem_shared>> -> memref<10000x128xf32, #tpu.memory_space<vmem_shared>>
        tpu.wait_indirect_dma semaphore(%run_scoped3A : memref<!tpu.dma_semaphore, #tpu.memory_space<semaphore_mem>>) src(%arg10 : memref<128x128xf32, #tpu.memory_space<vmem>>) dst(%dma_wait3A_228 : memref<10000x128xf32, #tpu.memory_space<vmem_shared>>)
        tpu.yield
      }) : () -> ()
    }
    %dma_wait3A = arith.constant 0 : i32
    %dma_wait3A_83 = arith.constant 0 : i32
    %dma_wait3A_84 = tpu.memref_slice %arg7[%dma_wait3A, %dma_wait3A_83] : memref<48x128xi32, #tpu.memory_space<vmem>> -> memref<1x128xi32, #tpu.memory_space<vmem>>
    %dma_wait3A_85 = tpu.memref_squeeze %dma_wait3A_84 : memref<1x128xi32, #tpu.memory_space<vmem>> -> memref<128xi32, #tpu.memory_space<vmem>>
    %dma_wait3A_86 = arith.constant 0 : i32
    %dma_wait3A_87 = arith.constant 0 : i32
    %dma_wait3A_88 = tpu.memref_slice %arg2[%dma_wait3A_86, %dma_wait3A_87] : memref<10000x128xf32, #tpu.memory_space<hbm>> -> memref<10000x128xf32, #tpu.memory_space<hbm>>
    tpu.wait_indirect_dma semaphore(%arg12 : memref<!tpu.dma_semaphore, #tpu.memory_space<semaphore_mem>>) src(%dma_wait3A_88 : memref<10000x128xf32, #tpu.memory_space<hbm>>) dst(%arg9 : memref<128x128xf32, #tpu.memory_space<vmem>>)
    %add3A_89 = arith.constant 40 : i32
    %add3A_90 = arith.addi %select_n3A_12, %add3A_89 : i32
    %sub3A_91 = arith.constant 40 : i32
    %sub3A_92 = arith.subi %select_n3A, %sub3A_91 : i32
    %jit3A_93 = arith.constant false
    %jit3A_94 = arith.constant 40 : i32
    %select_n3A_95 = arith.select %jit3A_93, %jit3A_94, %sub3A_92 : i32
    %min3A_96 = arith.constant 2456 : i32
    %min3A_97 = arith.minsi %add3A_90, %min3A_96 : i32
    %jit3A_98 = arith.constant 8 : i32
    %eq3A_99 = arith.constant 0 : i32
    %eq3A_100 = arith.cmpi eq, %jit3A_98, %eq3A_99 : i32
    %jit3A_101 = arith.constant 1 : i32
    %select_n3A_102 = arith.select %eq3A_100, %jit3A_101, %jit3A_98 : i32
    %rem3A_103 = arith.remsi %min3A_97, %select_n3A_102 : i32
    %ne3A_104 = arith.constant 0 : i32
    %ne3A_105 = arith.cmpi ne, %rem3A_103, %ne3A_104 : i32
    %lt3A_106 = arith.constant 0 : i32
    %lt3A_107 = arith.cmpi slt, %rem3A_103, %lt3A_106 : i32
    %lt3A_108 = arith.constant 0 : i32
    %lt3A_109 = arith.cmpi slt, %select_n3A_102, %lt3A_108 : i32
    %ne3A_110 = arith.xori %lt3A_107, %lt3A_109 : i1
    %and3A_111 = arith.andi %ne3A_110, %ne3A_105 : i1
    %add3A_112 = arith.addi %rem3A_103, %select_n3A_102 : i32
    %select_n3A_113 = arith.select %and3A_111, %add3A_112, %rem3A_103 : i32
    %sub3A_114 = arith.subi %min3A_97, %select_n3A_113 : i32
    %multiple_of3A_115 = tpu.assume_multiple %sub3A_114, 8 : i32
    %sub3A_116 = arith.subi %add3A_90, %multiple_of3A_115 : i32
    %sub3A_117 = arith.constant 1 : i32
    %sub3A_118 = arith.subi %select_n3A_95, %sub3A_117 : i32
    "tpu.region"() ({
      %run_scoped3A = tpu.sem_alloc : memref<!tpu.dma_semaphore, #tpu.memory_space<semaphore_mem>>
      %dma_start3A_177 = arith.constant 0 : i32
      %dma_start3A_178 = tpu.memref_slice %arg3[%multiple_of3A_115, %dma_start3A_177] : memref<2504x128xi32, #tpu.memory_space<hbm>> -> memref<48x128xi32, #tpu.memory_space<hbm>>
      %dma_start3A_179 = arith.constant 0 : i32
      %dma_start3A_180 = tpu.memref_slice %arg3[%multiple_of3A_115, %dma_start3A_179] : memref<2504x128xi32, #tpu.memory_space<hbm>> -> memref<48x128xi32, #tpu.memory_space<hbm>>
      tpu.enqueue_dma source(%dma_start3A_180 : memref<48x128xi32, #tpu.memory_space<hbm>>) target(%arg7 : memref<48x128xi32, #tpu.memory_space<vmem>>) target_semaphore(%run_scoped3A : memref<!tpu.dma_semaphore, #tpu.memory_space<semaphore_mem>>)
      %dma_wait3A_181 = arith.constant 0 : i32
      %dma_wait3A_182 = tpu.memref_slice %arg3[%multiple_of3A_115, %dma_wait3A_181] : memref<2504x128xi32, #tpu.memory_space<hbm>> -> memref<48x128xi32, #tpu.memory_space<hbm>>
      %dma_wait3A_183 = arith.constant 0 : i32
      %dma_wait3A_184 = tpu.memref_slice %arg3[%multiple_of3A_115, %dma_wait3A_183] : memref<2504x128xi32, #tpu.memory_space<hbm>> -> memref<48x128xi32, #tpu.memory_space<hbm>>
      tpu.wait_dma2 semaphore(%run_scoped3A : memref<!tpu.dma_semaphore, #tpu.memory_space<semaphore_mem>>) src(%dma_wait3A_184 : memref<48x128xi32, #tpu.memory_space<hbm>>) dst(%arg7 : memref<48x128xi32, #tpu.memory_space<vmem>>)
      tpu.yield
    }) : () -> ()
    "tpu.region"() ({
      %run_scoped3A = tpu.sem_alloc : memref<!tpu.dma_semaphore, #tpu.memory_space<semaphore_mem>>
      %dma_start3A_177 = arith.constant 0 : i32
      %dma_start3A_178 = tpu.memref_slice %arg4[%multiple_of3A_115, %dma_start3A_177] : memref<2504x128xi32, #tpu.memory_space<hbm>> -> memref<48x128xi32, #tpu.memory_space<hbm>>
      %dma_start3A_179 = arith.constant 0 : i32
      %dma_start3A_180 = tpu.memref_slice %arg4[%multiple_of3A_115, %dma_start3A_179] : memref<2504x128xi32, #tpu.memory_space<hbm>> -> memref<48x128xi32, #tpu.memory_space<hbm>>
      tpu.enqueue_dma source(%dma_start3A_180 : memref<48x128xi32, #tpu.memory_space<hbm>>) target(%arg8 : memref<48x128xi32, #tpu.memory_space<vmem>>) target_semaphore(%run_scoped3A : memref<!tpu.dma_semaphore, #tpu.memory_space<semaphore_mem>>)
      %dma_wait3A_181 = arith.constant 0 : i32
      %dma_wait3A_182 = tpu.memref_slice %arg4[%multiple_of3A_115, %dma_wait3A_181] : memref<2504x128xi32, #tpu.memory_space<hbm>> -> memref<48x128xi32, #tpu.memory_space<hbm>>
      %dma_wait3A_183 = arith.constant 0 : i32
      %dma_wait3A_184 = tpu.memref_slice %arg4[%multiple_of3A_115, %dma_wait3A_183] : memref<2504x128xi32, #tpu.memory_space<hbm>> -> memref<48x128xi32, #tpu.memory_space<hbm>>
      tpu.wait_dma2 semaphore(%run_scoped3A : memref<!tpu.dma_semaphore, #tpu.memory_space<semaphore_mem>>) src(%dma_wait3A_184 : memref<48x128xi32, #tpu.memory_space<hbm>>) dst(%arg8 : memref<48x128xi32, #tpu.memory_space<vmem>>)
      tpu.yield
    }) : () -> ()
    %dma_start3A_119 = arith.constant 0 : i32
    %dma_start3A_120 = tpu.memref_slice %arg7[%sub3A_116, %dma_start3A_119] : memref<48x128xi32, #tpu.memory_space<vmem>> -> memref<1x128xi32, #tpu.memory_space<vmem>>
    %dma_start3A_121 = tpu.memref_squeeze %dma_start3A_120 : memref<1x128xi32, #tpu.memory_space<vmem>> -> memref<128xi32, #tpu.memory_space<vmem>>
    %dma_start3A_122 = arith.constant 0 : i32
    %dma_start3A_123 = arith.constant 0 : i32
    %dma_start3A_124 = tpu.memref_slice %arg2[%dma_start3A_122, %dma_start3A_123] : memref<10000x128xf32, #tpu.memory_space<hbm>> -> memref<10000x128xf32, #tpu.memory_space<hbm>>
    tpu.enqueue_indirect_dma source(%dma_start3A_124 : memref<10000x128xf32, #tpu.memory_space<hbm>>) target(%arg9 : memref<128x128xf32, #tpu.memory_space<vmem>>) offsets(%dma_start3A_121 : memref<128xi32, #tpu.memory_space<vmem>>) semaphore(%arg12 : memref<!tpu.dma_semaphore, #tpu.memory_space<semaphore_mem>>)
    %jit3A_125 = arith.constant 2 : i32
    %div3A_126 = arith.divsi %select_n3A_95, %jit3A_125 : i32
    %sign3A_127 = arith.constant 0 : i32
    %sign3A_128 = arith.cmpi sgt, %select_n3A_95, %sign3A_127 : i32
    %sign3A_129 = arith.extui %sign3A_128 : i1 to i32
    %sign3A_130 = arith.constant 0 : i32
    %sign3A_131 = arith.cmpi slt, %select_n3A_95, %sign3A_130 : i32
    %sign3A_132 = arith.extui %sign3A_131 : i1 to i32
    %sign3A_133 = arith.subi %sign3A_129, %sign3A_132 : i32
    %sign3A_134 = arith.constant 0 : i32
    %sign3A_135 = arith.cmpi sgt, %jit3A_125, %sign3A_134 : i32
    %sign3A_136 = arith.extui %sign3A_135 : i1 to i32
    %sign3A_137 = arith.constant 0 : i32
    %sign3A_138 = arith.cmpi slt, %jit3A_125, %sign3A_137 : i32
    %sign3A_139 = arith.extui %sign3A_138 : i1 to i32
    %sign3A_140 = arith.subi %sign3A_136, %sign3A_139 : i32
    %ne3A_141 = arith.cmpi ne, %sign3A_133, %sign3A_140 : i32
    %rem3A_142 = arith.remsi %select_n3A_95, %jit3A_125 : i32
    %ne3A_143 = arith.constant 0 : i32
    %ne3A_144 = arith.cmpi ne, %rem3A_142, %ne3A_143 : i32
    %and3A_145 = arith.andi %ne3A_141, %ne3A_144 : i1
    %sub3A_146 = arith.constant 1 : i32
    %sub3A_147 = arith.subi %div3A_126, %sub3A_146 : i32
    %select_n3A_148 = arith.select %and3A_145, %sub3A_147, %div3A_126 : i32
    %while3A_149 = arith.constant 0 : i32
    %while3A_150 = arith.constant 0 : i32
    %while3A_151 = arith.subi %select_n3A_148, %while3A_150 : i32
    %while3A_152 = arith.addi %while3A_150, %while3A_151 : i32
    %while3A_153 = arith.constant 1 : i32
    %while3A_154 = arith.divsi %while3A_151, %while3A_153 : i32
    %while3A_155 = arith.muli %while3A_154, %while3A_153 : i32
    %while3A_156 = arith.addi %while3A_150, %while3A_155 : i32
    %while3A_157 = arith.constant 1 : i32
    scf.for %while3A_177 = %while3A_150 to %while3A_156 step %while3A_157  : i32 {
      %mul3A_178 = arith.constant 2 : i32
      %mul3A_179 = arith.muli %while3A_177, %mul3A_178 : i32
      %dma_wait3A_180 = arith.constant 0 : i32
      %dma_wait3A_181 = arith.constant 0 : i32
      %dma_wait3A_182 = tpu.memref_slice %arg7[%dma_wait3A_180, %dma_wait3A_181] : memref<48x128xi32, #tpu.memory_space<vmem>> -> memref<1x128xi32, #tpu.memory_space<vmem>>
      %dma_wait3A_183 = tpu.memref_squeeze %dma_wait3A_182 : memref<1x128xi32, #tpu.memory_space<vmem>> -> memref<128xi32, #tpu.memory_space<vmem>>
      %dma_wait3A_184 = arith.constant 0 : i32
      %dma_wait3A_185 = arith.constant 0 : i32
      %dma_wait3A_186 = tpu.memref_slice %arg2[%dma_wait3A_184, %dma_wait3A_185] : memref<10000x128xf32, #tpu.memory_space<hbm>> -> memref<10000x128xf32, #tpu.memory_space<hbm>>
      tpu.wait_indirect_dma semaphore(%arg12 : memref<!tpu.dma_semaphore, #tpu.memory_space<semaphore_mem>>) src(%dma_wait3A_186 : memref<10000x128xf32, #tpu.memory_space<hbm>>) dst(%arg9 : memref<128x128xf32, #tpu.memory_space<vmem>>)
      %add3A_187 = arith.addi %sub3A_116, %mul3A_179 : i32
      %add3A_188 = arith.constant 1 : i32
      %add3A_189 = arith.addi %add3A_187, %add3A_188 : i32
      %dma_start3A_190 = arith.constant 0 : i32
      %dma_start3A_191 = tpu.memref_slice %arg7[%add3A_189, %dma_start3A_190] : memref<48x128xi32, #tpu.memory_space<vmem>> -> memref<1x128xi32, #tpu.memory_space<vmem>>
      %dma_start3A_192 = tpu.memref_squeeze %dma_start3A_191 : memref<1x128xi32, #tpu.memory_space<vmem>> -> memref<128xi32, #tpu.memory_space<vmem>>
      %dma_start3A_193 = arith.constant 0 : i32
      %dma_start3A_194 = arith.constant 0 : i32
      %dma_start3A_195 = tpu.memref_slice %arg2[%dma_start3A_193, %dma_start3A_194] : memref<10000x128xf32, #tpu.memory_space<hbm>> -> memref<10000x128xf32, #tpu.memory_space<hbm>>
      tpu.enqueue_indirect_dma source(%dma_start3A_195 : memref<10000x128xf32, #tpu.memory_space<hbm>>) target(%arg10 : memref<128x128xf32, #tpu.memory_space<vmem>>) offsets(%dma_start3A_192 : memref<128xi32, #tpu.memory_space<vmem>>) semaphore(%arg13 : memref<!tpu.dma_semaphore, #tpu.memory_space<semaphore_mem>>)
      %add3A_196 = arith.addi %sub3A_116, %mul3A_179 : i32
      "tpu.region"() ({
        %run_scoped3A = tpu.sem_alloc : memref<!tpu.dma_semaphore, #tpu.memory_space<semaphore_mem>>
        %dma_start3A_217 = arith.constant 0 : i32
        %dma_start3A_218 = tpu.memref_slice %arg8[%add3A_196, %dma_start3A_217] : memref<48x128xi32, #tpu.memory_space<vmem>> -> memref<1x128xi32, #tpu.memory_space<vmem>>
        %dma_start3A_219 = tpu.memref_squeeze %dma_start3A_218 : memref<1x128xi32, #tpu.memory_space<vmem>> -> memref<128xi32, #tpu.memory_space<vmem>>
        %dma_start3A_220 = arith.constant 0 : i32
        %dma_start3A_221 = arith.constant 0 : i32
        %dma_start3A_222 = tpu.memref_slice %arg11[%dma_start3A_220, %dma_start3A_221] : memref<10000x128xf32, #tpu.memory_space<vmem_shared>> -> memref<10000x128xf32, #tpu.memory_space<vmem_shared>>
        tpu.enqueue_indirect_dma source(%arg9 : memref<128x128xf32, #tpu.memory_space<vmem>>) target(%dma_start3A_222 : memref<10000x128xf32, #tpu.memory_space<vmem_shared>>) offsets(%dma_start3A_219 : memref<128xi32, #tpu.memory_space<vmem>>) semaphore(%run_scoped3A : memref<!tpu.dma_semaphore, #tpu.memory_space<semaphore_mem>>) {add = true}
        %dma_wait3A_223 = arith.constant 0 : i32
        %dma_wait3A_224 = tpu.memref_slice %arg8[%add3A_196, %dma_wait3A_223] : memref<48x128xi32, #tpu.memory_space<vmem>> -> memref<1x128xi32, #tpu.memory_space<vmem>>
        %dma_wait3A_225 = tpu.memref_squeeze %dma_wait3A_224 : memref<1x128xi32, #tpu.memory_space<vmem>> -> memref<128xi32, #tpu.memory_space<vmem>>
        %dma_wait3A_226 = arith.constant 0 : i32
        %dma_wait3A_227 = arith.constant 0 : i32
        %dma_wait3A_228 = tpu.memref_slice %arg11[%dma_wait3A_226, %dma_wait3A_227] : memref<10000x128xf32, #tpu.memory_space<vmem_shared>> -> memref<10000x128xf32, #tpu.memory_space<vmem_shared>>
        tpu.wait_indirect_dma semaphore(%run_scoped3A : memref<!tpu.dma_semaphore, #tpu.memory_space<semaphore_mem>>) src(%arg9 : memref<128x128xf32, #tpu.memory_space<vmem>>) dst(%dma_wait3A_228 : memref<10000x128xf32, #tpu.memory_space<vmem_shared>>)
        tpu.yield
      }) : () -> ()
      %dma_wait3A_197 = arith.constant 0 : i32
      %dma_wait3A_198 = arith.constant 0 : i32
      %dma_wait3A_199 = tpu.memref_slice %arg7[%dma_wait3A_197, %dma_wait3A_198] : memref<48x128xi32, #tpu.memory_space<vmem>> -> memref<1x128xi32, #tpu.memory_space<vmem>>
      %dma_wait3A_200 = tpu.memref_squeeze %dma_wait3A_199 : memref<1x128xi32, #tpu.memory_space<vmem>> -> memref<128xi32, #tpu.memory_space<vmem>>
      %dma_wait3A_201 = arith.constant 0 : i32
      %dma_wait3A_202 = arith.constant 0 : i32
      %dma_wait3A_203 = tpu.memref_slice %arg2[%dma_wait3A_201, %dma_wait3A_202] : memref<10000x128xf32, #tpu.memory_space<hbm>> -> memref<10000x128xf32, #tpu.memory_space<hbm>>
      tpu.wait_indirect_dma semaphore(%arg13 : memref<!tpu.dma_semaphore, #tpu.memory_space<semaphore_mem>>) src(%dma_wait3A_203 : memref<10000x128xf32, #tpu.memory_space<hbm>>) dst(%arg10 : memref<128x128xf32, #tpu.memory_space<vmem>>)
      %add3A_204 = arith.constant 2 : i32
      %add3A_205 = arith.addi %mul3A_179, %add3A_204 : i32
      %min3A_206 = arith.minsi %add3A_205, %sub3A_118 : i32
      %add3A_207 = arith.addi %sub3A_116, %min3A_206 : i32
      %dma_start3A_208 = arith.constant 0 : i32
      %dma_start3A_209 = tpu.memref_slice %arg7[%add3A_207, %dma_start3A_208] : memref<48x128xi32, #tpu.memory_space<vmem>> -> memref<1x128xi32, #tpu.memory_space<vmem>>
      %dma_start3A_210 = tpu.memref_squeeze %dma_start3A_209 : memref<1x128xi32, #tpu.memory_space<vmem>> -> memref<128xi32, #tpu.memory_space<vmem>>
      %dma_start3A_211 = arith.constant 0 : i32
      %dma_start3A_212 = arith.constant 0 : i32
      %dma_start3A_213 = tpu.memref_slice %arg2[%dma_start3A_211, %dma_start3A_212] : memref<10000x128xf32, #tpu.memory_space<hbm>> -> memref<10000x128xf32, #tpu.memory_space<hbm>>
      tpu.enqueue_indirect_dma source(%dma_start3A_213 : memref<10000x128xf32, #tpu.memory_space<hbm>>) target(%arg9 : memref<128x128xf32, #tpu.memory_space<vmem>>) offsets(%dma_start3A_210 : memref<128xi32, #tpu.memory_space<vmem>>) semaphore(%arg12 : memref<!tpu.dma_semaphore, #tpu.memory_space<semaphore_mem>>)
      %add3A_214 = arith.addi %sub3A_116, %mul3A_179 : i32
      %add3A_215 = arith.constant 1 : i32
      %add3A_216 = arith.addi %add3A_214, %add3A_215 : i32
      "tpu.region"() ({
        %run_scoped3A = tpu.sem_alloc : memref<!tpu.dma_semaphore, #tpu.memory_space<semaphore_mem>>
        %dma_start3A_217 = arith.constant 0 : i32
        %dma_start3A_218 = tpu.memref_slice %arg8[%add3A_216, %dma_start3A_217] : memref<48x128xi32, #tpu.memory_space<vmem>> -> memref<1x128xi32, #tpu.memory_space<vmem>>
        %dma_start3A_219 = tpu.memref_squeeze %dma_start3A_218 : memref<1x128xi32, #tpu.memory_space<vmem>> -> memref<128xi32, #tpu.memory_space<vmem>>
        %dma_start3A_220 = arith.constant 0 : i32
        %dma_start3A_221 = arith.constant 0 : i32
        %dma_start3A_222 = tpu.memref_slice %arg11[%dma_start3A_220, %dma_start3A_221] : memref<10000x128xf32, #tpu.memory_space<vmem_shared>> -> memref<10000x128xf32, #tpu.memory_space<vmem_shared>>
        tpu.enqueue_indirect_dma source(%arg10 : memref<128x128xf32, #tpu.memory_space<vmem>>) target(%dma_start3A_222 : memref<10000x128xf32, #tpu.memory_space<vmem_shared>>) offsets(%dma_start3A_219 : memref<128xi32, #tpu.memory_space<vmem>>) semaphore(%run_scoped3A : memref<!tpu.dma_semaphore, #tpu.memory_space<semaphore_mem>>) {add = true}
        %dma_wait3A_223 = arith.constant 0 : i32
        %dma_wait3A_224 = tpu.memref_slice %arg8[%add3A_216, %dma_wait3A_223] : memref<48x128xi32, #tpu.memory_space<vmem>> -> memref<1x128xi32, #tpu.memory_space<vmem>>
        %dma_wait3A_225 = tpu.memref_squeeze %dma_wait3A_224 : memref<1x128xi32, #tpu.memory_space<vmem>> -> memref<128xi32, #tpu.memory_space<vmem>>
        %dma_wait3A_226 = arith.constant 0 : i32
        %dma_wait3A_227 = arith.constant 0 : i32
        %dma_wait3A_228 = tpu.memref_slice %arg11[%dma_wait3A_226, %dma_wait3A_227] : memref<10000x128xf32, #tpu.memory_space<vmem_shared>> -> memref<10000x128xf32, #tpu.memory_space<vmem_shared>>
        tpu.wait_indirect_dma semaphore(%run_scoped3A : memref<!tpu.dma_semaphore, #tpu.memory_space<semaphore_mem>>) src(%arg10 : memref<128x128xf32, #tpu.memory_space<vmem>>) dst(%dma_wait3A_228 : memref<10000x128xf32, #tpu.memory_space<vmem_shared>>)
        tpu.yield
      }) : () -> ()
    }
    %while3A_158 = arith.constant 1 : i32
    scf.for %while3A_177 = %while3A_156 to %while3A_152 step %while3A_158  : i32 {
      %mul3A_178 = arith.constant 2 : i32
      %mul3A_179 = arith.muli %while3A_177, %mul3A_178 : i32
      %dma_wait3A_180 = arith.constant 0 : i32
      %dma_wait3A_181 = arith.constant 0 : i32
      %dma_wait3A_182 = tpu.memref_slice %arg7[%dma_wait3A_180, %dma_wait3A_181] : memref<48x128xi32, #tpu.memory_space<vmem>> -> memref<1x128xi32, #tpu.memory_space<vmem>>
      %dma_wait3A_183 = tpu.memref_squeeze %dma_wait3A_182 : memref<1x128xi32, #tpu.memory_space<vmem>> -> memref<128xi32, #tpu.memory_space<vmem>>
      %dma_wait3A_184 = arith.constant 0 : i32
      %dma_wait3A_185 = arith.constant 0 : i32
      %dma_wait3A_186 = tpu.memref_slice %arg2[%dma_wait3A_184, %dma_wait3A_185] : memref<10000x128xf32, #tpu.memory_space<hbm>> -> memref<10000x128xf32, #tpu.memory_space<hbm>>
      tpu.wait_indirect_dma semaphore(%arg12 : memref<!tpu.dma_semaphore, #tpu.memory_space<semaphore_mem>>) src(%dma_wait3A_186 : memref<10000x128xf32, #tpu.memory_space<hbm>>) dst(%arg9 : memref<128x128xf32, #tpu.memory_space<vmem>>)
      %add3A_187 = arith.addi %sub3A_116, %mul3A_179 : i32
      %add3A_188 = arith.constant 1 : i32
      %add3A_189 = arith.addi %add3A_187, %add3A_188 : i32
      %dma_start3A_190 = arith.constant 0 : i32
      %dma_start3A_191 = tpu.memref_slice %arg7[%add3A_189, %dma_start3A_190] : memref<48x128xi32, #tpu.memory_space<vmem>> -> memref<1x128xi32, #tpu.memory_space<vmem>>
      %dma_start3A_192 = tpu.memref_squeeze %dma_start3A_191 : memref<1x128xi32, #tpu.memory_space<vmem>> -> memref<128xi32, #tpu.memory_space<vmem>>
      %dma_start3A_193 = arith.constant 0 : i32
      %dma_start3A_194 = arith.constant 0 : i32
      %dma_start3A_195 = tpu.memref_slice %arg2[%dma_start3A_193, %dma_start3A_194] : memref<10000x128xf32, #tpu.memory_space<hbm>> -> memref<10000x128xf32, #tpu.memory_space<hbm>>
      tpu.enqueue_indirect_dma source(%dma_start3A_195 : memref<10000x128xf32, #tpu.memory_space<hbm>>) target(%arg10 : memref<128x128xf32, #tpu.memory_space<vmem>>) offsets(%dma_start3A_192 : memref<128xi32, #tpu.memory_space<vmem>>) semaphore(%arg13 : memref<!tpu.dma_semaphore, #tpu.memory_space<semaphore_mem>>)
      %add3A_196 = arith.addi %sub3A_116, %mul3A_179 : i32
      "tpu.region"() ({
        %run_scoped3A = tpu.sem_alloc : memref<!tpu.dma_semaphore, #tpu.memory_space<semaphore_mem>>
        %dma_start3A_217 = arith.constant 0 : i32
        %dma_start3A_218 = tpu.memref_slice %arg8[%add3A_196, %dma_start3A_217] : memref<48x128xi32, #tpu.memory_space<vmem>> -> memref<1x128xi32, #tpu.memory_space<vmem>>
        %dma_start3A_219 = tpu.memref_squeeze %dma_start3A_218 : memref<1x128xi32, #tpu.memory_space<vmem>> -> memref<128xi32, #tpu.memory_space<vmem>>
        %dma_start3A_220 = arith.constant 0 : i32
        %dma_start3A_221 = arith.constant 0 : i32
        %dma_start3A_222 = tpu.memref_slice %arg11[%dma_start3A_220, %dma_start3A_221] : memref<10000x128xf32, #tpu.memory_space<vmem_shared>> -> memref<10000x128xf32, #tpu.memory_space<vmem_shared>>
        tpu.enqueue_indirect_dma source(%arg9 : memref<128x128xf32, #tpu.memory_space<vmem>>) target(%dma_start3A_222 : memref<10000x128xf32, #tpu.memory_space<vmem_shared>>) offsets(%dma_start3A_219 : memref<128xi32, #tpu.memory_space<vmem>>) semaphore(%run_scoped3A : memref<!tpu.dma_semaphore, #tpu.memory_space<semaphore_mem>>) {add = true}
        %dma_wait3A_223 = arith.constant 0 : i32
        %dma_wait3A_224 = tpu.memref_slice %arg8[%add3A_196, %dma_wait3A_223] : memref<48x128xi32, #tpu.memory_space<vmem>> -> memref<1x128xi32, #tpu.memory_space<vmem>>
        %dma_wait3A_225 = tpu.memref_squeeze %dma_wait3A_224 : memref<1x128xi32, #tpu.memory_space<vmem>> -> memref<128xi32, #tpu.memory_space<vmem>>
        %dma_wait3A_226 = arith.constant 0 : i32
        %dma_wait3A_227 = arith.constant 0 : i32
        %dma_wait3A_228 = tpu.memref_slice %arg11[%dma_wait3A_226, %dma_wait3A_227] : memref<10000x128xf32, #tpu.memory_space<vmem_shared>> -> memref<10000x128xf32, #tpu.memory_space<vmem_shared>>
        tpu.wait_indirect_dma semaphore(%run_scoped3A : memref<!tpu.dma_semaphore, #tpu.memory_space<semaphore_mem>>) src(%arg9 : memref<128x128xf32, #tpu.memory_space<vmem>>) dst(%dma_wait3A_228 : memref<10000x128xf32, #tpu.memory_space<vmem_shared>>)
        tpu.yield
      }) : () -> ()
      %dma_wait3A_197 = arith.constant 0 : i32
      %dma_wait3A_198 = arith.constant 0 : i32
      %dma_wait3A_199 = tpu.memref_slice %arg7[%dma_wait3A_197, %dma_wait3A_198] : memref<48x128xi32, #tpu.memory_space<vmem>> -> memref<1x128xi32, #tpu.memory_space<vmem>>
      %dma_wait3A_200 = tpu.memref_squeeze %dma_wait3A_199 : memref<1x128xi32, #tpu.memory_space<vmem>> -> memref<128xi32, #tpu.memory_space<vmem>>
      %dma_wait3A_201 = arith.constant 0 : i32
      %dma_wait3A_202 = arith.constant 0 : i32
      %dma_wait3A_203 = tpu.memref_slice %arg2[%dma_wait3A_201, %dma_wait3A_202] : memref<10000x128xf32, #tpu.memory_space<hbm>> -> memref<10000x128xf32, #tpu.memory_space<hbm>>
      tpu.wait_indirect_dma semaphore(%arg13 : memref<!tpu.dma_semaphore, #tpu.memory_space<semaphore_mem>>) src(%dma_wait3A_203 : memref<10000x128xf32, #tpu.memory_space<hbm>>) dst(%arg10 : memref<128x128xf32, #tpu.memory_space<vmem>>)
      %add3A_204 = arith.constant 2 : i32
      %add3A_205 = arith.addi %mul3A_179, %add3A_204 : i32
      %min3A_206 = arith.minsi %add3A_205, %sub3A_118 : i32
      %add3A_207 = arith.addi %sub3A_116, %min3A_206 : i32
      %dma_start3A_208 = arith.constant 0 : i32
      %dma_start3A_209 = tpu.memref_slice %arg7[%add3A_207, %dma_start3A_208] : memref<48x128xi32, #tpu.memory_space<vmem>> -> memref<1x128xi32, #tpu.memory_space<vmem>>
      %dma_start3A_210 = tpu.memref_squeeze %dma_start3A_209 : memref<1x128xi32, #tpu.memory_space<vmem>> -> memref<128xi32, #tpu.memory_space<vmem>>
      %dma_start3A_211 = arith.constant 0 : i32
      %dma_start3A_212 = arith.constant 0 : i32
      %dma_start3A_213 = tpu.memref_slice %arg2[%dma_start3A_211, %dma_start3A_212] : memref<10000x128xf32, #tpu.memory_space<hbm>> -> memref<10000x128xf32, #tpu.memory_space<hbm>>
      tpu.enqueue_indirect_dma source(%dma_start3A_213 : memref<10000x128xf32, #tpu.memory_space<hbm>>) target(%arg9 : memref<128x128xf32, #tpu.memory_space<vmem>>) offsets(%dma_start3A_210 : memref<128xi32, #tpu.memory_space<vmem>>) semaphore(%arg12 : memref<!tpu.dma_semaphore, #tpu.memory_space<semaphore_mem>>)
      %add3A_214 = arith.addi %sub3A_116, %mul3A_179 : i32
      %add3A_215 = arith.constant 1 : i32
      %add3A_216 = arith.addi %add3A_214, %add3A_215 : i32
      "tpu.region"() ({
        %run_scoped3A = tpu.sem_alloc : memref<!tpu.dma_semaphore, #tpu.memory_space<semaphore_mem>>
        %dma_start3A_217 = arith.constant 0 : i32
        %dma_start3A_218 = tpu.memref_slice %arg8[%add3A_216, %dma_start3A_217] : memref<48x128xi32, #tpu.memory_space<vmem>> -> memref<1x128xi32, #tpu.memory_space<vmem>>
        %dma_start3A_219 = tpu.memref_squeeze %dma_start3A_218 : memref<1x128xi32, #tpu.memory_space<vmem>> -> memref<128xi32, #tpu.memory_space<vmem>>
        %dma_start3A_220 = arith.constant 0 : i32
        %dma_start3A_221 = arith.constant 0 : i32
        %dma_start3A_222 = tpu.memref_slice %arg11[%dma_start3A_220, %dma_start3A_221] : memref<10000x128xf32, #tpu.memory_space<vmem_shared>> -> memref<10000x128xf32, #tpu.memory_space<vmem_shared>>
        tpu.enqueue_indirect_dma source(%arg10 : memref<128x128xf32, #tpu.memory_space<vmem>>) target(%dma_start3A_222 : memref<10000x128xf32, #tpu.memory_space<vmem_shared>>) offsets(%dma_start3A_219 : memref<128xi32, #tpu.memory_space<vmem>>) semaphore(%run_scoped3A : memref<!tpu.dma_semaphore, #tpu.memory_space<semaphore_mem>>) {add = true}
        %dma_wait3A_223 = arith.constant 0 : i32
        %dma_wait3A_224 = tpu.memref_slice %arg8[%add3A_216, %dma_wait3A_223] : memref<48x128xi32, #tpu.memory_space<vmem>> -> memref<1x128xi32, #tpu.memory_space<vmem>>
        %dma_wait3A_225 = tpu.memref_squeeze %dma_wait3A_224 : memref<1x128xi32, #tpu.memory_space<vmem>> -> memref<128xi32, #tpu.memory_space<vmem>>
        %dma_wait3A_226 = arith.constant 0 : i32
        %dma_wait3A_227 = arith.constant 0 : i32
        %dma_wait3A_228 = tpu.memref_slice %arg11[%dma_wait3A_226, %dma_wait3A_227] : memref<10000x128xf32, #tpu.memory_space<vmem_shared>> -> memref<10000x128xf32, #tpu.memory_space<vmem_shared>>
        tpu.wait_indirect_dma semaphore(%run_scoped3A : memref<!tpu.dma_semaphore, #tpu.memory_space<semaphore_mem>>) src(%arg10 : memref<128x128xf32, #tpu.memory_space<vmem>>) dst(%dma_wait3A_228 : memref<10000x128xf32, #tpu.memory_space<vmem_shared>>)
        tpu.yield
      }) : () -> ()
    }
    %dma_wait3A_159 = arith.constant 0 : i32
    %dma_wait3A_160 = arith.constant 0 : i32
    %dma_wait3A_161 = tpu.memref_slice %arg7[%dma_wait3A_159, %dma_wait3A_160] : memref<48x128xi32, #tpu.memory_space<vmem>> -> memref<1x128xi32, #tpu.memory_space<vmem>>
    %dma_wait3A_162 = tpu.memref_squeeze %dma_wait3A_161 : memref<1x128xi32, #tpu.memory_space<vmem>> -> memref<128xi32, #tpu.memory_space<vmem>>
    %dma_wait3A_163 = arith.constant 0 : i32
    %dma_wait3A_164 = arith.constant 0 : i32
    %dma_wait3A_165 = tpu.memref_slice %arg2[%dma_wait3A_163, %dma_wait3A_164] : memref<10000x128xf32, #tpu.memory_space<hbm>> -> memref<10000x128xf32, #tpu.memory_space<hbm>>
    tpu.wait_indirect_dma semaphore(%arg12 : memref<!tpu.dma_semaphore, #tpu.memory_space<semaphore_mem>>) src(%dma_wait3A_165 : memref<10000x128xf32, #tpu.memory_space<hbm>>) dst(%arg9 : memref<128x128xf32, #tpu.memory_space<vmem>>)
    %barrier3A_166 = arith.constant 0 : index
    tpu.barrier barrier_id(%barrier3A_166)
    %lt3A_167 = arith.constant 15 : i32
    %lt3A_168 = arith.cmpi slt, %arg1, %lt3A_167 : i32
    %convert_element_type3A_169 = arith.extui %lt3A_168 : i1 to i32
    %cond3A_170 = arith.constant 0 : i32
    %cond3A_171 = arith.cmpi ne, %convert_element_type3A_169, %cond3A_170 : i32
    scf.if %cond3A_171 {
      "tpu.region"() ({
        %run_scoped3A = tpu.sem_alloc : memref<!tpu.dma_semaphore, #tpu.memory_space<semaphore_mem>>
        %dma_start3A_177 = arith.constant 0 : i32
        %dma_start3A_178 = tpu.memref_slice %arg6[%arg0, %mul3A_14, %dma_start3A_177] : memref<2x10000x128xf32, #tpu.memory_space<hbm>> -> memref<1x632x128xf32, #tpu.memory_space<hbm>>
        %dma_start3A_179 = tpu.memref_squeeze %dma_start3A_178 : memref<1x632x128xf32, #tpu.memory_space<hbm>> -> memref<632x128xf32, #tpu.memory_space<hbm>>
        %dma_start3A_180 = arith.constant 0 : i32
        %dma_start3A_181 = tpu.memref_slice %arg11[%mul3A_14, %dma_start3A_180] : memref<10000x128xf32, #tpu.memory_space<vmem_shared>> -> memref<632x128xf32, #tpu.memory_space<vmem_shared>>
        tpu.enqueue_dma source(%dma_start3A_181 : memref<632x128xf32, #tpu.memory_space<vmem_shared>>) target(%dma_start3A_179 : memref<632x128xf32, #tpu.memory_space<hbm>>) target_semaphore(%run_scoped3A : memref<!tpu.dma_semaphore, #tpu.memory_space<semaphore_mem>>)
        %dma_wait3A_182 = arith.constant 0 : i32
        %dma_wait3A_183 = tpu.memref_slice %arg6[%arg0, %mul3A_14, %dma_wait3A_182] : memref<2x10000x128xf32, #tpu.memory_space<hbm>> -> memref<1x632x128xf32, #tpu.memory_space<hbm>>
        %dma_wait3A_184 = tpu.memref_squeeze %dma_wait3A_183 : memref<1x632x128xf32, #tpu.memory_space<hbm>> -> memref<632x128xf32, #tpu.memory_space<hbm>>
        %dma_wait3A_185 = arith.constant 0 : i32
        %dma_wait3A_186 = tpu.memref_slice %arg11[%mul3A_14, %dma_wait3A_185] : memref<10000x128xf32, #tpu.memory_space<vmem_shared>> -> memref<632x128xf32, #tpu.memory_space<vmem_shared>>
        tpu.wait_dma2 semaphore(%run_scoped3A : memref<!tpu.dma_semaphore, #tpu.memory_space<semaphore_mem>>) src(%dma_wait3A_186 : memref<632x128xf32, #tpu.memory_space<vmem_shared>>) dst(%dma_wait3A_184 : memref<632x128xf32, #tpu.memory_space<hbm>>)
        tpu.yield
      }) : () -> ()
    } else {
    }
    %eq3A_172 = arith.constant 15 : i32
    %eq3A_173 = arith.cmpi eq, %arg1, %eq3A_172 : i32
    %convert_element_type3A_174 = arith.extui %eq3A_173 : i1 to i32
    %cond3A_175 = arith.constant 0 : i32
    %cond3A_176 = arith.cmpi ne, %convert_element_type3A_174, %cond3A_175 : i32
    scf.if %cond3A_176 {
      "tpu.region"() ({
        %run_scoped3A = tpu.sem_alloc : memref<!tpu.dma_semaphore, #tpu.memory_space<semaphore_mem>>
        %dma_start3A_177 = arith.constant 9480 : i32
        %dma_start3A_178 = arith.constant 0 : i32
        %dma_start3A_179 = tpu.memref_slice %arg6[%arg0, %dma_start3A_177, %dma_start3A_178] : memref<2x10000x128xf32, #tpu.memory_space<hbm>> -> memref<1x520x128xf32, #tpu.memory_space<hbm>>
        %dma_start3A_180 = tpu.memref_squeeze %dma_start3A_179 : memref<1x520x128xf32, #tpu.memory_space<hbm>> -> memref<520x128xf32, #tpu.memory_space<hbm>>
        %dma_start3A_181 = arith.constant 9480 : i32
        %dma_start3A_182 = arith.constant 0 : i32
        %dma_start3A_183 = tpu.memref_slice %arg11[%dma_start3A_181, %dma_start3A_182] : memref<10000x128xf32, #tpu.memory_space<vmem_shared>> -> memref<520x128xf32, #tpu.memory_space<vmem_shared>>
        tpu.enqueue_dma source(%dma_start3A_183 : memref<520x128xf32, #tpu.memory_space<vmem_shared>>) target(%dma_start3A_180 : memref<520x128xf32, #tpu.memory_space<hbm>>) target_semaphore(%run_scoped3A : memref<!tpu.dma_semaphore, #tpu.memory_space<semaphore_mem>>)
        %dma_wait3A_184 = arith.constant 9480 : i32
        %dma_wait3A_185 = arith.constant 0 : i32
        %dma_wait3A_186 = tpu.memref_slice %arg6[%arg0, %dma_wait3A_184, %dma_wait3A_185] : memref<2x10000x128xf32, #tpu.memory_space<hbm>> -> memref<1x520x128xf32, #tpu.memory_space<hbm>>
        %dma_wait3A_187 = tpu.memref_squeeze %dma_wait3A_186 : memref<1x520x128xf32, #tpu.memory_space<hbm>> -> memref<520x128xf32, #tpu.memory_space<hbm>>
        %dma_wait3A_188 = arith.constant 9480 : i32
        %dma_wait3A_189 = arith.constant 0 : i32
        %dma_wait3A_190 = tpu.memref_slice %arg11[%dma_wait3A_188, %dma_wait3A_189] : memref<10000x128xf32, #tpu.memory_space<vmem_shared>> -> memref<520x128xf32, #tpu.memory_space<vmem_shared>>
        tpu.wait_dma2 semaphore(%run_scoped3A : memref<!tpu.dma_semaphore, #tpu.memory_space<semaphore_mem>>) src(%dma_wait3A_190 : memref<520x128xf32, #tpu.memory_space<vmem_shared>>) dst(%dma_wait3A_187 : memref<520x128xf32, #tpu.memory_space<hbm>>)
        tpu.yield
      }) : () -> ()
    } else {
    }
    return
  }
}

#map = affine_map<(d0, d1) -> (0, 0)>
#map1 = affine_map<(d0, d1) -> (0, 0, 0)>
module attributes {stable_mosaic.version = 14 : i64} {
  func.func @k(%arg0: i32, %arg1: i32, %arg2: memref<10000x128xf32, #tpu.memory_space<hbm>>, %arg3: memref<2504x128xi32, #tpu.memory_space<hbm>>, %arg4: memref<2504x128xi32, #tpu.memory_space<hbm>>, %arg5: memref<10000x128xf32, #tpu.memory_space<hbm>>, %arg6: memref<2x10000x128xf32, #tpu.memory_space<hbm>>, %arg7: memref<48x128xi32, #tpu.memory_space<vmem>>, %arg8: memref<48x128xi32, #tpu.memory_space<vmem>>, %arg9: memref<128x128xf32, #tpu.memory_space<vmem>>, %arg10: memref<128x128xf32, #tpu.memory_space<vmem>>, %arg11: memref<10000x128xf32, #tpu.memory_space<vmem_shared>>, %arg12: memref<!tpu.dma_semaphore, #tpu.memory_space<semaphore_mem>>, %arg13: memref<!tpu.dma_semaphore, #tpu.memory_space<semaphore_mem>>) attributes {dimension_semantics = [#tpu.dimension_semantics<core_parallel>, #tpu.dimension_semantics<subcore_parallel>], iteration_bounds = array<i64: 2, 16>, scalar_prefetch = 0 : i64, scratch_operands = 7 : i64, tpu.core_type = #tpu.core_type<sc_vector_subcore>, window_params = [{transform_indices = #map}, {transform_indices = #map}, {transform_indices = #map}, {transform_indices = #map}, {transform_indices = #map1}]} {
    %mul3A = arith.constant 16 : i32
    %mul3A_0 = arith.muli %arg0, %mul3A : i32
    %add3A = arith.addi %mul3A_0, %arg1 : i32
    %lt3A = arith.constant 2 : i32
    %lt3A_1 = arith.cmpi slt, %add3A, %lt3A : i32
    %jit3A = arith.constant 80 : i32
    %jit3A_2 = arith.constant 78 : i32
    %select_n3A = arith.select %lt3A_1, %jit3A, %jit3A_2 : i32
    %lt3A_3 = arith.constant 2 : i32
    %lt3A_4 = arith.cmpi slt, %add3A, %lt3A_3 : i32
    %mul3A_5 = arith.constant 80 : i32
    %mul3A_6 = arith.muli %mul3A_5, %add3A : i32
    %sub3A = arith.constant 2 : i32
    %sub3A_7 = arith.subi %add3A, %sub3A : i32
    %mul3A_8 = arith.constant 78 : i32
    %mul3A_9 = arith.muli %mul3A_8, %sub3A_7 : i32
    %add3A_10 = arith.constant 160 : i32
    %add3A_11 = arith.addi %add3A_10, %mul3A_9 : i32
    %select_n3A_12 = arith.select %lt3A_4, %mul3A_6, %add3A_11 : i32
    %mul3A_13 = arith.constant 632 : i32
    %mul3A_14 = arith.muli %arg1, %mul3A_13 : i32
    %lt3A_15 = arith.constant 15 : i32
    %lt3A_16 = arith.cmpi slt, %arg1, %lt3A_15 : i32
    %convert_element_type3A = arith.extui %lt3A_16 : i1 to i32
    %cond3A = arith.constant 0 : i32
    %cond3A_17 = arith.cmpi ne, %convert_element_type3A, %cond3A : i32
    scf.if %cond3A_17 {
      "tpu.region"() ({
        %run_scoped3A = tpu.sem_alloc : memref<!tpu.dma_semaphore, #tpu.memory_space<semaphore_mem>>
        %dma_start3A_177 = arith.constant 0 : i32
        %dma_start3A_178 = tpu.memref_slice %arg11[%mul3A_14, %dma_start3A_177] : memref<10000x128xf32, #tpu.memory_space<vmem_shared>> -> memref<632x128xf32, #tpu.memory_space<vmem_shared>>
        %dma_start3A_179 = arith.constant 0 : i32
        %dma_start3A_180 = tpu.memref_slice %arg5[%mul3A_14, %dma_start3A_179] : memref<10000x128xf32, #tpu.memory_space<hbm>> -> memref<632x128xf32, #tpu.memory_space<hbm>>
        tpu.enqueue_dma source(%dma_start3A_180 : memref<632x128xf32, #tpu.memory_space<hbm>>) target(%dma_start3A_178 : memref<632x128xf32, #tpu.memory_space<vmem_shared>>) target_semaphore(%run_scoped3A : memref<!tpu.dma_semaphore, #tpu.memory_space<semaphore_mem>>)
        %dma_wait3A_181 = arith.constant 0 : i32
        %dma_wait3A_182 = tpu.memref_slice %arg11[%mul3A_14, %dma_wait3A_181] : memref<10000x128xf32, #tpu.memory_space<vmem_shared>> -> memref<632x128xf32, #tpu.memory_space<vmem_shared>>
        %dma_wait3A_183 = arith.constant 0 : i32
        %dma_wait3A_184 = tpu.memref_slice %arg5[%mul3A_14, %dma_wait3A_183] : memref<10000x128xf32, #tpu.memory_space<hbm>> -> memref<632x128xf32, #tpu.memory_space<hbm>>
        tpu.wait_dma2 semaphore(%run_scoped3A : memref<!tpu.dma_semaphore, #tpu.memory_space<semaphore_mem>>) src(%dma_wait3A_184 : memref<632x128xf32, #tpu.memory_space<hbm>>) dst(%dma_wait3A_182 : memref<632x128xf32, #tpu.memory_space<vmem_shared>>)
        tpu.yield
      }) : () -> ()
    } else {
    }
    %eq3A = arith.constant 15 : i32
    %eq3A_18 = arith.cmpi eq, %arg1, %eq3A : i32
    %convert_element_type3A_19 = arith.extui %eq3A_18 : i1 to i32
    %cond3A_20 = arith.constant 0 : i32
    %cond3A_21 = arith.cmpi ne, %convert_element_type3A_19, %cond3A_20 : i32
    scf.if %cond3A_21 {
      "tpu.region"() ({
        %run_scoped3A = tpu.sem_alloc : memref<!tpu.dma_semaphore, #tpu.memory_space<semaphore_mem>>
        %dma_start3A_177 = arith.constant 9480 : i32
        %dma_start3A_178 = arith.constant 0 : i32
        %dma_start3A_179 = tpu.memref_slice %arg11[%dma_start3A_177, %dma_start3A_178] : memref<10000x128xf32, #tpu.memory_space<vmem_shared>> -> memref<520x128xf32, #tpu.memory_space<vmem_shared>>
        %dma_start3A_180 = arith.constant 9480 : i32
        %dma_start3A_181 = arith.constant 0 : i32
        %dma_start3A_182 = tpu.memref_slice %arg5[%dma_start3A_180, %dma_start3A_181] : memref<10000x128xf32, #tpu.memory_space<hbm>> -> memref<520x128xf32, #tpu.memory_space<hbm>>
        tpu.enqueue_dma source(%dma_start3A_182 : memref<520x128xf32, #tpu.memory_space<hbm>>) target(%dma_start3A_179 : memref<520x128xf32, #tpu.memory_space<vmem_shared>>) target_semaphore(%run_scoped3A : memref<!tpu.dma_semaphore, #tpu.memory_space<semaphore_mem>>)
        %dma_wait3A_183 = arith.constant 9480 : i32
        %dma_wait3A_184 = arith.constant 0 : i32
        %dma_wait3A_185 = tpu.memref_slice %arg11[%dma_wait3A_183, %dma_wait3A_184] : memref<10000x128xf32, #tpu.memory_space<vmem_shared>> -> memref<520x128xf32, #tpu.memory_space<vmem_shared>>
        %dma_wait3A_186 = arith.constant 9480 : i32
        %dma_wait3A_187 = arith.constant 0 : i32
        %dma_wait3A_188 = tpu.memref_slice %arg5[%dma_wait3A_186, %dma_wait3A_187] : memref<10000x128xf32, #tpu.memory_space<hbm>> -> memref<520x128xf32, #tpu.memory_space<hbm>>
        tpu.wait_dma2 semaphore(%run_scoped3A : memref<!tpu.dma_semaphore, #tpu.memory_space<semaphore_mem>>) src(%dma_wait3A_188 : memref<520x128xf32, #tpu.memory_space<hbm>>) dst(%dma_wait3A_185 : memref<520x128xf32, #tpu.memory_space<vmem_shared>>)
        tpu.yield
      }) : () -> ()
    } else {
    }
    %barrier3A = arith.constant 0 : index
    tpu.barrier barrier_id(%barrier3A)
    %add3A_22 = arith.constant 0 : i32
    %add3A_23 = arith.addi %select_n3A_12, %add3A_22 : i32
    %sub3A_24 = arith.constant 40 : i32
    %sub3A_25 = arith.subi %select_n3A, %sub3A_24 : i32
    %jit3A_26 = arith.constant true
    %jit3A_27 = arith.constant 40 : i32
    %select_n3A_28 = arith.select %jit3A_26, %jit3A_27, %sub3A_25 : i32
    %min3A = arith.constant 2456 : i32
    %min3A_29 = arith.minsi %add3A_23, %min3A : i32
    %jit3A_30 = arith.constant 8 : i32
    %eq3A_31 = arith.constant 0 : i32
    %eq3A_32 = arith.cmpi eq, %jit3A_30, %eq3A_31 : i32
    %jit3A_33 = arith.constant 1 : i32
    %select_n3A_34 = arith.select %eq3A_32, %jit3A_33, %jit3A_30 : i32
    %rem3A = arith.remsi %min3A_29, %select_n3A_34 : i32
    %ne3A = arith.constant 0 : i32
    %ne3A_35 = arith.cmpi ne, %rem3A, %ne3A : i32
    %lt3A_36 = arith.constant 0 : i32
    %lt3A_37 = arith.cmpi slt, %rem3A, %lt3A_36 : i32
    %lt3A_38 = arith.constant 0 : i32
    %lt3A_39 = arith.cmpi slt, %select_n3A_34, %lt3A_38 : i32
    %ne3A_40 = arith.xori %lt3A_37, %lt3A_39 : i1
    %and3A = arith.andi %ne3A_40, %ne3A_35 : i1
    %add3A_41 = arith.addi %rem3A, %select_n3A_34 : i32
    %select_n3A_42 = arith.select %and3A, %add3A_41, %rem3A : i32
    %sub3A_43 = arith.subi %min3A_29, %select_n3A_42 : i32
    %multiple_of3A = tpu.assume_multiple %sub3A_43, 8 : i32
    %sub3A_44 = arith.subi %add3A_23, %multiple_of3A : i32
    %sub3A_45 = arith.constant 1 : i32
    %sub3A_46 = arith.subi %select_n3A_28, %sub3A_45 : i32
    "tpu.region"() ({
      %run_scoped3A = tpu.sem_alloc : memref<!tpu.dma_semaphore, #tpu.memory_space<semaphore_mem>>
      %dma_start3A_177 = arith.constant 0 : i32
      %dma_start3A_178 = tpu.memref_slice %arg3[%multiple_of3A, %dma_start3A_177] : memref<2504x128xi32, #tpu.memory_space<hbm>> -> memref<48x128xi32, #tpu.memory_space<hbm>>
      %dma_start3A_179 = arith.constant 0 : i32
      %dma_start3A_180 = tpu.memref_slice %arg3[%multiple_of3A, %dma_start3A_179] : memref<2504x128xi32, #tpu.memory_space<hbm>> -> memref<48x128xi32, #tpu.memory_space<hbm>>
      tpu.enqueue_dma source(%dma_start3A_180 : memref<48x128xi32, #tpu.memory_space<hbm>>) target(%arg7 : memref<48x128xi32, #tpu.memory_space<vmem>>) target_semaphore(%run_scoped3A : memref<!tpu.dma_semaphore, #tpu.memory_space<semaphore_mem>>)
      %dma_wait3A_181 = arith.constant 0 : i32
      %dma_wait3A_182 = tpu.memref_slice %arg3[%multiple_of3A, %dma_wait3A_181] : memref<2504x128xi32, #tpu.memory_space<hbm>> -> memref<48x128xi32, #tpu.memory_space<hbm>>
      %dma_wait3A_183 = arith.constant 0 : i32
      %dma_wait3A_184 = tpu.memref_slice %arg3[%multiple_of3A, %dma_wait3A_183] : memref<2504x128xi32, #tpu.memory_space<hbm>> -> memref<48x128xi32, #tpu.memory_space<hbm>>
      tpu.wait_dma2 semaphore(%run_scoped3A : memref<!tpu.dma_semaphore, #tpu.memory_space<semaphore_mem>>) src(%dma_wait3A_184 : memref<48x128xi32, #tpu.memory_space<hbm>>) dst(%arg7 : memref<48x128xi32, #tpu.memory_space<vmem>>)
      tpu.yield
    }) : () -> ()
    "tpu.region"() ({
      %run_scoped3A = tpu.sem_alloc : memref<!tpu.dma_semaphore, #tpu.memory_space<semaphore_mem>>
      %dma_start3A_177 = arith.constant 0 : i32
      %dma_start3A_178 = tpu.memref_slice %arg4[%multiple_of3A, %dma_start3A_177] : memref<2504x128xi32, #tpu.memory_space<hbm>> -> memref<48x128xi32, #tpu.memory_space<hbm>>
      %dma_start3A_179 = arith.constant 0 : i32
      %dma_start3A_180 = tpu.memref_slice %arg4[%multiple_of3A, %dma_start3A_179] : memref<2504x128xi32, #tpu.memory_space<hbm>> -> memref<48x128xi32, #tpu.memory_space<hbm>>
      tpu.enqueue_dma source(%dma_start3A_180 : memref<48x128xi32, #tpu.memory_space<hbm>>) target(%arg8 : memref<48x128xi32, #tpu.memory_space<vmem>>) target_semaphore(%run_scoped3A : memref<!tpu.dma_semaphore, #tpu.memory_space<semaphore_mem>>)
      %dma_wait3A_181 = arith.constant 0 : i32
      %dma_wait3A_182 = tpu.memref_slice %arg4[%multiple_of3A, %dma_wait3A_181] : memref<2504x128xi32, #tpu.memory_space<hbm>> -> memref<48x128xi32, #tpu.memory_space<hbm>>
      %dma_wait3A_183 = arith.constant 0 : i32
      %dma_wait3A_184 = tpu.memref_slice %arg4[%multiple_of3A, %dma_wait3A_183] : memref<2504x128xi32, #tpu.memory_space<hbm>> -> memref<48x128xi32, #tpu.memory_space<hbm>>
      tpu.wait_dma2 semaphore(%run_scoped3A : memref<!tpu.dma_semaphore, #tpu.memory_space<semaphore_mem>>) src(%dma_wait3A_184 : memref<48x128xi32, #tpu.memory_space<hbm>>) dst(%arg8 : memref<48x128xi32, #tpu.memory_space<vmem>>)
      tpu.yield
    }) : () -> ()
    %dma_start3A = arith.constant 0 : i32
    %dma_start3A_47 = tpu.memref_slice %arg7[%sub3A_44, %dma_start3A] : memref<48x128xi32, #tpu.memory_space<vmem>> -> memref<1x128xi32, #tpu.memory_space<vmem>>
    %dma_start3A_48 = tpu.memref_squeeze %dma_start3A_47 : memref<1x128xi32, #tpu.memory_space<vmem>> -> memref<128xi32, #tpu.memory_space<vmem>>
    %dma_start3A_49 = arith.constant 0 : i32
    %dma_start3A_50 = arith.constant 0 : i32
    %dma_start3A_51 = tpu.memref_slice %arg2[%dma_start3A_49, %dma_start3A_50] : memref<10000x128xf32, #tpu.memory_space<hbm>> -> memref<10000x128xf32, #tpu.memory_space<hbm>>
    tpu.enqueue_indirect_dma source(%dma_start3A_51 : memref<10000x128xf32, #tpu.memory_space<hbm>>) target(%arg9 : memref<128x128xf32, #tpu.memory_space<vmem>>) offsets(%dma_start3A_48 : memref<128xi32, #tpu.memory_space<vmem>>) semaphore(%arg12 : memref<!tpu.dma_semaphore, #tpu.memory_space<semaphore_mem>>)
    %jit3A_52 = arith.constant 2 : i32
    %div3A = arith.divsi %select_n3A_28, %jit3A_52 : i32
    %sign3A = arith.constant 0 : i32
    %sign3A_53 = arith.cmpi sgt, %select_n3A_28, %sign3A : i32
    %sign3A_54 = arith.extui %sign3A_53 : i1 to i32
    %sign3A_55 = arith.constant 0 : i32
    %sign3A_56 = arith.cmpi slt, %select_n3A_28, %sign3A_55 : i32
    %sign3A_57 = arith.extui %sign3A_56 : i1 to i32
    %sign3A_58 = arith.subi %sign3A_54, %sign3A_57 : i32
    %sign3A_59 = arith.constant 0 : i32
    %sign3A_60 = arith.cmpi sgt, %jit3A_52, %sign3A_59 : i32
    %sign3A_61 = arith.extui %sign3A_60 : i1 to i32
    %sign3A_62 = arith.constant 0 : i32
    %sign3A_63 = arith.cmpi slt, %jit3A_52, %sign3A_62 : i32
    %sign3A_64 = arith.extui %sign3A_63 : i1 to i32
    %sign3A_65 = arith.subi %sign3A_61, %sign3A_64 : i32
    %ne3A_66 = arith.cmpi ne, %sign3A_58, %sign3A_65 : i32
    %rem3A_67 = arith.remsi %select_n3A_28, %jit3A_52 : i32
    %ne3A_68 = arith.constant 0 : i32
    %ne3A_69 = arith.cmpi ne, %rem3A_67, %ne3A_68 : i32
    %and3A_70 = arith.andi %ne3A_66, %ne3A_69 : i1
    %sub3A_71 = arith.constant 1 : i32
    %sub3A_72 = arith.subi %div3A, %sub3A_71 : i32
    %select_n3A_73 = arith.select %and3A_70, %sub3A_72, %div3A : i32
    %while3A = arith.constant 0 : i32
    %while3A_74 = arith.constant 0 : i32
    %while3A_75 = arith.subi %select_n3A_73, %while3A_74 : i32
    %while3A_76 = arith.addi %while3A_74, %while3A_75 : i32
    %while3A_77 = arith.constant 1 : i32
    %while3A_78 = arith.divsi %while3A_75, %while3A_77 : i32
    %while3A_79 = arith.muli %while3A_78, %while3A_77 : i32
    %while3A_80 = arith.addi %while3A_74, %while3A_79 : i32
    %while3A_81 = arith.constant 1 : i32
    scf.for %while3A_177 = %while3A_74 to %while3A_80 step %while3A_81  : i32 {
      %mul3A_178 = arith.constant 2 : i32
      %mul3A_179 = arith.muli %while3A_177, %mul3A_178 : i32
      %dma_wait3A_180 = arith.constant 0 : i32
      %dma_wait3A_181 = arith.constant 0 : i32
      %dma_wait3A_182 = tpu.memref_slice %arg7[%dma_wait3A_180, %dma_wait3A_181] : memref<48x128xi32, #tpu.memory_space<vmem>> -> memref<1x128xi32, #tpu.memory_space<vmem>>
      %dma_wait3A_183 = tpu.memref_squeeze %dma_wait3A_182 : memref<1x128xi32, #tpu.memory_space<vmem>> -> memref<128xi32, #tpu.memory_space<vmem>>
      %dma_wait3A_184 = arith.constant 0 : i32
      %dma_wait3A_185 = arith.constant 0 : i32
      %dma_wait3A_186 = tpu.memref_slice %arg2[%dma_wait3A_184, %dma_wait3A_185] : memref<10000x128xf32, #tpu.memory_space<hbm>> -> memref<10000x128xf32, #tpu.memory_space<hbm>>
      tpu.wait_indirect_dma semaphore(%arg12 : memref<!tpu.dma_semaphore, #tpu.memory_space<semaphore_mem>>) src(%dma_wait3A_186 : memref<10000x128xf32, #tpu.memory_space<hbm>>) dst(%arg9 : memref<128x128xf32, #tpu.memory_space<vmem>>)
      %add3A_187 = arith.addi %sub3A_44, %mul3A_179 : i32
      %add3A_188 = arith.constant 1 : i32
      %add3A_189 = arith.addi %add3A_187, %add3A_188 : i32
      %dma_start3A_190 = arith.constant 0 : i32
      %dma_start3A_191 = tpu.memref_slice %arg7[%add3A_189, %dma_start3A_190] : memref<48x128xi32, #tpu.memory_space<vmem>> -> memref<1x128xi32, #tpu.memory_space<vmem>>
      %dma_start3A_192 = tpu.memref_squeeze %dma_start3A_191 : memref<1x128xi32, #tpu.memory_space<vmem>> -> memref<128xi32, #tpu.memory_space<vmem>>
      %dma_start3A_193 = arith.constant 0 : i32
      %dma_start3A_194 = arith.constant 0 : i32
      %dma_start3A_195 = tpu.memref_slice %arg2[%dma_start3A_193, %dma_start3A_194] : memref<10000x128xf32, #tpu.memory_space<hbm>> -> memref<10000x128xf32, #tpu.memory_space<hbm>>
      tpu.enqueue_indirect_dma source(%dma_start3A_195 : memref<10000x128xf32, #tpu.memory_space<hbm>>) target(%arg10 : memref<128x128xf32, #tpu.memory_space<vmem>>) offsets(%dma_start3A_192 : memref<128xi32, #tpu.memory_space<vmem>>) semaphore(%arg13 : memref<!tpu.dma_semaphore, #tpu.memory_space<semaphore_mem>>)
      %add3A_196 = arith.addi %sub3A_44, %mul3A_179 : i32
      "tpu.region"() ({
        %run_scoped3A = tpu.sem_alloc : memref<!tpu.dma_semaphore, #tpu.memory_space<semaphore_mem>>
        %dma_start3A_217 = arith.constant 0 : i32
        %dma_start3A_218 = tpu.memref_slice %arg8[%add3A_196, %dma_start3A_217] : memref<48x128xi32, #tpu.memory_space<vmem>> -> memref<1x128xi32, #tpu.memory_space<vmem>>
        %dma_start3A_219 = tpu.memref_squeeze %dma_start3A_218 : memref<1x128xi32, #tpu.memory_space<vmem>> -> memref<128xi32, #tpu.memory_space<vmem>>
        %dma_start3A_220 = arith.constant 0 : i32
        %dma_start3A_221 = arith.constant 0 : i32
        %dma_start3A_222 = tpu.memref_slice %arg11[%dma_start3A_220, %dma_start3A_221] : memref<10000x128xf32, #tpu.memory_space<vmem_shared>> -> memref<10000x128xf32, #tpu.memory_space<vmem_shared>>
        tpu.enqueue_indirect_dma source(%arg9 : memref<128x128xf32, #tpu.memory_space<vmem>>) target(%dma_start3A_222 : memref<10000x128xf32, #tpu.memory_space<vmem_shared>>) offsets(%dma_start3A_219 : memref<128xi32, #tpu.memory_space<vmem>>) semaphore(%run_scoped3A : memref<!tpu.dma_semaphore, #tpu.memory_space<semaphore_mem>>) {add = true}
        %dma_wait3A_223 = arith.constant 0 : i32
        %dma_wait3A_224 = tpu.memref_slice %arg8[%add3A_196, %dma_wait3A_223] : memref<48x128xi32, #tpu.memory_space<vmem>> -> memref<1x128xi32, #tpu.memory_space<vmem>>
        %dma_wait3A_225 = tpu.memref_squeeze %dma_wait3A_224 : memref<1x128xi32, #tpu.memory_space<vmem>> -> memref<128xi32, #tpu.memory_space<vmem>>
        %dma_wait3A_226 = arith.constant 0 : i32
        %dma_wait3A_227 = arith.constant 0 : i32
        %dma_wait3A_228 = tpu.memref_slice %arg11[%dma_wait3A_226, %dma_wait3A_227] : memref<10000x128xf32, #tpu.memory_space<vmem_shared>> -> memref<10000x128xf32, #tpu.memory_space<vmem_shared>>
        tpu.wait_indirect_dma semaphore(%run_scoped3A : memref<!tpu.dma_semaphore, #tpu.memory_space<semaphore_mem>>) src(%arg9 : memref<128x128xf32, #tpu.memory_space<vmem>>) dst(%dma_wait3A_228 : memref<10000x128xf32, #tpu.memory_space<vmem_shared>>)
        tpu.yield
      }) : () -> ()
      %dma_wait3A_197 = arith.constant 0 : i32
      %dma_wait3A_198 = arith.constant 0 : i32
      %dma_wait3A_199 = tpu.memref_slice %arg7[%dma_wait3A_197, %dma_wait3A_198] : memref<48x128xi32, #tpu.memory_space<vmem>> -> memref<1x128xi32, #tpu.memory_space<vmem>>
      %dma_wait3A_200 = tpu.memref_squeeze %dma_wait3A_199 : memref<1x128xi32, #tpu.memory_space<vmem>> -> memref<128xi32, #tpu.memory_space<vmem>>
      %dma_wait3A_201 = arith.constant 0 : i32
      %dma_wait3A_202 = arith.constant 0 : i32
      %dma_wait3A_203 = tpu.memref_slice %arg2[%dma_wait3A_201, %dma_wait3A_202] : memref<10000x128xf32, #tpu.memory_space<hbm>> -> memref<10000x128xf32, #tpu.memory_space<hbm>>
      tpu.wait_indirect_dma semaphore(%arg13 : memref<!tpu.dma_semaphore, #tpu.memory_space<semaphore_mem>>) src(%dma_wait3A_203 : memref<10000x128xf32, #tpu.memory_space<hbm>>) dst(%arg10 : memref<128x128xf32, #tpu.memory_space<vmem>>)
      %add3A_204 = arith.constant 2 : i32
      %add3A_205 = arith.addi %mul3A_179, %add3A_204 : i32
      %min3A_206 = arith.minsi %add3A_205, %sub3A_46 : i32
      %add3A_207 = arith.addi %sub3A_44, %min3A_206 : i32
      %dma_start3A_208 = arith.constant 0 : i32
      %dma_start3A_209 = tpu.memref_slice %arg7[%add3A_207, %dma_start3A_208] : memref<48x128xi32, #tpu.memory_space<vmem>> -> memref<1x128xi32, #tpu.memory_space<vmem>>
      %dma_start3A_210 = tpu.memref_squeeze %dma_start3A_209 : memref<1x128xi32, #tpu.memory_space<vmem>> -> memref<128xi32, #tpu.memory_space<vmem>>
      %dma_start3A_211 = arith.constant 0 : i32
      %dma_start3A_212 = arith.constant 0 : i32
      %dma_start3A_213 = tpu.memref_slice %arg2[%dma_start3A_211, %dma_start3A_212] : memref<10000x128xf32, #tpu.memory_space<hbm>> -> memref<10000x128xf32, #tpu.memory_space<hbm>>
      tpu.enqueue_indirect_dma source(%dma_start3A_213 : memref<10000x128xf32, #tpu.memory_space<hbm>>) target(%arg9 : memref<128x128xf32, #tpu.memory_space<vmem>>) offsets(%dma_start3A_210 : memref<128xi32, #tpu.memory_space<vmem>>) semaphore(%arg12 : memref<!tpu.dma_semaphore, #tpu.memory_space<semaphore_mem>>)
      %add3A_214 = arith.addi %sub3A_44, %mul3A_179 : i32
      %add3A_215 = arith.constant 1 : i32
      %add3A_216 = arith.addi %add3A_214, %add3A_215 : i32
      "tpu.region"() ({
        %run_scoped3A = tpu.sem_alloc : memref<!tpu.dma_semaphore, #tpu.memory_space<semaphore_mem>>
        %dma_start3A_217 = arith.constant 0 : i32
        %dma_start3A_218 = tpu.memref_slice %arg8[%add3A_216, %dma_start3A_217] : memref<48x128xi32, #tpu.memory_space<vmem>> -> memref<1x128xi32, #tpu.memory_space<vmem>>
        %dma_start3A_219 = tpu.memref_squeeze %dma_start3A_218 : memref<1x128xi32, #tpu.memory_space<vmem>> -> memref<128xi32, #tpu.memory_space<vmem>>
        %dma_start3A_220 = arith.constant 0 : i32
        %dma_start3A_221 = arith.constant 0 : i32
        %dma_start3A_222 = tpu.memref_slice %arg11[%dma_start3A_220, %dma_start3A_221] : memref<10000x128xf32, #tpu.memory_space<vmem_shared>> -> memref<10000x128xf32, #tpu.memory_space<vmem_shared>>
        tpu.enqueue_indirect_dma source(%arg10 : memref<128x128xf32, #tpu.memory_space<vmem>>) target(%dma_start3A_222 : memref<10000x128xf32, #tpu.memory_space<vmem_shared>>) offsets(%dma_start3A_219 : memref<128xi32, #tpu.memory_space<vmem>>) semaphore(%run_scoped3A : memref<!tpu.dma_semaphore, #tpu.memory_space<semaphore_mem>>) {add = true}
        %dma_wait3A_223 = arith.constant 0 : i32
        %dma_wait3A_224 = tpu.memref_slice %arg8[%add3A_216, %dma_wait3A_223] : memref<48x128xi32, #tpu.memory_space<vmem>> -> memref<1x128xi32, #tpu.memory_space<vmem>>
        %dma_wait3A_225 = tpu.memref_squeeze %dma_wait3A_224 : memref<1x128xi32, #tpu.memory_space<vmem>> -> memref<128xi32, #tpu.memory_space<vmem>>
        %dma_wait3A_226 = arith.constant 0 : i32
        %dma_wait3A_227 = arith.constant 0 : i32
        %dma_wait3A_228 = tpu.memref_slice %arg11[%dma_wait3A_226, %dma_wait3A_227] : memref<10000x128xf32, #tpu.memory_space<vmem_shared>> -> memref<10000x128xf32, #tpu.memory_space<vmem_shared>>
        tpu.wait_indirect_dma semaphore(%run_scoped3A : memref<!tpu.dma_semaphore, #tpu.memory_space<semaphore_mem>>) src(%arg10 : memref<128x128xf32, #tpu.memory_space<vmem>>) dst(%dma_wait3A_228 : memref<10000x128xf32, #tpu.memory_space<vmem_shared>>)
        tpu.yield
      }) : () -> ()
    }
    %while3A_82 = arith.constant 1 : i32
    scf.for %while3A_177 = %while3A_80 to %while3A_76 step %while3A_82  : i32 {
      %mul3A_178 = arith.constant 2 : i32
      %mul3A_179 = arith.muli %while3A_177, %mul3A_178 : i32
      %dma_wait3A_180 = arith.constant 0 : i32
      %dma_wait3A_181 = arith.constant 0 : i32
      %dma_wait3A_182 = tpu.memref_slice %arg7[%dma_wait3A_180, %dma_wait3A_181] : memref<48x128xi32, #tpu.memory_space<vmem>> -> memref<1x128xi32, #tpu.memory_space<vmem>>
      %dma_wait3A_183 = tpu.memref_squeeze %dma_wait3A_182 : memref<1x128xi32, #tpu.memory_space<vmem>> -> memref<128xi32, #tpu.memory_space<vmem>>
      %dma_wait3A_184 = arith.constant 0 : i32
      %dma_wait3A_185 = arith.constant 0 : i32
      %dma_wait3A_186 = tpu.memref_slice %arg2[%dma_wait3A_184, %dma_wait3A_185] : memref<10000x128xf32, #tpu.memory_space<hbm>> -> memref<10000x128xf32, #tpu.memory_space<hbm>>
      tpu.wait_indirect_dma semaphore(%arg12 : memref<!tpu.dma_semaphore, #tpu.memory_space<semaphore_mem>>) src(%dma_wait3A_186 : memref<10000x128xf32, #tpu.memory_space<hbm>>) dst(%arg9 : memref<128x128xf32, #tpu.memory_space<vmem>>)
      %add3A_187 = arith.addi %sub3A_44, %mul3A_179 : i32
      %add3A_188 = arith.constant 1 : i32
      %add3A_189 = arith.addi %add3A_187, %add3A_188 : i32
      %dma_start3A_190 = arith.constant 0 : i32
      %dma_start3A_191 = tpu.memref_slice %arg7[%add3A_189, %dma_start3A_190] : memref<48x128xi32, #tpu.memory_space<vmem>> -> memref<1x128xi32, #tpu.memory_space<vmem>>
      %dma_start3A_192 = tpu.memref_squeeze %dma_start3A_191 : memref<1x128xi32, #tpu.memory_space<vmem>> -> memref<128xi32, #tpu.memory_space<vmem>>
      %dma_start3A_193 = arith.constant 0 : i32
      %dma_start3A_194 = arith.constant 0 : i32
      %dma_start3A_195 = tpu.memref_slice %arg2[%dma_start3A_193, %dma_start3A_194] : memref<10000x128xf32, #tpu.memory_space<hbm>> -> memref<10000x128xf32, #tpu.memory_space<hbm>>
      tpu.enqueue_indirect_dma source(%dma_start3A_195 : memref<10000x128xf32, #tpu.memory_space<hbm>>) target(%arg10 : memref<128x128xf32, #tpu.memory_space<vmem>>) offsets(%dma_start3A_192 : memref<128xi32, #tpu.memory_space<vmem>>) semaphore(%arg13 : memref<!tpu.dma_semaphore, #tpu.memory_space<semaphore_mem>>)
      %add3A_196 = arith.addi %sub3A_44, %mul3A_179 : i32
      "tpu.region"() ({
        %run_scoped3A = tpu.sem_alloc : memref<!tpu.dma_semaphore, #tpu.memory_space<semaphore_mem>>
        %dma_start3A_217 = arith.constant 0 : i32
        %dma_start3A_218 = tpu.memref_slice %arg8[%add3A_196, %dma_start3A_217] : memref<48x128xi32, #tpu.memory_space<vmem>> -> memref<1x128xi32, #tpu.memory_space<vmem>>
        %dma_start3A_219 = tpu.memref_squeeze %dma_start3A_218 : memref<1x128xi32, #tpu.memory_space<vmem>> -> memref<128xi32, #tpu.memory_space<vmem>>
        %dma_start3A_220 = arith.constant 0 : i32
        %dma_start3A_221 = arith.constant 0 : i32
        %dma_start3A_222 = tpu.memref_slice %arg11[%dma_start3A_220, %dma_start3A_221] : memref<10000x128xf32, #tpu.memory_space<vmem_shared>> -> memref<10000x128xf32, #tpu.memory_space<vmem_shared>>
        tpu.enqueue_indirect_dma source(%arg9 : memref<128x128xf32, #tpu.memory_space<vmem>>) target(%dma_start3A_222 : memref<10000x128xf32, #tpu.memory_space<vmem_shared>>) offsets(%dma_start3A_219 : memref<128xi32, #tpu.memory_space<vmem>>) semaphore(%run_scoped3A : memref<!tpu.dma_semaphore, #tpu.memory_space<semaphore_mem>>) {add = true}
        %dma_wait3A_223 = arith.constant 0 : i32
        %dma_wait3A_224 = tpu.memref_slice %arg8[%add3A_196, %dma_wait3A_223] : memref<48x128xi32, #tpu.memory_space<vmem>> -> memref<1x128xi32, #tpu.memory_space<vmem>>
        %dma_wait3A_225 = tpu.memref_squeeze %dma_wait3A_224 : memref<1x128xi32, #tpu.memory_space<vmem>> -> memref<128xi32, #tpu.memory_space<vmem>>
        %dma_wait3A_226 = arith.constant 0 : i32
        %dma_wait3A_227 = arith.constant 0 : i32
        %dma_wait3A_228 = tpu.memref_slice %arg11[%dma_wait3A_226, %dma_wait3A_227] : memref<10000x128xf32, #tpu.memory_space<vmem_shared>> -> memref<10000x128xf32, #tpu.memory_space<vmem_shared>>
        tpu.wait_indirect_dma semaphore(%run_scoped3A : memref<!tpu.dma_semaphore, #tpu.memory_space<semaphore_mem>>) src(%arg9 : memref<128x128xf32, #tpu.memory_space<vmem>>) dst(%dma_wait3A_228 : memref<10000x128xf32, #tpu.memory_space<vmem_shared>>)
        tpu.yield
      }) : () -> ()
      %dma_wait3A_197 = arith.constant 0 : i32
      %dma_wait3A_198 = arith.constant 0 : i32
      %dma_wait3A_199 = tpu.memref_slice %arg7[%dma_wait3A_197, %dma_wait3A_198] : memref<48x128xi32, #tpu.memory_space<vmem>> -> memref<1x128xi32, #tpu.memory_space<vmem>>
      %dma_wait3A_200 = tpu.memref_squeeze %dma_wait3A_199 : memref<1x128xi32, #tpu.memory_space<vmem>> -> memref<128xi32, #tpu.memory_space<vmem>>
      %dma_wait3A_201 = arith.constant 0 : i32
      %dma_wait3A_202 = arith.constant 0 : i32
      %dma_wait3A_203 = tpu.memref_slice %arg2[%dma_wait3A_201, %dma_wait3A_202] : memref<10000x128xf32, #tpu.memory_space<hbm>> -> memref<10000x128xf32, #tpu.memory_space<hbm>>
      tpu.wait_indirect_dma semaphore(%arg13 : memref<!tpu.dma_semaphore, #tpu.memory_space<semaphore_mem>>) src(%dma_wait3A_203 : memref<10000x128xf32, #tpu.memory_space<hbm>>) dst(%arg10 : memref<128x128xf32, #tpu.memory_space<vmem>>)
      %add3A_204 = arith.constant 2 : i32
      %add3A_205 = arith.addi %mul3A_179, %add3A_204 : i32
      %min3A_206 = arith.minsi %add3A_205, %sub3A_46 : i32
      %add3A_207 = arith.addi %sub3A_44, %min3A_206 : i32
      %dma_start3A_208 = arith.constant 0 : i32
      %dma_start3A_209 = tpu.memref_slice %arg7[%add3A_207, %dma_start3A_208] : memref<48x128xi32, #tpu.memory_space<vmem>> -> memref<1x128xi32, #tpu.memory_space<vmem>>
      %dma_start3A_210 = tpu.memref_squeeze %dma_start3A_209 : memref<1x128xi32, #tpu.memory_space<vmem>> -> memref<128xi32, #tpu.memory_space<vmem>>
      %dma_start3A_211 = arith.constant 0 : i32
      %dma_start3A_212 = arith.constant 0 : i32
      %dma_start3A_213 = tpu.memref_slice %arg2[%dma_start3A_211, %dma_start3A_212] : memref<10000x128xf32, #tpu.memory_space<hbm>> -> memref<10000x128xf32, #tpu.memory_space<hbm>>
      tpu.enqueue_indirect_dma source(%dma_start3A_213 : memref<10000x128xf32, #tpu.memory_space<hbm>>) target(%arg9 : memref<128x128xf32, #tpu.memory_space<vmem>>) offsets(%dma_start3A_210 : memref<128xi32, #tpu.memory_space<vmem>>) semaphore(%arg12 : memref<!tpu.dma_semaphore, #tpu.memory_space<semaphore_mem>>)
      %add3A_214 = arith.addi %sub3A_44, %mul3A_179 : i32
      %add3A_215 = arith.constant 1 : i32
      %add3A_216 = arith.addi %add3A_214, %add3A_215 : i32
      "tpu.region"() ({
        %run_scoped3A = tpu.sem_alloc : memref<!tpu.dma_semaphore, #tpu.memory_space<semaphore_mem>>
        %dma_start3A_217 = arith.constant 0 : i32
        %dma_start3A_218 = tpu.memref_slice %arg8[%add3A_216, %dma_start3A_217] : memref<48x128xi32, #tpu.memory_space<vmem>> -> memref<1x128xi32, #tpu.memory_space<vmem>>
        %dma_start3A_219 = tpu.memref_squeeze %dma_start3A_218 : memref<1x128xi32, #tpu.memory_space<vmem>> -> memref<128xi32, #tpu.memory_space<vmem>>
        %dma_start3A_220 = arith.constant 0 : i32
        %dma_start3A_221 = arith.constant 0 : i32
        %dma_start3A_222 = tpu.memref_slice %arg11[%dma_start3A_220, %dma_start3A_221] : memref<10000x128xf32, #tpu.memory_space<vmem_shared>> -> memref<10000x128xf32, #tpu.memory_space<vmem_shared>>
        tpu.enqueue_indirect_dma source(%arg10 : memref<128x128xf32, #tpu.memory_space<vmem>>) target(%dma_start3A_222 : memref<10000x128xf32, #tpu.memory_space<vmem_shared>>) offsets(%dma_start3A_219 : memref<128xi32, #tpu.memory_space<vmem>>) semaphore(%run_scoped3A : memref<!tpu.dma_semaphore, #tpu.memory_space<semaphore_mem>>) {add = true}
        %dma_wait3A_223 = arith.constant 0 : i32
        %dma_wait3A_224 = tpu.memref_slice %arg8[%add3A_216, %dma_wait3A_223] : memref<48x128xi32, #tpu.memory_space<vmem>> -> memref<1x128xi32, #tpu.memory_space<vmem>>
        %dma_wait3A_225 = tpu.memref_squeeze %dma_wait3A_224 : memref<1x128xi32, #tpu.memory_space<vmem>> -> memref<128xi32, #tpu.memory_space<vmem>>
        %dma_wait3A_226 = arith.constant 0 : i32
        %dma_wait3A_227 = arith.constant 0 : i32
        %dma_wait3A_228 = tpu.memref_slice %arg11[%dma_wait3A_226, %dma_wait3A_227] : memref<10000x128xf32, #tpu.memory_space<vmem_shared>> -> memref<10000x128xf32, #tpu.memory_space<vmem_shared>>
        tpu.wait_indirect_dma semaphore(%run_scoped3A : memref<!tpu.dma_semaphore, #tpu.memory_space<semaphore_mem>>) src(%arg10 : memref<128x128xf32, #tpu.memory_space<vmem>>) dst(%dma_wait3A_228 : memref<10000x128xf32, #tpu.memory_space<vmem_shared>>)
        tpu.yield
      }) : () -> ()
    }
    %dma_wait3A = arith.constant 0 : i32
    %dma_wait3A_83 = arith.constant 0 : i32
    %dma_wait3A_84 = tpu.memref_slice %arg7[%dma_wait3A, %dma_wait3A_83] : memref<48x128xi32, #tpu.memory_space<vmem>> -> memref<1x128xi32, #tpu.memory_space<vmem>>
    %dma_wait3A_85 = tpu.memref_squeeze %dma_wait3A_84 : memref<1x128xi32, #tpu.memory_space<vmem>> -> memref<128xi32, #tpu.memory_space<vmem>>
    %dma_wait3A_86 = arith.constant 0 : i32
    %dma_wait3A_87 = arith.constant 0 : i32
    %dma_wait3A_88 = tpu.memref_slice %arg2[%dma_wait3A_86, %dma_wait3A_87] : memref<10000x128xf32, #tpu.memory_space<hbm>> -> memref<10000x128xf32, #tpu.memory_space<hbm>>
    tpu.wait_indirect_dma semaphore(%arg12 : memref<!tpu.dma_semaphore, #tpu.memory_space<semaphore_mem>>) src(%dma_wait3A_88 : memref<10000x128xf32, #tpu.memory_space<hbm>>) dst(%arg9 : memref<128x128xf32, #tpu.memory_space<vmem>>)
    %add3A_89 = arith.constant 40 : i32
    %add3A_90 = arith.addi %select_n3A_12, %add3A_89 : i32
    %sub3A_91 = arith.constant 40 : i32
    %sub3A_92 = arith.subi %select_n3A, %sub3A_91 : i32
    %jit3A_93 = arith.constant false
    %jit3A_94 = arith.constant 40 : i32
    %select_n3A_95 = arith.select %jit3A_93, %jit3A_94, %sub3A_92 : i32
    %min3A_96 = arith.constant 2456 : i32
    %min3A_97 = arith.minsi %add3A_90, %min3A_96 : i32
    %jit3A_98 = arith.constant 8 : i32
    %eq3A_99 = arith.constant 0 : i32
    %eq3A_100 = arith.cmpi eq, %jit3A_98, %eq3A_99 : i32
    %jit3A_101 = arith.constant 1 : i32
    %select_n3A_102 = arith.select %eq3A_100, %jit3A_101, %jit3A_98 : i32
    %rem3A_103 = arith.remsi %min3A_97, %select_n3A_102 : i32
    %ne3A_104 = arith.constant 0 : i32
    %ne3A_105 = arith.cmpi ne, %rem3A_103, %ne3A_104 : i32
    %lt3A_106 = arith.constant 0 : i32
    %lt3A_107 = arith.cmpi slt, %rem3A_103, %lt3A_106 : i32
    %lt3A_108 = arith.constant 0 : i32
    %lt3A_109 = arith.cmpi slt, %select_n3A_102, %lt3A_108 : i32
    %ne3A_110 = arith.xori %lt3A_107, %lt3A_109 : i1
    %and3A_111 = arith.andi %ne3A_110, %ne3A_105 : i1
    %add3A_112 = arith.addi %rem3A_103, %select_n3A_102 : i32
    %select_n3A_113 = arith.select %and3A_111, %add3A_112, %rem3A_103 : i32
    %sub3A_114 = arith.subi %min3A_97, %select_n3A_113 : i32
    %multiple_of3A_115 = tpu.assume_multiple %sub3A_114, 8 : i32
    %sub3A_116 = arith.subi %add3A_90, %multiple_of3A_115 : i32
    %sub3A_117 = arith.constant 1 : i32
    %sub3A_118 = arith.subi %select_n3A_95, %sub3A_117 : i32
    "tpu.region"() ({
      %run_scoped3A = tpu.sem_alloc : memref<!tpu.dma_semaphore, #tpu.memory_space<semaphore_mem>>
      %dma_start3A_177 = arith.constant 0 : i32
      %dma_start3A_178 = tpu.memref_slice %arg3[%multiple_of3A_115, %dma_start3A_177] : memref<2504x128xi32, #tpu.memory_space<hbm>> -> memref<48x128xi32, #tpu.memory_space<hbm>>
      %dma_start3A_179 = arith.constant 0 : i32
      %dma_start3A_180 = tpu.memref_slice %arg3[%multiple_of3A_115, %dma_start3A_179] : memref<2504x128xi32, #tpu.memory_space<hbm>> -> memref<48x128xi32, #tpu.memory_space<hbm>>
      tpu.enqueue_dma source(%dma_start3A_180 : memref<48x128xi32, #tpu.memory_space<hbm>>) target(%arg7 : memref<48x128xi32, #tpu.memory_space<vmem>>) target_semaphore(%run_scoped3A : memref<!tpu.dma_semaphore, #tpu.memory_space<semaphore_mem>>)
      %dma_wait3A_181 = arith.constant 0 : i32
      %dma_wait3A_182 = tpu.memref_slice %arg3[%multiple_of3A_115, %dma_wait3A_181] : memref<2504x128xi32, #tpu.memory_space<hbm>> -> memref<48x128xi32, #tpu.memory_space<hbm>>
      %dma_wait3A_183 = arith.constant 0 : i32
      %dma_wait3A_184 = tpu.memref_slice %arg3[%multiple_of3A_115, %dma_wait3A_183] : memref<2504x128xi32, #tpu.memory_space<hbm>> -> memref<48x128xi32, #tpu.memory_space<hbm>>
      tpu.wait_dma2 semaphore(%run_scoped3A : memref<!tpu.dma_semaphore, #tpu.memory_space<semaphore_mem>>) src(%dma_wait3A_184 : memref<48x128xi32, #tpu.memory_space<hbm>>) dst(%arg7 : memref<48x128xi32, #tpu.memory_space<vmem>>)
      tpu.yield
    }) : () -> ()
    "tpu.region"() ({
      %run_scoped3A = tpu.sem_alloc : memref<!tpu.dma_semaphore, #tpu.memory_space<semaphore_mem>>
      %dma_start3A_177 = arith.constant 0 : i32
      %dma_start3A_178 = tpu.memref_slice %arg4[%multiple_of3A_115, %dma_start3A_177] : memref<2504x128xi32, #tpu.memory_space<hbm>> -> memref<48x128xi32, #tpu.memory_space<hbm>>
      %dma_start3A_179 = arith.constant 0 : i32
      %dma_start3A_180 = tpu.memref_slice %arg4[%multiple_of3A_115, %dma_start3A_179] : memref<2504x128xi32, #tpu.memory_space<hbm>> -> memref<48x128xi32, #tpu.memory_space<hbm>>
      tpu.enqueue_dma source(%dma_start3A_180 : memref<48x128xi32, #tpu.memory_space<hbm>>) target(%arg8 : memref<48x128xi32, #tpu.memory_space<vmem>>) target_semaphore(%run_scoped3A : memref<!tpu.dma_semaphore, #tpu.memory_space<semaphore_mem>>)
      %dma_wait3A_181 = arith.constant 0 : i32
      %dma_wait3A_182 = tpu.memref_slice %arg4[%multiple_of3A_115, %dma_wait3A_181] : memref<2504x128xi32, #tpu.memory_space<hbm>> -> memref<48x128xi32, #tpu.memory_space<hbm>>
      %dma_wait3A_183 = arith.constant 0 : i32
      %dma_wait3A_184 = tpu.memref_slice %arg4[%multiple_of3A_115, %dma_wait3A_183] : memref<2504x128xi32, #tpu.memory_space<hbm>> -> memref<48x128xi32, #tpu.memory_space<hbm>>
      tpu.wait_dma2 semaphore(%run_scoped3A : memref<!tpu.dma_semaphore, #tpu.memory_space<semaphore_mem>>) src(%dma_wait3A_184 : memref<48x128xi32, #tpu.memory_space<hbm>>) dst(%arg8 : memref<48x128xi32, #tpu.memory_space<vmem>>)
      tpu.yield
    }) : () -> ()
    %dma_start3A_119 = arith.constant 0 : i32
    %dma_start3A_120 = tpu.memref_slice %arg7[%sub3A_116, %dma_start3A_119] : memref<48x128xi32, #tpu.memory_space<vmem>> -> memref<1x128xi32, #tpu.memory_space<vmem>>
    %dma_start3A_121 = tpu.memref_squeeze %dma_start3A_120 : memref<1x128xi32, #tpu.memory_space<vmem>> -> memref<128xi32, #tpu.memory_space<vmem>>
    %dma_start3A_122 = arith.constant 0 : i32
    %dma_start3A_123 = arith.constant 0 : i32
    %dma_start3A_124 = tpu.memref_slice %arg2[%dma_start3A_122, %dma_start3A_123] : memref<10000x128xf32, #tpu.memory_space<hbm>> -> memref<10000x128xf32, #tpu.memory_space<hbm>>
    tpu.enqueue_indirect_dma source(%dma_start3A_124 : memref<10000x128xf32, #tpu.memory_space<hbm>>) target(%arg9 : memref<128x128xf32, #tpu.memory_space<vmem>>) offsets(%dma_start3A_121 : memref<128xi32, #tpu.memory_space<vmem>>) semaphore(%arg12 : memref<!tpu.dma_semaphore, #tpu.memory_space<semaphore_mem>>)
    %jit3A_125 = arith.constant 2 : i32
    %div3A_126 = arith.divsi %select_n3A_95, %jit3A_125 : i32
    %sign3A_127 = arith.constant 0 : i32
    %sign3A_128 = arith.cmpi sgt, %select_n3A_95, %sign3A_127 : i32
    %sign3A_129 = arith.extui %sign3A_128 : i1 to i32
    %sign3A_130 = arith.constant 0 : i32
    %sign3A_131 = arith.cmpi slt, %select_n3A_95, %sign3A_130 : i32
    %sign3A_132 = arith.extui %sign3A_131 : i1 to i32
    %sign3A_133 = arith.subi %sign3A_129, %sign3A_132 : i32
    %sign3A_134 = arith.constant 0 : i32
    %sign3A_135 = arith.cmpi sgt, %jit3A_125, %sign3A_134 : i32
    %sign3A_136 = arith.extui %sign3A_135 : i1 to i32
    %sign3A_137 = arith.constant 0 : i32
    %sign3A_138 = arith.cmpi slt, %jit3A_125, %sign3A_137 : i32
    %sign3A_139 = arith.extui %sign3A_138 : i1 to i32
    %sign3A_140 = arith.subi %sign3A_136, %sign3A_139 : i32
    %ne3A_141 = arith.cmpi ne, %sign3A_133, %sign3A_140 : i32
    %rem3A_142 = arith.remsi %select_n3A_95, %jit3A_125 : i32
    %ne3A_143 = arith.constant 0 : i32
    %ne3A_144 = arith.cmpi ne, %rem3A_142, %ne3A_143 : i32
    %and3A_145 = arith.andi %ne3A_141, %ne3A_144 : i1
    %sub3A_146 = arith.constant 1 : i32
    %sub3A_147 = arith.subi %div3A_126, %sub3A_146 : i32
    %select_n3A_148 = arith.select %and3A_145, %sub3A_147, %div3A_126 : i32
    %while3A_149 = arith.constant 0 : i32
    %while3A_150 = arith.constant 0 : i32
    %while3A_151 = arith.subi %select_n3A_148, %while3A_150 : i32
    %while3A_152 = arith.addi %while3A_150, %while3A_151 : i32
    %while3A_153 = arith.constant 1 : i32
    %while3A_154 = arith.divsi %while3A_151, %while3A_153 : i32
    %while3A_155 = arith.muli %while3A_154, %while3A_153 : i32
    %while3A_156 = arith.addi %while3A_150, %while3A_155 : i32
    %while3A_157 = arith.constant 1 : i32
    scf.for %while3A_177 = %while3A_150 to %while3A_156 step %while3A_157  : i32 {
      %mul3A_178 = arith.constant 2 : i32
      %mul3A_179 = arith.muli %while3A_177, %mul3A_178 : i32
      %dma_wait3A_180 = arith.constant 0 : i32
      %dma_wait3A_181 = arith.constant 0 : i32
      %dma_wait3A_182 = tpu.memref_slice %arg7[%dma_wait3A_180, %dma_wait3A_181] : memref<48x128xi32, #tpu.memory_space<vmem>> -> memref<1x128xi32, #tpu.memory_space<vmem>>
      %dma_wait3A_183 = tpu.memref_squeeze %dma_wait3A_182 : memref<1x128xi32, #tpu.memory_space<vmem>> -> memref<128xi32, #tpu.memory_space<vmem>>
      %dma_wait3A_184 = arith.constant 0 : i32
      %dma_wait3A_185 = arith.constant 0 : i32
      %dma_wait3A_186 = tpu.memref_slice %arg2[%dma_wait3A_184, %dma_wait3A_185] : memref<10000x128xf32, #tpu.memory_space<hbm>> -> memref<10000x128xf32, #tpu.memory_space<hbm>>
      tpu.wait_indirect_dma semaphore(%arg12 : memref<!tpu.dma_semaphore, #tpu.memory_space<semaphore_mem>>) src(%dma_wait3A_186 : memref<10000x128xf32, #tpu.memory_space<hbm>>) dst(%arg9 : memref<128x128xf32, #tpu.memory_space<vmem>>)
      %add3A_187 = arith.addi %sub3A_116, %mul3A_179 : i32
      %add3A_188 = arith.constant 1 : i32
      %add3A_189 = arith.addi %add3A_187, %add3A_188 : i32
      %dma_start3A_190 = arith.constant 0 : i32
      %dma_start3A_191 = tpu.memref_slice %arg7[%add3A_189, %dma_start3A_190] : memref<48x128xi32, #tpu.memory_space<vmem>> -> memref<1x128xi32, #tpu.memory_space<vmem>>
      %dma_start3A_192 = tpu.memref_squeeze %dma_start3A_191 : memref<1x128xi32, #tpu.memory_space<vmem>> -> memref<128xi32, #tpu.memory_space<vmem>>
      %dma_start3A_193 = arith.constant 0 : i32
      %dma_start3A_194 = arith.constant 0 : i32
      %dma_start3A_195 = tpu.memref_slice %arg2[%dma_start3A_193, %dma_start3A_194] : memref<10000x128xf32, #tpu.memory_space<hbm>> -> memref<10000x128xf32, #tpu.memory_space<hbm>>
      tpu.enqueue_indirect_dma source(%dma_start3A_195 : memref<10000x128xf32, #tpu.memory_space<hbm>>) target(%arg10 : memref<128x128xf32, #tpu.memory_space<vmem>>) offsets(%dma_start3A_192 : memref<128xi32, #tpu.memory_space<vmem>>) semaphore(%arg13 : memref<!tpu.dma_semaphore, #tpu.memory_space<semaphore_mem>>)
      %add3A_196 = arith.addi %sub3A_116, %mul3A_179 : i32
      "tpu.region"() ({
        %run_scoped3A = tpu.sem_alloc : memref<!tpu.dma_semaphore, #tpu.memory_space<semaphore_mem>>
        %dma_start3A_217 = arith.constant 0 : i32
        %dma_start3A_218 = tpu.memref_slice %arg8[%add3A_196, %dma_start3A_217] : memref<48x128xi32, #tpu.memory_space<vmem>> -> memref<1x128xi32, #tpu.memory_space<vmem>>
        %dma_start3A_219 = tpu.memref_squeeze %dma_start3A_218 : memref<1x128xi32, #tpu.memory_space<vmem>> -> memref<128xi32, #tpu.memory_space<vmem>>
        %dma_start3A_220 = arith.constant 0 : i32
        %dma_start3A_221 = arith.constant 0 : i32
        %dma_start3A_222 = tpu.memref_slice %arg11[%dma_start3A_220, %dma_start3A_221] : memref<10000x128xf32, #tpu.memory_space<vmem_shared>> -> memref<10000x128xf32, #tpu.memory_space<vmem_shared>>
        tpu.enqueue_indirect_dma source(%arg9 : memref<128x128xf32, #tpu.memory_space<vmem>>) target(%dma_start3A_222 : memref<10000x128xf32, #tpu.memory_space<vmem_shared>>) offsets(%dma_start3A_219 : memref<128xi32, #tpu.memory_space<vmem>>) semaphore(%run_scoped3A : memref<!tpu.dma_semaphore, #tpu.memory_space<semaphore_mem>>) {add = true}
        %dma_wait3A_223 = arith.constant 0 : i32
        %dma_wait3A_224 = tpu.memref_slice %arg8[%add3A_196, %dma_wait3A_223] : memref<48x128xi32, #tpu.memory_space<vmem>> -> memref<1x128xi32, #tpu.memory_space<vmem>>
        %dma_wait3A_225 = tpu.memref_squeeze %dma_wait3A_224 : memref<1x128xi32, #tpu.memory_space<vmem>> -> memref<128xi32, #tpu.memory_space<vmem>>
        %dma_wait3A_226 = arith.constant 0 : i32
        %dma_wait3A_227 = arith.constant 0 : i32
        %dma_wait3A_228 = tpu.memref_slice %arg11[%dma_wait3A_226, %dma_wait3A_227] : memref<10000x128xf32, #tpu.memory_space<vmem_shared>> -> memref<10000x128xf32, #tpu.memory_space<vmem_shared>>
        tpu.wait_indirect_dma semaphore(%run_scoped3A : memref<!tpu.dma_semaphore, #tpu.memory_space<semaphore_mem>>) src(%arg9 : memref<128x128xf32, #tpu.memory_space<vmem>>) dst(%dma_wait3A_228 : memref<10000x128xf32, #tpu.memory_space<vmem_shared>>)
        tpu.yield
      }) : () -> ()
      %dma_wait3A_197 = arith.constant 0 : i32
      %dma_wait3A_198 = arith.constant 0 : i32
      %dma_wait3A_199 = tpu.memref_slice %arg7[%dma_wait3A_197, %dma_wait3A_198] : memref<48x128xi32, #tpu.memory_space<vmem>> -> memref<1x128xi32, #tpu.memory_space<vmem>>
      %dma_wait3A_200 = tpu.memref_squeeze %dma_wait3A_199 : memref<1x128xi32, #tpu.memory_space<vmem>> -> memref<128xi32, #tpu.memory_space<vmem>>
      %dma_wait3A_201 = arith.constant 0 : i32
      %dma_wait3A_202 = arith.constant 0 : i32
      %dma_wait3A_203 = tpu.memref_slice %arg2[%dma_wait3A_201, %dma_wait3A_202] : memref<10000x128xf32, #tpu.memory_space<hbm>> -> memref<10000x128xf32, #tpu.memory_space<hbm>>
      tpu.wait_indirect_dma semaphore(%arg13 : memref<!tpu.dma_semaphore, #tpu.memory_space<semaphore_mem>>) src(%dma_wait3A_203 : memref<10000x128xf32, #tpu.memory_space<hbm>>) dst(%arg10 : memref<128x128xf32, #tpu.memory_space<vmem>>)
      %add3A_204 = arith.constant 2 : i32
      %add3A_205 = arith.addi %mul3A_179, %add3A_204 : i32
      %min3A_206 = arith.minsi %add3A_205, %sub3A_118 : i32
      %add3A_207 = arith.addi %sub3A_116, %min3A_206 : i32
      %dma_start3A_208 = arith.constant 0 : i32
      %dma_start3A_209 = tpu.memref_slice %arg7[%add3A_207, %dma_start3A_208] : memref<48x128xi32, #tpu.memory_space<vmem>> -> memref<1x128xi32, #tpu.memory_space<vmem>>
      %dma_start3A_210 = tpu.memref_squeeze %dma_start3A_209 : memref<1x128xi32, #tpu.memory_space<vmem>> -> memref<128xi32, #tpu.memory_space<vmem>>
      %dma_start3A_211 = arith.constant 0 : i32
      %dma_start3A_212 = arith.constant 0 : i32
      %dma_start3A_213 = tpu.memref_slice %arg2[%dma_start3A_211, %dma_start3A_212] : memref<10000x128xf32, #tpu.memory_space<hbm>> -> memref<10000x128xf32, #tpu.memory_space<hbm>>
      tpu.enqueue_indirect_dma source(%dma_start3A_213 : memref<10000x128xf32, #tpu.memory_space<hbm>>) target(%arg9 : memref<128x128xf32, #tpu.memory_space<vmem>>) offsets(%dma_start3A_210 : memref<128xi32, #tpu.memory_space<vmem>>) semaphore(%arg12 : memref<!tpu.dma_semaphore, #tpu.memory_space<semaphore_mem>>)
      %add3A_214 = arith.addi %sub3A_116, %mul3A_179 : i32
      %add3A_215 = arith.constant 1 : i32
      %add3A_216 = arith.addi %add3A_214, %add3A_215 : i32
      "tpu.region"() ({
        %run_scoped3A = tpu.sem_alloc : memref<!tpu.dma_semaphore, #tpu.memory_space<semaphore_mem>>
        %dma_start3A_217 = arith.constant 0 : i32
        %dma_start3A_218 = tpu.memref_slice %arg8[%add3A_216, %dma_start3A_217] : memref<48x128xi32, #tpu.memory_space<vmem>> -> memref<1x128xi32, #tpu.memory_space<vmem>>
        %dma_start3A_219 = tpu.memref_squeeze %dma_start3A_218 : memref<1x128xi32, #tpu.memory_space<vmem>> -> memref<128xi32, #tpu.memory_space<vmem>>
        %dma_start3A_220 = arith.constant 0 : i32
        %dma_start3A_221 = arith.constant 0 : i32
        %dma_start3A_222 = tpu.memref_slice %arg11[%dma_start3A_220, %dma_start3A_221] : memref<10000x128xf32, #tpu.memory_space<vmem_shared>> -> memref<10000x128xf32, #tpu.memory_space<vmem_shared>>
        tpu.enqueue_indirect_dma source(%arg10 : memref<128x128xf32, #tpu.memory_space<vmem>>) target(%dma_start3A_222 : memref<10000x128xf32, #tpu.memory_space<vmem_shared>>) offsets(%dma_start3A_219 : memref<128xi32, #tpu.memory_space<vmem>>) semaphore(%run_scoped3A : memref<!tpu.dma_semaphore, #tpu.memory_space<semaphore_mem>>) {add = true}
        %dma_wait3A_223 = arith.constant 0 : i32
        %dma_wait3A_224 = tpu.memref_slice %arg8[%add3A_216, %dma_wait3A_223] : memref<48x128xi32, #tpu.memory_space<vmem>> -> memref<1x128xi32, #tpu.memory_space<vmem>>
        %dma_wait3A_225 = tpu.memref_squeeze %dma_wait3A_224 : memref<1x128xi32, #tpu.memory_space<vmem>> -> memref<128xi32, #tpu.memory_space<vmem>>
        %dma_wait3A_226 = arith.constant 0 : i32
        %dma_wait3A_227 = arith.constant 0 : i32
        %dma_wait3A_228 = tpu.memref_slice %arg11[%dma_wait3A_226, %dma_wait3A_227] : memref<10000x128xf32, #tpu.memory_space<vmem_shared>> -> memref<10000x128xf32, #tpu.memory_space<vmem_shared>>
        tpu.wait_indirect_dma semaphore(%run_scoped3A : memref<!tpu.dma_semaphore, #tpu.memory_space<semaphore_mem>>) src(%arg10 : memref<128x128xf32, #tpu.memory_space<vmem>>) dst(%dma_wait3A_228 : memref<10000x128xf32, #tpu.memory_space<vmem_shared>>)
        tpu.yield
      }) : () -> ()
    }
    %while3A_158 = arith.constant 1 : i32
    scf.for %while3A_177 = %while3A_156 to %while3A_152 step %while3A_158  : i32 {
      %mul3A_178 = arith.constant 2 : i32
      %mul3A_179 = arith.muli %while3A_177, %mul3A_178 : i32
      %dma_wait3A_180 = arith.constant 0 : i32
      %dma_wait3A_181 = arith.constant 0 : i32
      %dma_wait3A_182 = tpu.memref_slice %arg7[%dma_wait3A_180, %dma_wait3A_181] : memref<48x128xi32, #tpu.memory_space<vmem>> -> memref<1x128xi32, #tpu.memory_space<vmem>>
      %dma_wait3A_183 = tpu.memref_squeeze %dma_wait3A_182 : memref<1x128xi32, #tpu.memory_space<vmem>> -> memref<128xi32, #tpu.memory_space<vmem>>
      %dma_wait3A_184 = arith.constant 0 : i32
      %dma_wait3A_185 = arith.constant 0 : i32
      %dma_wait3A_186 = tpu.memref_slice %arg2[%dma_wait3A_184, %dma_wait3A_185] : memref<10000x128xf32, #tpu.memory_space<hbm>> -> memref<10000x128xf32, #tpu.memory_space<hbm>>
      tpu.wait_indirect_dma semaphore(%arg12 : memref<!tpu.dma_semaphore, #tpu.memory_space<semaphore_mem>>) src(%dma_wait3A_186 : memref<10000x128xf32, #tpu.memory_space<hbm>>) dst(%arg9 : memref<128x128xf32, #tpu.memory_space<vmem>>)
      %add3A_187 = arith.addi %sub3A_116, %mul3A_179 : i32
      %add3A_188 = arith.constant 1 : i32
      %add3A_189 = arith.addi %add3A_187, %add3A_188 : i32
      %dma_start3A_190 = arith.constant 0 : i32
      %dma_start3A_191 = tpu.memref_slice %arg7[%add3A_189, %dma_start3A_190] : memref<48x128xi32, #tpu.memory_space<vmem>> -> memref<1x128xi32, #tpu.memory_space<vmem>>
      %dma_start3A_192 = tpu.memref_squeeze %dma_start3A_191 : memref<1x128xi32, #tpu.memory_space<vmem>> -> memref<128xi32, #tpu.memory_space<vmem>>
      %dma_start3A_193 = arith.constant 0 : i32
      %dma_start3A_194 = arith.constant 0 : i32
      %dma_start3A_195 = tpu.memref_slice %arg2[%dma_start3A_193, %dma_start3A_194] : memref<10000x128xf32, #tpu.memory_space<hbm>> -> memref<10000x128xf32, #tpu.memory_space<hbm>>
      tpu.enqueue_indirect_dma source(%dma_start3A_195 : memref<10000x128xf32, #tpu.memory_space<hbm>>) target(%arg10 : memref<128x128xf32, #tpu.memory_space<vmem>>) offsets(%dma_start3A_192 : memref<128xi32, #tpu.memory_space<vmem>>) semaphore(%arg13 : memref<!tpu.dma_semaphore, #tpu.memory_space<semaphore_mem>>)
      %add3A_196 = arith.addi %sub3A_116, %mul3A_179 : i32
      "tpu.region"() ({
        %run_scoped3A = tpu.sem_alloc : memref<!tpu.dma_semaphore, #tpu.memory_space<semaphore_mem>>
        %dma_start3A_217 = arith.constant 0 : i32
        %dma_start3A_218 = tpu.memref_slice %arg8[%add3A_196, %dma_start3A_217] : memref<48x128xi32, #tpu.memory_space<vmem>> -> memref<1x128xi32, #tpu.memory_space<vmem>>
        %dma_start3A_219 = tpu.memref_squeeze %dma_start3A_218 : memref<1x128xi32, #tpu.memory_space<vmem>> -> memref<128xi32, #tpu.memory_space<vmem>>
        %dma_start3A_220 = arith.constant 0 : i32
        %dma_start3A_221 = arith.constant 0 : i32
        %dma_start3A_222 = tpu.memref_slice %arg11[%dma_start3A_220, %dma_start3A_221] : memref<10000x128xf32, #tpu.memory_space<vmem_shared>> -> memref<10000x128xf32, #tpu.memory_space<vmem_shared>>
        tpu.enqueue_indirect_dma source(%arg9 : memref<128x128xf32, #tpu.memory_space<vmem>>) target(%dma_start3A_222 : memref<10000x128xf32, #tpu.memory_space<vmem_shared>>) offsets(%dma_start3A_219 : memref<128xi32, #tpu.memory_space<vmem>>) semaphore(%run_scoped3A : memref<!tpu.dma_semaphore, #tpu.memory_space<semaphore_mem>>) {add = true}
        %dma_wait3A_223 = arith.constant 0 : i32
        %dma_wait3A_224 = tpu.memref_slice %arg8[%add3A_196, %dma_wait3A_223] : memref<48x128xi32, #tpu.memory_space<vmem>> -> memref<1x128xi32, #tpu.memory_space<vmem>>
        %dma_wait3A_225 = tpu.memref_squeeze %dma_wait3A_224 : memref<1x128xi32, #tpu.memory_space<vmem>> -> memref<128xi32, #tpu.memory_space<vmem>>
        %dma_wait3A_226 = arith.constant 0 : i32
        %dma_wait3A_227 = arith.constant 0 : i32
        %dma_wait3A_228 = tpu.memref_slice %arg11[%dma_wait3A_226, %dma_wait3A_227] : memref<10000x128xf32, #tpu.memory_space<vmem_shared>> -> memref<10000x128xf32, #tpu.memory_space<vmem_shared>>
        tpu.wait_indirect_dma semaphore(%run_scoped3A : memref<!tpu.dma_semaphore, #tpu.memory_space<semaphore_mem>>) src(%arg9 : memref<128x128xf32, #tpu.memory_space<vmem>>) dst(%dma_wait3A_228 : memref<10000x128xf32, #tpu.memory_space<vmem_shared>>)
        tpu.yield
      }) : () -> ()
      %dma_wait3A_197 = arith.constant 0 : i32
      %dma_wait3A_198 = arith.constant 0 : i32
      %dma_wait3A_199 = tpu.memref_slice %arg7[%dma_wait3A_197, %dma_wait3A_198] : memref<48x128xi32, #tpu.memory_space<vmem>> -> memref<1x128xi32, #tpu.memory_space<vmem>>
      %dma_wait3A_200 = tpu.memref_squeeze %dma_wait3A_199 : memref<1x128xi32, #tpu.memory_space<vmem>> -> memref<128xi32, #tpu.memory_space<vmem>>
      %dma_wait3A_201 = arith.constant 0 : i32
      %dma_wait3A_202 = arith.constant 0 : i32
      %dma_wait3A_203 = tpu.memref_slice %arg2[%dma_wait3A_201, %dma_wait3A_202] : memref<10000x128xf32, #tpu.memory_space<hbm>> -> memref<10000x128xf32, #tpu.memory_space<hbm>>
      tpu.wait_indirect_dma semaphore(%arg13 : memref<!tpu.dma_semaphore, #tpu.memory_space<semaphore_mem>>) src(%dma_wait3A_203 : memref<10000x128xf32, #tpu.memory_space<hbm>>) dst(%arg10 : memref<128x128xf32, #tpu.memory_space<vmem>>)
      %add3A_204 = arith.constant 2 : i32
      %add3A_205 = arith.addi %mul3A_179, %add3A_204 : i32
      %min3A_206 = arith.minsi %add3A_205, %sub3A_118 : i32
      %add3A_207 = arith.addi %sub3A_116, %min3A_206 : i32
      %dma_start3A_208 = arith.constant 0 : i32
      %dma_start3A_209 = tpu.memref_slice %arg7[%add3A_207, %dma_start3A_208] : memref<48x128xi32, #tpu.memory_space<vmem>> -> memref<1x128xi32, #tpu.memory_space<vmem>>
      %dma_start3A_210 = tpu.memref_squeeze %dma_start3A_209 : memref<1x128xi32, #tpu.memory_space<vmem>> -> memref<128xi32, #tpu.memory_space<vmem>>
      %dma_start3A_211 = arith.constant 0 : i32
      %dma_start3A_212 = arith.constant 0 : i32
      %dma_start3A_213 = tpu.memref_slice %arg2[%dma_start3A_211, %dma_start3A_212] : memref<10000x128xf32, #tpu.memory_space<hbm>> -> memref<10000x128xf32, #tpu.memory_space<hbm>>
      tpu.enqueue_indirect_dma source(%dma_start3A_213 : memref<10000x128xf32, #tpu.memory_space<hbm>>) target(%arg9 : memref<128x128xf32, #tpu.memory_space<vmem>>) offsets(%dma_start3A_210 : memref<128xi32, #tpu.memory_space<vmem>>) semaphore(%arg12 : memref<!tpu.dma_semaphore, #tpu.memory_space<semaphore_mem>>)
      %add3A_214 = arith.addi %sub3A_116, %mul3A_179 : i32
      %add3A_215 = arith.constant 1 : i32
      %add3A_216 = arith.addi %add3A_214, %add3A_215 : i32
      "tpu.region"() ({
        %run_scoped3A = tpu.sem_alloc : memref<!tpu.dma_semaphore, #tpu.memory_space<semaphore_mem>>
        %dma_start3A_217 = arith.constant 0 : i32
        %dma_start3A_218 = tpu.memref_slice %arg8[%add3A_216, %dma_start3A_217] : memref<48x128xi32, #tpu.memory_space<vmem>> -> memref<1x128xi32, #tpu.memory_space<vmem>>
        %dma_start3A_219 = tpu.memref_squeeze %dma_start3A_218 : memref<1x128xi32, #tpu.memory_space<vmem>> -> memref<128xi32, #tpu.memory_space<vmem>>
        %dma_start3A_220 = arith.constant 0 : i32
        %dma_start3A_221 = arith.constant 0 : i32
        %dma_start3A_222 = tpu.memref_slice %arg11[%dma_start3A_220, %dma_start3A_221] : memref<10000x128xf32, #tpu.memory_space<vmem_shared>> -> memref<10000x128xf32, #tpu.memory_space<vmem_shared>>
        tpu.enqueue_indirect_dma source(%arg10 : memref<128x128xf32, #tpu.memory_space<vmem>>) target(%dma_start3A_222 : memref<10000x128xf32, #tpu.memory_space<vmem_shared>>) offsets(%dma_start3A_219 : memref<128xi32, #tpu.memory_space<vmem>>) semaphore(%run_scoped3A : memref<!tpu.dma_semaphore, #tpu.memory_space<semaphore_mem>>) {add = true}
        %dma_wait3A_223 = arith.constant 0 : i32
        %dma_wait3A_224 = tpu.memref_slice %arg8[%add3A_216, %dma_wait3A_223] : memref<48x128xi32, #tpu.memory_space<vmem>> -> memref<1x128xi32, #tpu.memory_space<vmem>>
        %dma_wait3A_225 = tpu.memref_squeeze %dma_wait3A_224 : memref<1x128xi32, #tpu.memory_space<vmem>> -> memref<128xi32, #tpu.memory_space<vmem>>
        %dma_wait3A_226 = arith.constant 0 : i32
        %dma_wait3A_227 = arith.constant 0 : i32
        %dma_wait3A_228 = tpu.memref_slice %arg11[%dma_wait3A_226, %dma_wait3A_227] : memref<10000x128xf32, #tpu.memory_space<vmem_shared>> -> memref<10000x128xf32, #tpu.memory_space<vmem_shared>>
        tpu.wait_indirect_dma semaphore(%run_scoped3A : memref<!tpu.dma_semaphore, #tpu.memory_space<semaphore_mem>>) src(%arg10 : memref<128x128xf32, #tpu.memory_space<vmem>>) dst(%dma_wait3A_228 : memref<10000x128xf32, #tpu.memory_space<vmem_shared>>)
        tpu.yield
      }) : () -> ()
    }
    %dma_wait3A_159 = arith.constant 0 : i32
    %dma_wait3A_160 = arith.constant 0 : i32
    %dma_wait3A_161 = tpu.memref_slice %arg7[%dma_wait3A_159, %dma_wait3A_160] : memref<48x128xi32, #tpu.memory_space<vmem>> -> memref<1x128xi32, #tpu.memory_space<vmem>>
    %dma_wait3A_162 = tpu.memref_squeeze %dma_wait3A_161 : memref<1x128xi32, #tpu.memory_space<vmem>> -> memref<128xi32, #tpu.memory_space<vmem>>
    %dma_wait3A_163 = arith.constant 0 : i32
    %dma_wait3A_164 = arith.constant 0 : i32
    %dma_wait3A_165 = tpu.memref_slice %arg2[%dma_wait3A_163, %dma_wait3A_164] : memref<10000x128xf32, #tpu.memory_space<hbm>> -> memref<10000x128xf32, #tpu.memory_space<hbm>>
    tpu.wait_indirect_dma semaphore(%arg12 : memref<!tpu.dma_semaphore, #tpu.memory_space<semaphore_mem>>) src(%dma_wait3A_165 : memref<10000x128xf32, #tpu.memory_space<hbm>>) dst(%arg9 : memref<128x128xf32, #tpu.memory_space<vmem>>)
    %barrier3A_166 = arith.constant 0 : index
    tpu.barrier barrier_id(%barrier3A_166)
    %lt3A_167 = arith.constant 15 : i32
    %lt3A_168 = arith.cmpi slt, %arg1, %lt3A_167 : i32
    %convert_element_type3A_169 = arith.extui %lt3A_168 : i1 to i32
    %cond3A_170 = arith.constant 0 : i32
    %cond3A_171 = arith.cmpi ne, %convert_element_type3A_169, %cond3A_170 : i32
    scf.if %cond3A_171 {
      "tpu.region"() ({
        %run_scoped3A = tpu.sem_alloc : memref<!tpu.dma_semaphore, #tpu.memory_space<semaphore_mem>>
        %dma_start3A_177 = arith.constant 0 : i32
        %dma_start3A_178 = tpu.memref_slice %arg6[%arg0, %mul3A_14, %dma_start3A_177] : memref<2x10000x128xf32, #tpu.memory_space<hbm>> -> memref<1x632x128xf32, #tpu.memory_space<hbm>>
        %dma_start3A_179 = tpu.memref_squeeze %dma_start3A_178 : memref<1x632x128xf32, #tpu.memory_space<hbm>> -> memref<632x128xf32, #tpu.memory_space<hbm>>
        %dma_start3A_180 = arith.constant 0 : i32
        %dma_start3A_181 = tpu.memref_slice %arg11[%mul3A_14, %dma_start3A_180] : memref<10000x128xf32, #tpu.memory_space<vmem_shared>> -> memref<632x128xf32, #tpu.memory_space<vmem_shared>>
        tpu.enqueue_dma source(%dma_start3A_181 : memref<632x128xf32, #tpu.memory_space<vmem_shared>>) target(%dma_start3A_179 : memref<632x128xf32, #tpu.memory_space<hbm>>) target_semaphore(%run_scoped3A : memref<!tpu.dma_semaphore, #tpu.memory_space<semaphore_mem>>)
        %dma_wait3A_182 = arith.constant 0 : i32
        %dma_wait3A_183 = tpu.memref_slice %arg6[%arg0, %mul3A_14, %dma_wait3A_182] : memref<2x10000x128xf32, #tpu.memory_space<hbm>> -> memref<1x632x128xf32, #tpu.memory_space<hbm>>
        %dma_wait3A_184 = tpu.memref_squeeze %dma_wait3A_183 : memref<1x632x128xf32, #tpu.memory_space<hbm>> -> memref<632x128xf32, #tpu.memory_space<hbm>>
        %dma_wait3A_185 = arith.constant 0 : i32
        %dma_wait3A_186 = tpu.memref_slice %arg11[%mul3A_14, %dma_wait3A_185] : memref<10000x128xf32, #tpu.memory_space<vmem_shared>> -> memref<632x128xf32, #tpu.memory_space<vmem_shared>>
        tpu.wait_dma2 semaphore(%run_scoped3A : memref<!tpu.dma_semaphore, #tpu.memory_space<semaphore_mem>>) src(%dma_wait3A_186 : memref<632x128xf32, #tpu.memory_space<vmem_shared>>) dst(%dma_wait3A_184 : memref<632x128xf32, #tpu.memory_space<hbm>>)
        tpu.yield
      }) : () -> ()
    } else {
    }
    %eq3A_172 = arith.constant 15 : i32
    %eq3A_173 = arith.cmpi eq, %arg1, %eq3A_172 : i32
    %convert_element_type3A_174 = arith.extui %eq3A_173 : i1 to i32
    %cond3A_175 = arith.constant 0 : i32
    %cond3A_176 = arith.cmpi ne, %convert_element_type3A_174, %cond3A_175 : i32
    scf.if %cond3A_176 {
      "tpu.region"() ({
        %run_scoped3A = tpu.sem_alloc : memref<!tpu.dma_semaphore, #tpu.memory_space<semaphore_mem>>
        %dma_start3A_177 = arith.constant 9480 : i32
        %dma_start3A_178 = arith.constant 0 : i32
        %dma_start3A_179 = tpu.memref_slice %arg6[%arg0, %dma_start3A_177, %dma_start3A_178] : memref<2x10000x128xf32, #tpu.memory_space<hbm>> -> memref<1x520x128xf32, #tpu.memory_space<hbm>>
        %dma_start3A_180 = tpu.memref_squeeze %dma_start3A_179 : memref<1x520x128xf32, #tpu.memory_space<hbm>> -> memref<520x128xf32, #tpu.memory_space<hbm>>
        %dma_start3A_181 = arith.constant 9480 : i32
        %dma_start3A_182 = arith.constant 0 : i32
        %dma_start3A_183 = tpu.memref_slice %arg11[%dma_start3A_181, %dma_start3A_182] : memref<10000x128xf32, #tpu.memory_space<vmem_shared>> -> memref<520x128xf32, #tpu.memory_space<vmem_shared>>
        tpu.enqueue_dma source(%dma_start3A_183 : memref<520x128xf32, #tpu.memory_space<vmem_shared>>) target(%dma_start3A_180 : memref<520x128xf32, #tpu.memory_space<hbm>>) target_semaphore(%run_scoped3A : memref<!tpu.dma_semaphore, #tpu.memory_space<semaphore_mem>>)
        %dma_wait3A_184 = arith.constant 9480 : i32
        %dma_wait3A_185 = arith.constant 0 : i32
        %dma_wait3A_186 = tpu.memref_slice %arg6[%arg0, %dma_wait3A_184, %dma_wait3A_185] : memref<2x10000x128xf32, #tpu.memory_space<hbm>> -> memref<1x520x128xf32, #tpu.memory_space<hbm>>
        %dma_wait3A_187 = tpu.memref_squeeze %dma_wait3A_186 : memref<1x520x128xf32, #tpu.memory_space<hbm>> -> memref<520x128xf32, #tpu.memory_space<hbm>>
        %dma_wait3A_188 = arith.constant 9480 : i32
        %dma_wait3A_189 = arith.constant 0 : i32
        %dma_wait3A_190 = tpu.memref_slice %arg11[%dma_wait3A_188, %dma_wait3A_189] : memref<10000x128xf32, #tpu.memory_space<vmem_shared>> -> memref<520x128xf32, #tpu.memory_space<vmem_shared>>
        tpu.wait_dma2 semaphore(%run_scoped3A : memref<!tpu.dma_semaphore, #tpu.memory_space<semaphore_mem>>) src(%dma_wait3A_190 : memref<520x128xf32, #tpu.memory_space<vmem_shared>>) dst(%dma_wait3A_187 : memref<520x128xf32, #tpu.memory_space<hbm>>)
        tpu.yield
      }) : () -> ()
    } else {
    }
    return
  }
}

module attributes {stable_mosaic.version = 14 : i64} {
  func.func @body(%arg0: i32, %arg1: memref<2x1000x128xf32, #tpu.memory_space<vmem>>, %arg2: memref<1000x128xf32, #tpu.memory_space<vmem>>, %arg3: memref<128x256xf32, #tpu.memory_space<vmem>>, %arg4: memref<128x256xf32, #tpu.memory_space<vmem>>, %arg5: memref<1x256xf32, #tpu.memory_space<vmem>>, %arg6: memref<1x256xf32, #tpu.memory_space<vmem>>, %arg7: memref<1x256xf32, #tpu.memory_space<vmem>>, %arg8: memref<1000x128xf32, #tpu.memory_space<vmem>>, %arg9: memref<1000x128xf32, #tpu.memory_space<vmem>>) attributes {dimension_semantics = [#tpu.dimension_semantics<arbitrary>], iteration_bounds = array<i64: 10>, scalar_prefetch = 0 : i64, scratch_operands = 0 : i64, tpu.core_type = #tpu.core_type<tc>, window_params = [{transform_indices = @transform_0, window_bounds = array<i64: 2, 1000, 128>}, {transform_indices = @transform_1, window_bounds = array<i64: 1000, 128>}, {pipeline_mode = #tpu.pipeline_mode<synchronous>, transform_indices = @transform_2, window_bounds = array<i64: 128, 256>}, {pipeline_mode = #tpu.pipeline_mode<synchronous>, transform_indices = @transform_3, window_bounds = array<i64: 128, 256>}, {pipeline_mode = #tpu.pipeline_mode<synchronous>, transform_indices = @transform_4, window_bounds = array<i64: 1, 256>}, {pipeline_mode = #tpu.pipeline_mode<synchronous>, transform_indices = @transform_5, window_bounds = array<i64: 1, 256>}, {pipeline_mode = #tpu.pipeline_mode<synchronous>, transform_indices = @transform_6, window_bounds = array<i64: 1, 256>}, {transform_indices = @transform_7, window_bounds = array<i64: 1000, 128>}, {transform_indices = @transform_8, window_bounds = array<i64: 1000, 128>}]} {
    %get3A = arith.constant 0 : index
    %get3A_0 = arith.constant 0 : index
    %get3A_1 = arith.constant 0 : index
    %get3A_2 = vector.load %arg1[%get3A, %get3A_0, %get3A_1] : memref<2x1000x128xf32, #tpu.memory_space<vmem>>, vector<1x1000x128xf32>
    %get3A_3 = vector.shape_cast %get3A_2 : vector<1x1000x128xf32> to vector<1000x128xf32>
    %get3A_4 = arith.constant 1 : index
    %get3A_5 = arith.constant 0 : index
    %get3A_6 = arith.constant 0 : index
    %get3A_7 = vector.load %arg1[%get3A_4, %get3A_5, %get3A_6] : memref<2x1000x128xf32, #tpu.memory_space<vmem>>, vector<1x1000x128xf32>
    %get3A_8 = vector.shape_cast %get3A_7 : vector<1x1000x128xf32> to vector<1000x128xf32>
    %add3A = arith.addf %get3A_3, %get3A_8 : vector<1000x128xf32>
    %get3A_9 = arith.constant 0 : index
    %get3A_10 = arith.constant 0 : index
    %get3A_11 = vector.load %arg3[%get3A_9, %get3A_10] : memref<128x256xf32, #tpu.memory_space<vmem>>, vector<128x256xf32>
    %dot_general3A = arith.constant dense<0.000000e+00> : vector<1000x256xf32>
    %dot_general3A_12 = tpu.matmul %add3A, %get3A_11, %dot_general3A {dimension_numbers = #tpu.dot_dimension_numbers<[1], [0], [0], [1], [0, 0, 1, 1], [], []>, transpose_lhs_hint = false} : vector<1000x128xf32>, vector<128x256xf32>, vector<1000x256xf32> -> vector<1000x256xf32>
    %get3A_13 = arith.constant 0 : index
    %get3A_14 = arith.constant 0 : index
    %get3A_15 = vector.load %arg2[%get3A_13, %get3A_14] : memref<1000x128xf32, #tpu.memory_space<vmem>>, vector<1000x128xf32>
    %get3A_16 = arith.constant 0 : index
    %get3A_17 = arith.constant 0 : index
    %get3A_18 = vector.load %arg4[%get3A_16, %get3A_17] : memref<128x256xf32, #tpu.memory_space<vmem>>, vector<128x256xf32>
    %dot_general3A_19 = arith.constant dense<0.000000e+00> : vector<1000x256xf32>
    %dot_general3A_20 = tpu.matmul %get3A_15, %get3A_18, %dot_general3A_19 {dimension_numbers = #tpu.dot_dimension_numbers<[1], [0], [0], [1], [0, 0, 1, 1], [], []>, transpose_lhs_hint = false} : vector<1000x128xf32>, vector<128x256xf32>, vector<1000x256xf32> -> vector<1000x256xf32>
    %add3A_21 = arith.addf %dot_general3A_12, %dot_general3A_20 : vector<1000x256xf32>
    %get3A_22 = arith.constant 0 : index
    %get3A_23 = arith.constant 0 : index
    %get3A_24 = vector.load %arg5[%get3A_22, %get3A_23] : memref<1x256xf32, #tpu.memory_space<vmem>>, vector<1x256xf32>
    %add3A_25 = vector.broadcast %get3A_24 : vector<1x256xf32> to vector<1000x256xf32>
    %add3A_26 = arith.addf %add3A_21, %add3A_25 : vector<1000x256xf32>
    %get3A_27 = arith.constant 0 : index
    %get3A_28 = arith.constant 0 : index
    %get3A_29 = vector.load %arg6[%get3A_27, %get3A_28] : memref<1x256xf32, #tpu.memory_space<vmem>>, vector<1x256xf32>
    %get3A_30 = arith.constant 0 : index
    %get3A_31 = arith.constant 0 : index
    %get3A_32 = vector.load %arg7[%get3A_30, %get3A_31] : memref<1x256xf32, #tpu.memory_space<vmem>>, vector<1x256xf32>
    %reduce_sum3A = arith.constant dense<0.000000e+00> : vector<1000xf32>
    %reduce_sum3A_33 = vector.multi_reduction <add>, %add3A_26, %reduce_sum3A [1] : vector<1000x256xf32> to vector<1000xf32>
    %broadcast_in_dim3A = vector.shape_cast %reduce_sum3A_33 : vector<1000xf32> to vector<1000x1xf32>
    %div3A = arith.constant 2.560000e+02 : f32
    %div3A_34 = vector.broadcast %div3A : f32 to vector<1000x1xf32>
    %div3A_35 = arith.divf %broadcast_in_dim3A, %div3A_34 : vector<1000x1xf32>
    %sub3A = vector.broadcast %div3A_35 : vector<1000x1xf32> to vector<1000x256xf32>
    %sub3A_36 = arith.subf %add3A_26, %sub3A : vector<1000x256xf32>
    %integer_pow3A = arith.mulf %sub3A_36, %sub3A_36 : vector<1000x256xf32>
    %reduce_sum3A_37 = arith.constant dense<0.000000e+00> : vector<1000xf32>
    %reduce_sum3A_38 = vector.multi_reduction <add>, %integer_pow3A, %reduce_sum3A_37 [1] : vector<1000x256xf32> to vector<1000xf32>
    %broadcast_in_dim3A_39 = vector.shape_cast %reduce_sum3A_38 : vector<1000xf32> to vector<1000x1xf32>
    %div3A_40 = arith.constant 2.560000e+02 : f32
    %div3A_41 = vector.broadcast %div3A_40 : f32 to vector<1000x1xf32>
    %div3A_42 = arith.divf %broadcast_in_dim3A_39, %div3A_41 : vector<1000x1xf32>
    %sub3A_43 = vector.broadcast %div3A_35 : vector<1000x1xf32> to vector<1000x256xf32>
    %sub3A_44 = arith.subf %add3A_26, %sub3A_43 : vector<1000x256xf32>
    %add3A_45 = arith.constant 9.99999974E-6 : f32
    %add3A_46 = vector.broadcast %add3A_45 : f32 to vector<1000x1xf32>
    %add3A_47 = arith.addf %div3A_42, %add3A_46 : vector<1000x1xf32>
    %rsqrt3A = math.rsqrt %add3A_47 : vector<1000x1xf32>
    %mul3A = vector.broadcast %rsqrt3A : vector<1000x1xf32> to vector<1000x256xf32>
    %mul3A_48 = arith.mulf %sub3A_44, %mul3A : vector<1000x256xf32>
    %mul3A_49 = vector.broadcast %get3A_29 : vector<1x256xf32> to vector<1000x256xf32>
    %mul3A_50 = arith.mulf %mul3A_48, %mul3A_49 : vector<1000x256xf32>
    %add3A_51 = vector.broadcast %get3A_32 : vector<1x256xf32> to vector<1000x256xf32>
    %add3A_52 = arith.addf %mul3A_50, %add3A_51 : vector<1000x256xf32>
    %max3A = arith.constant 0.000000e+00 : f32
    %max3A_53 = vector.broadcast %max3A : f32 to vector<1000x256xf32>
    %max3A_54 = arith.maximumf %add3A_52, %max3A_53 : vector<1000x256xf32>
    %slice3A = vector.extract_strided_slice %max3A_54 {offsets = [0, 0], sizes = [1000, 128], strides = [1, 1]} : vector<1000x256xf32> to vector<1000x128xf32>
    %swap3A = arith.constant 0 : index
    %swap3A_55 = arith.constant 0 : index
    %swap3A_56 = vector.load %arg8[%swap3A, %swap3A_55] : memref<1000x128xf32, #tpu.memory_space<vmem>>, vector<1000x128xf32>
    tpu.vector_store %arg8[%swap3A, %swap3A_55], %slice3A {strides = array<i32>} : memref<1000x128xf32, #tpu.memory_space<vmem>>, vector<1000x128xf32>,
    %slice3A_57 = vector.extract_strided_slice %max3A_54 {offsets = [0, 128], sizes = [1000, 128], strides = [1, 1]} : vector<1000x256xf32> to vector<1000x128xf32>
    %swap3A_58 = arith.constant 0 : index
    %swap3A_59 = arith.constant 0 : index
    %swap3A_60 = vector.load %arg9[%swap3A_58, %swap3A_59] : memref<1000x128xf32, #tpu.memory_space<vmem>>, vector<1000x128xf32>
    tpu.vector_store %arg9[%swap3A_58, %swap3A_59], %slice3A_57 {strides = array<i32>} : memref<1000x128xf32, #tpu.memory_space<vmem>>, vector<1000x128xf32>,
    return
  }
  func.func @transform_0(%arg0: i32) -> (i32, i32, i32) {
    %c0_i32 = arith.constant 0 : i32
    %c0_i32_0 = arith.constant 0 : i32
    %c0_i32_1 = arith.constant 0 : i32
    return %c0_i32, %arg0, %c0_i32_0 : i32, i32, i32
  }
  func.func @transform_1(%arg0: i32) -> (i32, i32) {
    %c0_i32 = arith.constant 0 : i32
    %c0_i32_0 = arith.constant 0 : i32
    return %arg0, %c0_i32 : i32, i32
  }
  func.func @transform_2(%arg0: i32) -> (i32, i32) {
    %c0_i32 = arith.constant 0 : i32
    %c0_i32_0 = arith.constant 0 : i32
    %c0_i32_1 = arith.constant 0 : i32
    return %c0_i32, %c0_i32_0 : i32, i32
  }
  func.func @transform_3(%arg0: i32) -> (i32, i32) {
    %c0_i32 = arith.constant 0 : i32
    %c0_i32_0 = arith.constant 0 : i32
    %c0_i32_1 = arith.constant 0 : i32
    return %c0_i32, %c0_i32_0 : i32, i32
  }
  func.func @transform_4(%arg0: i32) -> (i32, i32) {
    %c0_i32 = arith.constant 0 : i32
    %c0_i32_0 = arith.constant 0 : i32
    %c0_i32_1 = arith.constant 0 : i32
    return %c0_i32, %c0_i32_0 : i32, i32
  }
  func.func @transform_5(%arg0: i32) -> (i32, i32) {
    %c0_i32 = arith.constant 0 : i32
    %c0_i32_0 = arith.constant 0 : i32
    %c0_i32_1 = arith.constant 0 : i32
    return %c0_i32, %c0_i32_0 : i32, i32
  }
  func.func @transform_6(%arg0: i32) -> (i32, i32) {
    %c0_i32 = arith.constant 0 : i32
    %c0_i32_0 = arith.constant 0 : i32
    %c0_i32_1 = arith.constant 0 : i32
    return %c0_i32, %c0_i32_0 : i32, i32
  }
  func.func @transform_7(%arg0: i32) -> (i32, i32) {
    %c0_i32 = arith.constant 0 : i32
    %c0_i32_0 = arith.constant 0 : i32
    return %arg0, %c0_i32 : i32, i32
  }
  func.func @transform_8(%arg0: i32) -> (i32, i32) {
    %c0_i32 = arith.constant 0 : i32
    %c0_i32_0 = arith.constant 0 : i32
    return %arg0, %c0_i32 : i32, i32
  }
}

module attributes {stable_mosaic.version = 14 : i64} {
  func.func @body(%arg0: i32, %arg1: memref<2x1000x128xf32, #tpu.memory_space<vmem>>, %arg2: memref<2x1000x128xf32, #tpu.memory_space<vmem>>, %arg3: memref<1000x128xf32, #tpu.memory_space<vmem>>, %arg4: memref<1000x128xf32, #tpu.memory_space<vmem>>, %arg5: memref<128x256xf32, #tpu.memory_space<vmem>>, %arg6: memref<128x256xf32, #tpu.memory_space<vmem>>, %arg7: memref<128x256xf32, #tpu.memory_space<vmem>>, %arg8: memref<128x256xf32, #tpu.memory_space<vmem>>, %arg9: memref<1x256xf32, #tpu.memory_space<vmem>>, %arg10: memref<1x256xf32, #tpu.memory_space<vmem>>, %arg11: memref<1x256xf32, #tpu.memory_space<vmem>>, %arg12: memref<256x128xf32, #tpu.memory_space<vmem>>, %arg13: memref<256x128xf32, #tpu.memory_space<vmem>>, %arg14: memref<1x128xf32, #tpu.memory_space<vmem>>, %arg15: memref<1000x128xf32, #tpu.memory_space<vmem>>, %arg16: memref<1000x128xf32, #tpu.memory_space<vmem>>) attributes {dimension_semantics = [#tpu.dimension_semantics<arbitrary>], iteration_bounds = array<i64: 10>, scalar_prefetch = 0 : i64, scratch_operands = 0 : i64, tpu.core_type = #tpu.core_type<tc>, window_params = [{transform_indices = @transform_0, window_bounds = array<i64: 2, 1000, 128>}, {transform_indices = @transform_1, window_bounds = array<i64: 2, 1000, 128>}, {transform_indices = @transform_2, window_bounds = array<i64: 1000, 128>}, {transform_indices = @transform_3, window_bounds = array<i64: 1000, 128>}, {pipeline_mode = #tpu.pipeline_mode<synchronous>, transform_indices = @transform_4, window_bounds = array<i64: 128, 256>}, {pipeline_mode = #tpu.pipeline_mode<synchronous>, transform_indices = @transform_5, window_bounds = array<i64: 128, 256>}, {pipeline_mode = #tpu.pipeline_mode<synchronous>, transform_indices = @transform_6, window_bounds = array<i64: 128, 256>}, {pipeline_mode = #tpu.pipeline_mode<synchronous>, transform_indices = @transform_7, window_bounds = array<i64: 128, 256>}, {pipeline_mode = #tpu.pipeline_mode<synchronous>, transform_indices = @transform_8, window_bounds = array<i64: 1, 256>}, {pipeline_mode = #tpu.pipeline_mode<synchronous>, transform_indices = @transform_9, window_bounds = array<i64: 1, 256>}, {pipeline_mode = #tpu.pipeline_mode<synchronous>, transform_indices = @transform_10, window_bounds = array<i64: 1, 256>}, {pipeline_mode = #tpu.pipeline_mode<synchronous>, transform_indices = @transform_11, window_bounds = array<i64: 256, 128>}, {pipeline_mode = #tpu.pipeline_mode<synchronous>, transform_indices = @transform_12, window_bounds = array<i64: 256, 128>}, {pipeline_mode = #tpu.pipeline_mode<synchronous>, transform_indices = @transform_13, window_bounds = array<i64: 1, 128>}, {transform_indices = @transform_14, window_bounds = array<i64: 1000, 128>}, {transform_indices = @transform_15, window_bounds = array<i64: 1000, 128>}]} {
    %get3A = arith.constant 0 : index
    %get3A_0 = arith.constant 0 : index
    %get3A_1 = arith.constant 0 : index
    %get3A_2 = vector.load %arg1[%get3A, %get3A_0, %get3A_1] : memref<2x1000x128xf32, #tpu.memory_space<vmem>>, vector<1x1000x128xf32>
    %get3A_3 = vector.shape_cast %get3A_2 : vector<1x1000x128xf32> to vector<1000x128xf32>
    %get3A_4 = arith.constant 1 : index
    %get3A_5 = arith.constant 0 : index
    %get3A_6 = arith.constant 0 : index
    %get3A_7 = vector.load %arg1[%get3A_4, %get3A_5, %get3A_6] : memref<2x1000x128xf32, #tpu.memory_space<vmem>>, vector<1x1000x128xf32>
    %get3A_8 = vector.shape_cast %get3A_7 : vector<1x1000x128xf32> to vector<1000x128xf32>
    %add3A = arith.addf %get3A_3, %get3A_8 : vector<1000x128xf32>
    %get3A_9 = arith.constant 0 : index
    %get3A_10 = arith.constant 0 : index
    %get3A_11 = vector.load %arg5[%get3A_9, %get3A_10] : memref<128x256xf32, #tpu.memory_space<vmem>>, vector<128x256xf32>
    %dot_general3A = arith.constant dense<0.000000e+00> : vector<1000x256xf32>
    %dot_general3A_12 = tpu.matmul %add3A, %get3A_11, %dot_general3A {dimension_numbers = #tpu.dot_dimension_numbers<[1], [0], [0], [1], [0, 0, 1, 1], [], []>, transpose_lhs_hint = false} : vector<1000x128xf32>, vector<128x256xf32>, vector<1000x256xf32> -> vector<1000x256xf32>
    %get3A_13 = arith.constant 0 : index
    %get3A_14 = arith.constant 0 : index
    %get3A_15 = arith.constant 0 : index
    %get3A_16 = vector.load %arg2[%get3A_13, %get3A_14, %get3A_15] : memref<2x1000x128xf32, #tpu.memory_space<vmem>>, vector<1x1000x128xf32>
    %get3A_17 = vector.shape_cast %get3A_16 : vector<1x1000x128xf32> to vector<1000x128xf32>
    %get3A_18 = arith.constant 1 : index
    %get3A_19 = arith.constant 0 : index
    %get3A_20 = arith.constant 0 : index
    %get3A_21 = vector.load %arg2[%get3A_18, %get3A_19, %get3A_20] : memref<2x1000x128xf32, #tpu.memory_space<vmem>>, vector<1x1000x128xf32>
    %get3A_22 = vector.shape_cast %get3A_21 : vector<1x1000x128xf32> to vector<1000x128xf32>
    %add3A_23 = arith.addf %get3A_17, %get3A_22 : vector<1000x128xf32>
    %get3A_24 = arith.constant 0 : index
    %get3A_25 = arith.constant 0 : index
    %get3A_26 = vector.load %arg6[%get3A_24, %get3A_25] : memref<128x256xf32, #tpu.memory_space<vmem>>, vector<128x256xf32>
    %dot_general3A_27 = arith.constant dense<0.000000e+00> : vector<1000x256xf32>
    %dot_general3A_28 = tpu.matmul %add3A_23, %get3A_26, %dot_general3A_27 {dimension_numbers = #tpu.dot_dimension_numbers<[1], [0], [0], [1], [0, 0, 1, 1], [], []>, transpose_lhs_hint = false} : vector<1000x128xf32>, vector<128x256xf32>, vector<1000x256xf32> -> vector<1000x256xf32>
    %add3A_29 = arith.addf %dot_general3A_12, %dot_general3A_28 : vector<1000x256xf32>
    %get3A_30 = arith.constant 0 : index
    %get3A_31 = arith.constant 0 : index
    %get3A_32 = vector.load %arg3[%get3A_30, %get3A_31] : memref<1000x128xf32, #tpu.memory_space<vmem>>, vector<1000x128xf32>
    %get3A_33 = arith.constant 0 : index
    %get3A_34 = arith.constant 0 : index
    %get3A_35 = vector.load %arg7[%get3A_33, %get3A_34] : memref<128x256xf32, #tpu.memory_space<vmem>>, vector<128x256xf32>
    %dot_general3A_36 = arith.constant dense<0.000000e+00> : vector<1000x256xf32>
    %dot_general3A_37 = tpu.matmul %get3A_32, %get3A_35, %dot_general3A_36 {dimension_numbers = #tpu.dot_dimension_numbers<[1], [0], [0], [1], [0, 0, 1, 1], [], []>, transpose_lhs_hint = false} : vector<1000x128xf32>, vector<128x256xf32>, vector<1000x256xf32> -> vector<1000x256xf32>
    %add3A_38 = arith.addf %add3A_29, %dot_general3A_37 : vector<1000x256xf32>
    %get3A_39 = arith.constant 0 : index
    %get3A_40 = arith.constant 0 : index
    %get3A_41 = vector.load %arg4[%get3A_39, %get3A_40] : memref<1000x128xf32, #tpu.memory_space<vmem>>, vector<1000x128xf32>
    %get3A_42 = arith.constant 0 : index
    %get3A_43 = arith.constant 0 : index
    %get3A_44 = vector.load %arg8[%get3A_42, %get3A_43] : memref<128x256xf32, #tpu.memory_space<vmem>>, vector<128x256xf32>
    %dot_general3A_45 = arith.constant dense<0.000000e+00> : vector<1000x256xf32>
    %dot_general3A_46 = tpu.matmul %get3A_41, %get3A_44, %dot_general3A_45 {dimension_numbers = #tpu.dot_dimension_numbers<[1], [0], [0], [1], [0, 0, 1, 1], [], []>, transpose_lhs_hint = false} : vector<1000x128xf32>, vector<128x256xf32>, vector<1000x256xf32> -> vector<1000x256xf32>
    %add3A_47 = arith.addf %add3A_38, %dot_general3A_46 : vector<1000x256xf32>
    %get3A_48 = arith.constant 0 : index
    %get3A_49 = arith.constant 0 : index
    %get3A_50 = vector.load %arg9[%get3A_48, %get3A_49] : memref<1x256xf32, #tpu.memory_space<vmem>>, vector<1x256xf32>
    %add3A_51 = vector.broadcast %get3A_50 : vector<1x256xf32> to vector<1000x256xf32>
    %add3A_52 = arith.addf %add3A_47, %add3A_51 : vector<1000x256xf32>
    %get3A_53 = arith.constant 0 : index
    %get3A_54 = arith.constant 0 : index
    %get3A_55 = vector.load %arg10[%get3A_53, %get3A_54] : memref<1x256xf32, #tpu.memory_space<vmem>>, vector<1x256xf32>
    %get3A_56 = arith.constant 0 : index
    %get3A_57 = arith.constant 0 : index
    %get3A_58 = vector.load %arg11[%get3A_56, %get3A_57] : memref<1x256xf32, #tpu.memory_space<vmem>>, vector<1x256xf32>
    %reduce_sum3A = arith.constant dense<0.000000e+00> : vector<1000xf32>
    %reduce_sum3A_59 = vector.multi_reduction <add>, %add3A_52, %reduce_sum3A [1] : vector<1000x256xf32> to vector<1000xf32>
    %broadcast_in_dim3A = vector.shape_cast %reduce_sum3A_59 : vector<1000xf32> to vector<1000x1xf32>
    %div3A = arith.constant 2.560000e+02 : f32
    %div3A_60 = vector.broadcast %div3A : f32 to vector<1000x1xf32>
    %div3A_61 = arith.divf %broadcast_in_dim3A, %div3A_60 : vector<1000x1xf32>
    %sub3A = vector.broadcast %div3A_61 : vector<1000x1xf32> to vector<1000x256xf32>
    %sub3A_62 = arith.subf %add3A_52, %sub3A : vector<1000x256xf32>
    %integer_pow3A = arith.mulf %sub3A_62, %sub3A_62 : vector<1000x256xf32>
    %reduce_sum3A_63 = arith.constant dense<0.000000e+00> : vector<1000xf32>
    %reduce_sum3A_64 = vector.multi_reduction <add>, %integer_pow3A, %reduce_sum3A_63 [1] : vector<1000x256xf32> to vector<1000xf32>
    %broadcast_in_dim3A_65 = vector.shape_cast %reduce_sum3A_64 : vector<1000xf32> to vector<1000x1xf32>
    %div3A_66 = arith.constant 2.560000e+02 : f32
    %div3A_67 = vector.broadcast %div3A_66 : f32 to vector<1000x1xf32>
    %div3A_68 = arith.divf %broadcast_in_dim3A_65, %div3A_67 : vector<1000x1xf32>
    %sub3A_69 = vector.broadcast %div3A_61 : vector<1000x1xf32> to vector<1000x256xf32>
    %sub3A_70 = arith.subf %add3A_52, %sub3A_69 : vector<1000x256xf32>
    %add3A_71 = arith.constant 9.99999974E-6 : f32
    %add3A_72 = vector.broadcast %add3A_71 : f32 to vector<1000x1xf32>
    %add3A_73 = arith.addf %div3A_68, %add3A_72 : vector<1000x1xf32>
    %rsqrt3A = math.rsqrt %add3A_73 : vector<1000x1xf32>
    %mul3A = vector.broadcast %rsqrt3A : vector<1000x1xf32> to vector<1000x256xf32>
    %mul3A_74 = arith.mulf %sub3A_70, %mul3A : vector<1000x256xf32>
    %mul3A_75 = vector.broadcast %get3A_55 : vector<1x256xf32> to vector<1000x256xf32>
    %mul3A_76 = arith.mulf %mul3A_74, %mul3A_75 : vector<1000x256xf32>
    %add3A_77 = vector.broadcast %get3A_58 : vector<1x256xf32> to vector<1000x256xf32>
    %add3A_78 = arith.addf %mul3A_76, %add3A_77 : vector<1000x256xf32>
    %max3A = arith.constant 0.000000e+00 : f32
    %max3A_79 = vector.broadcast %max3A : f32 to vector<1000x256xf32>
    %max3A_80 = arith.maximumf %add3A_78, %max3A_79 : vector<1000x256xf32>
    %get3A_81 = arith.constant 0 : index
    %get3A_82 = arith.constant 0 : index
    %get3A_83 = vector.load %arg12[%get3A_81, %get3A_82] : memref<256x128xf32, #tpu.memory_space<vmem>>, vector<256x128xf32>
    %dot_general3A_84 = arith.constant dense<0.000000e+00> : vector<1000x128xf32>
    %dot_general3A_85 = tpu.matmul %max3A_80, %get3A_83, %dot_general3A_84 {dimension_numbers = #tpu.dot_dimension_numbers<[1], [0], [0], [1], [0, 0, 1, 1], [], []>, transpose_lhs_hint = false} : vector<1000x256xf32>, vector<256x128xf32>, vector<1000x128xf32> -> vector<1000x128xf32>
    %swap3A = arith.constant 0 : index
    %swap3A_86 = arith.constant 0 : index
    %swap3A_87 = vector.load %arg15[%swap3A, %swap3A_86] : memref<1000x128xf32, #tpu.memory_space<vmem>>, vector<1000x128xf32>
    tpu.vector_store %arg15[%swap3A, %swap3A_86], %dot_general3A_85 {strides = array<i32>} : memref<1000x128xf32, #tpu.memory_space<vmem>>, vector<1000x128xf32>,
    %get3A_88 = arith.constant 0 : index
    %get3A_89 = arith.constant 0 : index
    %get3A_90 = vector.load %arg13[%get3A_88, %get3A_89] : memref<256x128xf32, #tpu.memory_space<vmem>>, vector<256x128xf32>
    %dot_general3A_91 = arith.constant dense<0.000000e+00> : vector<1000x128xf32>
    %dot_general3A_92 = tpu.matmul %max3A_80, %get3A_90, %dot_general3A_91 {dimension_numbers = #tpu.dot_dimension_numbers<[1], [0], [0], [1], [0, 0, 1, 1], [], []>, transpose_lhs_hint = false} : vector<1000x256xf32>, vector<256x128xf32>, vector<1000x128xf32> -> vector<1000x128xf32>
    %get3A_93 = arith.constant 0 : index
    %get3A_94 = arith.constant 0 : index
    %get3A_95 = vector.load %arg14[%get3A_93, %get3A_94] : memref<1x128xf32, #tpu.memory_space<vmem>>, vector<1x128xf32>
    %add3A_96 = vector.broadcast %get3A_95 : vector<1x128xf32> to vector<1000x128xf32>
    %add3A_97 = arith.addf %dot_general3A_92, %add3A_96 : vector<1000x128xf32>
    %swap3A_98 = arith.constant 0 : index
    %swap3A_99 = arith.constant 0 : index
    %swap3A_100 = vector.load %arg16[%swap3A_98, %swap3A_99] : memref<1000x128xf32, #tpu.memory_space<vmem>>, vector<1000x128xf32>
    tpu.vector_store %arg16[%swap3A_98, %swap3A_99], %add3A_97 {strides = array<i32>} : memref<1000x128xf32, #tpu.memory_space<vmem>>, vector<1000x128xf32>,
    return
  }
  func.func @transform_0(%arg0: i32) -> (i32, i32, i32) {
    %c0_i32 = arith.constant 0 : i32
    %c0_i32_0 = arith.constant 0 : i32
    %c0_i32_1 = arith.constant 0 : i32
    return %c0_i32, %arg0, %c0_i32_0 : i32, i32, i32
  }
  func.func @transform_1(%arg0: i32) -> (i32, i32, i32) {
    %c0_i32 = arith.constant 0 : i32
    %c0_i32_0 = arith.constant 0 : i32
    %c0_i32_1 = arith.constant 0 : i32
    return %c0_i32, %arg0, %c0_i32_0 : i32, i32, i32
  }
  func.func @transform_2(%arg0: i32) -> (i32, i32) {
    %c0_i32 = arith.constant 0 : i32
    %c0_i32_0 = arith.constant 0 : i32
    return %arg0, %c0_i32 : i32, i32
  }
  func.func @transform_3(%arg0: i32) -> (i32, i32) {
    %c0_i32 = arith.constant 0 : i32
    %c0_i32_0 = arith.constant 0 : i32
    return %arg0, %c0_i32 : i32, i32
  }
  func.func @transform_4(%arg0: i32) -> (i32, i32) {
    %c0_i32 = arith.constant 0 : i32
    %c0_i32_0 = arith.constant 0 : i32
    %c0_i32_1 = arith.constant 0 : i32
    return %c0_i32, %c0_i32_0 : i32, i32
  }
  func.func @transform_5(%arg0: i32) -> (i32, i32) {
    %c0_i32 = arith.constant 0 : i32
    %c0_i32_0 = arith.constant 0 : i32
    %c0_i32_1 = arith.constant 0 : i32
    return %c0_i32, %c0_i32_0 : i32, i32
  }
  func.func @transform_6(%arg0: i32) -> (i32, i32) {
    %c0_i32 = arith.constant 0 : i32
    %c0_i32_0 = arith.constant 0 : i32
    %c0_i32_1 = arith.constant 0 : i32
    return %c0_i32, %c0_i32_0 : i32, i32
  }
  func.func @transform_7(%arg0: i32) -> (i32, i32) {
    %c0_i32 = arith.constant 0 : i32
    %c0_i32_0 = arith.constant 0 : i32
    %c0_i32_1 = arith.constant 0 : i32
    return %c0_i32, %c0_i32_0 : i32, i32
  }
  func.func @transform_8(%arg0: i32) -> (i32, i32) {
    %c0_i32 = arith.constant 0 : i32
    %c0_i32_0 = arith.constant 0 : i32
    %c0_i32_1 = arith.constant 0 : i32
    return %c0_i32, %c0_i32_0 : i32, i32
  }
  func.func @transform_9(%arg0: i32) -> (i32, i32) {
    %c0_i32 = arith.constant 0 : i32
    %c0_i32_0 = arith.constant 0 : i32
    %c0_i32_1 = arith.constant 0 : i32
    return %c0_i32, %c0_i32_0 : i32, i32
  }
  func.func @transform_10(%arg0: i32) -> (i32, i32) {
    %c0_i32 = arith.constant 0 : i32
    %c0_i32_0 = arith.constant 0 : i32
    %c0_i32_1 = arith.constant 0 : i32
    return %c0_i32, %c0_i32_0 : i32, i32
  }
  func.func @transform_11(%arg0: i32) -> (i32, i32) {
    %c0_i32 = arith.constant 0 : i32
    %c0_i32_0 = arith.constant 0 : i32
    %c0_i32_1 = arith.constant 0 : i32
    return %c0_i32, %c0_i32_0 : i32, i32
  }
  func.func @transform_12(%arg0: i32) -> (i32, i32) {
    %c0_i32 = arith.constant 0 : i32
    %c0_i32_0 = arith.constant 0 : i32
    %c0_i32_1 = arith.constant 0 : i32
    return %c0_i32, %c0_i32_0 : i32, i32
  }
  func.func @transform_13(%arg0: i32) -> (i32, i32) {
    %c0_i32 = arith.constant 0 : i32
    %c0_i32_0 = arith.constant 0 : i32
    %c0_i32_1 = arith.constant 0 : i32
    return %c0_i32, %c0_i32_0 : i32, i32
  }
  func.func @transform_14(%arg0: i32) -> (i32, i32) {
    %c0_i32 = arith.constant 0 : i32
    %c0_i32_0 = arith.constant 0 : i32
    return %arg0, %c0_i32 : i32, i32
  }
  func.func @transform_15(%arg0: i32) -> (i32, i32) {
    %c0_i32 = arith.constant 0 : i32
    %c0_i32_0 = arith.constant 0 : i32
    return %arg0, %c0_i32 : i32, i32
  }
}

module attributes {stable_mosaic.version = 14 : i64} {
  func.func @body(%arg0: i32, %arg1: memref<2x1000x128xf32, #tpu.memory_space<vmem>>, %arg2: memref<1000x128xf32, #tpu.memory_space<vmem>>, %arg3: memref<1000x1xi32, #tpu.memory_space<vmem>>, %arg4: memref<1x128xf32, #tpu.memory_space<vmem>>, %arg5: memref<1x128xf32, #tpu.memory_space<vmem>>, %arg6: memref<64x128xf32, #tpu.memory_space<vmem>>, %arg7: memref<64x128xf32, #tpu.memory_space<vmem>>, %arg8: memref<64x128xf32, #tpu.memory_space<vmem>>) attributes {dimension_semantics = [#tpu.dimension_semantics<arbitrary>], iteration_bounds = array<i64: 10>, scalar_prefetch = 0 : i64, scratch_operands = 2 : i64, tpu.core_type = #tpu.core_type<tc>, window_params = [{transform_indices = @transform_0, window_bounds = array<i64: 2, 1000, 128>}, {transform_indices = @transform_1, window_bounds = array<i64: 1000, 128>}, {transform_indices = @transform_2, window_bounds = array<i64: 1000, 1>}, {pipeline_mode = #tpu.pipeline_mode<synchronous>, transform_indices = @transform_3, window_bounds = array<i64: 1, 128>}, {pipeline_mode = #tpu.pipeline_mode<synchronous>, transform_indices = @transform_4, window_bounds = array<i64: 1, 128>}, {pipeline_mode = #tpu.pipeline_mode<synchronous>, transform_indices = @transform_5, window_bounds = array<i64: 64, 128>}]} {
    %eq3A = arith.constant 0 : i32
    %eq3A_0 = arith.cmpi eq, %arg0, %eq3A : i32
    %convert_element_type3A = arith.extui %eq3A_0 : i1 to i32
    %cond3A = arith.constant 0 : i32
    %cond3A_1 = arith.cmpi ne, %convert_element_type3A, %cond3A : i32
    scf.if %cond3A_1 {
      %broadcast_in_dim3A_73 = arith.constant 0.000000e+00 : f32
      %broadcast_in_dim3A_74 = vector.broadcast %broadcast_in_dim3A_73 : f32 to vector<64x128xf32>
      %swap3A_75 = arith.constant 0 : index
      %swap3A_76 = arith.constant 0 : index
      %swap3A_77 = vector.load %arg7[%swap3A_75, %swap3A_76] : memref<64x128xf32, #tpu.memory_space<vmem>>, vector<64x128xf32>
      tpu.vector_store %arg7[%swap3A_75, %swap3A_76], %broadcast_in_dim3A_74 {strides = array<i32>} : memref<64x128xf32, #tpu.memory_space<vmem>>, vector<64x128xf32>,
      %broadcast_in_dim3A_78 = arith.constant 0.000000e+00 : f32
      %broadcast_in_dim3A_79 = vector.broadcast %broadcast_in_dim3A_78 : f32 to vector<64x128xf32>
      %swap3A_80 = arith.constant 0 : index
      %swap3A_81 = arith.constant 0 : index
      %swap3A_82 = vector.load %arg8[%swap3A_80, %swap3A_81] : memref<64x128xf32, #tpu.memory_space<vmem>>, vector<64x128xf32>
      tpu.vector_store %arg8[%swap3A_80, %swap3A_81], %broadcast_in_dim3A_79 {strides = array<i32>} : memref<64x128xf32, #tpu.memory_space<vmem>>, vector<64x128xf32>,
    } else {
    }
    %get3A = arith.constant 0 : index
    %get3A_2 = arith.constant 0 : index
    %get3A_3 = arith.constant 0 : index
    %get3A_4 = vector.load %arg1[%get3A, %get3A_2, %get3A_3] : memref<2x1000x128xf32, #tpu.memory_space<vmem>>, vector<1x1000x128xf32>
    %get3A_5 = vector.shape_cast %get3A_4 : vector<1x1000x128xf32> to vector<1000x128xf32>
    %get3A_6 = arith.constant 1 : index
    %get3A_7 = arith.constant 0 : index
    %get3A_8 = arith.constant 0 : index
    %get3A_9 = vector.load %arg1[%get3A_6, %get3A_7, %get3A_8] : memref<2x1000x128xf32, #tpu.memory_space<vmem>>, vector<1x1000x128xf32>
    %get3A_10 = vector.shape_cast %get3A_9 : vector<1x1000x128xf32> to vector<1000x128xf32>
    %add3A = arith.addf %get3A_5, %get3A_10 : vector<1000x128xf32>
    %get3A_11 = arith.constant 0 : index
    %get3A_12 = arith.constant 0 : index
    %get3A_13 = vector.load %arg2[%get3A_11, %get3A_12] : memref<1000x128xf32, #tpu.memory_space<vmem>>, vector<1000x128xf32>
    %add3A_14 = arith.addf %add3A, %get3A_13 : vector<1000x128xf32>
    %get3A_15 = arith.constant 0 : index
    %get3A_16 = arith.constant 0 : index
    %get3A_17 = vector.load %arg4[%get3A_15, %get3A_16] : memref<1x128xf32, #tpu.memory_space<vmem>>, vector<1x128xf32>
    %get3A_18 = arith.constant 0 : index
    %get3A_19 = arith.constant 0 : index
    %get3A_20 = vector.load %arg5[%get3A_18, %get3A_19] : memref<1x128xf32, #tpu.memory_space<vmem>>, vector<1x128xf32>
    %reduce_sum3A = arith.constant dense<0.000000e+00> : vector<1000xf32>
    %reduce_sum3A_21 = vector.multi_reduction <add>, %add3A_14, %reduce_sum3A [1] : vector<1000x128xf32> to vector<1000xf32>
    %broadcast_in_dim3A = vector.shape_cast %reduce_sum3A_21 : vector<1000xf32> to vector<1000x1xf32>
    %div3A = arith.constant 1.280000e+02 : f32
    %div3A_22 = vector.broadcast %div3A : f32 to vector<1000x1xf32>
    %div3A_23 = arith.divf %broadcast_in_dim3A, %div3A_22 : vector<1000x1xf32>
    %sub3A = vector.broadcast %div3A_23 : vector<1000x1xf32> to vector<1000x128xf32>
    %sub3A_24 = arith.subf %add3A_14, %sub3A : vector<1000x128xf32>
    %integer_pow3A = arith.mulf %sub3A_24, %sub3A_24 : vector<1000x128xf32>
    %reduce_sum3A_25 = arith.constant dense<0.000000e+00> : vector<1000xf32>
    %reduce_sum3A_26 = vector.multi_reduction <add>, %integer_pow3A, %reduce_sum3A_25 [1] : vector<1000x128xf32> to vector<1000xf32>
    %broadcast_in_dim3A_27 = vector.shape_cast %reduce_sum3A_26 : vector<1000xf32> to vector<1000x1xf32>
    %div3A_28 = arith.constant 1.280000e+02 : f32
    %div3A_29 = vector.broadcast %div3A_28 : f32 to vector<1000x1xf32>
    %div3A_30 = arith.divf %broadcast_in_dim3A_27, %div3A_29 : vector<1000x1xf32>
    %sub3A_31 = vector.broadcast %div3A_23 : vector<1000x1xf32> to vector<1000x128xf32>
    %sub3A_32 = arith.subf %add3A_14, %sub3A_31 : vector<1000x128xf32>
    %add3A_33 = arith.constant 9.99999974E-6 : f32
    %add3A_34 = vector.broadcast %add3A_33 : f32 to vector<1000x1xf32>
    %add3A_35 = arith.addf %div3A_30, %add3A_34 : vector<1000x1xf32>
    %rsqrt3A = math.rsqrt %add3A_35 : vector<1000x1xf32>
    %mul3A = vector.broadcast %rsqrt3A : vector<1000x1xf32> to vector<1000x128xf32>
    %mul3A_36 = arith.mulf %sub3A_32, %mul3A : vector<1000x128xf32>
    %mul3A_37 = vector.broadcast %get3A_17 : vector<1x128xf32> to vector<1000x128xf32>
    %mul3A_38 = arith.mulf %mul3A_36, %mul3A_37 : vector<1000x128xf32>
    %add3A_39 = vector.broadcast %get3A_20 : vector<1x128xf32> to vector<1000x128xf32>
    %add3A_40 = arith.addf %mul3A_38, %add3A_39 : vector<1000x128xf32>
    %max3A = arith.constant 0.000000e+00 : f32
    %max3A_41 = vector.broadcast %max3A : f32 to vector<1000x128xf32>
    %max3A_42 = arith.maximumf %add3A_40, %max3A_41 : vector<1000x128xf32>
    %get3A_43 = arith.constant 0 : index
    %get3A_44 = arith.constant 0 : index
    %get3A_45 = vector.load %arg3[%get3A_43, %get3A_44] : memref<1000x1xi32, #tpu.memory_space<vmem>>, vector<1000x1xi32>
    %iota3A = tpu.iota {dimensions = array<i32: 1>} : vector<1000x64xi32>
    %eq3A_46 = vector.broadcast %get3A_45 : vector<1000x1xi32> to vector<1000x64xi32>
    %eq3A_47 = arith.cmpi eq, %eq3A_46, %iota3A : vector<1000x64xi32>
    %convert_element_type3A_48 = arith.extui %eq3A_47 : vector<1000x64xi1> to vector<1000x64xi32>
    %convert_element_type3A_49 = arith.sitofp %convert_element_type3A_48 : vector<1000x64xi32> to vector<1000x64xf32>
    %get3A_50 = arith.constant 0 : index
    %get3A_51 = arith.constant 0 : index
    %get3A_52 = vector.load %arg7[%get3A_50, %get3A_51] : memref<64x128xf32, #tpu.memory_space<vmem>>, vector<64x128xf32>
    %dot_general3A = arith.constant dense<0.000000e+00> : vector<64x128xf32>
    %dot_general3A_53 = tpu.matmul %convert_element_type3A_49, %max3A_42, %dot_general3A {dimension_numbers = #tpu.dot_dimension_numbers<[0], [0], [1], [1], [0, 1, 1, 1], [], []>, transpose_lhs_hint = false} : vector<1000x64xf32>, vector<1000x128xf32>, vector<64x128xf32> -> vector<64x128xf32>
    %add3A_54 = arith.addf %get3A_52, %dot_general3A_53 : vector<64x128xf32>
    %swap3A = arith.constant 0 : index
    %swap3A_55 = arith.constant 0 : index
    %swap3A_56 = vector.load %arg7[%swap3A, %swap3A_55] : memref<64x128xf32, #tpu.memory_space<vmem>>, vector<64x128xf32>
    tpu.vector_store %arg7[%swap3A, %swap3A_55], %add3A_54 {strides = array<i32>} : memref<64x128xf32, #tpu.memory_space<vmem>>, vector<64x128xf32>,
    %get3A_57 = arith.constant 0 : index
    %get3A_58 = arith.constant 0 : index
    %get3A_59 = vector.load %arg8[%get3A_57, %get3A_58] : memref<64x128xf32, #tpu.memory_space<vmem>>, vector<64x128xf32>
    %broadcast_in_dim3A_60 = arith.constant 1.000000e+00 : f32
    %broadcast_in_dim3A_61 = vector.broadcast %broadcast_in_dim3A_60 : f32 to vector<1000x128xf32>
    %dot_general3A_62 = arith.constant dense<0.000000e+00> : vector<64x128xf32>
    %dot_general3A_63 = tpu.matmul %convert_element_type3A_49, %broadcast_in_dim3A_61, %dot_general3A_62 {dimension_numbers = #tpu.dot_dimension_numbers<[0], [0], [1], [1], [0, 1, 1, 1], [], []>, transpose_lhs_hint = false} : vector<1000x64xf32>, vector<1000x128xf32>, vector<64x128xf32> -> vector<64x128xf32>
    %add3A_64 = arith.addf %get3A_59, %dot_general3A_63 : vector<64x128xf32>
    %swap3A_65 = arith.constant 0 : index
    %swap3A_66 = arith.constant 0 : index
    %swap3A_67 = vector.load %arg8[%swap3A_65, %swap3A_66] : memref<64x128xf32, #tpu.memory_space<vmem>>, vector<64x128xf32>
    tpu.vector_store %arg8[%swap3A_65, %swap3A_66], %add3A_64 {strides = array<i32>} : memref<64x128xf32, #tpu.memory_space<vmem>>, vector<64x128xf32>,
    %eq3A_68 = arith.constant 9 : i32
    %eq3A_69 = arith.cmpi eq, %arg0, %eq3A_68 : i32
    %convert_element_type3A_70 = arith.extui %eq3A_69 : i1 to i32
    %cond3A_71 = arith.constant 0 : i32
    %cond3A_72 = arith.cmpi ne, %convert_element_type3A_70, %cond3A_71 : i32
    scf.if %cond3A_72 {
      %get3A_73 = arith.constant 0 : index
      %get3A_74 = arith.constant 0 : index
      %get3A_75 = vector.load %arg7[%get3A_73, %get3A_74] : memref<64x128xf32, #tpu.memory_space<vmem>>, vector<64x128xf32>
      %get3A_76 = arith.constant 0 : index
      %get3A_77 = arith.constant 0 : index
      %get3A_78 = vector.load %arg8[%get3A_76, %get3A_77] : memref<64x128xf32, #tpu.memory_space<vmem>>, vector<64x128xf32>
      %max3A_79 = arith.constant 1.000000e+00 : f32
      %max3A_80 = vector.broadcast %max3A_79 : f32 to vector<64x128xf32>
      %max3A_81 = arith.maximumf %get3A_78, %max3A_80 : vector<64x128xf32>
      %div3A_82 = arith.divf %get3A_75, %max3A_81 : vector<64x128xf32>
      %swap3A_83 = arith.constant 0 : index
      %swap3A_84 = arith.constant 0 : index
      %swap3A_85 = vector.load %arg6[%swap3A_83, %swap3A_84] : memref<64x128xf32, #tpu.memory_space<vmem>>, vector<64x128xf32>
      tpu.vector_store %arg6[%swap3A_83, %swap3A_84], %div3A_82 {strides = array<i32>} : memref<64x128xf32, #tpu.memory_space<vmem>>, vector<64x128xf32>,
    } else {
    }
    return
  }
  func.func @transform_0(%arg0: i32) -> (i32, i32, i32) {
    %c0_i32 = arith.constant 0 : i32
    %c0_i32_0 = arith.constant 0 : i32
    %c0_i32_1 = arith.constant 0 : i32
    return %c0_i32, %arg0, %c0_i32_0 : i32, i32, i32
  }
  func.func @transform_1(%arg0: i32) -> (i32, i32) {
    %c0_i32 = arith.constant 0 : i32
    %c0_i32_0 = arith.constant 0 : i32
    return %arg0, %c0_i32 : i32, i32
  }
  func.func @transform_2(%arg0: i32) -> (i32, i32) {
    %c0_i32 = arith.constant 0 : i32
    %c0_i32_0 = arith.constant 0 : i32
    return %arg0, %c0_i32 : i32, i32
  }
  func.func @transform_3(%arg0: i32) -> (i32, i32) {
    %c0_i32 = arith.constant 0 : i32
    %c0_i32_0 = arith.constant 0 : i32
    %c0_i32_1 = arith.constant 0 : i32
    return %c0_i32, %c0_i32_0 : i32, i32
  }
  func.func @transform_4(%arg0: i32) -> (i32, i32) {
    %c0_i32 = arith.constant 0 : i32
    %c0_i32_0 = arith.constant 0 : i32
    %c0_i32_1 = arith.constant 0 : i32
    return %c0_i32, %c0_i32_0 : i32, i32
  }
  func.func @transform_5(%arg0: i32) -> (i32, i32) {
    %c0_i32 = arith.constant 0 : i32
    %c0_i32_0 = arith.constant 0 : i32
    %c0_i32_1 = arith.constant 0 : i32
    return %c0_i32, %c0_i32_0 : i32, i32
  }
}

</mosaic_0001>

<sc_bundles>
// kernel: kernel.12.cloned.1.call-start
scs
__scs_entry_jumppad:
0x0: {  	(pc) =	sbr.rel $0x88, $3  }
0x1: {  	(tag) =	ssettag $0x0;
	lr =	simm.s32 $0x1  }
0x2: {  	[smem:$0x3F8F] =	sst lr;
	_ =	strace $0xD0000000  }
0x3: {  	_ = 	snop  }
0x4: {  	_ = 	snop  }
0x5: {  	_ = 	snop  }
0x6: {  	_ = 	snop  }
0x7: {  	_ = 	snop  }
__scs_overlays_trampoline_lowered:
0x8: {  	[smem:$0x3F9E] =	sst s0  }
0x9: {  	[smem:$0x3F9F] =	sst s1  }
0xa: {  	[smem:$0x3FA0] =	sst s2  }
0xb: {  	[smem:$0x3FA1] =	sst s3  }
0xc: {  	[smem:$0x3FA2] =	sst s4  }
0xd: {  	[smem:$0x3FA3] =	sst s5  }
0xe: {  	[smem:$0x3FA4] =	sst s6  }
0xf: {  	[smem:$0x3FA5] =	sst s7  }
0x10: {  	[smem:$0x3FA6] =	sst s8  }
0x11: {  	[smem:$0x3FA7] =	sst s9;
	s0 =	simm.s32 @!p0 $0x0  }
0x12: {  	s1 =	sld [smem:$0x3F8D];
	s0 =	simm.s32 @p0 $0x1  }
0x13: {  	[smem:$0x3FA8] =	sst s0;
	s0 =	simm.s32 @!p1 $0x0  }
0x14: {  	s2 =	sld [smem:$0x3F8C];
	s0 =	simm.s32 @p1 $0x1  }
0x15: {  	[smem:$0x3FA9] =	sst s0;
	s0 =	simm.s32 @!p2 $0x0  }
0x16: {  	s3 =	sld [smem:$0x3FDB];
	s0 =	simm.s32 @p2 $0x1  }
0x17: {  	s4 =	simm.s32 $0x1BF5;
	[smem:$0x3FAB] =	sst s0  }
0x18: {  	s0 =	sld [smem:$0x3F8E];
	_ =	swait.ge [sflag:s4], $0x0  }
0x19: {  	s7 =	sld [smem:$0x3F8F]  }
0x1a: {  	s8 =	sadd.s32 $0xFFFFE003, lr  }
0x1b: {  	s9 =	sadd.s32 $0xFFFFFEF7, lr;
	s5 =	simm.s32 $0xFFFFFFFF;
	p2 =	slt.u32 s8, $0xFFFFF086  }
0x1c: {  	p1 =	slt.u32 s9, $0xF7A;
	s5 =	simm.s32 @!p2 $0x0  }
0x1d: {  	s5 =	simm.s32 @p1 $0x1;
	p0 =	seq.s32 s7, s2  }
0x1e: {  	s7 =	smul.u32 @!p0 $0xF7A, s2;
	p2 =	seq.s32 @!p0 s5, $0x0  }
0x1f: {  	s9 =	smul.u32 $0xF7A, s1;
	s8 =	simm.s32 @!p0 $0x1BF5;
	p2 =	por !p2, p0  }
0x20: {  	[sflag:s8] =	ssyncset.s32 @!p0 $0xFFFFF086;
	s6 =	sadd.s32 @!p0 s3, s7;
	s7 =	simm.s32 @!p0 $0x108  }
0x21: {  	s3 =	sadd.s32 s3, s9;
	s6 =	sadd.s32 @!p0 $0x88, s6;
	s7 =	simm.s32 @p2 $0x1082  }
0x22: {  	[simem:s7], [sflag:s8] =	dma.local @!p0 [hbm:s6], $0xF7A  }
0x23: {  	s9 =	sor.u32 $0xD0000000, s2;
	s6 =	simm.s32 $0x108;
	_ =	swait.ge @!p0 [sflag:s8], $0x0  }
0x24: {  	s3 =	sadd.s32 $0x88, s3;
	s6 =	simm.s32 @!p1 $0x1082;
	[sflag:s4] =	ssyncset.s32 $0xFFFFF086  }
0x25: {  	[simem:s6], [sflag:s4] =	dma.local [hbm:s3], $0xF7A  }
0x26: {  	[smem:$0x3F8F] =	sst s1;
	(tag) =	ssettag s2;
	_ =	strace s9  }
0x27: {  	s1 =	sld [smem:$0x3F9F]  }
0x28: {  	s2 =	sld [smem:$0x3FA0]  }
0x29: {  	s4 =	sld [smem:$0x3FA2]  }
0x2a: {  	p0 =	seq.s32 s5, $0x0;
	s5 =	sld [smem:$0x3FA3]  }
0x2b: {  	s6 =	sld [smem:$0x3FA4]  }
0x2c: {  	s7 =	sld [smem:$0x3FA5]  }
0x2d: {  	s3 =	simm.s32 $0x108;
	s8 =	sld [smem:$0x3FA6]  }
0x2e: {  	s3 =	simm.s32 @!p0 $0x1082;
	s9 =	sld [smem:$0x3FA7]  }
0x2f: {  	lr =	sadd.s32 s0, s3;
	s0 =	sld [smem:$0x3F9E]  }
0x30: {  	s3 =	sld [smem:$0x3FA1]  }
0x31: {  	[smem:$0x3FAA] =	sst s10  }
0x32: {  	s10 =	sld [smem:$0x3FA8];
	_ =	sdelay $0x3  }
0x33: {  	p0 =	seq.s32 s10, $0x1;
	s10 =	sld [smem:$0x3FAA];
	_ =	sdelay $0x3  }
0x34: {  	[smem:$0x3FAA] =	sst s10  }
0x35: {  	s10 =	sld [smem:$0x3FA9];
	_ =	sdelay $0x3  }
0x36: {  	p1 =	seq.s32 s10, $0x1;
	s10 =	sld [smem:$0x3FAA];
	_ =	sdelay $0x3  }
0x37: {  	[smem:$0x3FAA] =	sst s10  }
0x38: {  	s10 =	sld [smem:$0x3FAB]  }
0x39: {  	_ = 	snop;
	(pc) =	sbr.ind lr, $3  }
0x3a: {  	_ = 	snop  }
0x3b: {  	_ = 	snop  }
0x3c: {  	p2 =	seq.s32 s10, $0x1;
	s10 =	sld [smem:$0x3FAA]  }
0x3d: {  	_ =	shalt  }
0x3e: {  	_ =	shalt  }
0x3f: {  	_ =	shalt  }
0x40: {  	_ =	shalt  }
0x41: {  	_ =	shalt  }
0x42: {  	_ =	shalt  }
0x43: {  	_ =	shalt  }
0x44: {  	_ =	shalt  }
0x45: {  	_ =	shalt  }
0x46: {  	_ =	shalt  }
0x47: {  	_ =	shalt  }
0x48: {  	_ =	shalt  }
0x49: {  	_ =	shalt  }
0x4a: {  	_ =	shalt  }
0x4b: {  	_ =	shalt  }
0x4c: {  	_ =	shalt  }
0x4d: {  	_ =	shalt  }
0x4e: {  	_ =	shalt  }
0x4f: {  	_ =	shalt  }
0x50: {  	_ =	shalt  }
0x51: {  	_ =	shalt  }
0x52: {  	_ =	shalt  }
0x53: {  	_ =	shalt  }
0x54: {  	_ =	shalt  }
0x55: {  	_ =	shalt  }
0x56: {  	_ =	shalt  }
0x57: {  	_ =	shalt  }
0x58: {  	_ =	shalt  }
0x59: {  	_ =	shalt  }
0x5a: {  	_ =	shalt  }
0x5b: {  	_ =	shalt  }
0x5c: {  	_ =	shalt  }
0x5d: {  	_ =	shalt  }
0x5e: {  	_ =	shalt  }
0x5f: {  	_ =	shalt  }
0x60: {  	_ =	shalt  }
0x61: {  	_ =	shalt  }
0x62: {  	_ =	shalt  }
0x63: {  	_ =	shalt  }
0x64: {  	_ =	shalt  }
0x65: {  	_ =	shalt  }
0x66: {  	_ =	shalt  }
0x67: {  	_ =	shalt  }
0x68: {  	_ =	shalt  }
0x69: {  	_ =	shalt  }
0x6a: {  	_ =	shalt  }
0x6b: {  	_ =	shalt  }
0x6c: {  	_ =	shalt  }
0x6d: {  	_ =	shalt  }
0x6e: {  	_ =	shalt  }
0x6f: {  	_ =	shalt  }
0x70: {  	_ =	shalt  }
0x71: {  	_ =	shalt  }
0x72: {  	_ =	shalt  }
0x73: {  	_ =	shalt  }
0x74: {  	_ =	shalt  }
0x75: {  	_ =	shalt  }
0x76: {  	_ =	shalt  }
0x77: {  	_ =	shalt  }
0x78: {  	_ =	shalt  }
0x79: {  	_ =	shalt  }
0x7a: {  	_ =	shalt  }
0x7b: {  	_ =	shalt  }
0x7c: {  	_ =	shalt  }
0x7d: {  	_ =	shalt  }
0x7e: {  	_ =	shalt  }
0x7f: {  	_ =	shalt  }
0x80: {  	_ =	shalt  }
0x81: {  	_ =	shalt  }
0x82: {  	_ =	shalt  }
0x83: {  	_ =	shalt  }
0x84: {  	_ =	shalt  }
0x85: {  	_ =	shalt  }
0x86: {  	_ =	shalt  }
0x87: {  	_ =	shalt  }
.Lfunc_end0:
.L_simem_size_0:
called_computation.1_lowered:
.L_overlay_start_0:
0x88: {  	s2 =	sld [smem:$0x3FD9]  }
0x89: {  	s3 =	sld [smem:$0x3FFE];
	_ =	sdelay $0x1  }
0x8a: {  	s1 =	srdreg.scid  }
0x8b: {  	s0 =	sand.u32 $0x1, s1  }
0x8c: {  	s17 =	sshll.u32 s0, $0xA;
	s2 =	sadd.s32 s3, s2  }
0x8d: {  	s2 =	sadd.s32 s2, s17  }
0x8e: {  	[smem:$0x3FB6] =	sst s2  }
0x8f: {  	_ = 	snop  }
0x90: {  	(tm) =	ssettm $0x1  }
0x91: {  	s18 =	sld [smem:$0x3FFB];
	_ =	sdelay $0x3  }
0x92: {  	_ =	strace s18  }
0x93: {  	s2 =	sld [smem:$0x3FFC];
	_ =	sdelay $0x3  }
0x94: {  	_ =	strace s2  }
0x95: {  	s2 =	sld [smem:$0x3FFD];
	_ =	sdelay $0x3  }
0x96: {  	_ =	strace s2  }
0x97: {  	_ =	strace $0x8FFFFFFF  }
0x98: {  	s19 =	sld [smem:$0x3FDB];
	_ =	sdelay $0x1  }
0x99: {  	s20 =	simm.s32 $_scs_section_size  }
0x9a: {  	s4 =	simm.s32 $_size__tile_overlayer_lowered;
	s5 =	simm.s32 $_tile_overlayer_lowered  }
0x9b: {  	s6 =	simm.s32 $0x1BFF;
	s21 =	sshll.u32 s5, $0x1;
	s3 =	sadd.s32 s20, s19  }
0x9c: {  	s22 =	simm.s32 $0x0;
	s4 =	sshll.u32 s4, $0x1;
	s5 =	sadd.s32 s21, s3  }
0x9d: {  	[timem:s22], [sflag:s6] =	dma.local [hbm:s5], s4  }
0x9e: {  	_ =	swait.ge [sflag:s6], s4  }
0x9f: {  	s4 =	ssub.s32 $0x0, s4;
	[sflag:s6] =	ssyncset.done $0x0  }
0xa0: {  	[sflag:s6] =	ssyncadd.s32 s4;
	_ =	sdelay $0x1  }
0xa1: {  	s23 =	simm.s32 $0x1B8B  }
0xa2: {  	_ =	swait.ge [sflag:s23], $0x1  }
0xa3: {  	[sflag:s23] =	ssyncset.done $0x0  }
0xa4: {  	[sflag:s23] =	ssyncadd.s32 $0xFFFFFFFF  }
0xa5: {  	s4 =	sld [smem:$0x0]  }
0xa6: {  	s5 =	sand.u32 $0xFFFFFFFE, s1  }
0xa7: {  	p0 =	sne.s32 s1, s5  }
0xa8: {  	s5 =	sshll.u32 @p0 s5, $0xE  }
0xa9: {  	s5 =	sadd.s32 @p0 $0x11B8D, s5;
	s6 =	sshll.u32 @p0 s4, $0x11  }
0xaa: {  	s5 =	sor.u32 @p0 s6, s5  }
0xab: {  	[sflag:s5] =	ssyncadd.remote.s32 @p0 $0x1;
	_ =	sdelay $0x1  }
0xac: {  	s5 =	simm.s32 @p0 $0x1B8D  }
0xad: {  	_ =	swait.eq @p0 [sflag:s5], $0x1  }
0xae: {  	[sflag:s5] =	ssyncadd.s32 @p0 $0xFFFFFFFF  }
0xaf: {  	s6 =	sshll.u32 @!p0 s1, $0xE  }
0xb0: {  	s6 =	sor.u32 @!p0 $0x4000, s6;
	s5 =	simm.s32 @!p0 $0x1B8D  }
0xb1: {  	s4 =	sshll.u32 @!p0 s4, $0x11;
	s6 =	sadd.s32 @!p0 $0x11B8D, s6;
	_ =	swait.eq @!p0 [sflag:s5], $0x1  }
0xb2: {  	s4 =	sor.u32 @!p0 s4, s6;
	[sflag:s5] =	ssyncadd.s32 @!p0 $0xFFFFFFFF  }
0xb3: {  	s25 =	simm.s32 $0x1B8E;
	s24 =	sld [smem:$0x3FFE];
	[sflag:s4] =	ssyncadd.remote.s32 @!p0 $0x1  }
0xb4: {  	s26 =	simm.s32 $execute0_lowered;
	[smem:$0x3FD2] =	sst s25  }
0xb5: {  	s5 =	sshll.u32 s26, $0x1;
	_ =	strace $0x8000004C;
	[dreg:$0x1] =	wrdreg $0xFFFFFFFF  }
0xb6: {  	s28 =	simm.s32 $_size_execute0_lowered;
	s3 =	sadd.s32 s3, s5;
	[dreg:$0x0] =	wrdreg $0x0  }
0xb7: {  	s5 =	sshll.u32 s28, $0x1;
	[dreg:$0x2] =	wrdreg s3  }
0xb8: {  	[dreg:$0x3] =	wrdreg s5  }
0xb9: {  	[dreg:$0x4] =	wrdreg $0xC0  }
0xba: {  	_ =	task [dreg:s22], $0x5FFFF  }
0xbb: {  	[dreg:$0x1] =	wrdreg $0xFFFFFFFF  }
0xbc: {  	[dreg:$0x0] =	wrdreg $0x60  }
0xbd: {  	[dreg:$0x2] =	wrdreg s24  }
0xbe: {  	[dreg:$0x3] =	wrdreg $0xB0000  }
0xbf: {  	[dreg:$0x4] =	wrdreg $0x9  }
0xc0: {  	_ =	task.clear_ibuf [dreg:s22], $0x5FFFF;
	_ =	strace $0x9000004C  }
0xc1: {  	s29 =	simm.s32 $0x9;
	_ =	strace $0x8000004E  }
0xc2: {  	_ =	swait.ge [sflag:s29], $0x1  }
0xc3: {  	[sflag:s29] =	ssyncadd.s32 $0xFFFFFFFF  }
0xc4: {  	_ =	strace $0x9000004E  }
0xc5: {  	_ =	sfence  }
0xc6: {  	s30 =	sld [smem:$0x0];
	_ =	sdelay $0x2  }
0xc7: {  	s31 =	sshll.u32 s1, $0xD;
	s1 =	sshrl.u32 s1, $0x2  }
0xc8: {  	s4 =	sand.u32 $0x4000, s31;
	s1 =	sadd.s32 s1, s30  }
0xc9: {  	s0 =	sor.u32 s4, s0;
	s1 =	sshll.u32 s1, $0x11  }
0xca: {  	s0 =	sor.u32 s1, s0  }
0xcb: {  	s0 =	sadd.s32 $0x8F2B, s0  }
0xcc: {  	[sflag:s0] =	ssyncadd.remote.s32 $0x1  }
0xcd: {  	_ =	sfence.sel $0xFFFF  }
0xce: {  	[dreg:$0x0] =	wrdreg $0xFFFFFFFF;
	(pc) =	sbr.abs _section_cstart, $3  }
0xcf: {  	[dreg:$0x1] =	wrdreg $0xFFFFFFFF  }
0xd0: {  	_ =	task.clear_ibuf [dreg:s22], $0x2FFFF;
	_ =	strace $0x9FFFFFFF  }
0xd1: {  	(tm) =	ssettm $0x7FFFFFFF  }
tec
execute0_lowered:
.L_overlay_start_1:
0x0: {  	(tag) =	ssettag $0x1  }
0x1: {  	s0 =	rddreg [dreg:$0x0]  }
0x2: {  	s1 =	rddreg [dreg:$0x1]  }
0x3: {  	s2 =	simm.s32 $0x0;
	s12 =	srdreg.scid;
	s17 =	stileid.u32  }
0x4: {  	s30 =	simm.s32 $0x3;
	s31 =	simm.s32 $0x1800;
	[smem:$0x7FF] =	sst s2  }
0x5: {  	s4 =	sadd.s32 $0x67000, s0;
	s5 =	sadd.s32 $0xEE00, s0;
	s6 =	smul.u32 $0x2780, s17  }
0x6: {  	s7 =	sadd.s32 $0x5000, s0;
	s14 =	sadd.s32 $0xDC400, s0;
	s13 =	smul.u32 $0x4F000, s17  }
0x7: {  	s2 =	sand.u32 $0x1, s12;
	s16 =	sadd.s32 $0x128400, s1;
	_ =	strace $0x8000004D  }
0x8: {  	s3 =	sshll.u32 s2, $0x4;
	s8 =	ssub.s32 $0x2, s2;
	[dreg:$0x5] =	wrdreg s16  }
0x9: {  	s2 =	smul.u32 $0x138800, s2;
	s3 =	sor.u32 s17, s3;
	s6 =	sadd.s32 s6, s0  }
0xa: {  	s10 =	sshrl.u32 s8, $0x1;
	s15 =	sshrl.u32 s13, $0x2;
	s9 =	smul.u32 $0x50, s3  }
0xb: {  	s0 =	sadd.s32 $0x3DC80, s0;
	s11 =	smul.u32 $0x4E, s3;
	p0 =	slt.u32 s3, $0x2  }
0xc: {  	s3 =	simm.s32 $0x50;
	s6 =	sadd.s32 $0x18C00, s6;
	[dreg:$0x6] =	wrdreg s0  }
0xd: {  	s8 =	ssub.s32 s8, s10;
	s3 =	simm.s32 @!p0 $0x4E;
	[dreg:$0x4] =	wrdreg s6  }
0xe: {  	s21 =	smax.u32 s8, $0x1;
	s11 =	sadd.s32 $0x4, s11;
	s16 =	sadd.s32 $0xFFFFFFD8, s3  }
0xf: {  	[dreg:$0xe] =	wrdreg s21;
	s11 =	smov.u32 @p0 s9;
	s9 =	sadd.s32 s15, s1  }
0x10: {  	s15 =	smul.u32 $0x13C00, s17;
	p0 =	seq.s32 s17, $0xF;
	s6 =	smin.u32 s11, $0x998  }
0x11: {  	[dreg:$0x3] =	wrdreg s9;
	s12 =	sadd.s32 $0x28, s11;
	s18 =	sand.u32 $0xFF8, s6  }
0x12: {  	s19 =	sshll.u32 s6, $0x4;
	s24 =	smin.u32 s12, $0x998;
	s20 =	ssub.s32 s11, s18  }
0x13: {  	s22 =	sand.u32 $0xFF80, s19;
	s26 =	sand.u32 $0xFF8, s24;
	s13 =	sshll.u32 s24, $0x4  }
0x14: {  	s18 =	sadd.s32 $0xFFFFFFD7, s3;
	s19 =	sshrl.u32 s16, $0x1;
	s24 =	sshll.u32 s24, $0x9  }
0x15: {  	s10 =	sadd.s32 s5, s22;
	s23 =	sshll.u32 s20, $0x9;
	s9 =	sadd.s32 s7, s22  }
0x16: {  	s12 =	ssub.s32 s12, s26;
	s29 =	sand.u32 $0xFF80, s13;
	s13 =	sadd.s32 s15, s2  }
0x17: {  	s2 =	sshrl.u32 s2, $0x3;
	s0 =	sadd.s32 $0x26, s20;
	[dreg:$0x7] =	wrdreg s10  }
0x18: {  	s26 =	sshll.u32 s11, $0x9;
	[dreg:$0x8] =	wrdreg s9;
	s25 =	sshra.s32 s23, $0x2  }
0x19: {  	s5 =	sadd.s32 s5, s29;
	s7 =	sadd.s32 s7, s29;
	s10 =	sshll.u32 s12, $0x9  }
0x1a: {  	s15 =	sshrl.u32 s13, $0x3;
	s2 =	sadd.s32 s14, s2;
	s22 =	sshll.u32 s0, $0x7  }
0x1b: {  	s23 =	sshll.u32 s6, $0x9;
	s6 =	sand.u32 $0x1FF000, s24;
	s0 =	sshll.u32 s0, $0x9  }
0x1c: {  	s24 =	sadd.s32 $0xFFFFFFFF, s19;
	s16 =	sshll.u32 s12, $0x7;
	[dreg:$0x9] =	wrdreg s5  }
0x1d: {  	[dreg:$0xa] =	wrdreg s7;
	s3 =	sshra.s32 s10, $0x2;
	s2 =	sadd.s32 $0x25080, s2  }
0x1e: {  	s6 =	ssub.s32 s26, s6;
	s20 =	sor.u32 $0x80, s22;
	s0 =	sshra.s32 s0, $0x2  }
0x1f: {  	s22 =	sadd.s32 $0x1880, s22;
	s19 =	smov.u32 s25;
	s5 =	simm.s32 $0x7000  }
0x20: {  	s7 =	simm.s32 $0x0;
	[dreg:$0xb] =	wrdreg s3;
	s3 =	sadd.s32 s14, s15  }
0x21: {  	[dreg:$0xd] =	wrdreg s2;
	s6 =	sadd.s32 $0x5000, s6;
	s21 =	sadd.s32 $0x1800, s0  }
0x22: {  	s0 =	simm.s32 $0x80;
	[dreg:$0xc] =	wrdreg s3;
	s3 =	sand.u32 $0x1FF000, s23  }
0x23: {  	s2 =	simm.s32 $0x1;
	s29 =	sshra.s32 s6, $0x2;
	s3 =	ssub.s32 s26, s3  }
0x24: {  	s6 =	simm.s32 $0x2;
	s14 =	sadd.s32 $0x1800, s29;
	s23 =	sshra.s32 s3, $0x2  }
0x25: {  	s26 =	sadd.s32 $0x1380, s25;
	s3 =	simm.s32 $0x3000;
	s28 =	sadd.s32 $0x1800, s23  }
.LBB2_1:
0x26: {  	s8 =	rddreg [dreg:$0x5]  }
0x27: {  	s9 =	simm.s32 @p0 $0x1FC3;
	s10 =	rddreg [dreg:$0x6];
	s8 =	sshrl.u32 @p0 s8, $0x3  }
0x28: {  	[spmem:s8], [sflag:s9] =	dma.local @p0 [hbm:s10], $0x2080  }
0x29: {  	s9 =	simm.s32 @p0 $0x3  }
0x2a: {  	s10 =	stileid.u32;
	_ =	swait.ge @p0 [sflag:s9], $0x2080  }
0x2b: {  	s10 =	sshll.u32 @!p0 s10, $0x6;
	[sflag:s9] =	ssyncset.done @p0 $0x0  }
0x2c: {  	[sflag:s9] =	ssyncadd.s32 @p0 $0xFFFFDF80;
	s9 =	sor.u32 @!p0 $0x1C03, s10;
	s10 =	rddreg [dreg:$0x3]  }
0x2d: {  	s11 =	rddreg [dreg:$0x4];
	s10 =	sshrl.u32 @!p0 s10, $0x3  }
0x2e: {  	[spmem:s10], [sflag:s9] =	dma.local @!p0 [hbm:s11], $0x2780  }
0x2f: {  	s11 =	simm.s32 @!p0 $0x3  }
0x30: {  	_ =	swait.ge @!p0 [sflag:s11], $0x2780  }
0x31: {  	[sflag:s11] =	ssyncset.done @!p0 $0x0  }
0x32: {  	[sflag:s11] =	ssyncadd.s32 @!p0 $0xFFFFD880  }
0x33: {  	[bflag:$0x0] =	sbarrier.arrive $0xFFFF  }
0x34: {  	s29 =	simm.s32 $0x0;
	s13 =	rddreg [dreg:$0x7]  }
0x35: {  	[tilespmem:s29], [sflag:$0x3] =	stream.linear.gather [hbm4b:s13+s29], $0x1800, $0x38;
	[tilespmem:$0x1E880] =	vst v63  }
0x36: {  	_ =	swait.ge [sflag:s30], $0x1800  }
0x37: {  	[sflag:s30] =	ssyncset.done $0x0  }
0x38: {  	s15 =	rddreg [dreg:$0x8];
	[sflag:s30] =	ssyncadd.s32 $0xFFFFE800  }
0x39: {  	[tilespmem:s31], [sflag:$0x3] =	stream.linear.gather [hbm4b:s15+s29], $0x1800, $0x38;
	[tilespmem:$0x1E880] =	vst v63  }
0x3a: {  	_ =	swait.ge [sflag:s30], $0x1800  }
0x3b: {  	[sflag:s30] =	ssyncset.done $0x0  }
0x3c: {  	[sflag:s30] =	ssyncadd.s32 $0xFFFFE800  }
0x3d: {  	[tilespmem:s3], [sflag:$0x1] =	stream.indirect.gather [hbm4b:s4+s0], $0x80, s19, s0, $0xb8;
	[tilespmem:$0x1E880] =	vst v63  }
0x3e: {  	_ =	swait.ge [sflag:s2], $0x4000  }
0x3f: {  	s17 =	sadd.s32 $0x0, s23;
	[sflag:s2] =	ssyncset.done $0x0  }
0x40: {  	s15 =	sadd.s32 $0x80, s17;
	[sflag:s2] =	ssyncadd.s32 $0xFFFFC000  }
0x41: {  	[tilespmem:s5], [sflag:$0x2] =	stream.indirect.gather [hbm4b:s4+s0], $0x80, s15, s0, $0xb8;
	[tilespmem:$0x1E880] =	vst v63  }
0x42: {  	s25 =	sadd.s32 $0x0, s28  }
0x43: {  	[spmem:s1] =	stream.indirect.scatter.add.f32 [tilespmem:s3], [sflag:$0x3], $0x80, s25, s0, $0xb8;
	[tilespmem:$0x1E880] =	vst v63  }
0x44: {  	_ =	swait.ge [sflag:s30], $0x4000  }
0x45: {  	[sflag:s30] =	ssyncset.done $0x0  }
0x46: {  	[sflag:s30] =	ssyncadd.s32 $0xFFFFC000  }
0x47: {  	_ =	swait.ge [sflag:s6], $0x4000  }
0x48: {  	[sflag:s6] =	ssyncset.done $0x0  }
0x49: {  	s11 =	sadd.s32 $0x100, s17;
	[sflag:s6] =	ssyncadd.s32 $0xFFFFC000  }
0x4a: {  	[tilespmem:s3], [sflag:$0x1] =	stream.indirect.gather [hbm4b:s4+s0], $0x80, s11, s0, $0xb8;
	[tilespmem:$0x1E880] =	vst v63  }
0x4b: {  	s29 =	sadd.s32 $0x80, s25  }
0x4c: {  	[spmem:s1] =	stream.indirect.scatter.add.f32 [tilespmem:s5], [sflag:$0x3], $0x80, s29, s0, $0xb8;
	[tilespmem:$0x1E880] =	vst v63  }
0x4d: {  	_ =	swait.ge [sflag:s30], $0x4000  }
0x4e: {  	s11 =	simm.s32 $0x400;
	[sflag:s30] =	ssyncset.done $0x0  }
.LBB2_2:
0x4f: {  	p1 =	sne.s32 s11, $0x4800  }
0x50: {  	[sflag:s30] =	ssyncadd.s32 $0xFFFFC000;
	s15 =	smov.u32 s11;
	s11 =	sadd.s32 $0x400, s11  }
0x51: {  	_ =	swait.ge [sflag:s2], $0x4000  }
0x52: {  	s15 =	sshra.s32 s15, $0x2;
	[sflag:s2] =	ssyncset.done $0x0  }
0x53: {  	s25 =	sadd.s32 s15, s23;
	[sflag:s2] =	ssyncadd.s32 $0xFFFFC000  }
0x54: {  	s29 =	sadd.s32 $0x80, s25  }
0x55: {  	[tilespmem:s5], [sflag:$0x2] =	stream.indirect.gather [hbm4b:s4+s0], $0x80, s29, s0, $0xb8;
	[tilespmem:$0x1E880] =	vst v63  }
0x56: {  	s15 =	sadd.s32 s15, s28  }
0x57: {  	[spmem:s1] =	stream.indirect.scatter.add.f32 [tilespmem:s3], [sflag:$0x3], $0x80, s15, s0, $0xb8;
	[tilespmem:$0x1E880] =	vst v63  }
0x58: {  	_ =	swait.ge [sflag:s30], $0x4000  }
0x59: {  	[sflag:s30] =	ssyncset.done $0x0  }
0x5a: {  	[sflag:s30] =	ssyncadd.s32 $0xFFFFC000  }
0x5b: {  	_ =	swait.ge [sflag:s6], $0x4000  }
0x5c: {  	[sflag:s6] =	ssyncset.done $0x0  }
0x5d: {  	s25 =	sadd.s32 $0x100, s25;
	[sflag:s6] =	ssyncadd.s32 $0xFFFFC000  }
0x5e: {  	[tilespmem:s3], [sflag:$0x1] =	stream.indirect.gather [hbm4b:s4+s0], $0x80, s25, s0, $0xb8;
	[tilespmem:$0x1E880] =	vst v63  }
.Ltmp0:
0x5f: {  	_ = 	snop;
	(pc) =	sbr.rel @p1 .LBB2_2-.Ltmp0, $4  }
0x60: {  	s15 =	sadd.s32 $0x80, s15  }
0x61: {  	[spmem:s1] =	stream.indirect.scatter.add.f32 [tilespmem:s5], [sflag:$0x3], $0x80, s15, s0, $0xb8;
	[tilespmem:$0x1E880] =	vst v63  }
0x62: {  	_ =	swait.ge [sflag:s30], $0x4000  }
0x63: {  	[sflag:s30] =	ssyncset.done $0x0  }
0x64: {  	[sflag:s30] =	ssyncadd.s32 $0xFFFFC000  }
0x65: {  	_ =	swait.ge [sflag:s2], $0x4000  }
0x66: {  	[sflag:s2] =	ssyncset.done $0x0  }
0x67: {  	[sflag:s2] =	ssyncadd.s32 $0xFFFFC000  }
0x68: {  	[tilespmem:s5], [sflag:$0x2] =	stream.indirect.gather [hbm4b:s4+s0], $0x80, s20, s0, $0xb8;
	[tilespmem:$0x1E880] =	vst v63  }
0x69: {  	_ = 	snop  }
0x6a: {  	[spmem:s1] =	stream.indirect.scatter.add.f32 [tilespmem:s3], [sflag:$0x3], $0x80, s21, s0, $0xb8;
	[tilespmem:$0x1E880] =	vst v63  }
0x6b: {  	_ =	swait.ge [sflag:s30], $0x4000  }
0x6c: {  	[sflag:s30] =	ssyncset.done $0x0  }
0x6d: {  	[sflag:s30] =	ssyncadd.s32 $0xFFFFC000  }
0x6e: {  	_ =	swait.ge [sflag:s6], $0x4000  }
0x6f: {  	[sflag:s6] =	ssyncset.done $0x0  }
0x70: {  	[sflag:s6] =	ssyncadd.s32 $0xFFFFC000  }
0x71: {  	[tilespmem:s3], [sflag:$0x1] =	stream.indirect.gather [hbm4b:s4+s0], $0x80, s26, s0, $0xb8;
	[tilespmem:$0x1E880] =	vst v63  }
0x72: {  	_ = 	snop  }
0x73: {  	[spmem:s1] =	stream.indirect.scatter.add.f32 [tilespmem:s5], [sflag:$0x3], $0x80, s22, s0, $0xb8;
	[tilespmem:$0x1E880] =	vst v63  }
0x74: {  	_ =	swait.ge [sflag:s30], $0x4000  }
0x75: {  	[sflag:s30] =	ssyncset.done $0x0  }
0x76: {  	[sflag:s30] =	ssyncadd.s32 $0xFFFFC000  }
0x77: {  	_ =	swait.ge [sflag:s2], $0x4000  }
0x78: {  	[sflag:s2] =	ssyncset.done $0x0  }
0x79: {  	s11 =	simm.s32 $0x0;
	s13 =	rddreg [dreg:$0x9];
	[sflag:s2] =	ssyncadd.s32 $0xFFFFC000  }
0x7a: {  	[tilespmem:s11], [sflag:$0x3] =	stream.linear.gather [hbm4b:s13+s11], $0x1800, $0x38;
	[tilespmem:$0x1E880] =	vst v63  }
0x7b: {  	_ =	swait.ge [sflag:s30], $0x1800  }
0x7c: {  	[sflag:s30] =	ssyncset.done $0x0  }
0x7d: {  	s17 =	rddreg [dreg:$0xa];
	[sflag:s30] =	ssyncadd.s32 $0xFFFFE800  }
0x7e: {  	[tilespmem:s31], [sflag:$0x3] =	stream.linear.gather [hbm4b:s17+s11], $0x1800, $0x38;
	[tilespmem:$0x1E880] =	vst v63  }
0x7f: {  	_ =	swait.ge [sflag:s30], $0x1800  }
0x80: {  	[sflag:s30] =	ssyncset.done $0x0  }
0x81: {  	s25 =	rddreg [dreg:$0xb];
	[sflag:s30] =	ssyncadd.s32 $0xFFFFE800  }
0x82: {  	[tilespmem:s3], [sflag:$0x1] =	stream.indirect.gather [hbm4b:s4+s0], $0x80, s25, s0, $0xb8;
	[tilespmem:$0x1E880] =	vst v63  }
0x83: {  	_ =	swait.ge [sflag:s2], $0x4000  }
0x84: {  	[sflag:s2] =	ssyncset.done $0x0  }
0x85: {  	s15 =	sor.u32 $0x80, s16;
	[sflag:s2] =	ssyncadd.s32 $0xFFFFC000  }
0x86: {  	[tilespmem:s5], [sflag:$0x2] =	stream.indirect.gather [hbm4b:s4+s0], $0x80, s15, s0, $0xb8;
	[tilespmem:$0x1E880] =	vst v63  }
0x87: {  	_ = 	snop  }
0x88: {  	[spmem:s1] =	stream.indirect.scatter.add.f32 [tilespmem:s3], [sflag:$0x3], $0x80, s14, s0, $0xb8;
	[tilespmem:$0x1E880] =	vst v63  }
0x89: {  	p1 =	sgt.s32 s18, $0x2;
	_ =	swait.ge [sflag:s30], $0x4000  }
0x8a: {  	s11 =	simm.s32 $0x2;
	s25 =	smov.u32 s18;
	[sflag:s30] =	ssyncset.done $0x0  }
0x8b: {  	s25 =	smov.u32 @p1 s11;
	[sflag:s30] =	ssyncadd.s32 $0xFFFFC000  }
0x8c: {  	s25 =	sadd.s32 s12, s25;
	_ =	swait.ge [sflag:s6], $0x4000  }
0x8d: {  	s25 =	sshll.u32 s25, $0x9;
	[sflag:s6] =	ssyncset.done $0x0  }
0x8e: {  	p1 =	sne.s32 s24, $0x1;
	s25 =	sshra.s32 s25, $0x2;
	[sflag:s6] =	ssyncadd.s32 $0xFFFFC000  }
0x8f: {  	[tilespmem:s3], [sflag:$0x1] =	stream.indirect.gather [hbm4b:s4+s0], $0x80, s25, s0, $0xb8;
	[tilespmem:$0x1E880] =	vst v63  }
.Ltmp1:
0x90: {  	_ = 	snop;
	(pc) =	sbr.rel @!p1 .LBB2_5-.Ltmp1, $4  }
0x91: {  	s15 =	sadd.s32 $0x1800, s15  }
0x92: {  	[spmem:s1] =	stream.indirect.scatter.add.f32 [tilespmem:s5], [sflag:$0x3], $0x80, s15, s0, $0xb8;
	[tilespmem:$0x1E880] =	vst v63  }
0x93: {  	s29 =	smov.u32 s16;
	_ =	swait.ge [sflag:s30], $0x4000  }
0x94: {  	s25 =	smov.u32 s14;
	s15 =	sadd.s32 $0xFFFFFFFF, s24;
	[sflag:s30] =	ssyncset.done $0x0  }
.LBB2_4:
0x95: {  	[sflag:s30] =	ssyncadd.s32 $0xFFFFC000;
	s25 =	sadd.s32 $0x100, s25;
	s29 =	sadd.s32 $0x100, s29  }
0x96: {  	p1 =	sne.s32 s15, $0x1;
	s15 =	sadd.s32 $0xFFFFFFFF, s15  }
0x97: {  	_ =	swait.ge [sflag:s2], $0x4000  }
0x98: {  	[sflag:s2] =	ssyncset.done $0x0  }
0x99: {  	s17 =	sor.u32 $0x80, s29;
	[sflag:s2] =	ssyncadd.s32 $0xFFFFC000  }
0x9a: {  	[tilespmem:s5], [sflag:$0x2] =	stream.indirect.gather [hbm4b:s4+s0], $0x80, s17, s0, $0xb8;
	[tilespmem:$0x1E880] =	vst v63  }
0x9b: {  	_ = 	snop  }
0x9c: {  	[spmem:s1] =	stream.indirect.scatter.add.f32 [tilespmem:s3], [sflag:$0x3], $0x80, s25, s0, $0xb8;
	[tilespmem:$0x1E880] =	vst v63  }
0x9d: {  	s11 =	sadd.s32 $0x2, s11;
	_ =	swait.ge [sflag:s30], $0x4000  }
0x9e: {  	s13 =	smov.u32 s18;
	p2 =	slt.s32 s11, s18;
	[sflag:s30] =	ssyncset.done $0x0  }
0x9f: {  	s13 =	smov.u32 @p2 s11;
	[sflag:s30] =	ssyncadd.s32 $0xFFFFC000  }
0xa0: {  	s13 =	sadd.s32 s12, s13;
	_ =	swait.ge [sflag:s6], $0x4000  }
0xa1: {  	s13 =	sshll.u32 s13, $0x9;
	[sflag:s6] =	ssyncset.done $0x0  }
0xa2: {  	s13 =	sshra.s32 s13, $0x2;
	[sflag:s6] =	ssyncadd.s32 $0xFFFFC000  }
0xa3: {  	[tilespmem:s3], [sflag:$0x1] =	stream.indirect.gather [hbm4b:s4+s0], $0x80, s13, s0, $0xb8;
	[tilespmem:$0x1E880] =	vst v63  }
.Ltmp2:
0xa4: {  	_ = 	snop;
	(pc) =	sbr.rel @p1 .LBB2_4-.Ltmp2, $4  }
0xa5: {  	s13 =	sadd.s32 $0x1800, s17  }
0xa6: {  	[spmem:s1] =	stream.indirect.scatter.add.f32 [tilespmem:s5], [sflag:$0x3], $0x80, s13, s0, $0xb8;
	[tilespmem:$0x1E880] =	vst v63  }
0xa7: {  	_ =	swait.ge [sflag:s30], $0x4000  }
0xa8: {  	[sflag:s30] =	ssyncset.done $0x0  }
.LBB2_5:
0xa9: {  	[sflag:s30] =	ssyncadd.s32 $0xFFFFC000  }
0xaa: {  	s13 =	sadd.s32 s11, s12;
	_ =	swait.ge [sflag:s2], $0x4000  }
0xab: {  	s13 =	sshll.u32 s13, $0x7;
	[sflag:s2] =	ssyncset.done $0x0  }
0xac: {  	s13 =	sor.u32 $0x80, s13;
	[sflag:s2] =	ssyncadd.s32 $0xFFFFC000  }
0xad: {  	[tilespmem:s5], [sflag:$0x2] =	stream.indirect.gather [hbm4b:s4+s0], $0x80, s13, s0, $0xb8;
	[tilespmem:$0x1E880] =	vst v63  }
0xae: {  	s15 =	sadd.s32 $0x100, s25  }
0xaf: {  	[spmem:s1] =	stream.indirect.scatter.add.f32 [tilespmem:s3], [sflag:$0x3], $0x80, s15, s0, $0xb8;
	[tilespmem:$0x1E880] =	vst v63  }
0xb0: {  	s11 =	sadd.s32 $0x2, s11;
	_ =	swait.ge [sflag:s30], $0x4000  }
0xb1: {  	p1 =	slt.s32 s11, s18;
	s15 =	smov.u32 s18;
	[sflag:s30] =	ssyncset.done $0x0  }
0xb2: {  	s15 =	smov.u32 @p1 s11;
	[sflag:s30] =	ssyncadd.s32 $0xFFFFC000  }
0xb3: {  	s11 =	sadd.s32 s12, s15;
	_ =	swait.ge [sflag:s6], $0x4000  }
0xb4: {  	s11 =	sshll.u32 s11, $0x9;
	[sflag:s6] =	ssyncset.done $0x0  }
0xb5: {  	s11 =	sshra.s32 s11, $0x2;
	[sflag:s6] =	ssyncadd.s32 $0xFFFFC000  }
0xb6: {  	[tilespmem:s3], [sflag:$0x1] =	stream.indirect.gather [hbm4b:s4+s0], $0x80, s11, s0, $0xb8;
	[tilespmem:$0x1E880] =	vst v63  }
0xb7: {  	s25 =	sadd.s32 $0x1800, s13  }
0xb8: {  	[spmem:s1] =	stream.indirect.scatter.add.f32 [tilespmem:s5], [sflag:$0x3], $0x80, s25, s0, $0xb8;
	[tilespmem:$0x1E880] =	vst v63  }
0xb9: {  	_ =	swait.ge [sflag:s30], $0x4000  }
0xba: {  	[sflag:s30] =	ssyncset.done $0x0  }
0xbb: {  	[sflag:s30] =	ssyncadd.s32 $0xFFFFC000  }
0xbc: {  	_ =	swait.ge [sflag:s2], $0x4000  }
0xbd: {  	[sflag:s2] =	ssyncset.done $0x0  }
0xbe: {  	[sflag:s2] =	ssyncadd.s32 $0xFFFFC000  }
0xbf: {  	[bflag:$0x0] =	sbarrier.arrive $0xFFFF  }
0xc0: {  	s11 =	simm.s32 @p0 $0x1FC3;
	s13 =	rddreg [dreg:$0xd]  }
0xc1: {  	[hbm:s13], [sflag:s11] =	dma.local @p0 [spmem:s8], $0x2080  }
0xc2: {  	s8 =	simm.s32 @p0 $0x3  }
0xc3: {  	_ =	swait.ge @p0 [sflag:s8], $0x2080  }
0xc4: {  	[sflag:s8] =	ssyncset.done @p0 $0x0  }
0xc5: {  	[sflag:s8] =	ssyncadd.s32 @p0 $0xFFFFDF80;
	s8 =	rddreg [dreg:$0xc]  }
0xc6: {  	[hbm:s8], [sflag:s9] =	dma.local @!p0 [spmem:s10], $0x2780  }
0xc7: {  	s8 =	simm.s32 @!p0 $0x3  }
0xc8: {  	_ =	swait.ge @!p0 [sflag:s8], $0x2780  }
0xc9: {  	s7 =	sadd.s32 $0x1, s7;
	s29 =	rddreg [dreg:$0xe]  }
0xca: {  	p1 =	sne.s32 s7, s29  }
.Ltmp3:
0xcb: {  	_ = 	snop;
	(pc) =	sbr.rel @p1 .LBB2_1-.Ltmp3, $3  }
0xcc: {  	_ =	sdelay $0x1  }
0xcd: {  	[sflag:s8] =	ssyncset.done @!p0 $0x0  }
0xce: {  	[sflag:s8] =	ssyncadd.s32 @!p0 $0xFFFFD880  }
0xcf: {  	_ =	sfence.sel $0x180000  }
0xd0: {  	[bflag:$0x0] =	sbarrier.arrive $0xFFFF  }
0xd1: {  	_ =	strace $0x9000004D  }
0xd2: {  	s0 =	stileid.u32;
	[bflag:$0x2] =	sbarrier.arrive $0xFFFF  }
0xd3: {  	p0 =	sne.s32 s0, $0x0;
	s0 =	rddreg [dreg:$0x2]  }
0xd4: {  	s0 =	sadd.s32 @!p0 $0x100000, s0  }
0xd5: {  	[sflag:s0] =	ssyncadd.tile.s32 @!p0 $0x1;
	_ =	shalt  }
.Lfunc_end2:
_tile_overlayer_lowered:
.L_overlay_start_2:
0xd6: {  	(tag) =	ssettag $0x2  }
0xd7: {  	s0 =	rddreg [dreg:$0x0];
	s2 =	stileid.u32  }
0xd8: {  	s1 =	rddreg [dreg:$0x1];
	p0 =	sne.s32 s2, $0x0  }
0xd9: {  	s3 =	rddreg [dreg:$0x2];
	[bflag:$0x3] =	sbarrier.arrive $0xFFFF;
	s2 =	simm.s32 @!p0 $0x1C03  }
0xda: {  	[timem:s3], [sflag:s2] =	dma.local @!p0 [hbm:s0], s1  }
0xdb: {  	s0 =	simm.s32 @!p0 $0x3  }
0xdc: {  	_ =	swait.ge @!p0 [sflag:s0], s1  }
0xdd: {  	s1 =	ssub.s32 @!p0 $0x0, s1;
	[sflag:s0] =	ssyncset.done @!p0 $0x0  }
0xde: {  	[sflag:s0] =	ssyncadd.s32 @!p0 s1  }
0xdf: {  	[bflag:$0x3] =	sbarrier.arrive $0xFFFF  }
0xe0: {  	_ =	shalt  }

// kernel: kernel.15.cloned.1.call-start
scs
__scs_entry_jumppad:
0x0: {  	(pc) =	sbr.rel $0x88, $3  }
0x1: {  	(tag) =	ssettag $0x0;
	lr =	simm.s32 $0x1  }
0x2: {  	[smem:$0x3F8F] =	sst lr;
	_ =	strace $0xD0000000  }
0x3: {  	_ = 	snop  }
0x4: {  	_ = 	snop  }
0x5: {  	_ = 	snop  }
0x6: {  	_ = 	snop  }
0x7: {  	_ = 	snop  }
__scs_overlays_trampoline_lowered:
0x8: {  	[smem:$0x3F9E] =	sst s0  }
0x9: {  	[smem:$0x3F9F] =	sst s1  }
0xa: {  	[smem:$0x3FA0] =	sst s2  }
0xb: {  	[smem:$0x3FA1] =	sst s3  }
0xc: {  	[smem:$0x3FA2] =	sst s4  }
0xd: {  	[smem:$0x3FA3] =	sst s5  }
0xe: {  	[smem:$0x3FA4] =	sst s6  }
0xf: {  	[smem:$0x3FA5] =	sst s7  }
0x10: {  	[smem:$0x3FA6] =	sst s8  }
0x11: {  	[smem:$0x3FA7] =	sst s9;
	s0 =	simm.s32 @!p0 $0x0  }
0x12: {  	s1 =	sld [smem:$0x3F8D];
	s0 =	simm.s32 @p0 $0x1  }
0x13: {  	[smem:$0x3FA8] =	sst s0;
	s0 =	simm.s32 @!p1 $0x0  }
0x14: {  	s2 =	sld [smem:$0x3F8C];
	s0 =	simm.s32 @p1 $0x1  }
0x15: {  	[smem:$0x3FA9] =	sst s0;
	s0 =	simm.s32 @!p2 $0x0  }
0x16: {  	s3 =	sld [smem:$0x3FDB];
	s0 =	simm.s32 @p2 $0x1  }
0x17: {  	s4 =	simm.s32 $0x1BF5;
	[smem:$0x3FAB] =	sst s0  }
0x18: {  	s0 =	sld [smem:$0x3F8E];
	_ =	swait.ge [sflag:s4], $0x0  }
0x19: {  	s7 =	sld [smem:$0x3F8F]  }
0x1a: {  	s8 =	sadd.s32 $0xFFFFE003, lr  }
0x1b: {  	s9 =	sadd.s32 $0xFFFFFEF7, lr;
	s5 =	simm.s32 $0xFFFFFFFF;
	p2 =	slt.u32 s8, $0xFFFFF086  }
0x1c: {  	p1 =	slt.u32 s9, $0xF7A;
	s5 =	simm.s32 @!p2 $0x0  }
0x1d: {  	s5 =	simm.s32 @p1 $0x1;
	p0 =	seq.s32 s7, s2  }
0x1e: {  	s7 =	smul.u32 @!p0 $0xF7A, s2;
	p2 =	seq.s32 @!p0 s5, $0x0  }
0x1f: {  	s9 =	smul.u32 $0xF7A, s1;
	s8 =	simm.s32 @!p0 $0x1BF5;
	p2 =	por !p2, p0  }
0x20: {  	[sflag:s8] =	ssyncset.s32 @!p0 $0xFFFFF086;
	s6 =	sadd.s32 @!p0 s3, s7;
	s7 =	simm.s32 @!p0 $0x108  }
0x21: {  	s3 =	sadd.s32 s3, s9;
	s6 =	sadd.s32 @!p0 $0x88, s6;
	s7 =	simm.s32 @p2 $0x1082  }
0x22: {  	[simem:s7], [sflag:s8] =	dma.local @!p0 [hbm:s6], $0xF7A  }
0x23: {  	s9 =	sor.u32 $0xD0000000, s2;
	s6 =	simm.s32 $0x108;
	_ =	swait.ge @!p0 [sflag:s8], $0x0  }
0x24: {  	s3 =	sadd.s32 $0x88, s3;
	s6 =	simm.s32 @!p1 $0x1082;
	[sflag:s4] =	ssyncset.s32 $0xFFFFF086  }
0x25: {  	[simem:s6], [sflag:s4] =	dma.local [hbm:s3], $0xF7A  }
0x26: {  	[smem:$0x3F8F] =	sst s1;
	(tag) =	ssettag s2;
	_ =	strace s9  }
0x27: {  	s1 =	sld [smem:$0x3F9F]  }
0x28: {  	s2 =	sld [smem:$0x3FA0]  }
0x29: {  	s4 =	sld [smem:$0x3FA2]  }
0x2a: {  	p0 =	seq.s32 s5, $0x0;
	s5 =	sld [smem:$0x3FA3]  }
0x2b: {  	s6 =	sld [smem:$0x3FA4]  }
0x2c: {  	s7 =	sld [smem:$0x3FA5]  }
0x2d: {  	s3 =	simm.s32 $0x108;
	s8 =	sld [smem:$0x3FA6]  }
0x2e: {  	s3 =	simm.s32 @!p0 $0x1082;
	s9 =	sld [smem:$0x3FA7]  }
0x2f: {  	lr =	sadd.s32 s0, s3;
	s0 =	sld [smem:$0x3F9E]  }
0x30: {  	s3 =	sld [smem:$0x3FA1]  }
0x31: {  	[smem:$0x3FAA] =	sst s10  }
0x32: {  	s10 =	sld [smem:$0x3FA8];
	_ =	sdelay $0x3  }
0x33: {  	p0 =	seq.s32 s10, $0x1;
	s10 =	sld [smem:$0x3FAA];
	_ =	sdelay $0x3  }
0x34: {  	[smem:$0x3FAA] =	sst s10  }
0x35: {  	s10 =	sld [smem:$0x3FA9];
	_ =	sdelay $0x3  }
0x36: {  	p1 =	seq.s32 s10, $0x1;
	s10 =	sld [smem:$0x3FAA];
	_ =	sdelay $0x3  }
0x37: {  	[smem:$0x3FAA] =	sst s10  }
0x38: {  	s10 =	sld [smem:$0x3FAB]  }
0x39: {  	_ = 	snop;
	(pc) =	sbr.ind lr, $3  }
0x3a: {  	_ = 	snop  }
0x3b: {  	_ = 	snop  }
0x3c: {  	p2 =	seq.s32 s10, $0x1;
	s10 =	sld [smem:$0x3FAA]  }
0x3d: {  	_ =	shalt  }
0x3e: {  	_ =	shalt  }
0x3f: {  	_ =	shalt  }
0x40: {  	_ =	shalt  }
0x41: {  	_ =	shalt  }
0x42: {  	_ =	shalt  }
0x43: {  	_ =	shalt  }
0x44: {  	_ =	shalt  }
0x45: {  	_ =	shalt  }
0x46: {  	_ =	shalt  }
0x47: {  	_ =	shalt  }
0x48: {  	_ =	shalt  }
0x49: {  	_ =	shalt  }
0x4a: {  	_ =	shalt  }
0x4b: {  	_ =	shalt  }
0x4c: {  	_ =	shalt  }
0x4d: {  	_ =	shalt  }
0x4e: {  	_ =	shalt  }
0x4f: {  	_ =	shalt  }
0x50: {  	_ =	shalt  }
0x51: {  	_ =	shalt  }
0x52: {  	_ =	shalt  }
0x53: {  	_ =	shalt  }
0x54: {  	_ =	shalt  }
0x55: {  	_ =	shalt  }
0x56: {  	_ =	shalt  }
0x57: {  	_ =	shalt  }
0x58: {  	_ =	shalt  }
0x59: {  	_ =	shalt  }
0x5a: {  	_ =	shalt  }
0x5b: {  	_ =	shalt  }
0x5c: {  	_ =	shalt  }
0x5d: {  	_ =	shalt  }
0x5e: {  	_ =	shalt  }
0x5f: {  	_ =	shalt  }
0x60: {  	_ =	shalt  }
0x61: {  	_ =	shalt  }
0x62: {  	_ =	shalt  }
0x63: {  	_ =	shalt  }
0x64: {  	_ =	shalt  }
0x65: {  	_ =	shalt  }
0x66: {  	_ =	shalt  }
0x67: {  	_ =	shalt  }
0x68: {  	_ =	shalt  }
0x69: {  	_ =	shalt  }
0x6a: {  	_ =	shalt  }
0x6b: {  	_ =	shalt  }
0x6c: {  	_ =	shalt  }
0x6d: {  	_ =	shalt  }
0x6e: {  	_ =	shalt  }
0x6f: {  	_ =	shalt  }
0x70: {  	_ =	shalt  }
0x71: {  	_ =	shalt  }
0x72: {  	_ =	shalt  }
0x73: {  	_ =	shalt  }
0x74: {  	_ =	shalt  }
0x75: {  	_ =	shalt  }
0x76: {  	_ =	shalt  }
0x77: {  	_ =	shalt  }
0x78: {  	_ =	shalt  }
0x79: {  	_ =	shalt  }
0x7a: {  	_ =	shalt  }
0x7b: {  	_ =	shalt  }
0x7c: {  	_ =	shalt  }
0x7d: {  	_ =	shalt  }
0x7e: {  	_ =	shalt  }
0x7f: {  	_ =	shalt  }
0x80: {  	_ =	shalt  }
0x81: {  	_ =	shalt  }
0x82: {  	_ =	shalt  }
0x83: {  	_ =	shalt  }
0x84: {  	_ =	shalt  }
0x85: {  	_ =	shalt  }
0x86: {  	_ =	shalt  }
0x87: {  	_ =	shalt  }
.Lfunc_end0:
.L_simem_size_0:
called_computation.2_lowered:
.L_overlay_start_0:
0x88: {  	s2 =	sld [smem:$0x3FD9]  }
0x89: {  	s3 =	sld [smem:$0x3FFE];
	_ =	sdelay $0x1  }
0x8a: {  	s1 =	srdreg.scid  }
0x8b: {  	s0 =	sand.u32 $0x1, s1  }
0x8c: {  	s16 =	sshll.u32 s0, $0xA;
	s2 =	sadd.s32 s3, s2  }
0x8d: {  	s2 =	sadd.s32 s2, s16  }
0x8e: {  	[smem:$0x3FB6] =	sst s2  }
0x8f: {  	_ = 	snop  }
0x90: {  	(tm) =	ssettm $0x1  }
0x91: {  	s17 =	sld [smem:$0x3FFB];
	_ =	sdelay $0x3  }
0x92: {  	_ =	strace s17  }
0x93: {  	s2 =	sld [smem:$0x3FFC];
	_ =	sdelay $0x3  }
0x94: {  	_ =	strace s2  }
0x95: {  	s2 =	sld [smem:$0x3FFD];
	_ =	sdelay $0x3  }
0x96: {  	_ =	strace s2  }
0x97: {  	_ =	strace $0x8FFFFFFF  }
0x98: {  	s18 =	sld [smem:$0x3FDB];
	_ =	sdelay $0x1  }
0x99: {  	s19 =	simm.s32 $_scs_section_size  }
0x9a: {  	s4 =	simm.s32 $_size__tile_overlayer_lowered;
	s5 =	simm.s32 $_tile_overlayer_lowered  }
0x9b: {  	s22 =	simm.s32 $0x1BFF;
	s21 =	sshll.u32 s5, $0x1;
	s2 =	sadd.s32 s19, s18  }
0x9c: {  	s6 =	simm.s32 $0x0;
	s20 =	sshll.u32 s4, $0x1;
	s4 =	sadd.s32 s21, s2  }
0x9d: {  	[timem:s6], [sflag:s22] =	dma.local [hbm:s4], s20  }
0x9e: {  	_ =	swait.ge [sflag:s22], s20  }
0x9f: {  	s3 =	ssub.s32 $0x0, s20;
	[sflag:s22] =	ssyncset.done $0x0  }
0xa0: {  	[sflag:s22] =	ssyncadd.s32 s3;
	_ =	sdelay $0x1  }
0xa1: {  	s23 =	simm.s32 $0x1B8B  }
0xa2: {  	_ =	swait.ge [sflag:s23], $0x1  }
0xa3: {  	[sflag:s23] =	ssyncset.done $0x0  }
0xa4: {  	s25 =	simm.s32 $0x1B8E;
	s24 =	sld [smem:$0x3FFE];
	[sflag:s23] =	ssyncadd.s32 $0xFFFFFFFF  }
0xa5: {  	s26 =	simm.s32 $execute0_lowered;
	[smem:$0x3FD2] =	sst s25  }
0xa6: {  	s4 =	sshll.u32 s26, $0x1;
	_ =	strace $0x80000049;
	[dreg:$0x1] =	wrdreg $0xFFFFFFFF  }
0xa7: {  	s28 =	simm.s32 $_size_execute0_lowered;
	s2 =	sadd.s32 s2, s4;
	[dreg:$0x0] =	wrdreg $0x0  }
0xa8: {  	s4 =	sshll.u32 s28, $0x1;
	[dreg:$0x2] =	wrdreg s2  }
0xa9: {  	[dreg:$0x3] =	wrdreg s4  }
0xaa: {  	[dreg:$0x4] =	wrdreg $0xC0  }
0xab: {  	_ =	task [dreg:s6], $0x5FFFF  }
0xac: {  	[dreg:$0x1] =	wrdreg $0xFFFFFFFF  }
0xad: {  	[dreg:$0x0] =	wrdreg $0x60  }
0xae: {  	[dreg:$0x2] =	wrdreg s24  }
0xaf: {  	[dreg:$0x3] =	wrdreg $0xB0000  }
0xb0: {  	[dreg:$0x4] =	wrdreg $0xA  }
0xb1: {  	_ =	task.clear_ibuf [dreg:s6], $0x5FFFF;
	_ =	strace $0x90000049  }
0xb2: {  	s29 =	simm.s32 $0xA;
	_ =	strace $0x8000004B  }
0xb3: {  	_ =	swait.ge [sflag:s29], $0x1  }
0xb4: {  	[sflag:s29] =	ssyncadd.s32 $0xFFFFFFFF  }
0xb5: {  	_ =	strace $0x9000004B  }
0xb6: {  	_ =	sfence  }
0xb7: {  	s30 =	sld [smem:$0x0];
	_ =	sdelay $0x2  }
0xb8: {  	s31 =	sshll.u32 s1, $0xD;
	s1 =	sshrl.u32 s1, $0x2  }
0xb9: {  	s3 =	sand.u32 $0x4000, s31;
	s1 =	sadd.s32 s1, s30  }
0xba: {  	s0 =	sor.u32 s3, s0;
	s1 =	sshll.u32 s1, $0x11  }
0xbb: {  	s0 =	sor.u32 s1, s0  }
0xbc: {  	s0 =	sadd.s32 $0x8F2B, s0  }
0xbd: {  	[sflag:s0] =	ssyncadd.remote.s32 $0x1  }
0xbe: {  	_ =	sfence.sel $0xFFFF  }
0xbf: {  	[dreg:$0x0] =	wrdreg $0xFFFFFFFF;
	(pc) =	sbr.abs _section_cstart, $3  }
0xc0: {  	[dreg:$0x1] =	wrdreg $0xFFFFFFFF  }
0xc1: {  	_ =	task.clear_ibuf [dreg:s6], $0x2FFFF;
	_ =	strace $0x9FFFFFFF  }
0xc2: {  	(tm) =	ssettm $0x7FFFFFFF  }
0xc3: {  	_ =	shalt  }
tec
execute0_lowered:
.L_overlay_start_1:
0x0: {  	(tag) =	ssettag $0x1  }
0x1: {  	s0 =	rddreg [dreg:$0x0]  }
0x2: {  	s1 =	rddreg [dreg:$0x1]  }
0x3: {  	s2 =	simm.s32 $0x0;
	s12 =	srdreg.scid;
	s17 =	stileid.u32  }
0x4: {  	s30 =	simm.s32 $0x3;
	s31 =	simm.s32 $0x1800;
	[smem:$0x7FF] =	sst s2  }
0x5: {  	s4 =	sadd.s32 $0x3FE00, s0;
	s5 =	sadd.s32 $0xEE00, s0;
	s6 =	smul.u32 $0x2780, s17  }
0x6: {  	s7 =	sadd.s32 $0x5000, s0;
	s14 =	sadd.s32 $0x8E200, s0;
	s13 =	smul.u32 $0x4F000, s17  }
0x7: {  	s2 =	sand.u32 $0x1, s12;
	s16 =	sadd.s32 $0x128400, s1;
	_ =	strace $0x8000004A  }
0x8: {  	s3 =	sshll.u32 s2, $0x4;
	s8 =	ssub.s32 $0x2, s2;
	[dreg:$0x5] =	wrdreg s16  }
0x9: {  	s2 =	smul.u32 $0x138800, s2;
	s3 =	sor.u32 s17, s3;
	s6 =	sadd.s32 s6, s0  }
0xa: {  	s10 =	sshrl.u32 s8, $0x1;
	s15 =	sshrl.u32 s13, $0x2;
	s9 =	smul.u32 $0x50, s3  }
0xb: {  	s0 =	sadd.s32 $0x3DC80, s0;
	s11 =	smul.u32 $0x4E, s3;
	p0 =	slt.u32 s3, $0x2  }
0xc: {  	s3 =	simm.s32 $0x50;
	s6 =	sadd.s32 $0x18C00, s6;
	[dreg:$0x6] =	wrdreg s0  }
0xd: {  	s8 =	ssub.s32 s8, s10;
	s3 =	simm.s32 @!p0 $0x4E;
	[dreg:$0x4] =	wrdreg s6  }
0xe: {  	s21 =	smax.u32 s8, $0x1;
	s11 =	sadd.s32 $0x4, s11;
	s16 =	sadd.s32 $0xFFFFFFD8, s3  }
0xf: {  	[dreg:$0xe] =	wrdreg s21;
	s11 =	smov.u32 @p0 s9;
	s9 =	sadd.s32 s15, s1  }
0x10: {  	s15 =	smul.u32 $0x13C00, s17;
	p0 =	seq.s32 s17, $0xF;
	s6 =	smin.u32 s11, $0x998  }
0x11: {  	[dreg:$0x3] =	wrdreg s9;
	s12 =	sadd.s32 $0x28, s11;
	s18 =	sand.u32 $0xFF8, s6  }
0x12: {  	s19 =	sshll.u32 s6, $0x4;
	s24 =	smin.u32 s12, $0x998;
	s20 =	ssub.s32 s11, s18  }
0x13: {  	s22 =	sand.u32 $0xFF80, s19;
	s26 =	sand.u32 $0xFF8, s24;
	s13 =	sshll.u32 s24, $0x4  }
0x14: {  	s18 =	sadd.s32 $0xFFFFFFD7, s3;
	s19 =	sshrl.u32 s16, $0x1;
	s24 =	sshll.u32 s24, $0x9  }
0x15: {  	s10 =	sadd.s32 s5, s22;
	s23 =	sshll.u32 s20, $0x9;
	s9 =	sadd.s32 s7, s22  }
0x16: {  	s12 =	ssub.s32 s12, s26;
	s29 =	sand.u32 $0xFF80, s13;
	s13 =	sadd.s32 s15, s2  }
0x17: {  	s2 =	sshrl.u32 s2, $0x3;
	s0 =	sadd.s32 $0x26, s20;
	[dreg:$0x7] =	wrdreg s10  }
0x18: {  	s26 =	sshll.u32 s11, $0x9;
	[dreg:$0x8] =	wrdreg s9;
	s25 =	sshra.s32 s23, $0x2  }
0x19: {  	s5 =	sadd.s32 s5, s29;
	s7 =	sadd.s32 s7, s29;
	s10 =	sshll.u32 s12, $0x9  }
0x1a: {  	s15 =	sshrl.u32 s13, $0x3;
	s2 =	sadd.s32 s14, s2;
	s22 =	sshll.u32 s0, $0x7  }
0x1b: {  	s23 =	sshll.u32 s6, $0x9;
	s6 =	sand.u32 $0x1FF000, s24;
	s0 =	sshll.u32 s0, $0x9  }
0x1c: {  	s24 =	sadd.s32 $0xFFFFFFFF, s19;
	s16 =	sshll.u32 s12, $0x7;
	[dreg:$0x9] =	wrdreg s5  }
0x1d: {  	[dreg:$0xa] =	wrdreg s7;
	s3 =	sshra.s32 s10, $0x2;
	s2 =	sadd.s32 $0x25080, s2  }
0x1e: {  	s6 =	ssub.s32 s26, s6;
	s20 =	sor.u32 $0x80, s22;
	s0 =	sshra.s32 s0, $0x2  }
0x1f: {  	s22 =	sadd.s32 $0x1880, s22;
	s19 =	smov.u32 s25;
	s5 =	simm.s32 $0x7000  }
0x20: {  	s7 =	simm.s32 $0x0;
	[dreg:$0xb] =	wrdreg s3;
	s3 =	sadd.s32 s14, s15  }
0x21: {  	[dreg:$0xd] =	wrdreg s2;
	s6 =	sadd.s32 $0x5000, s6;
	s21 =	sadd.s32 $0x1800, s0  }
0x22: {  	s0 =	simm.s32 $0x80;
	[dreg:$0xc] =	wrdreg s3;
	s3 =	sand.u32 $0x1FF000, s23  }
0x23: {  	s2 =	simm.s32 $0x1;
	s29 =	sshra.s32 s6, $0x2;
	s3 =	ssub.s32 s26, s3  }
0x24: {  	s6 =	simm.s32 $0x2;
	s14 =	sadd.s32 $0x1800, s29;
	s23 =	sshra.s32 s3, $0x2  }
0x25: {  	s26 =	sadd.s32 $0x1380, s25;
	s3 =	simm.s32 $0x3000;
	s28 =	sadd.s32 $0x1800, s23  }
.LBB2_1:
0x26: {  	s8 =	rddreg [dreg:$0x5]  }
0x27: {  	s9 =	simm.s32 @p0 $0x1FC3;
	s10 =	rddreg [dreg:$0x6];
	s8 =	sshrl.u32 @p0 s8, $0x3  }
0x28: {  	[spmem:s8], [sflag:s9] =	dma.local @p0 [hbm:s10], $0x2080  }
0x29: {  	s9 =	simm.s32 @p0 $0x3  }
0x2a: {  	s10 =	stileid.u32;
	_ =	swait.ge @p0 [sflag:s9], $0x2080  }
0x2b: {  	s10 =	sshll.u32 @!p0 s10, $0x6;
	[sflag:s9] =	ssyncset.done @p0 $0x0  }
0x2c: {  	[sflag:s9] =	ssyncadd.s32 @p0 $0xFFFFDF80;
	s9 =	sor.u32 @!p0 $0x1C03, s10;
	s10 =	rddreg [dreg:$0x3]  }
0x2d: {  	s11 =	rddreg [dreg:$0x4];
	s10 =	sshrl.u32 @!p0 s10, $0x3  }
0x2e: {  	[spmem:s10], [sflag:s9] =	dma.local @!p0 [hbm:s11], $0x2780  }
0x2f: {  	s11 =	simm.s32 @!p0 $0x3  }
0x30: {  	_ =	swait.ge @!p0 [sflag:s11], $0x2780  }
0x31: {  	[sflag:s11] =	ssyncset.done @!p0 $0x0  }
0x32: {  	[sflag:s11] =	ssyncadd.s32 @!p0 $0xFFFFD880  }
0x33: {  	[bflag:$0x0] =	sbarrier.arrive $0xFFFF  }
0x34: {  	s29 =	simm.s32 $0x0;
	s13 =	rddreg [dreg:$0x7]  }
0x35: {  	[tilespmem:s29], [sflag:$0x3] =	stream.linear.gather [hbm4b:s13+s29], $0x1800, $0x38;
	[tilespmem:$0x1E880] =	vst v63  }
0x36: {  	_ =	swait.ge [sflag:s30], $0x1800  }
0x37: {  	[sflag:s30] =	ssyncset.done $0x0  }
0x38: {  	s15 =	rddreg [dreg:$0x8];
	[sflag:s30] =	ssyncadd.s32 $0xFFFFE800  }
0x39: {  	[tilespmem:s31], [sflag:$0x3] =	stream.linear.gather [hbm4b:s15+s29], $0x1800, $0x38;
	[tilespmem:$0x1E880] =	vst v63  }
0x3a: {  	_ =	swait.ge [sflag:s30], $0x1800  }
0x3b: {  	[sflag:s30] =	ssyncset.done $0x0  }
0x3c: {  	[sflag:s30] =	ssyncadd.s32 $0xFFFFE800  }
0x3d: {  	[tilespmem:s3], [sflag:$0x1] =	stream.indirect.gather [hbm4b:s4+s0], $0x80, s19, s0, $0xb8;
	[tilespmem:$0x1E880] =	vst v63  }
0x3e: {  	_ =	swait.ge [sflag:s2], $0x4000  }
0x3f: {  	s17 =	sadd.s32 $0x0, s23;
	[sflag:s2] =	ssyncset.done $0x0  }
0x40: {  	s15 =	sadd.s32 $0x80, s17;
	[sflag:s2] =	ssyncadd.s32 $0xFFFFC000  }
0x41: {  	[tilespmem:s5], [sflag:$0x2] =	stream.indirect.gather [hbm4b:s4+s0], $0x80, s15, s0, $0xb8;
	[tilespmem:$0x1E880] =	vst v63  }
0x42: {  	s25 =	sadd.s32 $0x0, s28  }
0x43: {  	[spmem:s1] =	stream.indirect.scatter.add.f32 [tilespmem:s3], [sflag:$0x3], $0x80, s25, s0, $0xb8;
	[tilespmem:$0x1E880] =	vst v63  }
0x44: {  	_ =	swait.ge [sflag:s30], $0x4000  }
0x45: {  	[sflag:s30] =	ssyncset.done $0x0  }
0x46: {  	[sflag:s30] =	ssyncadd.s32 $0xFFFFC000  }
0x47: {  	_ =	swait.ge [sflag:s6], $0x4000  }
0x48: {  	[sflag:s6] =	ssyncset.done $0x0  }
0x49: {  	s11 =	sadd.s32 $0x100, s17;
	[sflag:s6] =	ssyncadd.s32 $0xFFFFC000  }
0x4a: {  	[tilespmem:s3], [sflag:$0x1] =	stream.indirect.gather [hbm4b:s4+s0], $0x80, s11, s0, $0xb8;
	[tilespmem:$0x1E880] =	vst v63  }
0x4b: {  	s29 =	sadd.s32 $0x80, s25  }
0x4c: {  	[spmem:s1] =	stream.indirect.scatter.add.f32 [tilespmem:s5], [sflag:$0x3], $0x80, s29, s0, $0xb8;
	[tilespmem:$0x1E880] =	vst v63  }
0x4d: {  	_ =	swait.ge [sflag:s30], $0x4000  }
0x4e: {  	s11 =	simm.s32 $0x400;
	[sflag:s30] =	ssyncset.done $0x0  }
.LBB2_2:
0x4f: {  	p1 =	sne.s32 s11, $0x4800  }
0x50: {  	[sflag:s30] =	ssyncadd.s32 $0xFFFFC000;
	s15 =	smov.u32 s11;
	s11 =	sadd.s32 $0x400, s11  }
0x51: {  	_ =	swait.ge [sflag:s2], $0x4000  }
0x52: {  	s15 =	sshra.s32 s15, $0x2;
	[sflag:s2] =	ssyncset.done $0x0  }
0x53: {  	s25 =	sadd.s32 s15, s23;
	[sflag:s2] =	ssyncadd.s32 $0xFFFFC000  }
0x54: {  	s29 =	sadd.s32 $0x80, s25  }
0x55: {  	[tilespmem:s5], [sflag:$0x2] =	stream.indirect.gather [hbm4b:s4+s0], $0x80, s29, s0, $0xb8;
	[tilespmem:$0x1E880] =	vst v63  }
0x56: {  	s15 =	sadd.s32 s15, s28  }
0x57: {  	[spmem:s1] =	stream.indirect.scatter.add.f32 [tilespmem:s3], [sflag:$0x3], $0x80, s15, s0, $0xb8;
	[tilespmem:$0x1E880] =	vst v63  }
0x58: {  	_ =	swait.ge [sflag:s30], $0x4000  }
0x59: {  	[sflag:s30] =	ssyncset.done $0x0  }
0x5a: {  	[sflag:s30] =	ssyncadd.s32 $0xFFFFC000  }
0x5b: {  	_ =	swait.ge [sflag:s6], $0x4000  }
0x5c: {  	[sflag:s6] =	ssyncset.done $0x0  }
0x5d: {  	s25 =	sadd.s32 $0x100, s25;
	[sflag:s6] =	ssyncadd.s32 $0xFFFFC000  }
0x5e: {  	[tilespmem:s3], [sflag:$0x1] =	stream.indirect.gather [hbm4b:s4+s0], $0x80, s25, s0, $0xb8;
	[tilespmem:$0x1E880] =	vst v63  }
.Ltmp0:
0x5f: {  	_ = 	snop;
	(pc) =	sbr.rel @p1 .LBB2_2-.Ltmp0, $4  }
0x60: {  	s15 =	sadd.s32 $0x80, s15  }
0x61: {  	[spmem:s1] =	stream.indirect.scatter.add.f32 [tilespmem:s5], [sflag:$0x3], $0x80, s15, s0, $0xb8;
	[tilespmem:$0x1E880] =	vst v63  }
0x62: {  	_ =	swait.ge [sflag:s30], $0x4000  }
0x63: {  	[sflag:s30] =	ssyncset.done $0x0  }
0x64: {  	[sflag:s30] =	ssyncadd.s32 $0xFFFFC000  }
0x65: {  	_ =	swait.ge [sflag:s2], $0x4000  }
0x66: {  	[sflag:s2] =	ssyncset.done $0x0  }
0x67: {  	[sflag:s2] =	ssyncadd.s32 $0xFFFFC000  }
0x68: {  	[tilespmem:s5], [sflag:$0x2] =	stream.indirect.gather [hbm4b:s4+s0], $0x80, s20, s0, $0xb8;
	[tilespmem:$0x1E880] =	vst v63  }
0x69: {  	_ = 	snop  }
0x6a: {  	[spmem:s1] =	stream.indirect.scatter.add.f32 [tilespmem:s3], [sflag:$0x3], $0x80, s21, s0, $0xb8;
	[tilespmem:$0x1E880] =	vst v63  }
0x6b: {  	_ =	swait.ge [sflag:s30], $0x4000  }
0x6c: {  	[sflag:s30] =	ssyncset.done $0x0  }
0x6d: {  	[sflag:s30] =	ssyncadd.s32 $0xFFFFC000  }
0x6e: {  	_ =	swait.ge [sflag:s6], $0x4000  }
0x6f: {  	[sflag:s6] =	ssyncset.done $0x0  }
0x70: {  	[sflag:s6] =	ssyncadd.s32 $0xFFFFC000  }
0x71: {  	[tilespmem:s3], [sflag:$0x1] =	stream.indirect.gather [hbm4b:s4+s0], $0x80, s26, s0, $0xb8;
	[tilespmem:$0x1E880] =	vst v63  }
0x72: {  	_ = 	snop  }
0x73: {  	[spmem:s1] =	stream.indirect.scatter.add.f32 [tilespmem:s5], [sflag:$0x3], $0x80, s22, s0, $0xb8;
	[tilespmem:$0x1E880] =	vst v63  }
0x74: {  	_ =	swait.ge [sflag:s30], $0x4000  }
0x75: {  	[sflag:s30] =	ssyncset.done $0x0  }
0x76: {  	[sflag:s30] =	ssyncadd.s32 $0xFFFFC000  }
0x77: {  	_ =	swait.ge [sflag:s2], $0x4000  }
0x78: {  	[sflag:s2] =	ssyncset.done $0x0  }
0x79: {  	s11 =	simm.s32 $0x0;
	s13 =	rddreg [dreg:$0x9];
	[sflag:s2] =	ssyncadd.s32 $0xFFFFC000  }
0x7a: {  	[tilespmem:s11], [sflag:$0x3] =	stream.linear.gather [hbm4b:s13+s11], $0x1800, $0x38;
	[tilespmem:$0x1E880] =	vst v63  }
0x7b: {  	_ =	swait.ge [sflag:s30], $0x1800  }
0x7c: {  	[sflag:s30] =	ssyncset.done $0x0  }
0x7d: {  	s17 =	rddreg [dreg:$0xa];
	[sflag:s30] =	ssyncadd.s32 $0xFFFFE800  }
0x7e: {  	[tilespmem:s31], [sflag:$0x3] =	stream.linear.gather [hbm4b:s17+s11], $0x1800, $0x38;
	[tilespmem:$0x1E880] =	vst v63  }
0x7f: {  	_ =	swait.ge [sflag:s30], $0x1800  }
0x80: {  	[sflag:s30] =	ssyncset.done $0x0  }
0x81: {  	s25 =	rddreg [dreg:$0xb];
	[sflag:s30] =	ssyncadd.s32 $0xFFFFE800  }
0x82: {  	[tilespmem:s3], [sflag:$0x1] =	stream.indirect.gather [hbm4b:s4+s0], $0x80, s25, s0, $0xb8;
	[tilespmem:$0x1E880] =	vst v63  }
0x83: {  	_ =	swait.ge [sflag:s2], $0x4000  }
0x84: {  	[sflag:s2] =	ssyncset.done $0x0  }
0x85: {  	s15 =	sor.u32 $0x80, s16;
	[sflag:s2] =	ssyncadd.s32 $0xFFFFC000  }
0x86: {  	[tilespmem:s5], [sflag:$0x2] =	stream.indirect.gather [hbm4b:s4+s0], $0x80, s15, s0, $0xb8;
	[tilespmem:$0x1E880] =	vst v63  }
0x87: {  	_ = 	snop  }
0x88: {  	[spmem:s1] =	stream.indirect.scatter.add.f32 [tilespmem:s3], [sflag:$0x3], $0x80, s14, s0, $0xb8;
	[tilespmem:$0x1E880] =	vst v63  }
0x89: {  	p1 =	sgt.s32 s18, $0x2;
	_ =	swait.ge [sflag:s30], $0x4000  }
0x8a: {  	s11 =	simm.s32 $0x2;
	s25 =	smov.u32 s18;
	[sflag:s30] =	ssyncset.done $0x0  }
0x8b: {  	s25 =	smov.u32 @p1 s11;
	[sflag:s30] =	ssyncadd.s32 $0xFFFFC000  }
0x8c: {  	s25 =	sadd.s32 s12, s25;
	_ =	swait.ge [sflag:s6], $0x4000  }
0x8d: {  	s25 =	sshll.u32 s25, $0x9;
	[sflag:s6] =	ssyncset.done $0x0  }
0x8e: {  	p1 =	sne.s32 s24, $0x1;
	s25 =	sshra.s32 s25, $0x2;
	[sflag:s6] =	ssyncadd.s32 $0xFFFFC000  }
0x8f: {  	[tilespmem:s3], [sflag:$0x1] =	stream.indirect.gather [hbm4b:s4+s0], $0x80, s25, s0, $0xb8;
	[tilespmem:$0x1E880] =	vst v63  }
.Ltmp1:
0x90: {  	_ = 	snop;
	(pc) =	sbr.rel @!p1 .LBB2_5-.Ltmp1, $4  }
0x91: {  	s15 =	sadd.s32 $0x1800, s15  }
0x92: {  	[spmem:s1] =	stream.indirect.scatter.add.f32 [tilespmem:s5], [sflag:$0x3], $0x80, s15, s0, $0xb8;
	[tilespmem:$0x1E880] =	vst v63  }
0x93: {  	s29 =	smov.u32 s16;
	_ =	swait.ge [sflag:s30], $0x4000  }
0x94: {  	s25 =	smov.u32 s14;
	s15 =	sadd.s32 $0xFFFFFFFF, s24;
	[sflag:s30] =	ssyncset.done $0x0  }
.LBB2_4:
0x95: {  	[sflag:s30] =	ssyncadd.s32 $0xFFFFC000;
	s25 =	sadd.s32 $0x100, s25;
	s29 =	sadd.s32 $0x100, s29  }
0x96: {  	p1 =	sne.s32 s15, $0x1;
	s15 =	sadd.s32 $0xFFFFFFFF, s15  }
0x97: {  	_ =	swait.ge [sflag:s2], $0x4000  }
0x98: {  	[sflag:s2] =	ssyncset.done $0x0  }
0x99: {  	s17 =	sor.u32 $0x80, s29;
	[sflag:s2] =	ssyncadd.s32 $0xFFFFC000  }
0x9a: {  	[tilespmem:s5], [sflag:$0x2] =	stream.indirect.gather [hbm4b:s4+s0], $0x80, s17, s0, $0xb8;
	[tilespmem:$0x1E880] =	vst v63  }
0x9b: {  	_ = 	snop  }
0x9c: {  	[spmem:s1] =	stream.indirect.scatter.add.f32 [tilespmem:s3], [sflag:$0x3], $0x80, s25, s0, $0xb8;
	[tilespmem:$0x1E880] =	vst v63  }
0x9d: {  	s11 =	sadd.s32 $0x2, s11;
	_ =	swait.ge [sflag:s30], $0x4000  }
0x9e: {  	s13 =	smov.u32 s18;
	p2 =	slt.s32 s11, s18;
	[sflag:s30] =	ssyncset.done $0x0  }
0x9f: {  	s13 =	smov.u32 @p2 s11;
	[sflag:s30] =	ssyncadd.s32 $0xFFFFC000  }
0xa0: {  	s13 =	sadd.s32 s12, s13;
	_ =	swait.ge [sflag:s6], $0x4000  }
0xa1: {  	s13 =	sshll.u32 s13, $0x9;
	[sflag:s6] =	ssyncset.done $0x0  }
0xa2: {  	s13 =	sshra.s32 s13, $0x2;
	[sflag:s6] =	ssyncadd.s32 $0xFFFFC000  }
0xa3: {  	[tilespmem:s3], [sflag:$0x1] =	stream.indirect.gather [hbm4b:s4+s0], $0x80, s13, s0, $0xb8;
	[tilespmem:$0x1E880] =	vst v63  }
.Ltmp2:
0xa4: {  	_ = 	snop;
	(pc) =	sbr.rel @p1 .LBB2_4-.Ltmp2, $4  }
0xa5: {  	s13 =	sadd.s32 $0x1800, s17  }
0xa6: {  	[spmem:s1] =	stream.indirect.scatter.add.f32 [tilespmem:s5], [sflag:$0x3], $0x80, s13, s0, $0xb8;
	[tilespmem:$0x1E880] =	vst v63  }
0xa7: {  	_ =	swait.ge [sflag:s30], $0x4000  }
0xa8: {  	[sflag:s30] =	ssyncset.done $0x0  }
.LBB2_5:
0xa9: {  	[sflag:s30] =	ssyncadd.s32 $0xFFFFC000  }
0xaa: {  	s13 =	sadd.s32 s11, s12;
	_ =	swait.ge [sflag:s2], $0x4000  }
0xab: {  	s13 =	sshll.u32 s13, $0x7;
	[sflag:s2] =	ssyncset.done $0x0  }
0xac: {  	s13 =	sor.u32 $0x80, s13;
	[sflag:s2] =	ssyncadd.s32 $0xFFFFC000  }
0xad: {  	[tilespmem:s5], [sflag:$0x2] =	stream.indirect.gather [hbm4b:s4+s0], $0x80, s13, s0, $0xb8;
	[tilespmem:$0x1E880] =	vst v63  }
0xae: {  	s15 =	sadd.s32 $0x100, s25  }
0xaf: {  	[spmem:s1] =	stream.indirect.scatter.add.f32 [tilespmem:s3], [sflag:$0x3], $0x80, s15, s0, $0xb8;
	[tilespmem:$0x1E880] =	vst v63  }
0xb0: {  	s11 =	sadd.s32 $0x2, s11;
	_ =	swait.ge [sflag:s30], $0x4000  }
0xb1: {  	p1 =	slt.s32 s11, s18;
	s15 =	smov.u32 s18;
	[sflag:s30] =	ssyncset.done $0x0  }
0xb2: {  	s15 =	smov.u32 @p1 s11;
	[sflag:s30] =	ssyncadd.s32 $0xFFFFC000  }
0xb3: {  	s11 =	sadd.s32 s12, s15;
	_ =	swait.ge [sflag:s6], $0x4000  }
0xb4: {  	s11 =	sshll.u32 s11, $0x9;
	[sflag:s6] =	ssyncset.done $0x0  }
0xb5: {  	s11 =	sshra.s32 s11, $0x2;
	[sflag:s6] =	ssyncadd.s32 $0xFFFFC000  }
0xb6: {  	[tilespmem:s3], [sflag:$0x1] =	stream.indirect.gather [hbm4b:s4+s0], $0x80, s11, s0, $0xb8;
	[tilespmem:$0x1E880] =	vst v63  }
0xb7: {  	s25 =	sadd.s32 $0x1800, s13  }
0xb8: {  	[spmem:s1] =	stream.indirect.scatter.add.f32 [tilespmem:s5], [sflag:$0x3], $0x80, s25, s0, $0xb8;
	[tilespmem:$0x1E880] =	vst v63  }
0xb9: {  	_ =	swait.ge [sflag:s30], $0x4000  }
0xba: {  	[sflag:s30] =	ssyncset.done $0x0  }
0xbb: {  	[sflag:s30] =	ssyncadd.s32 $0xFFFFC000  }
0xbc: {  	_ =	swait.ge [sflag:s2], $0x4000  }
0xbd: {  	[sflag:s2] =	ssyncset.done $0x0  }
0xbe: {  	[sflag:s2] =	ssyncadd.s32 $0xFFFFC000  }
0xbf: {  	[bflag:$0x0] =	sbarrier.arrive $0xFFFF  }
0xc0: {  	s11 =	simm.s32 @p0 $0x1FC3;
	s13 =	rddreg [dreg:$0xd]  }
0xc1: {  	[hbm:s13], [sflag:s11] =	dma.local @p0 [spmem:s8], $0x2080  }
0xc2: {  	s8 =	simm.s32 @p0 $0x3  }
0xc3: {  	_ =	swait.ge @p0 [sflag:s8], $0x2080  }
0xc4: {  	[sflag:s8] =	ssyncset.done @p0 $0x0  }
0xc5: {  	[sflag:s8] =	ssyncadd.s32 @p0 $0xFFFFDF80;
	s8 =	rddreg [dreg:$0xc]  }
0xc6: {  	[hbm:s8], [sflag:s9] =	dma.local @!p0 [spmem:s10], $0x2780  }
0xc7: {  	s8 =	simm.s32 @!p0 $0x3  }
0xc8: {  	_ =	swait.ge @!p0 [sflag:s8], $0x2780  }
0xc9: {  	s7 =	sadd.s32 $0x1, s7;
	s29 =	rddreg [dreg:$0xe]  }
0xca: {  	p1 =	sne.s32 s7, s29  }
.Ltmp3:
0xcb: {  	_ = 	snop;
	(pc) =	sbr.rel @p1 .LBB2_1-.Ltmp3, $3  }
0xcc: {  	_ =	sdelay $0x1  }
0xcd: {  	[sflag:s8] =	ssyncset.done @!p0 $0x0  }
0xce: {  	[sflag:s8] =	ssyncadd.s32 @!p0 $0xFFFFD880  }
0xcf: {  	_ =	sfence.sel $0x180000  }
0xd0: {  	[bflag:$0x0] =	sbarrier.arrive $0xFFFF  }
0xd1: {  	_ =	strace $0x9000004A  }
0xd2: {  	s0 =	stileid.u32;
	[bflag:$0x2] =	sbarrier.arrive $0xFFFF  }
0xd3: {  	p0 =	sne.s32 s0, $0x0;
	s0 =	rddreg [dreg:$0x2]  }
0xd4: {  	s0 =	sadd.s32 @!p0 $0x100000, s0  }
0xd5: {  	[sflag:s0] =	ssyncadd.tile.s32 @!p0 $0x1;
	_ =	shalt  }
.Lfunc_end2:
_tile_overlayer_lowered:
.L_overlay_start_2:
0xd6: {  	(tag) =	ssettag $0x2  }
0xd7: {  	s0 =	rddreg [dreg:$0x0];
	s2 =	stileid.u32  }
0xd8: {  	s1 =	rddreg [dreg:$0x1];
	p0 =	sne.s32 s2, $0x0  }
0xd9: {  	s3 =	rddreg [dreg:$0x2];
	[bflag:$0x3] =	sbarrier.arrive $0xFFFF;
	s2 =	simm.s32 @!p0 $0x1C03  }
0xda: {  	[timem:s3], [sflag:s2] =	dma.local @!p0 [hbm:s0], s1  }
0xdb: {  	s0 =	simm.s32 @!p0 $0x3  }
0xdc: {  	_ =	swait.ge @!p0 [sflag:s0], s1  }
0xdd: {  	s1 =	ssub.s32 @!p0 $0x0, s1;
	[sflag:s0] =	ssyncset.done @!p0 $0x0  }
0xde: {  	[sflag:s0] =	ssyncadd.s32 @!p0 s1  }
0xdf: {  	[bflag:$0x3] =	sbarrier.arrive $0xFFFF  }
0xe0: {  	_ =	shalt  }

// kernel: kernel.18.cloned.1.call-start
scs
__scs_entry_jumppad:
0x0: {  	(pc) =	sbr.rel $0x88, $3  }
0x1: {  	(tag) =	ssettag $0x0;
	lr =	simm.s32 $0x1  }
0x2: {  	[smem:$0x3F8F] =	sst lr;
	_ =	strace $0xD0000000  }
0x3: {  	_ = 	snop  }
0x4: {  	_ = 	snop  }
0x5: {  	_ = 	snop  }
0x6: {  	_ = 	snop  }
0x7: {  	_ = 	snop  }
__scs_overlays_trampoline_lowered:
0x8: {  	[smem:$0x3F9E] =	sst s0  }
0x9: {  	[smem:$0x3F9F] =	sst s1  }
0xa: {  	[smem:$0x3FA0] =	sst s2  }
0xb: {  	[smem:$0x3FA1] =	sst s3  }
0xc: {  	[smem:$0x3FA2] =	sst s4  }
0xd: {  	[smem:$0x3FA3] =	sst s5  }
0xe: {  	[smem:$0x3FA4] =	sst s6  }
0xf: {  	[smem:$0x3FA5] =	sst s7  }
0x10: {  	[smem:$0x3FA6] =	sst s8  }
0x11: {  	[smem:$0x3FA7] =	sst s9;
	s0 =	simm.s32 @!p0 $0x0  }
0x12: {  	s1 =	sld [smem:$0x3F8D];
	s0 =	simm.s32 @p0 $0x1  }
0x13: {  	[smem:$0x3FA8] =	sst s0;
	s0 =	simm.s32 @!p1 $0x0  }
0x14: {  	s2 =	sld [smem:$0x3F8C];
	s0 =	simm.s32 @p1 $0x1  }
0x15: {  	[smem:$0x3FA9] =	sst s0;
	s0 =	simm.s32 @!p2 $0x0  }
0x16: {  	s3 =	sld [smem:$0x3FDB];
	s0 =	simm.s32 @p2 $0x1  }
0x17: {  	s4 =	simm.s32 $0x1BF5;
	[smem:$0x3FAB] =	sst s0  }
0x18: {  	s0 =	sld [smem:$0x3F8E];
	_ =	swait.ge [sflag:s4], $0x0  }
0x19: {  	s7 =	sld [smem:$0x3F8F]  }
0x1a: {  	s8 =	sadd.s32 $0xFFFFE003, lr  }
0x1b: {  	s9 =	sadd.s32 $0xFFFFFEF7, lr;
	s5 =	simm.s32 $0xFFFFFFFF;
	p2 =	slt.u32 s8, $0xFFFFF086  }
0x1c: {  	p1 =	slt.u32 s9, $0xF7A;
	s5 =	simm.s32 @!p2 $0x0  }
0x1d: {  	s5 =	simm.s32 @p1 $0x1;
	p0 =	seq.s32 s7, s2  }
0x1e: {  	s7 =	smul.u32 @!p0 $0xF7A, s2;
	p2 =	seq.s32 @!p0 s5, $0x0  }
0x1f: {  	s9 =	smul.u32 $0xF7A, s1;
	s8 =	simm.s32 @!p0 $0x1BF5;
	p2 =	por !p2, p0  }
0x20: {  	[sflag:s8] =	ssyncset.s32 @!p0 $0xFFFFF086;
	s6 =	sadd.s32 @!p0 s3, s7;
	s7 =	simm.s32 @!p0 $0x108  }
0x21: {  	s3 =	sadd.s32 s3, s9;
	s6 =	sadd.s32 @!p0 $0x88, s6;
	s7 =	simm.s32 @p2 $0x1082  }
0x22: {  	[simem:s7], [sflag:s8] =	dma.local @!p0 [hbm:s6], $0xF7A  }
0x23: {  	s9 =	sor.u32 $0xD0000000, s2;
	s6 =	simm.s32 $0x108;
	_ =	swait.ge @!p0 [sflag:s8], $0x0  }
0x24: {  	s3 =	sadd.s32 $0x88, s3;
	s6 =	simm.s32 @!p1 $0x1082;
	[sflag:s4] =	ssyncset.s32 $0xFFFFF086  }
0x25: {  	[simem:s6], [sflag:s4] =	dma.local [hbm:s3], $0xF7A  }
0x26: {  	[smem:$0x3F8F] =	sst s1;
	(tag) =	ssettag s2;
	_ =	strace s9  }
0x27: {  	s1 =	sld [smem:$0x3F9F]  }
0x28: {  	s2 =	sld [smem:$0x3FA0]  }
0x29: {  	s4 =	sld [smem:$0x3FA2]  }
0x2a: {  	p0 =	seq.s32 s5, $0x0;
	s5 =	sld [smem:$0x3FA3]  }
0x2b: {  	s6 =	sld [smem:$0x3FA4]  }
0x2c: {  	s7 =	sld [smem:$0x3FA5]  }
0x2d: {  	s3 =	simm.s32 $0x108;
	s8 =	sld [smem:$0x3FA6]  }
0x2e: {  	s3 =	simm.s32 @!p0 $0x1082;
	s9 =	sld [smem:$0x3FA7]  }
0x2f: {  	lr =	sadd.s32 s0, s3;
	s0 =	sld [smem:$0x3F9E]  }
0x30: {  	s3 =	sld [smem:$0x3FA1]  }
0x31: {  	[smem:$0x3FAA] =	sst s10  }
0x32: {  	s10 =	sld [smem:$0x3FA8];
	_ =	sdelay $0x3  }
0x33: {  	p0 =	seq.s32 s10, $0x1;
	s10 =	sld [smem:$0x3FAA];
	_ =	sdelay $0x3  }
0x34: {  	[smem:$0x3FAA] =	sst s10  }
0x35: {  	s10 =	sld [smem:$0x3FA9];
	_ =	sdelay $0x3  }
0x36: {  	p1 =	seq.s32 s10, $0x1;
	s10 =	sld [smem:$0x3FAA];
	_ =	sdelay $0x3  }
0x37: {  	[smem:$0x3FAA] =	sst s10  }
0x38: {  	s10 =	sld [smem:$0x3FAB]  }
0x39: {  	_ = 	snop;
	(pc) =	sbr.ind lr, $3  }
0x3a: {  	_ = 	snop  }
0x3b: {  	_ = 	snop  }
0x3c: {  	p2 =	seq.s32 s10, $0x1;
	s10 =	sld [smem:$0x3FAA]  }
0x3d: {  	_ =	shalt  }
0x3e: {  	_ =	shalt  }
0x3f: {  	_ =	shalt  }
0x40: {  	_ =	shalt  }
0x41: {  	_ =	shalt  }
0x42: {  	_ =	shalt  }
0x43: {  	_ =	shalt  }
0x44: {  	_ =	shalt  }
0x45: {  	_ =	shalt  }
0x46: {  	_ =	shalt  }
0x47: {  	_ =	shalt  }
0x48: {  	_ =	shalt  }
0x49: {  	_ =	shalt  }
0x4a: {  	_ =	shalt  }
0x4b: {  	_ =	shalt  }
0x4c: {  	_ =	shalt  }
0x4d: {  	_ =	shalt  }
0x4e: {  	_ =	shalt  }
0x4f: {  	_ =	shalt  }
0x50: {  	_ =	shalt  }
0x51: {  	_ =	shalt  }
0x52: {  	_ =	shalt  }
0x53: {  	_ =	shalt  }
0x54: {  	_ =	shalt  }
0x55: {  	_ =	shalt  }
0x56: {  	_ =	shalt  }
0x57: {  	_ =	shalt  }
0x58: {  	_ =	shalt  }
0x59: {  	_ =	shalt  }
0x5a: {  	_ =	shalt  }
0x5b: {  	_ =	shalt  }
0x5c: {  	_ =	shalt  }
0x5d: {  	_ =	shalt  }
0x5e: {  	_ =	shalt  }
0x5f: {  	_ =	shalt  }
0x60: {  	_ =	shalt  }
0x61: {  	_ =	shalt  }
0x62: {  	_ =	shalt  }
0x63: {  	_ =	shalt  }
0x64: {  	_ =	shalt  }
0x65: {  	_ =	shalt  }
0x66: {  	_ =	shalt  }
0x67: {  	_ =	shalt  }
0x68: {  	_ =	shalt  }
0x69: {  	_ =	shalt  }
0x6a: {  	_ =	shalt  }
0x6b: {  	_ =	shalt  }
0x6c: {  	_ =	shalt  }
0x6d: {  	_ =	shalt  }
0x6e: {  	_ =	shalt  }
0x6f: {  	_ =	shalt  }
0x70: {  	_ =	shalt  }
0x71: {  	_ =	shalt  }
0x72: {  	_ =	shalt  }
0x73: {  	_ =	shalt  }
0x74: {  	_ =	shalt  }
0x75: {  	_ =	shalt  }
0x76: {  	_ =	shalt  }
0x77: {  	_ =	shalt  }
0x78: {  	_ =	shalt  }
0x79: {  	_ =	shalt  }
0x7a: {  	_ =	shalt  }
0x7b: {  	_ =	shalt  }
0x7c: {  	_ =	shalt  }
0x7d: {  	_ =	shalt  }
0x7e: {  	_ =	shalt  }
0x7f: {  	_ =	shalt  }
0x80: {  	_ =	shalt  }
0x81: {  	_ =	shalt  }
0x82: {  	_ =	shalt  }
0x83: {  	_ =	shalt  }
0x84: {  	_ =	shalt  }
0x85: {  	_ =	shalt  }
0x86: {  	_ =	shalt  }
0x87: {  	_ =	shalt  }
.Lfunc_end0:
.L_simem_size_0:
called_computation.3_lowered:
.L_overlay_start_0:
0x88: {  	s2 =	sld [smem:$0x3FD9]  }
0x89: {  	s3 =	sld [smem:$0x3FFE];
	_ =	sdelay $0x1  }
0x8a: {  	s1 =	srdreg.scid  }
0x8b: {  	s0 =	sand.u32 $0x1, s1  }
0x8c: {  	s16 =	sshll.u32 s0, $0xA;
	s2 =	sadd.s32 s3, s2  }
0x8d: {  	s2 =	sadd.s32 s2, s16  }
0x8e: {  	[smem:$0x3FB6] =	sst s2  }
0x8f: {  	_ = 	snop  }
0x90: {  	(tm) =	ssettm $0x1  }
0x91: {  	s17 =	sld [smem:$0x3FFB];
	_ =	sdelay $0x3  }
0x92: {  	_ =	strace s17  }
0x93: {  	s2 =	sld [smem:$0x3FFC];
	_ =	sdelay $0x3  }
0x94: {  	_ =	strace s2  }
0x95: {  	s2 =	sld [smem:$0x3FFD];
	_ =	sdelay $0x3  }
0x96: {  	_ =	strace s2  }
0x97: {  	_ =	strace $0x8FFFFFFF  }
0x98: {  	s18 =	sld [smem:$0x3FDB];
	_ =	sdelay $0x1  }
0x99: {  	s19 =	simm.s32 $_scs_section_size  }
0x9a: {  	s4 =	simm.s32 $_size__tile_overlayer_lowered;
	s5 =	simm.s32 $_tile_overlayer_lowered  }
0x9b: {  	s22 =	simm.s32 $0x1BFF;
	s21 =	sshll.u32 s5, $0x1;
	s2 =	sadd.s32 s19, s18  }
0x9c: {  	s6 =	simm.s32 $0x0;
	s20 =	sshll.u32 s4, $0x1;
	s4 =	sadd.s32 s21, s2  }
0x9d: {  	[timem:s6], [sflag:s22] =	dma.local [hbm:s4], s20  }
0x9e: {  	_ =	swait.ge [sflag:s22], s20  }
0x9f: {  	s3 =	ssub.s32 $0x0, s20;
	[sflag:s22] =	ssyncset.done $0x0  }
0xa0: {  	[sflag:s22] =	ssyncadd.s32 s3;
	_ =	sdelay $0x1  }
0xa1: {  	s23 =	simm.s32 $0x1B8B  }
0xa2: {  	_ =	swait.ge [sflag:s23], $0x1  }
0xa3: {  	[sflag:s23] =	ssyncset.done $0x0  }
0xa4: {  	s25 =	simm.s32 $0x1B8E;
	s24 =	sld [smem:$0x3FFE];
	[sflag:s23] =	ssyncadd.s32 $0xFFFFFFFF  }
0xa5: {  	s26 =	simm.s32 $execute0_lowered;
	[smem:$0x3FD2] =	sst s25  }
0xa6: {  	s4 =	sshll.u32 s26, $0x1;
	_ =	strace $0x8000004F;
	[dreg:$0x1] =	wrdreg $0xFFFFFFFF  }
0xa7: {  	s28 =	simm.s32 $_size_execute0_lowered;
	s2 =	sadd.s32 s2, s4;
	[dreg:$0x0] =	wrdreg $0x0  }
0xa8: {  	s4 =	sshll.u32 s28, $0x1;
	[dreg:$0x2] =	wrdreg s2  }
0xa9: {  	[dreg:$0x3] =	wrdreg s4  }
0xaa: {  	[dreg:$0x4] =	wrdreg $0xC0  }
0xab: {  	_ =	task [dreg:s6], $0x5FFFF  }
0xac: {  	[dreg:$0x1] =	wrdreg $0xFFFFFFFF  }
0xad: {  	[dreg:$0x0] =	wrdreg $0x60  }
0xae: {  	[dreg:$0x2] =	wrdreg s24  }
0xaf: {  	[dreg:$0x3] =	wrdreg $0xB0000  }
0xb0: {  	[dreg:$0x4] =	wrdreg $0x9  }
0xb1: {  	_ =	task.clear_ibuf [dreg:s6], $0x5FFFF;
	_ =	strace $0x9000004F  }
0xb2: {  	s29 =	simm.s32 $0x9;
	_ =	strace $0x80000051  }
0xb3: {  	_ =	swait.ge [sflag:s29], $0x1  }
0xb4: {  	[sflag:s29] =	ssyncadd.s32 $0xFFFFFFFF  }
0xb5: {  	_ =	strace $0x90000051  }
0xb6: {  	_ =	sfence  }
0xb7: {  	s30 =	sld [smem:$0x0];
	_ =	sdelay $0x2  }
0xb8: {  	s31 =	sshll.u32 s1, $0xD;
	s1 =	sshrl.u32 s1, $0x2  }
0xb9: {  	s3 =	sand.u32 $0x4000, s31;
	s1 =	sadd.s32 s1, s30  }
0xba: {  	s0 =	sor.u32 s3, s0;
	s1 =	sshll.u32 s1, $0x11  }
0xbb: {  	s0 =	sor.u32 s1, s0  }
0xbc: {  	s0 =	sadd.s32 $0x8F2B, s0  }
0xbd: {  	[sflag:s0] =	ssyncadd.remote.s32 $0x1  }
0xbe: {  	_ =	sfence.sel $0xFFFF  }
0xbf: {  	[dreg:$0x0] =	wrdreg $0xFFFFFFFF;
	(pc) =	sbr.abs _section_cstart, $3  }
0xc0: {  	[dreg:$0x1] =	wrdreg $0xFFFFFFFF  }
0xc1: {  	_ =	task.clear_ibuf [dreg:s6], $0x2FFFF;
	_ =	strace $0x9FFFFFFF  }
0xc2: {  	(tm) =	ssettm $0x7FFFFFFF  }
0xc3: {  	_ =	shalt  }
tec
execute0_lowered:
.L_overlay_start_1:
0x0: {  	(tag) =	ssettag $0x1  }
0x1: {  	s0 =	rddreg [dreg:$0x0]  }
0x2: {  	s1 =	rddreg [dreg:$0x1]  }
0x3: {  	s2 =	simm.s32 $0x0;
	s12 =	srdreg.scid;
	s17 =	stileid.u32  }
0x4: {  	s30 =	simm.s32 $0x3;
	s31 =	simm.s32 $0x1800;
	[smem:$0x7FF] =	sst s2  }
0x5: {  	s4 =	sadd.s32 $0x3FE00, s0;
	s5 =	sadd.s32 $0xEE00, s0;
	s6 =	smul.u32 $0x2780, s17  }
0x6: {  	s7 =	sadd.s32 $0x5000, s0;
	s14 =	sadd.s32 $0x67000, s0;
	s13 =	smul.u32 $0x4F000, s17  }
0x7: {  	s2 =	sand.u32 $0x1, s12;
	s16 =	sadd.s32 $0x128400, s1;
	_ =	strace $0x80000050  }
0x8: {  	s3 =	sshll.u32 s2, $0x4;
	s8 =	ssub.s32 $0x2, s2;
	[dreg:$0x5] =	wrdreg s16  }
0x9: {  	s2 =	smul.u32 $0x138800, s2;
	s3 =	sor.u32 s17, s3;
	s6 =	sadd.s32 s6, s0  }
0xa: {  	s10 =	sshrl.u32 s8, $0x1;
	s15 =	sshrl.u32 s13, $0x2;
	s9 =	smul.u32 $0x50, s3  }
0xb: {  	s0 =	sadd.s32 $0x3DC80, s0;
	s11 =	smul.u32 $0x4E, s3;
	p0 =	slt.u32 s3, $0x2  }
0xc: {  	s3 =	simm.s32 $0x50;
	s6 =	sadd.s32 $0x18C00, s6;
	[dreg:$0x6] =	wrdreg s0  }
0xd: {  	s8 =	ssub.s32 s8, s10;
	s3 =	simm.s32 @!p0 $0x4E;
	[dreg:$0x4] =	wrdreg s6  }
0xe: {  	s21 =	smax.u32 s8, $0x1;
	s11 =	sadd.s32 $0x4, s11;
	s16 =	sadd.s32 $0xFFFFFFD8, s3  }
0xf: {  	[dreg:$0xe] =	wrdreg s21;
	s11 =	smov.u32 @p0 s9;
	s9 =	sadd.s32 s15, s1  }
0x10: {  	s15 =	smul.u32 $0x13C00, s17;
	p0 =	seq.s32 s17, $0xF;
	s6 =	smin.u32 s11, $0x998  }
0x11: {  	[dreg:$0x3] =	wrdreg s9;
	s12 =	sadd.s32 $0x28, s11;
	s18 =	sand.u32 $0xFF8, s6  }
0x12: {  	s19 =	sshll.u32 s6, $0x4;
	s24 =	smin.u32 s12, $0x998;
	s20 =	ssub.s32 s11, s18  }
0x13: {  	s22 =	sand.u32 $0xFF80, s19;
	s26 =	sand.u32 $0xFF8, s24;
	s13 =	sshll.u32 s24, $0x4  }
0x14: {  	s18 =	sadd.s32 $0xFFFFFFD7, s3;
	s19 =	sshrl.u32 s16, $0x1;
	s24 =	sshll.u32 s24, $0x9  }
0x15: {  	s10 =	sadd.s32 s5, s22;
	s23 =	sshll.u32 s20, $0x9;
	s9 =	sadd.s32 s7, s22  }
0x16: {  	s12 =	ssub.s32 s12, s26;
	s29 =	sand.u32 $0xFF80, s13;
	s13 =	sadd.s32 s15, s2  }
0x17: {  	s2 =	sshrl.u32 s2, $0x3;
	s0 =	sadd.s32 $0x26, s20;
	[dreg:$0x7] =	wrdreg s10  }
0x18: {  	s26 =	sshll.u32 s11, $0x9;
	[dreg:$0x8] =	wrdreg s9;
	s25 =	sshra.s32 s23, $0x2  }
0x19: {  	s5 =	sadd.s32 s5, s29;
	s7 =	sadd.s32 s7, s29;
	s10 =	sshll.u32 s12, $0x9  }
0x1a: {  	s15 =	sshrl.u32 s13, $0x3;
	s2 =	sadd.s32 s14, s2;
	s22 =	sshll.u32 s0, $0x7  }
0x1b: {  	s23 =	sshll.u32 s6, $0x9;
	s6 =	sand.u32 $0x1FF000, s24;
	s0 =	sshll.u32 s0, $0x9  }
0x1c: {  	s24 =	sadd.s32 $0xFFFFFFFF, s19;
	s16 =	sshll.u32 s12, $0x7;
	[dreg:$0x9] =	wrdreg s5  }
0x1d: {  	[dreg:$0xa] =	wrdreg s7;
	s3 =	sshra.s32 s10, $0x2;
	s2 =	sadd.s32 $0x25080, s2  }
0x1e: {  	s6 =	ssub.s32 s26, s6;
	s20 =	sor.u32 $0x80, s22;
	s0 =	sshra.s32 s0, $0x2  }
0x1f: {  	s22 =	sadd.s32 $0x1880, s22;
	s19 =	smov.u32 s25;
	s5 =	simm.s32 $0x7000  }
0x20: {  	s7 =	simm.s32 $0x0;
	[dreg:$0xb] =	wrdreg s3;
	s3 =	sadd.s32 s14, s15  }
0x21: {  	[dreg:$0xd] =	wrdreg s2;
	s6 =	sadd.s32 $0x5000, s6;
	s21 =	sadd.s32 $0x1800, s0  }
0x22: {  	s0 =	simm.s32 $0x80;
	[dreg:$0xc] =	wrdreg s3;
	s3 =	sand.u32 $0x1FF000, s23  }
0x23: {  	s2 =	simm.s32 $0x1;
	s29 =	sshra.s32 s6, $0x2;
	s3 =	ssub.s32 s26, s3  }
0x24: {  	s6 =	simm.s32 $0x2;
	s14 =	sadd.s32 $0x1800, s29;
	s23 =	sshra.s32 s3, $0x2  }
0x25: {  	s26 =	sadd.s32 $0x1380, s25;
	s3 =	simm.s32 $0x3000;
	s28 =	sadd.s32 $0x1800, s23  }
.LBB2_1:
0x26: {  	s8 =	rddreg [dreg:$0x5]  }
0x27: {  	s9 =	simm.s32 @p0 $0x1FC3;
	s10 =	rddreg [dreg:$0x6];
	s8 =	sshrl.u32 @p0 s8, $0x3  }
0x28: {  	[spmem:s8], [sflag:s9] =	dma.local @p0 [hbm:s10], $0x2080  }
0x29: {  	s9 =	simm.s32 @p0 $0x3  }
0x2a: {  	s10 =	stileid.u32;
	_ =	swait.ge @p0 [sflag:s9], $0x2080  }
0x2b: {  	s10 =	sshll.u32 @!p0 s10, $0x6;
	[sflag:s9] =	ssyncset.done @p0 $0x0  }
0x2c: {  	[sflag:s9] =	ssyncadd.s32 @p0 $0xFFFFDF80;
	s9 =	sor.u32 @!p0 $0x1C03, s10;
	s10 =	rddreg [dreg:$0x3]  }
0x2d: {  	s11 =	rddreg [dreg:$0x4];
	s10 =	sshrl.u32 @!p0 s10, $0x3  }
0x2e: {  	[spmem:s10], [sflag:s9] =	dma.local @!p0 [hbm:s11], $0x2780  }
0x2f: {  	s11 =	simm.s32 @!p0 $0x3  }
0x30: {  	_ =	swait.ge @!p0 [sflag:s11], $0x2780  }
0x31: {  	[sflag:s11] =	ssyncset.done @!p0 $0x0  }
0x32: {  	[sflag:s11] =	ssyncadd.s32 @!p0 $0xFFFFD880  }
0x33: {  	[bflag:$0x0] =	sbarrier.arrive $0xFFFF  }
0x34: {  	s29 =	simm.s32 $0x0;
	s13 =	rddreg [dreg:$0x7]  }
0x35: {  	[tilespmem:s29], [sflag:$0x3] =	stream.linear.gather [hbm4b:s13+s29], $0x1800, $0x38;
	[tilespmem:$0x1E880] =	vst v63  }
0x36: {  	_ =	swait.ge [sflag:s30], $0x1800  }
0x37: {  	[sflag:s30] =	ssyncset.done $0x0  }
0x38: {  	s15 =	rddreg [dreg:$0x8];
	[sflag:s30] =	ssyncadd.s32 $0xFFFFE800  }
0x39: {  	[tilespmem:s31], [sflag:$0x3] =	stream.linear.gather [hbm4b:s15+s29], $0x1800, $0x38;
	[tilespmem:$0x1E880] =	vst v63  }
0x3a: {  	_ =	swait.ge [sflag:s30], $0x1800  }
0x3b: {  	[sflag:s30] =	ssyncset.done $0x0  }
0x3c: {  	[sflag:s30] =	ssyncadd.s32 $0xFFFFE800  }
0x3d: {  	[tilespmem:s3], [sflag:$0x1] =	stream.indirect.gather [hbm4b:s4+s0], $0x80, s19, s0, $0xb8;
	[tilespmem:$0x1E880] =	vst v63  }
0x3e: {  	_ =	swait.ge [sflag:s2], $0x4000  }
0x3f: {  	s17 =	sadd.s32 $0x0, s23;
	[sflag:s2] =	ssyncset.done $0x0  }
0x40: {  	s15 =	sadd.s32 $0x80, s17;
	[sflag:s2] =	ssyncadd.s32 $0xFFFFC000  }
0x41: {  	[tilespmem:s5], [sflag:$0x2] =	stream.indirect.gather [hbm4b:s4+s0], $0x80, s15, s0, $0xb8;
	[tilespmem:$0x1E880] =	vst v63  }
0x42: {  	s25 =	sadd.s32 $0x0, s28  }
0x43: {  	[spmem:s1] =	stream.indirect.scatter.add.f32 [tilespmem:s3], [sflag:$0x3], $0x80, s25, s0, $0xb8;
	[tilespmem:$0x1E880] =	vst v63  }
0x44: {  	_ =	swait.ge [sflag:s30], $0x4000  }
0x45: {  	[sflag:s30] =	ssyncset.done $0x0  }
0x46: {  	[sflag:s30] =	ssyncadd.s32 $0xFFFFC000  }
0x47: {  	_ =	swait.ge [sflag:s6], $0x4000  }
0x48: {  	[sflag:s6] =	ssyncset.done $0x0  }
0x49: {  	s11 =	sadd.s32 $0x100, s17;
	[sflag:s6] =	ssyncadd.s32 $0xFFFFC000  }
0x4a: {  	[tilespmem:s3], [sflag:$0x1] =	stream.indirect.gather [hbm4b:s4+s0], $0x80, s11, s0, $0xb8;
	[tilespmem:$0x1E880] =	vst v63  }
0x4b: {  	s29 =	sadd.s32 $0x80, s25  }
0x4c: {  	[spmem:s1] =	stream.indirect.scatter.add.f32 [tilespmem:s5], [sflag:$0x3], $0x80, s29, s0, $0xb8;
	[tilespmem:$0x1E880] =	vst v63  }
0x4d: {  	_ =	swait.ge [sflag:s30], $0x4000  }
0x4e: {  	s11 =	simm.s32 $0x400;
	[sflag:s30] =	ssyncset.done $0x0  }
.LBB2_2:
0x4f: {  	p1 =	sne.s32 s11, $0x4800  }
0x50: {  	[sflag:s30] =	ssyncadd.s32 $0xFFFFC000;
	s15 =	smov.u32 s11;
	s11 =	sadd.s32 $0x400, s11  }
0x51: {  	_ =	swait.ge [sflag:s2], $0x4000  }
0x52: {  	s15 =	sshra.s32 s15, $0x2;
	[sflag:s2] =	ssyncset.done $0x0  }
0x53: {  	s25 =	sadd.s32 s15, s23;
	[sflag:s2] =	ssyncadd.s32 $0xFFFFC000  }
0x54: {  	s29 =	sadd.s32 $0x80, s25  }
0x55: {  	[tilespmem:s5], [sflag:$0x2] =	stream.indirect.gather [hbm4b:s4+s0], $0x80, s29, s0, $0xb8;
	[tilespmem:$0x1E880] =	vst v63  }
0x56: {  	s15 =	sadd.s32 s15, s28  }
0x57: {  	[spmem:s1] =	stream.indirect.scatter.add.f32 [tilespmem:s3], [sflag:$0x3], $0x80, s15, s0, $0xb8;
	[tilespmem:$0x1E880] =	vst v63  }
0x58: {  	_ =	swait.ge [sflag:s30], $0x4000  }
0x59: {  	[sflag:s30] =	ssyncset.done $0x0  }
0x5a: {  	[sflag:s30] =	ssyncadd.s32 $0xFFFFC000  }
0x5b: {  	_ =	swait.ge [sflag:s6], $0x4000  }
0x5c: {  	[sflag:s6] =	ssyncset.done $0x0  }
0x5d: {  	s25 =	sadd.s32 $0x100, s25;
	[sflag:s6] =	ssyncadd.s32 $0xFFFFC000  }
0x5e: {  	[tilespmem:s3], [sflag:$0x1] =	stream.indirect.gather [hbm4b:s4+s0], $0x80, s25, s0, $0xb8;
	[tilespmem:$0x1E880] =	vst v63  }
.Ltmp0:
0x5f: {  	_ = 	snop;
	(pc) =	sbr.rel @p1 .LBB2_2-.Ltmp0, $4  }
0x60: {  	s15 =	sadd.s32 $0x80, s15  }
0x61: {  	[spmem:s1] =	stream.indirect.scatter.add.f32 [tilespmem:s5], [sflag:$0x3], $0x80, s15, s0, $0xb8;
	[tilespmem:$0x1E880] =	vst v63  }
0x62: {  	_ =	swait.ge [sflag:s30], $0x4000  }
0x63: {  	[sflag:s30] =	ssyncset.done $0x0  }
0x64: {  	[sflag:s30] =	ssyncadd.s32 $0xFFFFC000  }
0x65: {  	_ =	swait.ge [sflag:s2], $0x4000  }
0x66: {  	[sflag:s2] =	ssyncset.done $0x0  }
0x67: {  	[sflag:s2] =	ssyncadd.s32 $0xFFFFC000  }
0x68: {  	[tilespmem:s5], [sflag:$0x2] =	stream.indirect.gather [hbm4b:s4+s0], $0x80, s20, s0, $0xb8;
	[tilespmem:$0x1E880] =	vst v63  }
0x69: {  	_ = 	snop  }
0x6a: {  	[spmem:s1] =	stream.indirect.scatter.add.f32 [tilespmem:s3], [sflag:$0x3], $0x80, s21, s0, $0xb8;
	[tilespmem:$0x1E880] =	vst v63  }
0x6b: {  	_ =	swait.ge [sflag:s30], $0x4000  }
0x6c: {  	[sflag:s30] =	ssyncset.done $0x0  }
0x6d: {  	[sflag:s30] =	ssyncadd.s32 $0xFFFFC000  }
0x6e: {  	_ =	swait.ge [sflag:s6], $0x4000  }
0x6f: {  	[sflag:s6] =	ssyncset.done $0x0  }
0x70: {  	[sflag:s6] =	ssyncadd.s32 $0xFFFFC000  }
0x71: {  	[tilespmem:s3], [sflag:$0x1] =	stream.indirect.gather [hbm4b:s4+s0], $0x80, s26, s0, $0xb8;
	[tilespmem:$0x1E880] =	vst v63  }
0x72: {  	_ = 	snop  }
0x73: {  	[spmem:s1] =	stream.indirect.scatter.add.f32 [tilespmem:s5], [sflag:$0x3], $0x80, s22, s0, $0xb8;
	[tilespmem:$0x1E880] =	vst v63  }
0x74: {  	_ =	swait.ge [sflag:s30], $0x4000  }
0x75: {  	[sflag:s30] =	ssyncset.done $0x0  }
0x76: {  	[sflag:s30] =	ssyncadd.s32 $0xFFFFC000  }
0x77: {  	_ =	swait.ge [sflag:s2], $0x4000  }
0x78: {  	[sflag:s2] =	ssyncset.done $0x0  }
0x79: {  	s11 =	simm.s32 $0x0;
	s13 =	rddreg [dreg:$0x9];
	[sflag:s2] =	ssyncadd.s32 $0xFFFFC000  }
0x7a: {  	[tilespmem:s11], [sflag:$0x3] =	stream.linear.gather [hbm4b:s13+s11], $0x1800, $0x38;
	[tilespmem:$0x1E880] =	vst v63  }
0x7b: {  	_ =	swait.ge [sflag:s30], $0x1800  }
0x7c: {  	[sflag:s30] =	ssyncset.done $0x0  }
0x7d: {  	s17 =	rddreg [dreg:$0xa];
	[sflag:s30] =	ssyncadd.s32 $0xFFFFE800  }
0x7e: {  	[tilespmem:s31], [sflag:$0x3] =	stream.linear.gather [hbm4b:s17+s11], $0x1800, $0x38;
	[tilespmem:$0x1E880] =	vst v63  }
0x7f: {  	_ =	swait.ge [sflag:s30], $0x1800  }
0x80: {  	[sflag:s30] =	ssyncset.done $0x0  }
0x81: {  	s25 =	rddreg [dreg:$0xb];
	[sflag:s30] =	ssyncadd.s32 $0xFFFFE800  }
0x82: {  	[tilespmem:s3], [sflag:$0x1] =	stream.indirect.gather [hbm4b:s4+s0], $0x80, s25, s0, $0xb8;
	[tilespmem:$0x1E880] =	vst v63  }
0x83: {  	_ =	swait.ge [sflag:s2], $0x4000  }
0x84: {  	[sflag:s2] =	ssyncset.done $0x0  }
0x85: {  	s15 =	sor.u32 $0x80, s16;
	[sflag:s2] =	ssyncadd.s32 $0xFFFFC000  }
0x86: {  	[tilespmem:s5], [sflag:$0x2] =	stream.indirect.gather [hbm4b:s4+s0], $0x80, s15, s0, $0xb8;
	[tilespmem:$0x1E880] =	vst v63  }
0x87: {  	_ = 	snop  }
0x88: {  	[spmem:s1] =	stream.indirect.scatter.add.f32 [tilespmem:s3], [sflag:$0x3], $0x80, s14, s0, $0xb8;
	[tilespmem:$0x1E880] =	vst v63  }
0x89: {  	p1 =	sgt.s32 s18, $0x2;
	_ =	swait.ge [sflag:s30], $0x4000  }
0x8a: {  	s11 =	simm.s32 $0x2;
	s25 =	smov.u32 s18;
	[sflag:s30] =	ssyncset.done $0x0  }
0x8b: {  	s25 =	smov.u32 @p1 s11;
	[sflag:s30] =	ssyncadd.s32 $0xFFFFC000  }
0x8c: {  	s25 =	sadd.s32 s12, s25;
	_ =	swait.ge [sflag:s6], $0x4000  }
0x8d: {  	s25 =	sshll.u32 s25, $0x9;
	[sflag:s6] =	ssyncset.done $0x0  }
0x8e: {  	p1 =	sne.s32 s24, $0x1;
	s25 =	sshra.s32 s25, $0x2;
	[sflag:s6] =	ssyncadd.s32 $0xFFFFC000  }
0x8f: {  	[tilespmem:s3], [sflag:$0x1] =	stream.indirect.gather [hbm4b:s4+s0], $0x80, s25, s0, $0xb8;
	[tilespmem:$0x1E880] =	vst v63  }
.Ltmp1:
0x90: {  	_ = 	snop;
	(pc) =	sbr.rel @!p1 .LBB2_5-.Ltmp1, $4  }
0x91: {  	s15 =	sadd.s32 $0x1800, s15  }
0x92: {  	[spmem:s1] =	stream.indirect.scatter.add.f32 [tilespmem:s5], [sflag:$0x3], $0x80, s15, s0, $0xb8;
	[tilespmem:$0x1E880] =	vst v63  }
0x93: {  	s29 =	smov.u32 s16;
	_ =	swait.ge [sflag:s30], $0x4000  }
0x94: {  	s25 =	smov.u32 s14;
	s15 =	sadd.s32 $0xFFFFFFFF, s24;
	[sflag:s30] =	ssyncset.done $0x0  }
.LBB2_4:
0x95: {  	[sflag:s30] =	ssyncadd.s32 $0xFFFFC000;
	s25 =	sadd.s32 $0x100, s25;
	s29 =	sadd.s32 $0x100, s29  }
0x96: {  	p1 =	sne.s32 s15, $0x1;
	s15 =	sadd.s32 $0xFFFFFFFF, s15  }
0x97: {  	_ =	swait.ge [sflag:s2], $0x4000  }
0x98: {  	[sflag:s2] =	ssyncset.done $0x0  }
0x99: {  	s17 =	sor.u32 $0x80, s29;
	[sflag:s2] =	ssyncadd.s32 $0xFFFFC000  }
0x9a: {  	[tilespmem:s5], [sflag:$0x2] =	stream.indirect.gather [hbm4b:s4+s0], $0x80, s17, s0, $0xb8;
	[tilespmem:$0x1E880] =	vst v63  }
0x9b: {  	_ = 	snop  }
0x9c: {  	[spmem:s1] =	stream.indirect.scatter.add.f32 [tilespmem:s3], [sflag:$0x3], $0x80, s25, s0, $0xb8;
	[tilespmem:$0x1E880] =	vst v63  }
0x9d: {  	s11 =	sadd.s32 $0x2, s11;
	_ =	swait.ge [sflag:s30], $0x4000  }
0x9e: {  	s13 =	smov.u32 s18;
	p2 =	slt.s32 s11, s18;
	[sflag:s30] =	ssyncset.done $0x0  }
0x9f: {  	s13 =	smov.u32 @p2 s11;
	[sflag:s30] =	ssyncadd.s32 $0xFFFFC000  }
0xa0: {  	s13 =	sadd.s32 s12, s13;
	_ =	swait.ge [sflag:s6], $0x4000  }
0xa1: {  	s13 =	sshll.u32 s13, $0x9;
	[sflag:s6] =	ssyncset.done $0x0  }
0xa2: {  	s13 =	sshra.s32 s13, $0x2;
	[sflag:s6] =	ssyncadd.s32 $0xFFFFC000  }
0xa3: {  	[tilespmem:s3], [sflag:$0x1] =	stream.indirect.gather [hbm4b:s4+s0], $0x80, s13, s0, $0xb8;
	[tilespmem:$0x1E880] =	vst v63  }
.Ltmp2:
0xa4: {  	_ = 	snop;
	(pc) =	sbr.rel @p1 .LBB2_4-.Ltmp2, $4  }
0xa5: {  	s13 =	sadd.s32 $0x1800, s17  }
0xa6: {  	[spmem:s1] =	stream.indirect.scatter.add.f32 [tilespmem:s5], [sflag:$0x3], $0x80, s13, s0, $0xb8;
	[tilespmem:$0x1E880] =	vst v63  }
0xa7: {  	_ =	swait.ge [sflag:s30], $0x4000  }
0xa8: {  	[sflag:s30] =	ssyncset.done $0x0  }
.LBB2_5:
0xa9: {  	[sflag:s30] =	ssyncadd.s32 $0xFFFFC000  }
0xaa: {  	s13 =	sadd.s32 s11, s12;
	_ =	swait.ge [sflag:s2], $0x4000  }
0xab: {  	s13 =	sshll.u32 s13, $0x7;
	[sflag:s2] =	ssyncset.done $0x0  }
0xac: {  	s13 =	sor.u32 $0x80, s13;
	[sflag:s2] =	ssyncadd.s32 $0xFFFFC000  }
0xad: {  	[tilespmem:s5], [sflag:$0x2] =	stream.indirect.gather [hbm4b:s4+s0], $0x80, s13, s0, $0xb8;
	[tilespmem:$0x1E880] =	vst v63  }
0xae: {  	s15 =	sadd.s32 $0x100, s25  }
0xaf: {  	[spmem:s1] =	stream.indirect.scatter.add.f32 [tilespmem:s3], [sflag:$0x3], $0x80, s15, s0, $0xb8;
	[tilespmem:$0x1E880] =	vst v63  }
0xb0: {  	s11 =	sadd.s32 $0x2, s11;
	_ =	swait.ge [sflag:s30], $0x4000  }
0xb1: {  	p1 =	slt.s32 s11, s18;
	s15 =	smov.u32 s18;
	[sflag:s30] =	ssyncset.done $0x0  }
0xb2: {  	s15 =	smov.u32 @p1 s11;
	[sflag:s30] =	ssyncadd.s32 $0xFFFFC000  }
0xb3: {  	s11 =	sadd.s32 s12, s15;
	_ =	swait.ge [sflag:s6], $0x4000  }
0xb4: {  	s11 =	sshll.u32 s11, $0x9;
	[sflag:s6] =	ssyncset.done $0x0  }
0xb5: {  	s11 =	sshra.s32 s11, $0x2;
	[sflag:s6] =	ssyncadd.s32 $0xFFFFC000  }
0xb6: {  	[tilespmem:s3], [sflag:$0x1] =	stream.indirect.gather [hbm4b:s4+s0], $0x80, s11, s0, $0xb8;
	[tilespmem:$0x1E880] =	vst v63  }
0xb7: {  	s25 =	sadd.s32 $0x1800, s13  }
0xb8: {  	[spmem:s1] =	stream.indirect.scatter.add.f32 [tilespmem:s5], [sflag:$0x3], $0x80, s25, s0, $0xb8;
	[tilespmem:$0x1E880] =	vst v63  }
0xb9: {  	_ =	swait.ge [sflag:s30], $0x4000  }
0xba: {  	[sflag:s30] =	ssyncset.done $0x0  }
0xbb: {  	[sflag:s30] =	ssyncadd.s32 $0xFFFFC000  }
0xbc: {  	_ =	swait.ge [sflag:s2], $0x4000  }
0xbd: {  	[sflag:s2] =	ssyncset.done $0x0  }
0xbe: {  	[sflag:s2] =	ssyncadd.s32 $0xFFFFC000  }
0xbf: {  	[bflag:$0x0] =	sbarrier.arrive $0xFFFF  }
0xc0: {  	s11 =	simm.s32 @p0 $0x1FC3;
	s13 =	rddreg [dreg:$0xd]  }
0xc1: {  	[hbm:s13], [sflag:s11] =	dma.local @p0 [spmem:s8], $0x2080  }
0xc2: {  	s8 =	simm.s32 @p0 $0x3  }
0xc3: {  	_ =	swait.ge @p0 [sflag:s8], $0x2080  }
0xc4: {  	[sflag:s8] =	ssyncset.done @p0 $0x0  }
0xc5: {  	[sflag:s8] =	ssyncadd.s32 @p0 $0xFFFFDF80;
	s8 =	rddreg [dreg:$0xc]  }
0xc6: {  	[hbm:s8], [sflag:s9] =	dma.local @!p0 [spmem:s10], $0x2780  }
0xc7: {  	s8 =	simm.s32 @!p0 $0x3  }
0xc8: {  	_ =	swait.ge @!p0 [sflag:s8], $0x2780  }
0xc9: {  	s7 =	sadd.s32 $0x1, s7;
	s29 =	rddreg [dreg:$0xe]  }
0xca: {  	p1 =	sne.s32 s7, s29  }
.Ltmp3:
0xcb: {  	_ = 	snop;
	(pc) =	sbr.rel @p1 .LBB2_1-.Ltmp3, $3  }
0xcc: {  	_ =	sdelay $0x1  }
0xcd: {  	[sflag:s8] =	ssyncset.done @!p0 $0x0  }
0xce: {  	[sflag:s8] =	ssyncadd.s32 @!p0 $0xFFFFD880  }
0xcf: {  	_ =	sfence.sel $0x180000  }
0xd0: {  	[bflag:$0x0] =	sbarrier.arrive $0xFFFF  }
0xd1: {  	_ =	strace $0x90000050  }
0xd2: {  	s0 =	stileid.u32;
	[bflag:$0x2] =	sbarrier.arrive $0xFFFF  }
0xd3: {  	p0 =	sne.s32 s0, $0x0;
	s0 =	rddreg [dreg:$0x2]  }
0xd4: {  	s0 =	sadd.s32 @!p0 $0x100000, s0  }
0xd5: {  	[sflag:s0] =	ssyncadd.tile.s32 @!p0 $0x1;
	_ =	shalt  }
.Lfunc_end2:
_tile_overlayer_lowered:
.L_overlay_start_2:
0xd6: {  	(tag) =	ssettag $0x2  }
0xd7: {  	s0 =	rddreg [dreg:$0x0];
	s2 =	stileid.u32  }
0xd8: {  	s1 =	rddreg [dreg:$0x1];
	p0 =	sne.s32 s2, $0x0  }
0xd9: {  	s3 =	rddreg [dreg:$0x2];
	[bflag:$0x3] =	sbarrier.arrive $0xFFFF;
	s2 =	simm.s32 @!p0 $0x1C03  }
0xda: {  	[timem:s3], [sflag:s2] =	dma.local @!p0 [hbm:s0], s1  }
0xdb: {  	s0 =	simm.s32 @!p0 $0x3  }
0xdc: {  	_ =	swait.ge @!p0 [sflag:s0], s1  }
0xdd: {  	s1 =	ssub.s32 @!p0 $0x0, s1;
	[sflag:s0] =	ssyncset.done @!p0 $0x0  }
0xde: {  	[sflag:s0] =	ssyncadd.s32 @!p0 s1  }
0xdf: {  	[bflag:$0x3] =	sbarrier.arrive $0xFFFF  }
0xe0: {  	_ =	shalt  }

// kernel: kernel.9.cloned.1.call-start
scs
__scs_entry_jumppad:
0x0: {  	(pc) =	sbr.rel $0x88, $3  }
0x1: {  	(tag) =	ssettag $0x0;
	lr =	simm.s32 $0x1  }
0x2: {  	[smem:$0x3F8F] =	sst lr;
	_ =	strace $0xD0000000  }
0x3: {  	_ = 	snop  }
0x4: {  	_ = 	snop  }
0x5: {  	_ = 	snop  }
0x6: {  	_ = 	snop  }
0x7: {  	_ = 	snop  }
__scs_overlays_trampoline_lowered:
0x8: {  	[smem:$0x3F9E] =	sst s0  }
0x9: {  	[smem:$0x3F9F] =	sst s1  }
0xa: {  	[smem:$0x3FA0] =	sst s2  }
0xb: {  	[smem:$0x3FA1] =	sst s3  }
0xc: {  	[smem:$0x3FA2] =	sst s4  }
0xd: {  	[smem:$0x3FA3] =	sst s5  }
0xe: {  	[smem:$0x3FA4] =	sst s6  }
0xf: {  	[smem:$0x3FA5] =	sst s7  }
0x10: {  	[smem:$0x3FA6] =	sst s8  }
0x11: {  	[smem:$0x3FA7] =	sst s9;
	s0 =	simm.s32 @!p0 $0x0  }
0x12: {  	s1 =	sld [smem:$0x3F8D];
	s0 =	simm.s32 @p0 $0x1  }
0x13: {  	[smem:$0x3FA8] =	sst s0;
	s0 =	simm.s32 @!p1 $0x0  }
0x14: {  	s2 =	sld [smem:$0x3F8C];
	s0 =	simm.s32 @p1 $0x1  }
0x15: {  	[smem:$0x3FA9] =	sst s0;
	s0 =	simm.s32 @!p2 $0x0  }
0x16: {  	s3 =	sld [smem:$0x3FDB];
	s0 =	simm.s32 @p2 $0x1  }
0x17: {  	s4 =	simm.s32 $0x1BF5;
	[smem:$0x3FAB] =	sst s0  }
0x18: {  	s0 =	sld [smem:$0x3F8E];
	_ =	swait.ge [sflag:s4], $0x0  }
0x19: {  	s7 =	sld [smem:$0x3F8F]  }
0x1a: {  	s8 =	sadd.s32 $0xFFFFE003, lr  }
0x1b: {  	s9 =	sadd.s32 $0xFFFFFEF7, lr;
	s5 =	simm.s32 $0xFFFFFFFF;
	p2 =	slt.u32 s8, $0xFFFFF086  }
0x1c: {  	p1 =	slt.u32 s9, $0xF7A;
	s5 =	simm.s32 @!p2 $0x0  }
0x1d: {  	s5 =	simm.s32 @p1 $0x1;
	p0 =	seq.s32 s7, s2  }
0x1e: {  	s7 =	smul.u32 @!p0 $0xF7A, s2;
	p2 =	seq.s32 @!p0 s5, $0x0  }
0x1f: {  	s9 =	smul.u32 $0xF7A, s1;
	s8 =	simm.s32 @!p0 $0x1BF5;
	p2 =	por !p2, p0  }
0x20: {  	[sflag:s8] =	ssyncset.s32 @!p0 $0xFFFFF086;
	s6 =	sadd.s32 @!p0 s3, s7;
	s7 =	simm.s32 @!p0 $0x108  }
0x21: {  	s3 =	sadd.s32 s3, s9;
	s6 =	sadd.s32 @!p0 $0x88, s6;
	s7 =	simm.s32 @p2 $0x1082  }
0x22: {  	[simem:s7], [sflag:s8] =	dma.local @!p0 [hbm:s6], $0xF7A  }
0x23: {  	s9 =	sor.u32 $0xD0000000, s2;
	s6 =	simm.s32 $0x108;
	_ =	swait.ge @!p0 [sflag:s8], $0x0  }
0x24: {  	s3 =	sadd.s32 $0x88, s3;
	s6 =	simm.s32 @!p1 $0x1082;
	[sflag:s4] =	ssyncset.s32 $0xFFFFF086  }
0x25: {  	[simem:s6], [sflag:s4] =	dma.local [hbm:s3], $0xF7A  }
0x26: {  	[smem:$0x3F8F] =	sst s1;
	(tag) =	ssettag s2;
	_ =	strace s9  }
0x27: {  	s1 =	sld [smem:$0x3F9F]  }
0x28: {  	s2 =	sld [smem:$0x3FA0]  }
0x29: {  	s4 =	sld [smem:$0x3FA2]  }
0x2a: {  	p0 =	seq.s32 s5, $0x0;
	s5 =	sld [smem:$0x3FA3]  }
0x2b: {  	s6 =	sld [smem:$0x3FA4]  }
0x2c: {  	s7 =	sld [smem:$0x3FA5]  }
0x2d: {  	s3 =	simm.s32 $0x108;
	s8 =	sld [smem:$0x3FA6]  }
0x2e: {  	s3 =	simm.s32 @!p0 $0x1082;
	s9 =	sld [smem:$0x3FA7]  }
0x2f: {  	lr =	sadd.s32 s0, s3;
	s0 =	sld [smem:$0x3F9E]  }
0x30: {  	s3 =	sld [smem:$0x3FA1]  }
0x31: {  	[smem:$0x3FAA] =	sst s10  }
0x32: {  	s10 =	sld [smem:$0x3FA8];
	_ =	sdelay $0x3  }
0x33: {  	p0 =	seq.s32 s10, $0x1;
	s10 =	sld [smem:$0x3FAA];
	_ =	sdelay $0x3  }
0x34: {  	[smem:$0x3FAA] =	sst s10  }
0x35: {  	s10 =	sld [smem:$0x3FA9];
	_ =	sdelay $0x3  }
0x36: {  	p1 =	seq.s32 s10, $0x1;
	s10 =	sld [smem:$0x3FAA];
	_ =	sdelay $0x3  }
0x37: {  	[smem:$0x3FAA] =	sst s10  }
0x38: {  	s10 =	sld [smem:$0x3FAB]  }
0x39: {  	_ = 	snop;
	(pc) =	sbr.ind lr, $3  }
0x3a: {  	_ = 	snop  }
0x3b: {  	_ = 	snop  }
0x3c: {  	p2 =	seq.s32 s10, $0x1;
	s10 =	sld [smem:$0x3FAA]  }
0x3d: {  	_ =	shalt  }
0x3e: {  	_ =	shalt  }
0x3f: {  	_ =	shalt  }
0x40: {  	_ =	shalt  }
0x41: {  	_ =	shalt  }
0x42: {  	_ =	shalt  }
0x43: {  	_ =	shalt  }
0x44: {  	_ =	shalt  }
0x45: {  	_ =	shalt  }
0x46: {  	_ =	shalt  }
0x47: {  	_ =	shalt  }
0x48: {  	_ =	shalt  }
0x49: {  	_ =	shalt  }
0x4a: {  	_ =	shalt  }
0x4b: {  	_ =	shalt  }
0x4c: {  	_ =	shalt  }
0x4d: {  	_ =	shalt  }
0x4e: {  	_ =	shalt  }
0x4f: {  	_ =	shalt  }
0x50: {  	_ =	shalt  }
0x51: {  	_ =	shalt  }
0x52: {  	_ =	shalt  }
0x53: {  	_ =	shalt  }
0x54: {  	_ =	shalt  }
0x55: {  	_ =	shalt  }
0x56: {  	_ =	shalt  }
0x57: {  	_ =	shalt  }
0x58: {  	_ =	shalt  }
0x59: {  	_ =	shalt  }
0x5a: {  	_ =	shalt  }
0x5b: {  	_ =	shalt  }
0x5c: {  	_ =	shalt  }
0x5d: {  	_ =	shalt  }
0x5e: {  	_ =	shalt  }
0x5f: {  	_ =	shalt  }
0x60: {  	_ =	shalt  }
0x61: {  	_ =	shalt  }
0x62: {  	_ =	shalt  }
0x63: {  	_ =	shalt  }
0x64: {  	_ =	shalt  }
0x65: {  	_ =	shalt  }
0x66: {  	_ =	shalt  }
0x67: {  	_ =	shalt  }
0x68: {  	_ =	shalt  }
0x69: {  	_ =	shalt  }
0x6a: {  	_ =	shalt  }
0x6b: {  	_ =	shalt  }
0x6c: {  	_ =	shalt  }
0x6d: {  	_ =	shalt  }
0x6e: {  	_ =	shalt  }
0x6f: {  	_ =	shalt  }
0x70: {  	_ =	shalt  }
0x71: {  	_ =	shalt  }
0x72: {  	_ =	shalt  }
0x73: {  	_ =	shalt  }
0x74: {  	_ =	shalt  }
0x75: {  	_ =	shalt  }
0x76: {  	_ =	shalt  }
0x77: {  	_ =	shalt  }
0x78: {  	_ =	shalt  }
0x79: {  	_ =	shalt  }
0x7a: {  	_ =	shalt  }
0x7b: {  	_ =	shalt  }
0x7c: {  	_ =	shalt  }
0x7d: {  	_ =	shalt  }
0x7e: {  	_ =	shalt  }
0x7f: {  	_ =	shalt  }
0x80: {  	_ =	shalt  }
0x81: {  	_ =	shalt  }
0x82: {  	_ =	shalt  }
0x83: {  	_ =	shalt  }
0x84: {  	_ =	shalt  }
0x85: {  	_ =	shalt  }
0x86: {  	_ =	shalt  }
0x87: {  	_ =	shalt  }
.Lfunc_end0:
.L_simem_size_0:
called_computation_lowered:
.L_overlay_start_0:
0x88: {  	s2 =	sld [smem:$0x3FD9]  }
0x89: {  	s3 =	sld [smem:$0x3FFE];
	_ =	sdelay $0x1  }
0x8a: {  	s1 =	srdreg.scid  }
0x8b: {  	s0 =	sand.u32 $0x1, s1  }
0x8c: {  	s17 =	sshll.u32 s0, $0xA;
	s2 =	sadd.s32 s3, s2  }
0x8d: {  	s2 =	sadd.s32 s2, s17  }
0x8e: {  	[smem:$0x3FB6] =	sst s2  }
0x8f: {  	_ = 	snop  }
0x90: {  	s2 =	sld [smem:$0x3FC9];
	(tm) =	ssettm $0x1  }
0x91: {  	s18 =	sld [smem:$0x3FFB];
	_ =	sdelay $0x3  }
0x92: {  	_ =	strace s18  }
0x93: {  	s3 =	sld [smem:$0x3FFC];
	_ =	sdelay $0x3  }
0x94: {  	_ =	strace s3  }
0x95: {  	s3 =	sld [smem:$0x3FFD];
	_ =	sdelay $0x3  }
0x96: {  	_ =	strace s3  }
0x97: {  	_ =	strace $0x8FFFFFFF  }
0x98: {  	s19 =	sld [smem:$0x3FDB];
	_ =	sdelay $0x1  }
0x99: {  	s4 =	simm.s32 $_scs_section_size  }
0x9a: {  	s5 =	simm.s32 $_size__tile_overlayer_lowered;
	s6 =	simm.s32 $_tile_overlayer_lowered  }
0x9b: {  	s22 =	simm.s32 $0x1BFF;
	s21 =	sshll.u32 s6, $0x1;
	s3 =	sadd.s32 s4, s19  }
0x9c: {  	s7 =	simm.s32 $0x0;
	s20 =	sshll.u32 s5, $0x1;
	s5 =	sadd.s32 s21, s3  }
0x9d: {  	[timem:s7], [sflag:s22] =	dma.local [hbm:s5], s20  }
0x9e: {  	_ =	swait.ge [sflag:s22], s20  }
0x9f: {  	s4 =	ssub.s32 $0x0, s20;
	[sflag:s22] =	ssyncset.done $0x0  }
0xa0: {  	[sflag:s22] =	ssyncadd.s32 s4;
	_ =	sdelay $0x1  }
0xa1: {  	s23 =	simm.s32 $0x1B8B  }
0xa2: {  	_ =	swait.ge [sflag:s23], $0x1  }
0xa3: {  	[sflag:s23] =	ssyncset.done $0x0  }
0xa4: {  	s25 =	simm.s32 $0x1B8E;
	s24 =	sld [smem:$0x3FFE];
	[sflag:s23] =	ssyncadd.s32 $0xFFFFFFFF  }
0xa5: {  	s26 =	simm.s32 $execute0_lowered;
	[smem:$0x3FD2] =	sst s25  }
0xa6: {  	s5 =	sshll.u32 s26, $0x1;
	_ =	strace $0x80000046;
	[dreg:$0x1] =	wrdreg $0xFFFFFFFF  }
0xa7: {  	s28 =	simm.s32 $_size_execute0_lowered;
	s3 =	sadd.s32 s3, s5;
	[dreg:$0x0] =	wrdreg $0x0  }
0xa8: {  	s5 =	sshll.u32 s28, $0x1;
	[dreg:$0x2] =	wrdreg s3  }
0xa9: {  	[dreg:$0x3] =	wrdreg s5  }
0xaa: {  	[dreg:$0x4] =	wrdreg $0xC0  }
0xab: {  	_ =	task [dreg:s7], $0x5FFFF  }
0xac: {  	[dreg:$0x1] =	wrdreg $0xFFFFFFFF  }
0xad: {  	[dreg:$0x0] =	wrdreg $0x60  }
0xae: {  	[dreg:$0x2] =	wrdreg s2  }
0xaf: {  	[dreg:$0x3] =	wrdreg s24  }
0xb0: {  	[dreg:$0x4] =	wrdreg $0xB0000  }
0xb1: {  	[dreg:$0x5] =	wrdreg $0x9  }
0xb2: {  	_ =	task.clear_ibuf [dreg:s7], $0x6FFFF;
	_ =	strace $0x90000046  }
0xb3: {  	s29 =	simm.s32 $0x9;
	_ =	strace $0x80000048  }
0xb4: {  	_ =	swait.ge [sflag:s29], $0x1  }
0xb5: {  	[sflag:s29] =	ssyncadd.s32 $0xFFFFFFFF  }
0xb6: {  	_ =	strace $0x90000048  }
0xb7: {  	_ =	sfence  }
0xb8: {  	s30 =	sld [smem:$0x0];
	_ =	sdelay $0x2  }
0xb9: {  	s31 =	sshll.u32 s1, $0xD;
	s1 =	sshrl.u32 s1, $0x2  }
0xba: {  	s3 =	sand.u32 $0x4000, s31;
	s1 =	sadd.s32 s1, s30  }
0xbb: {  	s0 =	sor.u32 s3, s0;
	s1 =	sshll.u32 s1, $0x11  }
0xbc: {  	s0 =	sor.u32 s1, s0  }
0xbd: {  	s0 =	sadd.s32 $0x8F2B, s0  }
0xbe: {  	[sflag:s0] =	ssyncadd.remote.s32 $0x1  }
0xbf: {  	_ =	sfence.sel $0xFFFF  }
0xc0: {  	[dreg:$0x0] =	wrdreg $0xFFFFFFFF;
	(pc) =	sbr.abs _section_cstart, $3  }
0xc1: {  	[dreg:$0x1] =	wrdreg $0xFFFFFFFF  }
0xc2: {  	_ =	task.clear_ibuf [dreg:s7], $0x2FFFF;
	_ =	strace $0x9FFFFFFF  }
0xc3: {  	(tm) =	ssettm $0x7FFFFFFF  }
tec
execute0_lowered:
.L_overlay_start_1:
0x0: {  	(tag) =	ssettag $0x1  }
0x1: {  	s1 =	rddreg [dreg:$0x0]  }
0x2: {  	s0 =	rddreg [dreg:$0x1]  }
0x3: {  	s2 =	rddreg [dreg:$0x2];
	s4 =	simm.s32 $0x0;
	s3 =	srdreg.scid  }
0x4: {  	s17 =	stileid.u32;
	s30 =	simm.s32 $0x3;
	s31 =	simm.s32 $0x1800  }
0x5: {  	[smem:$0x7FF] =	sst s4;
	s5 =	sadd.s32 $0xEE00, s0;
	s6 =	smul.u32 $0x2780, s17  }
0x6: {  	s7 =	sadd.s32 $0x5000, s0;
	s14 =	sadd.s32 $0x3FE00, s0;
	s13 =	smul.u32 $0x4F000, s17  }
0x7: {  	s3 =	sand.u32 $0x1, s3;
	s16 =	sadd.s32 $0x128400, s2;
	_ =	strace $0x80000047  }
0x8: {  	s12 =	sshll.u32 s3, $0x4;
	s8 =	ssub.s32 $0x2, s3;
	[dreg:$0x6] =	wrdreg s16  }
0x9: {  	s3 =	smul.u32 $0x138800, s3;
	s4 =	sor.u32 s17, s12;
	s6 =	sadd.s32 s6, s0  }
0xa: {  	s10 =	sshrl.u32 s8, $0x1;
	s15 =	sshrl.u32 s13, $0x2;
	s9 =	smul.u32 $0x50, s4  }
0xb: {  	s0 =	sadd.s32 $0x3DC80, s0;
	s11 =	smul.u32 $0x4E, s4;
	p0 =	slt.u32 s4, $0x2  }
0xc: {  	s4 =	simm.s32 $0x50;
	s6 =	sadd.s32 $0x18C00, s6;
	[dreg:$0x7] =	wrdreg s0  }
0xd: {  	s8 =	ssub.s32 s8, s10;
	s4 =	simm.s32 @!p0 $0x4E;
	[dreg:$0x5] =	wrdreg s6  }
0xe: {  	s21 =	smax.u32 s8, $0x1;
	s11 =	sadd.s32 $0x4, s11;
	s16 =	sadd.s32 $0xFFFFFFD8, s4  }
0xf: {  	[dreg:$0xf] =	wrdreg s21;
	s11 =	smov.u32 @p0 s9;
	s9 =	sadd.s32 s15, s2  }
0x10: {  	s15 =	smul.u32 $0x13C00, s17;
	p0 =	seq.s32 s17, $0xF;
	s6 =	smin.u32 s11, $0x998  }
0x11: {  	[dreg:$0x4] =	wrdreg s9;
	s12 =	sadd.s32 $0x28, s11;
	s18 =	sand.u32 $0xFF8, s6  }
0x12: {  	s19 =	sshll.u32 s6, $0x4;
	s24 =	smin.u32 s12, $0x998;
	s20 =	ssub.s32 s11, s18  }
0x13: {  	s22 =	sand.u32 $0xFF80, s19;
	s26 =	sand.u32 $0xFF8, s24;
	s13 =	sshll.u32 s24, $0x4  }
0x14: {  	s18 =	sadd.s32 $0xFFFFFFD7, s4;
	s19 =	sshrl.u32 s16, $0x1;
	s24 =	sshll.u32 s24, $0x9  }
0x15: {  	s10 =	sadd.s32 s5, s22;
	s23 =	sshll.u32 s20, $0x9;
	s9 =	sadd.s32 s7, s22  }
0x16: {  	s12 =	ssub.s32 s12, s26;
	s29 =	sand.u32 $0xFF80, s13;
	s13 =	sadd.s32 s15, s3  }
0x17: {  	s3 =	sshrl.u32 s3, $0x3;
	s0 =	sadd.s32 $0x26, s20;
	[dreg:$0x8] =	wrdreg s10  }
0x18: {  	s26 =	sshll.u32 s11, $0x9;
	[dreg:$0x9] =	wrdreg s9;
	s25 =	sshra.s32 s23, $0x2  }
0x19: {  	s5 =	sadd.s32 s5, s29;
	s7 =	sadd.s32 s7, s29;
	s10 =	sshll.u32 s12, $0x9  }
0x1a: {  	s15 =	sshrl.u32 s13, $0x3;
	s3 =	sadd.s32 s14, s3;
	s22 =	sshll.u32 s0, $0x7  }
0x1b: {  	s23 =	sshll.u32 s6, $0x9;
	s6 =	sand.u32 $0x1FF000, s24;
	s0 =	sshll.u32 s0, $0x9  }
0x1c: {  	s24 =	sadd.s32 $0xFFFFFFFF, s19;
	s16 =	sshll.u32 s12, $0x7;
	[dreg:$0xa] =	wrdreg s5  }
0x1d: {  	[dreg:$0xb] =	wrdreg s7;
	s4 =	sshra.s32 s10, $0x2;
	s3 =	sadd.s32 $0x25080, s3  }
0x1e: {  	s6 =	ssub.s32 s26, s6;
	s20 =	sor.u32 $0x80, s22;
	s0 =	sshra.s32 s0, $0x2  }
0x1f: {  	s22 =	sadd.s32 $0x1880, s22;
	s19 =	smov.u32 s25;
	s5 =	simm.s32 $0x7000  }
0x20: {  	s7 =	simm.s32 $0x0;
	[dreg:$0xc] =	wrdreg s4;
	s4 =	sadd.s32 s14, s15  }
0x21: {  	[dreg:$0xe] =	wrdreg s3;
	s6 =	sadd.s32 $0x5000, s6;
	s21 =	sadd.s32 $0x1800, s0  }
0x22: {  	s0 =	simm.s32 $0x80;
	[dreg:$0xd] =	wrdreg s4;
	s4 =	sand.u32 $0x1FF000, s23  }
0x23: {  	s3 =	simm.s32 $0x1;
	s29 =	sshra.s32 s6, $0x2;
	s4 =	ssub.s32 s26, s4  }
0x24: {  	s6 =	simm.s32 $0x2;
	s14 =	sadd.s32 $0x1800, s29;
	s23 =	sshra.s32 s4, $0x2  }
0x25: {  	s26 =	sadd.s32 $0x1380, s25;
	s4 =	simm.s32 $0x3000;
	s28 =	sadd.s32 $0x1800, s23  }
.LBB2_1:
0x26: {  	s8 =	rddreg [dreg:$0x6]  }
0x27: {  	s9 =	simm.s32 @p0 $0x1FC3;
	s10 =	rddreg [dreg:$0x7];
	s8 =	sshrl.u32 @p0 s8, $0x3  }
0x28: {  	[spmem:s8], [sflag:s9] =	dma.local @p0 [hbm:s10], $0x2080  }
0x29: {  	s9 =	simm.s32 @p0 $0x3  }
0x2a: {  	s10 =	stileid.u32;
	_ =	swait.ge @p0 [sflag:s9], $0x2080  }
0x2b: {  	s10 =	sshll.u32 @!p0 s10, $0x6;
	[sflag:s9] =	ssyncset.done @p0 $0x0  }
0x2c: {  	[sflag:s9] =	ssyncadd.s32 @p0 $0xFFFFDF80;
	s9 =	sor.u32 @!p0 $0x1C03, s10;
	s10 =	rddreg [dreg:$0x4]  }
0x2d: {  	s11 =	rddreg [dreg:$0x5];
	s10 =	sshrl.u32 @!p0 s10, $0x3  }
0x2e: {  	[spmem:s10], [sflag:s9] =	dma.local @!p0 [hbm:s11], $0x2780  }
0x2f: {  	s11 =	simm.s32 @!p0 $0x3  }
0x30: {  	_ =	swait.ge @!p0 [sflag:s11], $0x2780  }
0x31: {  	[sflag:s11] =	ssyncset.done @!p0 $0x0  }
0x32: {  	[sflag:s11] =	ssyncadd.s32 @!p0 $0xFFFFD880  }
0x33: {  	[bflag:$0x0] =	sbarrier.arrive $0xFFFF  }
0x34: {  	s29 =	simm.s32 $0x0;
	s13 =	rddreg [dreg:$0x8]  }
0x35: {  	[tilespmem:s29], [sflag:$0x3] =	stream.linear.gather [hbm4b:s13+s29], $0x1800, $0x38;
	[tilespmem:$0x1E880] =	vst v63  }
0x36: {  	_ =	swait.ge [sflag:s30], $0x1800  }
0x37: {  	[sflag:s30] =	ssyncset.done $0x0  }
0x38: {  	s15 =	rddreg [dreg:$0x9];
	[sflag:s30] =	ssyncadd.s32 $0xFFFFE800  }
0x39: {  	[tilespmem:s31], [sflag:$0x3] =	stream.linear.gather [hbm4b:s15+s29], $0x1800, $0x38;
	[tilespmem:$0x1E880] =	vst v63  }
0x3a: {  	_ =	swait.ge [sflag:s30], $0x1800  }
0x3b: {  	[sflag:s30] =	ssyncset.done $0x0  }
0x3c: {  	[sflag:s30] =	ssyncadd.s32 $0xFFFFE800  }
0x3d: {  	[tilespmem:s4], [sflag:$0x1] =	stream.indirect.gather [hbm4b:s1+s0], $0x80, s19, s0, $0xb8;
	[tilespmem:$0x1E880] =	vst v63  }
0x3e: {  	_ =	swait.ge [sflag:s3], $0x4000  }
0x3f: {  	s17 =	sadd.s32 $0x0, s23;
	[sflag:s3] =	ssyncset.done $0x0  }
0x40: {  	s15 =	sadd.s32 $0x80, s17;
	[sflag:s3] =	ssyncadd.s32 $0xFFFFC000  }
0x41: {  	[tilespmem:s5], [sflag:$0x2] =	stream.indirect.gather [hbm4b:s1+s0], $0x80, s15, s0, $0xb8;
	[tilespmem:$0x1E880] =	vst v63  }
0x42: {  	s25 =	sadd.s32 $0x0, s28  }
0x43: {  	[spmem:s2] =	stream.indirect.scatter.add.f32 [tilespmem:s4], [sflag:$0x3], $0x80, s25, s0, $0xb8;
	[tilespmem:$0x1E880] =	vst v63  }
0x44: {  	_ =	swait.ge [sflag:s30], $0x4000  }
0x45: {  	[sflag:s30] =	ssyncset.done $0x0  }
0x46: {  	[sflag:s30] =	ssyncadd.s32 $0xFFFFC000  }
0x47: {  	_ =	swait.ge [sflag:s6], $0x4000  }
0x48: {  	[sflag:s6] =	ssyncset.done $0x0  }
0x49: {  	s11 =	sadd.s32 $0x100, s17;
	[sflag:s6] =	ssyncadd.s32 $0xFFFFC000  }
0x4a: {  	[tilespmem:s4], [sflag:$0x1] =	stream.indirect.gather [hbm4b:s1+s0], $0x80, s11, s0, $0xb8;
	[tilespmem:$0x1E880] =	vst v63  }
0x4b: {  	s29 =	sadd.s32 $0x80, s25  }
0x4c: {  	[spmem:s2] =	stream.indirect.scatter.add.f32 [tilespmem:s5], [sflag:$0x3], $0x80, s29, s0, $0xb8;
	[tilespmem:$0x1E880] =	vst v63  }
0x4d: {  	_ =	swait.ge [sflag:s30], $0x4000  }
0x4e: {  	s11 =	simm.s32 $0x400;
	[sflag:s30] =	ssyncset.done $0x0  }
.LBB2_2:
0x4f: {  	p1 =	sne.s32 s11, $0x4800  }
0x50: {  	[sflag:s30] =	ssyncadd.s32 $0xFFFFC000;
	s15 =	smov.u32 s11;
	s11 =	sadd.s32 $0x400, s11  }
0x51: {  	_ =	swait.ge [sflag:s3], $0x4000  }
0x52: {  	s15 =	sshra.s32 s15, $0x2;
	[sflag:s3] =	ssyncset.done $0x0  }
0x53: {  	s25 =	sadd.s32 s15, s23;
	[sflag:s3] =	ssyncadd.s32 $0xFFFFC000  }
0x54: {  	s29 =	sadd.s32 $0x80, s25  }
0x55: {  	[tilespmem:s5], [sflag:$0x2] =	stream.indirect.gather [hbm4b:s1+s0], $0x80, s29, s0, $0xb8;
	[tilespmem:$0x1E880] =	vst v63  }
0x56: {  	s15 =	sadd.s32 s15, s28  }
0x57: {  	[spmem:s2] =	stream.indirect.scatter.add.f32 [tilespmem:s4], [sflag:$0x3], $0x80, s15, s0, $0xb8;
	[tilespmem:$0x1E880] =	vst v63  }
0x58: {  	_ =	swait.ge [sflag:s30], $0x4000  }
0x59: {  	[sflag:s30] =	ssyncset.done $0x0  }
0x5a: {  	[sflag:s30] =	ssyncadd.s32 $0xFFFFC000  }
0x5b: {  	_ =	swait.ge [sflag:s6], $0x4000  }
0x5c: {  	[sflag:s6] =	ssyncset.done $0x0  }
0x5d: {  	s25 =	sadd.s32 $0x100, s25;
	[sflag:s6] =	ssyncadd.s32 $0xFFFFC000  }
0x5e: {  	[tilespmem:s4], [sflag:$0x1] =	stream.indirect.gather [hbm4b:s1+s0], $0x80, s25, s0, $0xb8;
	[tilespmem:$0x1E880] =	vst v63  }
.Ltmp0:
0x5f: {  	_ = 	snop;
	(pc) =	sbr.rel @p1 .LBB2_2-.Ltmp0, $4  }
0x60: {  	s15 =	sadd.s32 $0x80, s15  }
0x61: {  	[spmem:s2] =	stream.indirect.scatter.add.f32 [tilespmem:s5], [sflag:$0x3], $0x80, s15, s0, $0xb8;
	[tilespmem:$0x1E880] =	vst v63  }
0x62: {  	_ =	swait.ge [sflag:s30], $0x4000  }
0x63: {  	[sflag:s30] =	ssyncset.done $0x0  }
0x64: {  	[sflag:s30] =	ssyncadd.s32 $0xFFFFC000  }
0x65: {  	_ =	swait.ge [sflag:s3], $0x4000  }
0x66: {  	[sflag:s3] =	ssyncset.done $0x0  }
0x67: {  	[sflag:s3] =	ssyncadd.s32 $0xFFFFC000  }
0x68: {  	[tilespmem:s5], [sflag:$0x2] =	stream.indirect.gather [hbm4b:s1+s0], $0x80, s20, s0, $0xb8;
	[tilespmem:$0x1E880] =	vst v63  }
0x69: {  	_ = 	snop  }
0x6a: {  	[spmem:s2] =	stream.indirect.scatter.add.f32 [tilespmem:s4], [sflag:$0x3], $0x80, s21, s0, $0xb8;
	[tilespmem:$0x1E880] =	vst v63  }
0x6b: {  	_ =	swait.ge [sflag:s30], $0x4000  }
0x6c: {  	[sflag:s30] =	ssyncset.done $0x0  }
0x6d: {  	[sflag:s30] =	ssyncadd.s32 $0xFFFFC000  }
0x6e: {  	_ =	swait.ge [sflag:s6], $0x4000  }
0x6f: {  	[sflag:s6] =	ssyncset.done $0x0  }
0x70: {  	[sflag:s6] =	ssyncadd.s32 $0xFFFFC000  }
0x71: {  	[tilespmem:s4], [sflag:$0x1] =	stream.indirect.gather [hbm4b:s1+s0], $0x80, s26, s0, $0xb8;
	[tilespmem:$0x1E880] =	vst v63  }
0x72: {  	_ = 	snop  }
0x73: {  	[spmem:s2] =	stream.indirect.scatter.add.f32 [tilespmem:s5], [sflag:$0x3], $0x80, s22, s0, $0xb8;
	[tilespmem:$0x1E880] =	vst v63  }
0x74: {  	_ =	swait.ge [sflag:s30], $0x4000  }
0x75: {  	[sflag:s30] =	ssyncset.done $0x0  }
0x76: {  	[sflag:s30] =	ssyncadd.s32 $0xFFFFC000  }
0x77: {  	_ =	swait.ge [sflag:s3], $0x4000  }
0x78: {  	[sflag:s3] =	ssyncset.done $0x0  }
0x79: {  	s11 =	simm.s32 $0x0;
	s13 =	rddreg [dreg:$0xa];
	[sflag:s3] =	ssyncadd.s32 $0xFFFFC000  }
0x7a: {  	[tilespmem:s11], [sflag:$0x3] =	stream.linear.gather [hbm4b:s13+s11], $0x1800, $0x38;
	[tilespmem:$0x1E880] =	vst v63  }
0x7b: {  	_ =	swait.ge [sflag:s30], $0x1800  }
0x7c: {  	[sflag:s30] =	ssyncset.done $0x0  }
0x7d: {  	s17 =	rddreg [dreg:$0xb];
	[sflag:s30] =	ssyncadd.s32 $0xFFFFE800  }
0x7e: {  	[tilespmem:s31], [sflag:$0x3] =	stream.linear.gather [hbm4b:s17+s11], $0x1800, $0x38;
	[tilespmem:$0x1E880] =	vst v63  }
0x7f: {  	_ =	swait.ge [sflag:s30], $0x1800  }
0x80: {  	[sflag:s30] =	ssyncset.done $0x0  }
0x81: {  	s25 =	rddreg [dreg:$0xc];
	[sflag:s30] =	ssyncadd.s32 $0xFFFFE800  }
0x82: {  	[tilespmem:s4], [sflag:$0x1] =	stream.indirect.gather [hbm4b:s1+s0], $0x80, s25, s0, $0xb8;
	[tilespmem:$0x1E880] =	vst v63  }
0x83: {  	_ =	swait.ge [sflag:s3], $0x4000  }
0x84: {  	[sflag:s3] =	ssyncset.done $0x0  }
0x85: {  	s15 =	sor.u32 $0x80, s16;
	[sflag:s3] =	ssyncadd.s32 $0xFFFFC000  }
0x86: {  	[tilespmem:s5], [sflag:$0x2] =	stream.indirect.gather [hbm4b:s1+s0], $0x80, s15, s0, $0xb8;
	[tilespmem:$0x1E880] =	vst v63  }
0x87: {  	_ = 	snop  }
0x88: {  	[spmem:s2] =	stream.indirect.scatter.add.f32 [tilespmem:s4], [sflag:$0x3], $0x80, s14, s0, $0xb8;
	[tilespmem:$0x1E880] =	vst v63  }
0x89: {  	p1 =	sgt.s32 s18, $0x2;
	_ =	swait.ge [sflag:s30], $0x4000  }
0x8a: {  	s11 =	simm.s32 $0x2;
	s25 =	smov.u32 s18;
	[sflag:s30] =	ssyncset.done $0x0  }
0x8b: {  	s25 =	smov.u32 @p1 s11;
	[sflag:s30] =	ssyncadd.s32 $0xFFFFC000  }
0x8c: {  	s25 =	sadd.s32 s12, s25;
	_ =	swait.ge [sflag:s6], $0x4000  }
0x8d: {  	s25 =	sshll.u32 s25, $0x9;
	[sflag:s6] =	ssyncset.done $0x0  }
0x8e: {  	p1 =	sne.s32 s24, $0x1;
	s25 =	sshra.s32 s25, $0x2;
	[sflag:s6] =	ssyncadd.s32 $0xFFFFC000  }
0x8f: {  	[tilespmem:s4], [sflag:$0x1] =	stream.indirect.gather [hbm4b:s1+s0], $0x80, s25, s0, $0xb8;
	[tilespmem:$0x1E880] =	vst v63  }
.Ltmp1:
0x90: {  	_ = 	snop;
	(pc) =	sbr.rel @!p1 .LBB2_5-.Ltmp1, $4  }
0x91: {  	s15 =	sadd.s32 $0x1800, s15  }
0x92: {  	[spmem:s2] =	stream.indirect.scatter.add.f32 [tilespmem:s5], [sflag:$0x3], $0x80, s15, s0, $0xb8;
	[tilespmem:$0x1E880] =	vst v63  }
0x93: {  	s29 =	smov.u32 s16;
	_ =	swait.ge [sflag:s30], $0x4000  }
0x94: {  	s25 =	smov.u32 s14;
	s15 =	sadd.s32 $0xFFFFFFFF, s24;
	[sflag:s30] =	ssyncset.done $0x0  }
.LBB2_4:
0x95: {  	[sflag:s30] =	ssyncadd.s32 $0xFFFFC000;
	s25 =	sadd.s32 $0x100, s25;
	s29 =	sadd.s32 $0x100, s29  }
0x96: {  	p1 =	sne.s32 s15, $0x1;
	s15 =	sadd.s32 $0xFFFFFFFF, s15  }
0x97: {  	_ =	swait.ge [sflag:s3], $0x4000  }
0x98: {  	[sflag:s3] =	ssyncset.done $0x0  }
0x99: {  	s17 =	sor.u32 $0x80, s29;
	[sflag:s3] =	ssyncadd.s32 $0xFFFFC000  }
0x9a: {  	[tilespmem:s5], [sflag:$0x2] =	stream.indirect.gather [hbm4b:s1+s0], $0x80, s17, s0, $0xb8;
	[tilespmem:$0x1E880] =	vst v63  }
0x9b: {  	_ = 	snop  }
0x9c: {  	[spmem:s2] =	stream.indirect.scatter.add.f32 [tilespmem:s4], [sflag:$0x3], $0x80, s25, s0, $0xb8;
	[tilespmem:$0x1E880] =	vst v63  }
0x9d: {  	s11 =	sadd.s32 $0x2, s11;
	_ =	swait.ge [sflag:s30], $0x4000  }
0x9e: {  	s13 =	smov.u32 s18;
	p2 =	slt.s32 s11, s18;
	[sflag:s30] =	ssyncset.done $0x0  }
0x9f: {  	s13 =	smov.u32 @p2 s11;
	[sflag:s30] =	ssyncadd.s32 $0xFFFFC000  }
0xa0: {  	s13 =	sadd.s32 s12, s13;
	_ =	swait.ge [sflag:s6], $0x4000  }
0xa1: {  	s13 =	sshll.u32 s13, $0x9;
	[sflag:s6] =	ssyncset.done $0x0  }
0xa2: {  	s13 =	sshra.s32 s13, $0x2;
	[sflag:s6] =	ssyncadd.s32 $0xFFFFC000  }
0xa3: {  	[tilespmem:s4], [sflag:$0x1] =	stream.indirect.gather [hbm4b:s1+s0], $0x80, s13, s0, $0xb8;
	[tilespmem:$0x1E880] =	vst v63  }
.Ltmp2:
0xa4: {  	_ = 	snop;
	(pc) =	sbr.rel @p1 .LBB2_4-.Ltmp2, $4  }
0xa5: {  	s13 =	sadd.s32 $0x1800, s17  }
0xa6: {  	[spmem:s2] =	stream.indirect.scatter.add.f32 [tilespmem:s5], [sflag:$0x3], $0x80, s13, s0, $0xb8;
	[tilespmem:$0x1E880] =	vst v63  }
0xa7: {  	_ =	swait.ge [sflag:s30], $0x4000  }
0xa8: {  	[sflag:s30] =	ssyncset.done $0x0  }
.LBB2_5:
0xa9: {  	[sflag:s30] =	ssyncadd.s32 $0xFFFFC000  }
0xaa: {  	s13 =	sadd.s32 s11, s12;
	_ =	swait.ge [sflag:s3], $0x4000  }
0xab: {  	s13 =	sshll.u32 s13, $0x7;
	[sflag:s3] =	ssyncset.done $0x0  }
0xac: {  	s13 =	sor.u32 $0x80, s13;
	[sflag:s3] =	ssyncadd.s32 $0xFFFFC000  }
0xad: {  	[tilespmem:s5], [sflag:$0x2] =	stream.indirect.gather [hbm4b:s1+s0], $0x80, s13, s0, $0xb8;
	[tilespmem:$0x1E880] =	vst v63  }
0xae: {  	s15 =	sadd.s32 $0x100, s25  }
0xaf: {  	[spmem:s2] =	stream.indirect.scatter.add.f32 [tilespmem:s4], [sflag:$0x3], $0x80, s15, s0, $0xb8;
	[tilespmem:$0x1E880] =	vst v63  }
0xb0: {  	s11 =	sadd.s32 $0x2, s11;
	_ =	swait.ge [sflag:s30], $0x4000  }
0xb1: {  	p1 =	slt.s32 s11, s18;
	s15 =	smov.u32 s18;
	[sflag:s30] =	ssyncset.done $0x0  }
0xb2: {  	s15 =	smov.u32 @p1 s11;
	[sflag:s30] =	ssyncadd.s32 $0xFFFFC000  }
0xb3: {  	s11 =	sadd.s32 s12, s15;
	_ =	swait.ge [sflag:s6], $0x4000  }
0xb4: {  	s11 =	sshll.u32 s11, $0x9;
	[sflag:s6] =	ssyncset.done $0x0  }
0xb5: {  	s11 =	sshra.s32 s11, $0x2;
	[sflag:s6] =	ssyncadd.s32 $0xFFFFC000  }
0xb6: {  	[tilespmem:s4], [sflag:$0x1] =	stream.indirect.gather [hbm4b:s1+s0], $0x80, s11, s0, $0xb8;
	[tilespmem:$0x1E880] =	vst v63  }
0xb7: {  	s25 =	sadd.s32 $0x1800, s13  }
0xb8: {  	[spmem:s2] =	stream.indirect.scatter.add.f32 [tilespmem:s5], [sflag:$0x3], $0x80, s25, s0, $0xb8;
	[tilespmem:$0x1E880] =	vst v63  }
0xb9: {  	_ =	swait.ge [sflag:s30], $0x4000  }
0xba: {  	[sflag:s30] =	ssyncset.done $0x0  }
0xbb: {  	[sflag:s30] =	ssyncadd.s32 $0xFFFFC000  }
0xbc: {  	_ =	swait.ge [sflag:s3], $0x4000  }
0xbd: {  	[sflag:s3] =	ssyncset.done $0x0  }
0xbe: {  	[sflag:s3] =	ssyncadd.s32 $0xFFFFC000  }
0xbf: {  	[bflag:$0x0] =	sbarrier.arrive $0xFFFF  }
0xc0: {  	s11 =	simm.s32 @p0 $0x1FC3;
	s13 =	rddreg [dreg:$0xe]  }
0xc1: {  	[hbm:s13], [sflag:s11] =	dma.local @p0 [spmem:s8], $0x2080  }
0xc2: {  	s8 =	simm.s32 @p0 $0x3  }
0xc3: {  	_ =	swait.ge @p0 [sflag:s8], $0x2080  }
0xc4: {  	[sflag:s8] =	ssyncset.done @p0 $0x0  }
0xc5: {  	[sflag:s8] =	ssyncadd.s32 @p0 $0xFFFFDF80;
	s8 =	rddreg [dreg:$0xd]  }
0xc6: {  	[hbm:s8], [sflag:s9] =	dma.local @!p0 [spmem:s10], $0x2780  }
0xc7: {  	s8 =	simm.s32 @!p0 $0x3  }
0xc8: {  	_ =	swait.ge @!p0 [sflag:s8], $0x2780  }
0xc9: {  	s7 =	sadd.s32 $0x1, s7;
	s29 =	rddreg [dreg:$0xf]  }
0xca: {  	p1 =	sne.s32 s7, s29  }
.Ltmp3:
0xcb: {  	_ = 	snop;
	(pc) =	sbr.rel @p1 .LBB2_1-.Ltmp3, $3  }
0xcc: {  	_ =	sdelay $0x1  }
0xcd: {  	[sflag:s8] =	ssyncset.done @!p0 $0x0  }
0xce: {  	[sflag:s8] =	ssyncadd.s32 @!p0 $0xFFFFD880  }
0xcf: {  	_ =	sfence.sel $0x180000  }
0xd0: {  	[bflag:$0x0] =	sbarrier.arrive $0xFFFF  }
0xd1: {  	_ =	strace $0x90000047  }
0xd2: {  	s0 =	stileid.u32;
	[bflag:$0x2] =	sbarrier.arrive $0xFFFF  }
0xd3: {  	p0 =	sne.s32 s0, $0x0;
	s0 =	rddreg [dreg:$0x3]  }
0xd4: {  	s0 =	sadd.s32 @!p0 $0x100000, s0  }
0xd5: {  	[sflag:s0] =	ssyncadd.tile.s32 @!p0 $0x1;
	_ =	shalt  }
.Lfunc_end2:
_tile_overlayer_lowered:
.L_overlay_start_2:
0xd6: {  	(tag) =	ssettag $0x2  }
0xd7: {  	s0 =	rddreg [dreg:$0x0];
	s2 =	stileid.u32  }
0xd8: {  	s1 =	rddreg [dreg:$0x1];
	p0 =	sne.s32 s2, $0x0  }
0xd9: {  	s3 =	rddreg [dreg:$0x2];
	[bflag:$0x3] =	sbarrier.arrive $0xFFFF;
	s2 =	simm.s32 @!p0 $0x1C03  }
0xda: {  	[timem:s3], [sflag:s2] =	dma.local @!p0 [hbm:s0], s1  }
0xdb: {  	s0 =	simm.s32 @!p0 $0x3  }
0xdc: {  	_ =	swait.ge @!p0 [sflag:s0], s1  }
0xdd: {  	s1 =	ssub.s32 @!p0 $0x0, s1;
	[sflag:s0] =	ssyncset.done @!p0 $0x0  }
0xde: {  	[sflag:s0] =	ssyncadd.s32 @!p0 s1  }
0xdf: {  	[bflag:$0x3] =	sbarrier.arrive $0xFFFF  }
0xe0: {  	_ =	shalt  }

</sc_bundles>
